<compile_context>
chip_gen: v7x
topology: tpu7x:2x2x1
jax: 0.10.2.dev20260603
libtpu: 0.0.44.dev20260713+nightly
codegen_flags: <defaults>
</compile_context>

<pallas_src>
import functools

import jax
import jax.numpy as jnp
from jax import lax
from jax.experimental import pallas as pl
from jax.experimental.pallas import tpu as pltpu
from jax.experimental.pallas import tpu_sc as plsc

N = 10000
NPAD = 10240
E = 320000
D = 128
HID = 128
FFN = 256
G = 64
NW = 32
EPW = E // NW
CH = 128
NFULL = EPW // CH
TAIL = EPW - NFULL * CH
RPT = NPAD // 16

DRB = 1024
PRB = 1024
RBR = 512
CBR = 512

def _mesh():
    return plsc.VectorSubcoreMesh(core_axis_name="c", subcore_axis_name="s")



def _ln_in(x, g, b):
    m = jnp.mean(x, axis=-1, keepdims=True)
    d = x - m
    v = jnp.mean(d * d, axis=-1, keepdims=True)
    return d / jnp.sqrt(v + 1e-5) * g + b


def _embed_body(x_ref, w_ref, b_ref, o_ref):
    o_ref[...] = (
        jnp.dot(x_ref[...], w_ref[...], preferred_element_type=jnp.float32)
        + b_ref[...]
    )


def _embed(x, w, b):
    return pl.pallas_call(
        _embed_body,
        grid=(NPAD // DRB,),
        in_specs=[
            pl.BlockSpec((DRB, D), lambda i: (i, 0)),
            pl.BlockSpec((D, HID), lambda i: (0, 0)),
            pl.BlockSpec((1, HID), lambda i: (0, 0)),
        ],
        out_specs=pl.BlockSpec((DRB, HID), lambda i: (i, 0)),
        out_shape=jax.ShapeDtypeStruct((NPAD, HID), jnp.float32),
    )(x, w, b.reshape(1, HID))


def _dense1_body(x_ref, lng, lnb, w1, b1, sgg, sgb, u_ref, v_ref):
    h = _ln_in(x_ref[...], lng[...], lnb[...])
    h = jax.nn.gelu(
        jnp.dot(h, w1[...], preferred_element_type=jnp.float32) + b1[...]
    )
    u_ref[...] = h[:, :HID]
    v_ref[...] = _ln_in(h[:, HID:], sgg[...], sgb[...])


def _dense1(x, p):
    vec = lambda a, n: a.reshape(1, n)
    return pl.pallas_call(
        _dense1_body,
        grid=(NPAD // DRB,),
        in_specs=[
            pl.BlockSpec((DRB, HID), lambda i: (i, 0)),
            pl.BlockSpec((1, HID), lambda i: (0, 0)),
            pl.BlockSpec((1, HID), lambda i: (0, 0)),
            pl.BlockSpec((HID, FFN), lambda i: (0, 0)),
            pl.BlockSpec((1, FFN), lambda i: (0, 0)),
            pl.BlockSpec((1, FFN // 2), lambda i: (0, 0)),
            pl.BlockSpec((1, FFN // 2), lambda i: (0, 0)),
        ],
        out_specs=[
            pl.BlockSpec((DRB, HID), lambda i: (i, 0)),
            pl.BlockSpec((DRB, HID), lambda i: (i, 0)),
        ],
        out_shape=[
            jax.ShapeDtypeStruct((NPAD, HID), jnp.float32),
            jax.ShapeDtypeStruct((NPAD, HID), jnp.float32),
        ],
    )(x, vec(p["ln_g"], HID), vec(p["ln_b"], HID), p["W1"], vec(p["b1"], FFN),
      vec(p["sg_g"], FFN // 2), vec(p["sg_b"], FFN // 2))


def _dense2_body(with_score, u_ref, a_ref, dg_ref, sb, w2, b2, sc_ref, pw_ref,
                 x_ref, *maybe_xrn):
    deg = jnp.maximum(dg_ref[0] + dg_ref[1], 1.0)
    v = (a_ref[0] + a_ref[1]) / deg + sb[...]
    h = (
        jnp.dot(u_ref[...] * v, w2[...], preferred_element_type=jnp.float32)
        + b2[...]
        + sc_ref[...]
    )
    x_ref[...] = h
    if with_score:
        maybe_xrn[0][...] = jnp.dot(
            h, pw_ref[...], preferred_element_type=jnp.float32
        )


def _dense2(u, agg2, deg2c, shortcut, p, pw):
    with_score = pw is not None
    if pw is None:
        pw = jnp.zeros((HID, 8), jnp.float32)
    vec = lambda a, n: a.reshape(1, n)
    out_shape = [jax.ShapeDtypeStruct((NPAD, HID), jnp.float32)]
    out_specs = [pl.BlockSpec((DRB, HID), lambda i: (i, 0))]
    if with_score:
        out_shape.append(jax.ShapeDtypeStruct((NPAD, 8), jnp.float32))
        out_specs.append(pl.BlockSpec((DRB, 8), lambda i: (i, 0)))
    outs = pl.pallas_call(
        functools.partial(_dense2_body, with_score),
        grid=(NPAD // DRB,),
        in_specs=[
            pl.BlockSpec((DRB, HID), lambda i: (i, 0)),
            pl.BlockSpec((2, DRB, HID), lambda i: (0, i, 0)),
            pl.BlockSpec((2, DRB, 1), lambda i: (0, i, 0)),
            pl.BlockSpec((1, FFN // 2), lambda i: (0, 0)),
            pl.BlockSpec((FFN // 2, HID), lambda i: (0, 0)),
            pl.BlockSpec((1, HID), lambda i: (0, 0)),
            pl.BlockSpec((DRB, HID), lambda i: (i, 0)),
            pl.BlockSpec((HID, 8), lambda i: (0, 0)),
        ],
        out_specs=out_specs,
        out_shape=out_shape,
    )(u, agg2, deg2c, vec(p["sb"], FFN // 2), p["W2"], vec(p["b2"], HID),
      shortcut, pw)
    return outs if with_score else (outs[0], None)



def _pool_body(bounds_ref, batr_ref, valr_ref, batc_ref, valc_ref, y_ref,
               sum_ref, max_ref, cnt_ref):
    i = pl.program_id(0)

    @pl.when(i == 0)
    def _():
        sum_ref[...] = jnp.zeros_like(sum_ref)
        max_ref[...] = jnp.full_like(max_ref, -jnp.inf)
        cnt_ref[...] = jnp.zeros_like(cnt_ref)

    y = y_ref[...]
    oh = (
        (lax.broadcasted_iota(jnp.int32, (G, 1), 0) == batr_ref[...])
        & (valr_ref[...] > 0.0)
    ).astype(jnp.float32)
    sum_ref[...] += jnp.dot(oh, y, preferred_element_type=jnp.float32)
    cnt_ref[...] += jnp.sum(oh, axis=1, keepdims=True)

    batc = batc_ref[...]
    valc = valc_ref[...]

    def body(g, _):
        m = (batc == g) & (valc > 0.0)
        v = jnp.max(jnp.where(m, y, -jnp.inf), axis=0, keepdims=True)
        max_ref[pl.ds(g, 1), :] = jnp.maximum(max_ref[pl.ds(g, 1), :], v)
        return 0

    lax.fori_loop(bounds_ref[i, 0], bounds_ref[i, 1] + 1, body, 0)


def _pool(y, batr, valr, batc, valc, bounds):
    return pl.pallas_call(
        _pool_body,
        grid=(NPAD // PRB,),
        in_specs=[
            pl.BlockSpec(memory_space=pltpu.SMEM),
            pl.BlockSpec((1, PRB), lambda i: (0, i)),
            pl.BlockSpec((1, PRB), lambda i: (0, i)),
            pl.BlockSpec((PRB, 1), lambda i: (i, 0)),
            pl.BlockSpec((PRB, 1), lambda i: (i, 0)),
            pl.BlockSpec((PRB, HID), lambda i: (i, 0)),
        ],
        out_specs=[
            pl.BlockSpec((G, HID), lambda i: (0, 0)),
            pl.BlockSpec((G, HID), lambda i: (0, 0)),
            pl.BlockSpec((G, 1), lambda i: (0, 0)),
        ],
        out_shape=[
            jax.ShapeDtypeStruct((G, HID), jnp.float32),
            jax.ShapeDtypeStruct((G, HID), jnp.float32),
            jax.ShapeDtypeStruct((G, 1), jnp.float32),
        ],
    )(bounds, batr, valr, batc, valc, y)



def _rank_body(cb_ref, xrc_ref, nbc_ref, batc_ref, valc_ref,
               xrr_ref, nbr_ref, batr_ref, valr_ref,
               cnt_ref, bconst_ref, x_ref, sel_ref, xout_ref):
    i = pl.program_id(0)
    bconst = bconst_ref[0, 0]
    s_r = xrc_ref[...] + nbc_ref[0] + nbc_ref[1] + bconst
    bat_r = batc_ref[...]
    val_r = valc_ref[...]
    idx_r = i * RBR + lax.broadcasted_iota(jnp.int32, (RBR, 1), 0)

    def body(cb, acc):
        dsl = pl.ds(cb * CBR, CBR)
        sc = (xrr_ref[0:1, dsl] + nbr_ref[0:1, dsl] + nbr_ref[1:2, dsl]
              + bconst)
        bc = batr_ref[0:1, dsl]
        vc = valr_ref[0:1, dsl]
        ic = cb * CBR + lax.broadcasted_iota(jnp.int32, (1, CBR), 1)
        beats = (sc > s_r) | ((sc == s_r) & (ic < idx_r))
        m = (bc == bat_r) & (vc > 0.0) & beats
        return acc + jnp.sum(m.astype(jnp.float32), axis=1, keepdims=True)

    rank = lax.fori_loop(
        cb_ref[i, 0], cb_ref[i, 1], body, jnp.zeros((RBR, 1), jnp.float32)
    )
    oh = (bat_r == lax.broadcasted_iota(jnp.int32, (1, G), 1)).astype(
        jnp.float32
    )
    kv = jnp.ceil(0.5 * cnt_ref[...])
    k_r = jnp.dot(oh, kv, preferred_element_type=jnp.float32)
    sel = (val_r > 0.0) & (rank < k_r)
    sel_ref[...] = sel.astype(jnp.float32)
    xout_ref[...] = x_ref[...] * jnp.where(sel, jnp.tanh(s_r), 0.0)


def _rank(xr_col, nbr_col, bat_col, val_col, xr_row, nbr_row, bat_row,
          val_row, counts, bconst, x, cb_bounds):
    return pl.pallas_call(
        _rank_body,
        grid=(NPAD // RBR,),
        in_specs=[
            pl.BlockSpec(memory_space=pltpu.SMEM),
            pl.BlockSpec((RBR, 1), lambda i: (i, 0)),
            pl.BlockSpec((2, RBR, 1), lambda i: (0, i, 0)),
            pl.BlockSpec((RBR, 1), lambda i: (i, 0)),
            pl.BlockSpec((RBR, 1), lambda i: (i, 0)),
            pl.BlockSpec((1, NPAD), lambda i: (0, 0)),
            pl.BlockSpec((2, NPAD), lambda i: (0, 0)),
            pl.BlockSpec((1, NPAD), lambda i: (0, 0)),
            pl.BlockSpec((1, NPAD), lambda i: (0, 0)),
            pl.BlockSpec((G, 1), lambda i: (0, 0)),
            pl.BlockSpec((1, 1), lambda i: (0, 0)),
            pl.BlockSpec((RBR, HID), lambda i: (i, 0)),
        ],
        out_specs=[
            pl.BlockSpec((RBR, 1), lambda i: (i, 0)),
            pl.BlockSpec((RBR, HID), lambda i: (i, 0)),
        ],
        out_shape=[
            jax.ShapeDtypeStruct((NPAD, 1), jnp.float32),
            jax.ShapeDtypeStruct((NPAD, HID), jnp.float32),
        ],
    )(cb_bounds, xr_col, nbr_col, bat_col, val_col, xr_row, nbr_row, bat_row,
      val_row, counts, bconst, x)



def _head_body(*refs):
    (s1, m1, c1, s2, m2, c2, s3, m3, c3, s4, m4, c4, s5, m5, c5, s6, m6, c6,
     w1, b1, w2, b2, w3, b3, o_ref) = refs

    def jk(s, m, c):
        mean = s[...] / jnp.maximum(c[...], 1.0)
        return jax.nn.gelu(jnp.concatenate([mean, m[...]], axis=1))

    cat0 = jk(s1, m1, c1) + jk(s2, m2, c2) + jk(s3, m3, c3)
    cat1 = jk(s4, m4, c4) + jk(s5, m5, c5) + jk(s6, m6, c6)
    z = jax.nn.gelu(jnp.concatenate([cat0, cat1], axis=1))
    z = jnp.maximum(
        jnp.dot(z, w1[...], preferred_element_type=jnp.float32) + b1[...], 0.0
    )
    z = jnp.maximum(
        jnp.dot(z, w2[...], preferred_element_type=jnp.float32) + b2[...], 0.0
    )
    o_ref[...] = (
        jnp.dot(z, w3[...], preferred_element_type=jnp.float32) + b3[...]
    )


def _head(pools, params):
    n_classes = params["l3_W"].shape[1]
    args = []
    for s, m, c in pools:
        args += [s, m, c]
    args += [params["l1_W"], params["l1_b"].reshape(1, -1),
             params["l2_W"], params["l2_b"].reshape(1, -1),
             params["l3_W"], params["l3_b"].reshape(1, -1)]
    return pl.pallas_call(
        _head_body,
        out_shape=jax.ShapeDtypeStruct((G, n_classes), jnp.float32),
    )(*args)



def _sc_agg_call(with_deg, v, src, dsteff, zeros2d, zeros1d, ones_ch):
    out_type = [jax.ShapeDtypeStruct((2, NPAD, HID), jnp.float32)]
    if with_deg:
        out_type.append(jax.ShapeDtypeStruct((2, NPAD), jnp.float32))

    def body(v_hbm, src_hbm, dst_hbm, z2_hbm, z1_hbm, ones_hbm, *rest):
        if with_deg:
            agg_out, deg_out = rest[0], rest[1]
            rest = rest[2:]
        else:
            agg_out = rest[0]
            deg_out = None
            rest = rest[1:]
        (si, di, rows, sit, dit, rowst, ones_v, onest_v, agg_s, deg_s,
         sem) = rest
        c = lax.axis_index("c")
        s = lax.axis_index("s")
        tb = s * RPT
        pltpu.sync_copy(z2_hbm.at[pl.ds(tb, RPT)], agg_s.at[pl.ds(tb, RPT)])
        if with_deg:
            pltpu.sync_copy(z1_hbm.at[pl.ds(tb, RPT)], deg_s.at[pl.ds(tb, RPT)])
            pltpu.sync_copy(ones_hbm, ones_v)
            pltpu.sync_copy(ones_hbm.at[pl.ds(0, TAIL)], onest_v)
        plsc.subcore_barrier()

        base = (c * 16 + s) * EPW

        def step(i, _):
            eb = base + i * CH
            pltpu.sync_copy(src_hbm.at[pl.ds(eb, CH)], si)
            pltpu.sync_copy(dst_hbm.at[pl.ds(eb, CH)], di)
            pltpu.async_copy(v_hbm.at[si], rows, sem).wait()
            pltpu.sync_copy(rows, agg_s.at[di], add=True)
            if with_deg:
                pltpu.sync_copy(ones_v, deg_s.at[di], add=True)
            return 0

        lax.fori_loop(0, NFULL, step, 0)
        eb = base + NFULL * CH
        pltpu.sync_copy(src_hbm.at[pl.ds(eb, TAIL)], sit)
        pltpu.sync_copy(dst_hbm.at[pl.ds(eb, TAIL)], dit)
        pltpu.async_copy(v_hbm.at[sit], rowst, sem).wait()
        pltpu.sync_copy(rowst, agg_s.at[dit], add=True)
        if with_deg:
            pltpu.sync_copy(onest_v, deg_s.at[dit], add=True)

        plsc.subcore_barrier()
        for j in range(RPT // CH):
            pltpu.sync_copy(
                agg_s.at[pl.ds(tb + j * CH, CH)],
                agg_out.at[c, pl.ds(tb + j * CH, CH)],
            )
        if with_deg:
            pltpu.sync_copy(
                deg_s.at[pl.ds(tb, RPT)], deg_out.at[c, pl.ds(tb, RPT)]
            )

    f = pl.kernel(
        body,
        out_type=out_type,
        mesh=_mesh(),
        scratch_types=[
            pltpu.VMEM((CH,), jnp.int32),
            pltpu.VMEM((CH,), jnp.int32),
            pltpu.VMEM((CH, HID), jnp.float32),
            pltpu.VMEM((TAIL,), jnp.int32),
            pltpu.VMEM((TAIL,), jnp.int32),
            pltpu.VMEM((TAIL, HID), jnp.float32),
            pltpu.VMEM((CH,), jnp.float32),
            pltpu.VMEM((TAIL,), jnp.float32),
            pltpu.VMEM_SHARED((NPAD, HID), jnp.float32),
            pltpu.VMEM_SHARED((NPAD,), jnp.float32),
            pltpu.SemaphoreType.DMA,
        ],
    )
    return f(v, src, dsteff, zeros2d, zeros1d, ones_ch)


def _sc_nbr_call(xn, src, dsteff, zeros1d):
    def body(xn_hbm, src_hbm, dst_hbm, z1_hbm, nbr_out, si, di, vals, sit,
             dit, valst, nbr_s, sem):
        c = lax.axis_index("c")
        s = lax.axis_index("s")
        tb = s * RPT
        pltpu.sync_copy(z1_hbm.at[pl.ds(tb, RPT)], nbr_s.at[pl.ds(tb, RPT)])
        plsc.subcore_barrier()

        base = (c * 16 + s) * EPW

        def step(i, _):
            eb = base + i * CH
            pltpu.sync_copy(src_hbm.at[pl.ds(eb, CH)], si)
            pltpu.sync_copy(dst_hbm.at[pl.ds(eb, CH)], di)
            pltpu.async_copy(xn_hbm.at[si], vals, sem).wait()
            pltpu.sync_copy(vals, nbr_s.at[di], add=True)
            return 0

        lax.fori_loop(0, NFULL, step, 0)
        eb = base + NFULL * CH
        pltpu.sync_copy(src_hbm.at[pl.ds(eb, TAIL)], sit)
        pltpu.sync_copy(dst_hbm.at[pl.ds(eb, TAIL)], dit)
        pltpu.async_copy(xn_hbm.at[sit], valst, sem).wait()
        pltpu.sync_copy(valst, nbr_s.at[dit], add=True)

        plsc.subcore_barrier()
        pltpu.sync_copy(nbr_s.at[pl.ds(tb, RPT)], nbr_out.at[c, pl.ds(tb, RPT)])

    f = pl.kernel(
        body,
        out_type=jax.ShapeDtypeStruct((2, NPAD), jnp.float32),
        mesh=_mesh(),
        scratch_types=[
            pltpu.VMEM((CH,), jnp.int32),
            pltpu.VMEM((CH,), jnp.int32),
            pltpu.VMEM((CH,), jnp.float32),
            pltpu.VMEM((TAIL,), jnp.int32),
            pltpu.VMEM((TAIL,), jnp.int32),
            pltpu.VMEM((TAIL,), jnp.float32),
            pltpu.VMEM_SHARED((NPAD,), jnp.float32),
            pltpu.SemaphoreType.DMA,
        ],
    )
    return f(xn, src, dsteff, zeros1d)


def _sc_dsteff_call(sel, src, dst):
    def body(sel_hbm, src_hbm, dst_hbm, out_hbm, si, di, sv, dv, ob, sit, dit,
             svt, dvt, obt, sem):
        c = lax.axis_index("c")
        s = lax.axis_index("s")
        base = (c * 16 + s) * EPW
        lane = lax.iota(jnp.int32, 16)

        def step(i, _):
            eb = base + i * CH
            pltpu.sync_copy(src_hbm.at[pl.ds(eb, CH)], si)
            pltpu.sync_copy(dst_hbm.at[pl.ds(eb, CH)], di)
            pltpu.async_copy(sel_hbm.at[si], sv, sem).wait()
            pltpu.async_copy(sel_hbm.at[di], dv, sem).wait()
            for j in range(CH // 16):
                sl = pl.ds(j * 16, 16)
                m = (sv[sl] > 0.0) & (dv[sl] > 0.0)
                sent = N + j * 16 + lane
                ob[sl] = jnp.where(m, di[sl], sent)
            pltpu.sync_copy(ob, out_hbm.at[pl.ds(eb, CH)])
            return 0

        lax.fori_loop(0, NFULL, step, 0)
        eb = base + NFULL * CH
        pltpu.sync_copy(src_hbm.at[pl.ds(eb, TAIL)], sit)
        pltpu.sync_copy(dst_hbm.at[pl.ds(eb, TAIL)], dit)
        pltpu.async_copy(sel_hbm.at[sit], svt, sem).wait()
        pltpu.async_copy(sel_hbm.at[dit], dvt, sem).wait()
        m = (svt[...] > 0.0) & (dvt[...] > 0.0)
        obt[...] = jnp.where(m, dit[...], N + lane)
        pltpu.sync_copy(obt, out_hbm.at[pl.ds(eb, TAIL)])

    f = pl.kernel(
        body,
        out_type=jax.ShapeDtypeStruct((E,), jnp.int32),
        mesh=_mesh(),
        scratch_types=[
            pltpu.VMEM((CH,), jnp.int32),
            pltpu.VMEM((CH,), jnp.int32),
            pltpu.VMEM((CH,), jnp.float32),
            pltpu.VMEM((CH,), jnp.float32),
            pltpu.VMEM((CH,), jnp.int32),
            pltpu.VMEM((TAIL,), jnp.int32),
            pltpu.VMEM((TAIL,), jnp.int32),
            pltpu.VMEM((TAIL,), jnp.float32),
            pltpu.VMEM((TAIL,), jnp.float32),
            pltpu.VMEM((TAIL,), jnp.int32),
            pltpu.SemaphoreType.DMA,
        ],
    )
    return f(sel, src, dst)



def kernel(x, edge_index, batch, params):
    src = edge_index[0].astype(jnp.int32)
    dst = edge_index[1].astype(jnp.int32)
    bat = batch.astype(jnp.int32)

    x_pad = jnp.pad(x, ((0, NPAD - N), (0, 0)))
    bat_pad = jnp.concatenate([bat, jnp.full((NPAD - N,), G, jnp.int32)])
    valid0 = jnp.concatenate(
        [jnp.ones((N,), jnp.float32), jnp.zeros((NPAD - N,), jnp.float32)]
    )

    gids = jnp.arange(G, dtype=jnp.int32)
    seg_lo = jnp.searchsorted(bat, gids, side="left").astype(jnp.int32)
    seg_hi = jnp.searchsorted(bat, gids, side="right").astype(jnp.int32)
    pblk = jnp.arange(NPAD // PRB, dtype=jnp.int32) * PRB
    pool_bounds = jnp.stack(
        [bat_pad[pblk], jnp.minimum(bat_pad[pblk + PRB - 1], G - 1)], axis=1
    )
    rblk = jnp.arange(NPAD // RBR, dtype=jnp.int32) * RBR
    glo_r = jnp.minimum(bat_pad[rblk], G - 1)
    ghi_r = jnp.minimum(bat_pad[rblk + RBR - 1], G - 1)
    cb_bounds = jnp.stack(
        [seg_lo[glo_r] // CBR, (seg_hi[ghi_r] + CBR - 1) // CBR], axis=1
    )

    zeros2d = jnp.zeros((NPAD, HID), jnp.float32)
    zeros1d = jnp.zeros((NPAD,), jnp.float32)
    ones_ch = jnp.ones((CH,), jnp.float32)

    bat_row = bat_pad.reshape(1, NPAD)
    bat_col = bat_pad.reshape(NPAD, 1)

    x_cur = _embed(x_pad, params["emb_W"], params["emb_b"])
    valid = valid0
    dsteff = dst
    pools = []
    counts_for_k = None
    sel_flat = None

    for h in range(2):
        hp = params["hier"][h]
        val_row = valid.reshape(1, NPAD)
        val_col = valid.reshape(NPAD, 1)
        pw = jnp.zeros((HID, 8), jnp.float32)
        pw = pw.at[:, 0].set(hp["pool"]["Wr"][:, 0])
        pw = pw.at[:, 1].set(hp["pool"]["Wn"][:, 0])

        deg2c = None
        hier_pools = []
        for li, lp in enumerate(hp["layers"]):
            u, v = _dense1(x_cur, lp)
            if li == 0:
                agg2, deg2 = _sc_agg_call(
                    True, v, src, dsteff, zeros2d, zeros1d, ones_ch
                )
                deg2c = deg2[:, :, None]
            else:
                (agg2,) = _sc_agg_call(
                    False, v, src, dsteff, zeros2d, zeros1d, ones_ch
                )
            last = li == len(hp["layers"]) - 1
            x_cur, xrn = _dense2(u, agg2, deg2c, x_cur, lp,
                                 pw if last else None)
            sums, mx, cnt = _pool(
                x_cur, bat_row, val_row, bat_col, val_col, pool_bounds
            )
            hier_pools.append((sums, mx, cnt))

        if counts_for_k is None:
            counts_for_k = hier_pools[0][2]

        xn_flat = xrn[:, 1]
        nbr2 = _sc_nbr_call(xn_flat, src, dsteff, zeros1d)

        xr_col = xrn[:, 0:1]
        xr_row = xrn[:, 0].reshape(1, NPAD)
        nbr_col = nbr2[:, :, None]
        bconst = hp["pool"]["b"].reshape(1, 1)
        sel_col, x_cur = _rank(
            xr_col, nbr_col, bat_col, val_col, xr_row, nbr2, bat_row,
            val_row, counts_for_k, bconst, x_cur, cb_bounds
        )
        sel_flat = sel_col[:, 0]

        sel_row = sel_flat.reshape(1, NPAD)
        sums, mx, cnt = _pool(
            x_cur, bat_row, sel_row, bat_col, sel_col, pool_bounds
        )
        hier_pools.append((sums, mx, cnt))
        pools.extend(hier_pools)

        counts_for_k = cnt
        valid = sel_flat
        if h == 0:
            dsteff = _sc_dsteff_call(sel_flat, src, dst)

    return _head(pools, params)

# --- scband reference (transcript-rebuilt; emitter-appended) ---
"""Pipeline reference for scband-g-mlphierarchical-sagpool-graph-classification-44641890075005 (READ-ONLY COPY).

The authoritative reference and input builder live on the scoring server;
editing this copy changes nothing except your own understanding.
"""

import jax, jax.numpy as jnp
import numpy as np
from math import ceil

N_NODES = 10000
N_EDGES = 320000
D_FEAT = 128
HID = 128
FFN = 256
N_LAYERS = 2
N_HIER = 2
RATIO = 0.5
N_CLASSES = 10
N_GRAPHS = 64


def _ln(x, g, b):
    m = jnp.mean(x, axis=-1, keepdims=True)
    v = jnp.var(x, axis=-1, keepdims=True)
    return (x - m) / jnp.sqrt(v + 1e-5) * g + b


def _mean_pool(y, batch, G):
    s = jax.ops.segment_sum(y, batch, num_segments=G + 1)[:G]
    c = jax.ops.segment_sum(jnp.ones((y.shape[0],), y.dtype), batch, num_segments=G + 1)[:G]
    return s / jnp.maximum(c, 1.0)[:, None]


def _max_pool(y, batch, G):
    return jax.ops.segment_max(y, batch, num_segments=G + 1)[:G]


def _gmlp_layer(x, src, dst, emask, p):
    N = x.shape[0]
    shortcut = x
    h = _ln(x, p['ln_g'], p['ln_b'])
    h = jax.nn.gelu(h @ p['W1'] + p['b1'])
    u, v = jnp.split(h, 2, axis=1)
    v = _ln(v, p['sg_g'], p['sg_b'])
    dst_eff = jnp.where(emask, dst, N)
    deg = jax.ops.segment_sum(jnp.ones((src.shape[0],), v.dtype), dst_eff, num_segments=N + 1)[:N]
    agg = jax.ops.segment_sum(v[src], dst_eff, num_segments=N + 1)[:N] / jnp.maximum(deg, 1.0)[:, None]
    v = agg + p['sb']
    h = (u * v) @ p['W2'] + p['b2']
    return h + shortcut


def _sag_score(x, src, dst, emask, p):
    N = x.shape[0]
    dst_eff = jnp.where(emask, dst, N)
    nbr = jax.ops.segment_sum(x[src] @ p['Wn'], dst_eff, num_segments=N + 1)[:N]
    return (x @ p['Wr'] + nbr + p['b'])[:, 0]


def _topk_mask(score, batch, valid, ratio, G):
    N = score.shape[0]
    b_eff = jnp.where(valid, batch, G)
    order = jnp.lexsort((-score, b_eff))
    counts = jax.ops.segment_sum(jnp.ones((N,), jnp.int32), b_eff, num_segments=G + 1)[:G]
    starts = jnp.cumsum(counts) - counts
    k = jnp.ceil(ratio * counts.astype(jnp.float32)).astype(jnp.int32)
    g_s = b_eff[order]
    g_c = jnp.minimum(g_s, G - 1)
    rank = jnp.arange(N, dtype=jnp.int32) - starts[g_c]
    sel_s = (g_s < G) & (rank < k[g_c])
    return jnp.zeros((N,), jnp.bool_).at[order].set(sel_s)


def _forward(x, params, src, dst, batch, G):
    x = x @ params['emb_W'] + params['emb_b']
    valid = jnp.ones((x.shape[0],), jnp.bool_)
    emask = jnp.ones((src.shape[0],), jnp.bool_)
    cat = []
    for h in range(N_HIER):
        hp = params['hier'][h]
        b_eff = jnp.where(valid, batch, G)
        ys = []
        for lp in hp['layers']:
            x = _gmlp_layer(x, src, dst, emask, lp)
            ys.append(x)
        jk = [jax.nn.gelu(jnp.concatenate([_mean_pool(y, b_eff, G), _max_pool(y, b_eff, G)], axis=1)) for y in ys]
        score = _sag_score(x, src, dst, emask, hp['pool'])
        sel = _topk_mask(score, batch, valid, RATIO, G)
        emask = emask & sel[src] & sel[dst]
        x = jnp.where(sel[:, None], x * jnp.tanh(score)[:, None], 0.0)
        valid = sel
        b_eff = jnp.where(valid, batch, G)
        jk.append(jax.nn.gelu(jnp.concatenate([_mean_pool(x, b_eff, G), _max_pool(x, b_eff, G)], axis=1)))
        cat.append(sum(jk))
    z = jax.nn.gelu(jnp.concatenate(cat, axis=1))
    z = jax.nn.relu(z @ params['l1_W'] + params['l1_b'])
    z = jax.nn.relu(z @ params['l2_W'] + params['l2_b'])
    return z @ params['l3_W'] + params['l3_b']


def _make_params(key):
    keys = iter(jax.random.split(key, 80))
    def W(shape, fan):
        return jax.random.normal(next(keys), shape, jnp.float32) / np.sqrt(fan)
    p = {'emb_W': W((D_FEAT, HID), D_FEAT), 'emb_b': jnp.zeros((HID,), jnp.float32)}
    hier = []
    for _ in range(N_HIER):
        layers = []
        for _ in range(N_LAYERS):
            layers.append({'ln_g': jnp.ones((HID,), jnp.float32), 'ln_b': jnp.zeros((HID,), jnp.float32),
                           'W1': W((HID, FFN), HID), 'b1': jnp.zeros((FFN,), jnp.float32),
                           'sg_g': jnp.ones((FFN // 2,), jnp.float32), 'sg_b': jnp.zeros((FFN // 2,), jnp.float32),
                           'sb': jnp.ones((FFN // 2,), jnp.float32),
                           'W2': W((FFN // 2, HID), FFN // 2), 'b2': jnp.zeros((HID,), jnp.float32)})
        pool = {'Wr': W((HID, 1), HID), 'Wn': W((HID, 1), HID), 'b': jnp.zeros((1,), jnp.float32)}
        hier.append({'layers': layers, 'pool': pool})
    p['hier'] = hier
    p['l1_W'] = W((2 * N_HIER * HID, HID), 2 * N_HIER * HID); p['l1_b'] = jnp.zeros((HID,), jnp.float32)
    p['l2_W'] = W((HID, HID), HID); p['l2_b'] = jnp.zeros((HID,), jnp.float32)
    p['l3_W'] = W((HID, N_CLASSES), HID); p['l3_b'] = jnp.zeros((N_CLASSES,), jnp.float32)
    return p


def setup_inputs(seed: int = 0):
    key = jax.random.key(seed)
    k1, k2, k3, k4 = jax.random.split(key, 4)
    x = jax.random.normal(k1, (N_NODES, D_FEAT), jnp.float32)
    edge_index = jax.random.randint(k2, (2, N_EDGES), 0, N_NODES).astype(jnp.int64)
    batch = jnp.sort(jnp.concatenate([jnp.arange(N_GRAPHS), jax.random.randint(k3, (N_NODES - N_GRAPHS,), 0, N_GRAPHS)])).astype(jnp.int64)
    params = _make_params(k4)
    return {'x': x, 'edge_index': edge_index, 'batch': batch, 'params': params}


def reference(x, edge_index, batch, params):
    G = N_GRAPHS
    out = _forward(x, params, edge_index[0], edge_index[1], batch, G)
    return out

if __name__ == "__main__":
    import jax
    _d = setup_inputs()
    print(jax.jit(kernel)(*tuple(_d.values())))

</pallas_src>

<mosaic_0001>
#map = affine_map<(d0, d1) -> (0, 0)>
#map1 = affine_map<(d0, d1) -> (0)>
#map2 = affine_map<(d0, d1) -> (0, 0, 0)>
module attributes {stable_mosaic.version = 14 : i64} {
  func.func @body(%arg0: i32, %arg1: i32, %arg2: memref<10240x128xf32, #tpu.memory_space<hbm>>, %arg3: memref<320000xi32, #tpu.memory_space<hbm>>, %arg4: memref<320000xi32, #tpu.memory_space<hbm>>, %arg5: memref<10240x128xf32, #tpu.memory_space<hbm>>, %arg6: memref<10240xf32, #tpu.memory_space<hbm>>, %arg7: memref<128xf32, #tpu.memory_space<hbm>>, %arg8: memref<2x10240x128xf32, #tpu.memory_space<hbm>>, %arg9: memref<128xi32, #tpu.memory_space<vmem>>, %arg10: memref<128xi32, #tpu.memory_space<vmem>>, %arg11: memref<128x128xf32, #tpu.memory_space<vmem>>, %arg12: memref<16xi32, #tpu.memory_space<vmem>>, %arg13: memref<16xi32, #tpu.memory_space<vmem>>, %arg14: memref<16x128xf32, #tpu.memory_space<vmem>>, %arg15: memref<128xf32, #tpu.memory_space<vmem>>, %arg16: memref<16xf32, #tpu.memory_space<vmem>>, %arg17: memref<10240x128xf32, #tpu.memory_space<vmem_shared>>, %arg18: memref<10240xf32, #tpu.memory_space<vmem_shared>>, %arg19: memref<!tpu.dma_semaphore, #tpu.memory_space<semaphore_mem>>) attributes {dimension_semantics = [#tpu.dimension_semantics<core_parallel>, #tpu.dimension_semantics<subcore_parallel>], iteration_bounds = array<i64: 2, 16>, scalar_prefetch = 0 : i64, scratch_operands = 11 : i64, tpu.core_type = #tpu.core_type<sc_vector_subcore>, window_params = [{transform_indices = #map}, {transform_indices = #map1}, {transform_indices = #map1}, {transform_indices = #map}, {transform_indices = #map1}, {transform_indices = #map1}, {transform_indices = #map2}]} {
    %mul3A = arith.constant 640 : i32
    %mul3A_0 = arith.muli %arg1, %mul3A : i32
    "tpu.region"() ({
      %run_scoped3A = tpu.sem_alloc : memref<!tpu.dma_semaphore, #tpu.memory_space<semaphore_mem>>
      %dma_start3A_38 = arith.constant 0 : i32
      %dma_start3A_39 = tpu.memref_slice %arg17[%mul3A_0, %dma_start3A_38] : memref<10240x128xf32, #tpu.memory_space<vmem_shared>> -> memref<640x128xf32, #tpu.memory_space<vmem_shared>>
      %dma_start3A_40 = arith.constant 0 : i32
      %dma_start3A_41 = tpu.memref_slice %arg5[%mul3A_0, %dma_start3A_40] : memref<10240x128xf32, #tpu.memory_space<hbm>> -> memref<640x128xf32, #tpu.memory_space<hbm>>
      tpu.enqueue_dma source(%dma_start3A_41 : memref<640x128xf32, #tpu.memory_space<hbm>>) target(%dma_start3A_39 : memref<640x128xf32, #tpu.memory_space<vmem_shared>>) target_semaphore(%run_scoped3A : memref<!tpu.dma_semaphore, #tpu.memory_space<semaphore_mem>>)
      %dma_wait3A_42 = arith.constant 0 : i32
      %dma_wait3A_43 = tpu.memref_slice %arg17[%mul3A_0, %dma_wait3A_42] : memref<10240x128xf32, #tpu.memory_space<vmem_shared>> -> memref<640x128xf32, #tpu.memory_space<vmem_shared>>
      %dma_wait3A_44 = arith.constant 0 : i32
      %dma_wait3A_45 = tpu.memref_slice %arg5[%mul3A_0, %dma_wait3A_44] : memref<10240x128xf32, #tpu.memory_space<hbm>> -> memref<640x128xf32, #tpu.memory_space<hbm>>
      tpu.wait_dma2 semaphore(%run_scoped3A : memref<!tpu.dma_semaphore, #tpu.memory_space<semaphore_mem>>) src(%dma_wait3A_45 : memref<640x128xf32, #tpu.memory_space<hbm>>) dst(%dma_wait3A_43 : memref<640x128xf32, #tpu.memory_space<vmem_shared>>)
      tpu.yield
    }) : () -> ()
    %barrier3A = arith.constant 0 : index
    tpu.barrier barrier_id(%barrier3A)
    %mul3A_1 = arith.constant 16 : i32
    %mul3A_2 = arith.muli %arg0, %mul3A_1 : i32
    %add3A = arith.addi %mul3A_2, %arg1 : i32
    %mul3A_3 = arith.constant 10000 : i32
    %mul3A_4 = arith.muli %add3A, %mul3A_3 : i32
    %scan3A = arith.constant 0 : i32
    %scan3A_5 = arith.constant 0 : i32
    %scan3A_6 = arith.constant 78 : i32
    %scan3A_7 = arith.addi %scan3A_5, %scan3A_6 : i32
    %scan3A_8 = arith.constant 1 : i32
    %scan3A_9 = scf.for %scan3A_38 = %scan3A_5 to %scan3A_7 step %scan3A_8 iter_args(%scan3A_39 = %scan3A) -> (i32)  : i32 {
      %mul3A_40 = arith.constant 128 : i32
      %mul3A_41 = arith.muli %scan3A_38, %mul3A_40 : i32
      %add3A_42 = arith.addi %mul3A_4, %mul3A_41 : i32
      "tpu.region"() ({
        %run_scoped3A = tpu.sem_alloc : memref<!tpu.dma_semaphore, #tpu.memory_space<semaphore_mem>>
        %dma_start3A_50 = tpu.memref_slice %arg3[%add3A_42] : memref<320000xi32, #tpu.memory_space<hbm>> -> memref<128xi32, #tpu.memory_space<hbm>>
        %dma_start3A_51 = tpu.memref_slice %arg3[%add3A_42] : memref<320000xi32, #tpu.memory_space<hbm>> -> memref<128xi32, #tpu.memory_space<hbm>>
        tpu.enqueue_dma source(%dma_start3A_51 : memref<128xi32, #tpu.memory_space<hbm>>) target(%arg9 : memref<128xi32, #tpu.memory_space<vmem>>) target_semaphore(%run_scoped3A : memref<!tpu.dma_semaphore, #tpu.memory_space<semaphore_mem>>)
        %dma_wait3A_52 = tpu.memref_slice %arg3[%add3A_42] : memref<320000xi32, #tpu.memory_space<hbm>> -> memref<128xi32, #tpu.memory_space<hbm>>
        %dma_wait3A_53 = tpu.memref_slice %arg3[%add3A_42] : memref<320000xi32, #tpu.memory_space<hbm>> -> memref<128xi32, #tpu.memory_space<hbm>>
        tpu.wait_dma2 semaphore(%run_scoped3A : memref<!tpu.dma_semaphore, #tpu.memory_space<semaphore_mem>>) src(%dma_wait3A_53 : memref<128xi32, #tpu.memory_space<hbm>>) dst(%arg9 : memref<128xi32, #tpu.memory_space<vmem>>)
        tpu.yield
      }) : () -> ()
      "tpu.region"() ({
        %run_scoped3A = tpu.sem_alloc : memref<!tpu.dma_semaphore, #tpu.memory_space<semaphore_mem>>
        %dma_start3A_50 = tpu.memref_slice %arg4[%add3A_42] : memref<320000xi32, #tpu.memory_space<hbm>> -> memref<128xi32, #tpu.memory_space<hbm>>
        %dma_start3A_51 = tpu.memref_slice %arg4[%add3A_42] : memref<320000xi32, #tpu.memory_space<hbm>> -> memref<128xi32, #tpu.memory_space<hbm>>
        tpu.enqueue_dma source(%dma_start3A_51 : memref<128xi32, #tpu.memory_space<hbm>>) target(%arg10 : memref<128xi32, #tpu.memory_space<vmem>>) target_semaphore(%run_scoped3A : memref<!tpu.dma_semaphore, #tpu.memory_space<semaphore_mem>>)
        %dma_wait3A_52 = tpu.memref_slice %arg4[%add3A_42] : memref<320000xi32, #tpu.memory_space<hbm>> -> memref<128xi32, #tpu.memory_space<hbm>>
        %dma_wait3A_53 = tpu.memref_slice %arg4[%add3A_42] : memref<320000xi32, #tpu.memory_space<hbm>> -> memref<128xi32, #tpu.memory_space<hbm>>
        tpu.wait_dma2 semaphore(%run_scoped3A : memref<!tpu.dma_semaphore, #tpu.memory_space<semaphore_mem>>) src(%dma_wait3A_53 : memref<128xi32, #tpu.memory_space<hbm>>) dst(%arg10 : memref<128xi32, #tpu.memory_space<vmem>>)
        tpu.yield
      }) : () -> ()
      %dma_start3A_43 = arith.constant 0 : i32
      %dma_start3A_44 = arith.constant 0 : i32
      %dma_start3A_45 = tpu.memref_slice %arg2[%dma_start3A_43, %dma_start3A_44] : memref<10240x128xf32, #tpu.memory_space<hbm>> -> memref<10240x128xf32, #tpu.memory_space<hbm>>
      tpu.enqueue_indirect_dma source(%dma_start3A_45 : memref<10240x128xf32, #tpu.memory_space<hbm>>) target(%arg11 : memref<128x128xf32, #tpu.memory_space<vmem>>) offsets(%arg9 : memref<128xi32, #tpu.memory_space<vmem>>) semaphore(%arg19 : memref<!tpu.dma_semaphore, #tpu.memory_space<semaphore_mem>>)
      %dma_wait3A_46 = arith.constant 0 : i32
      %dma_wait3A_47 = arith.constant 0 : i32
      %dma_wait3A_48 = tpu.memref_slice %arg2[%dma_wait3A_46, %dma_wait3A_47] : memref<10240x128xf32, #tpu.memory_space<hbm>> -> memref<10240x128xf32, #tpu.memory_space<hbm>>
      tpu.wait_indirect_dma semaphore(%arg19 : memref<!tpu.dma_semaphore, #tpu.memory_space<semaphore_mem>>) src(%dma_wait3A_48 : memref<10240x128xf32, #tpu.memory_space<hbm>>) dst(%arg11 : memref<128x128xf32, #tpu.memory_space<vmem>>)
      "tpu.region"() ({
        %run_scoped3A = tpu.sem_alloc : memref<!tpu.dma_semaphore, #tpu.memory_space<semaphore_mem>>
        %dma_start3A_50 = arith.constant 0 : i32
        %dma_start3A_51 = arith.constant 0 : i32
        %dma_start3A_52 = tpu.memref_slice %arg17[%dma_start3A_50, %dma_start3A_51] : memref<10240x128xf32, #tpu.memory_space<vmem_shared>> -> memref<10240x128xf32, #tpu.memory_space<vmem_shared>>
        tpu.enqueue_indirect_dma source(%arg11 : memref<128x128xf32, #tpu.memory_space<vmem>>) target(%dma_start3A_52 : memref<10240x128xf32, #tpu.memory_space<vmem_shared>>) offsets(%arg10 : memref<128xi32, #tpu.memory_space<vmem>>) semaphore(%run_scoped3A : memref<!tpu.dma_semaphore, #tpu.memory_space<semaphore_mem>>) {add = true}
        %dma_wait3A_53 = arith.constant 0 : i32
        %dma_wait3A_54 = arith.constant 0 : i32
        %dma_wait3A_55 = tpu.memref_slice %arg17[%dma_wait3A_53, %dma_wait3A_54] : memref<10240x128xf32, #tpu.memory_space<vmem_shared>> -> memref<10240x128xf32, #tpu.memory_space<vmem_shared>>
        tpu.wait_indirect_dma semaphore(%run_scoped3A : memref<!tpu.dma_semaphore, #tpu.memory_space<semaphore_mem>>) src(%arg11 : memref<128x128xf32, #tpu.memory_space<vmem>>) dst(%dma_wait3A_55 : memref<10240x128xf32, #tpu.memory_space<vmem_shared>>)
        tpu.yield
      }) : () -> ()
      %scan3A_49 = arith.constant 0 : i32
      scf.yield %scan3A_49 : i32
    }
    %scan3A_10 = arith.constant 78 : i32
    %add3A_11 = arith.constant 9984 : i32
    %add3A_12 = arith.addi %mul3A_4, %add3A_11 : i32
    "tpu.region"() ({
      %run_scoped3A = tpu.sem_alloc : memref<!tpu.dma_semaphore, #tpu.memory_space<semaphore_mem>>
      %dma_start3A_38 = tpu.memref_slice %arg3[%add3A_12] : memref<320000xi32, #tpu.memory_space<hbm>> -> memref<16xi32, #tpu.memory_space<hbm>>
      %dma_start3A_39 = tpu.memref_slice %arg3[%add3A_12] : memref<320000xi32, #tpu.memory_space<hbm>> -> memref<16xi32, #tpu.memory_space<hbm>>
      tpu.enqueue_dma source(%dma_start3A_39 : memref<16xi32, #tpu.memory_space<hbm>>) target(%arg12 : memref<16xi32, #tpu.memory_space<vmem>>) target_semaphore(%run_scoped3A : memref<!tpu.dma_semaphore, #tpu.memory_space<semaphore_mem>>)
      %dma_wait3A_40 = tpu.memref_slice %arg3[%add3A_12] : memref<320000xi32, #tpu.memory_space<hbm>> -> memref<16xi32, #tpu.memory_space<hbm>>
      %dma_wait3A_41 = tpu.memref_slice %arg3[%add3A_12] : memref<320000xi32, #tpu.memory_space<hbm>> -> memref<16xi32, #tpu.memory_space<hbm>>
      tpu.wait_dma2 semaphore(%run_scoped3A : memref<!tpu.dma_semaphore, #tpu.memory_space<semaphore_mem>>) src(%dma_wait3A_41 : memref<16xi32, #tpu.memory_space<hbm>>) dst(%arg12 : memref<16xi32, #tpu.memory_space<vmem>>)
      tpu.yield
    }) : () -> ()
    "tpu.region"() ({
      %run_scoped3A = tpu.sem_alloc : memref<!tpu.dma_semaphore, #tpu.memory_space<semaphore_mem>>
      %dma_start3A_38 = tpu.memref_slice %arg4[%add3A_12] : memref<320000xi32, #tpu.memory_space<hbm>> -> memref<16xi32, #tpu.memory_space<hbm>>
      %dma_start3A_39 = tpu.memref_slice %arg4[%add3A_12] : memref<320000xi32, #tpu.memory_space<hbm>> -> memref<16xi32, #tpu.memory_space<hbm>>
      tpu.enqueue_dma source(%dma_start3A_39 : memref<16xi32, #tpu.memory_space<hbm>>) target(%arg13 : memref<16xi32, #tpu.memory_space<vmem>>) target_semaphore(%run_scoped3A : memref<!tpu.dma_semaphore, #tpu.memory_space<semaphore_mem>>)
      %dma_wait3A_40 = tpu.memref_slice %arg4[%add3A_12] : memref<320000xi32, #tpu.memory_space<hbm>> -> memref<16xi32, #tpu.memory_space<hbm>>
      %dma_wait3A_41 = tpu.memref_slice %arg4[%add3A_12] : memref<320000xi32, #tpu.memory_space<hbm>> -> memref<16xi32, #tpu.memory_space<hbm>>
      tpu.wait_dma2 semaphore(%run_scoped3A : memref<!tpu.dma_semaphore, #tpu.memory_space<semaphore_mem>>) src(%dma_wait3A_41 : memref<16xi32, #tpu.memory_space<hbm>>) dst(%arg13 : memref<16xi32, #tpu.memory_space<vmem>>)
      tpu.yield
    }) : () -> ()
    %dma_start3A = arith.constant 0 : i32
    %dma_start3A_13 = arith.constant 0 : i32
    %dma_start3A_14 = tpu.memref_slice %arg2[%dma_start3A, %dma_start3A_13] : memref<10240x128xf32, #tpu.memory_space<hbm>> -> memref<10240x128xf32, #tpu.memory_space<hbm>>
    tpu.enqueue_indirect_dma source(%dma_start3A_14 : memref<10240x128xf32, #tpu.memory_space<hbm>>) target(%arg14 : memref<16x128xf32, #tpu.memory_space<vmem>>) offsets(%arg12 : memref<16xi32, #tpu.memory_space<vmem>>) semaphore(%arg19 : memref<!tpu.dma_semaphore, #tpu.memory_space<semaphore_mem>>)
    %dma_wait3A = arith.constant 0 : i32
    %dma_wait3A_15 = arith.constant 0 : i32
    %dma_wait3A_16 = tpu.memref_slice %arg2[%dma_wait3A, %dma_wait3A_15] : memref<10240x128xf32, #tpu.memory_space<hbm>> -> memref<10240x128xf32, #tpu.memory_space<hbm>>
    tpu.wait_indirect_dma semaphore(%arg19 : memref<!tpu.dma_semaphore, #tpu.memory_space<semaphore_mem>>) src(%dma_wait3A_16 : memref<10240x128xf32, #tpu.memory_space<hbm>>) dst(%arg14 : memref<16x128xf32, #tpu.memory_space<vmem>>)
    "tpu.region"() ({
      %run_scoped3A = tpu.sem_alloc : memref<!tpu.dma_semaphore, #tpu.memory_space<semaphore_mem>>
      %dma_start3A_38 = arith.constant 0 : i32
      %dma_start3A_39 = arith.constant 0 : i32
      %dma_start3A_40 = tpu.memref_slice %arg17[%dma_start3A_38, %dma_start3A_39] : memref<10240x128xf32, #tpu.memory_space<vmem_shared>> -> memref<10240x128xf32, #tpu.memory_space<vmem_shared>>
      tpu.enqueue_indirect_dma source(%arg14 : memref<16x128xf32, #tpu.memory_space<vmem>>) target(%dma_start3A_40 : memref<10240x128xf32, #tpu.memory_space<vmem_shared>>) offsets(%arg13 : memref<16xi32, #tpu.memory_space<vmem>>) semaphore(%run_scoped3A : memref<!tpu.dma_semaphore, #tpu.memory_space<semaphore_mem>>) {add = true}
      %dma_wait3A_41 = arith.constant 0 : i32
      %dma_wait3A_42 = arith.constant 0 : i32
      %dma_wait3A_43 = tpu.memref_slice %arg17[%dma_wait3A_41, %dma_wait3A_42] : memref<10240x128xf32, #tpu.memory_space<vmem_shared>> -> memref<10240x128xf32, #tpu.memory_space<vmem_shared>>
      tpu.wait_indirect_dma semaphore(%run_scoped3A : memref<!tpu.dma_semaphore, #tpu.memory_space<semaphore_mem>>) src(%arg14 : memref<16x128xf32, #tpu.memory_space<vmem>>) dst(%dma_wait3A_43 : memref<10240x128xf32, #tpu.memory_space<vmem_shared>>)
      tpu.yield
    }) : () -> ()
    %barrier3A_17 = arith.constant 0 : index
    tpu.barrier barrier_id(%barrier3A_17)
    %add3A_18 = arith.constant 0 : i32
    %add3A_19 = arith.addi %mul3A_0, %add3A_18 : i32
    %add3A_20 = arith.constant 0 : i32
    %add3A_21 = arith.addi %mul3A_0, %add3A_20 : i32
    "tpu.region"() ({
      %run_scoped3A = tpu.sem_alloc : memref<!tpu.dma_semaphore, #tpu.memory_space<semaphore_mem>>
      %dma_start3A_38 = arith.constant 0 : i32
      %dma_start3A_39 = tpu.memref_slice %arg8[%arg0, %add3A_21, %dma_start3A_38] : memref<2x10240x128xf32, #tpu.memory_space<hbm>> -> memref<1x128x128xf32, #tpu.memory_space<hbm>>
      %dma_start3A_40 = tpu.memref_squeeze %dma_start3A_39 : memref<1x128x128xf32, #tpu.memory_space<hbm>> -> memref<128x128xf32, #tpu.memory_space<hbm>>
      %dma_start3A_41 = arith.constant 0 : i32
      %dma_start3A_42 = tpu.memref_slice %arg17[%add3A_19, %dma_start3A_41] : memref<10240x128xf32, #tpu.memory_space<vmem_shared>> -> memref<128x128xf32, #tpu.memory_space<vmem_shared>>
      tpu.enqueue_dma source(%dma_start3A_42 : memref<128x128xf32, #tpu.memory_space<vmem_shared>>) target(%dma_start3A_40 : memref<128x128xf32, #tpu.memory_space<hbm>>) target_semaphore(%run_scoped3A : memref<!tpu.dma_semaphore, #tpu.memory_space<semaphore_mem>>)
      %dma_wait3A_43 = arith.constant 0 : i32
      %dma_wait3A_44 = tpu.memref_slice %arg8[%arg0, %add3A_21, %dma_wait3A_43] : memref<2x10240x128xf32, #tpu.memory_space<hbm>> -> memref<1x128x128xf32, #tpu.memory_space<hbm>>
      %dma_wait3A_45 = tpu.memref_squeeze %dma_wait3A_44 : memref<1x128x128xf32, #tpu.memory_space<hbm>> -> memref<128x128xf32, #tpu.memory_space<hbm>>
      %dma_wait3A_46 = arith.constant 0 : i32
      %dma_wait3A_47 = tpu.memref_slice %arg17[%add3A_19, %dma_wait3A_46] : memref<10240x128xf32, #tpu.memory_space<vmem_shared>> -> memref<128x128xf32, #tpu.memory_space<vmem_shared>>
      tpu.wait_dma2 semaphore(%run_scoped3A : memref<!tpu.dma_semaphore, #tpu.memory_space<semaphore_mem>>) src(%dma_wait3A_47 : memref<128x128xf32, #tpu.memory_space<vmem_shared>>) dst(%dma_wait3A_45 : memref<128x128xf32, #tpu.memory_space<hbm>>)
      tpu.yield
    }) : () -> ()
    %add3A_22 = arith.constant 128 : i32
    %add3A_23 = arith.addi %mul3A_0, %add3A_22 : i32
    %add3A_24 = arith.constant 128 : i32
    %add3A_25 = arith.addi %mul3A_0, %add3A_24 : i32
    "tpu.region"() ({
      %run_scoped3A = tpu.sem_alloc : memref<!tpu.dma_semaphore, #tpu.memory_space<semaphore_mem>>
      %dma_start3A_38 = arith.constant 0 : i32
      %dma_start3A_39 = tpu.memref_slice %arg8[%arg0, %add3A_25, %dma_start3A_38] : memref<2x10240x128xf32, #tpu.memory_space<hbm>> -> memref<1x128x128xf32, #tpu.memory_space<hbm>>
      %dma_start3A_40 = tpu.memref_squeeze %dma_start3A_39 : memref<1x128x128xf32, #tpu.memory_space<hbm>> -> memref<128x128xf32, #tpu.memory_space<hbm>>
      %dma_start3A_41 = arith.constant 0 : i32
      %dma_start3A_42 = tpu.memref_slice %arg17[%add3A_23, %dma_start3A_41] : memref<10240x128xf32, #tpu.memory_space<vmem_shared>> -> memref<128x128xf32, #tpu.memory_space<vmem_shared>>
      tpu.enqueue_dma source(%dma_start3A_42 : memref<128x128xf32, #tpu.memory_space<vmem_shared>>) target(%dma_start3A_40 : memref<128x128xf32, #tpu.memory_space<hbm>>) target_semaphore(%run_scoped3A : memref<!tpu.dma_semaphore, #tpu.memory_space<semaphore_mem>>)
      %dma_wait3A_43 = arith.constant 0 : i32
      %dma_wait3A_44 = tpu.memref_slice %arg8[%arg0, %add3A_25, %dma_wait3A_43] : memref<2x10240x128xf32, #tpu.memory_space<hbm>> -> memref<1x128x128xf32, #tpu.memory_space<hbm>>
      %dma_wait3A_45 = tpu.memref_squeeze %dma_wait3A_44 : memref<1x128x128xf32, #tpu.memory_space<hbm>> -> memref<128x128xf32, #tpu.memory_space<hbm>>
      %dma_wait3A_46 = arith.constant 0 : i32
      %dma_wait3A_47 = tpu.memref_slice %arg17[%add3A_23, %dma_wait3A_46] : memref<10240x128xf32, #tpu.memory_space<vmem_shared>> -> memref<128x128xf32, #tpu.memory_space<vmem_shared>>
      tpu.wait_dma2 semaphore(%run_scoped3A : memref<!tpu.dma_semaphore, #tpu.memory_space<semaphore_mem>>) src(%dma_wait3A_47 : memref<128x128xf32, #tpu.memory_space<vmem_shared>>) dst(%dma_wait3A_45 : memref<128x128xf32, #tpu.memory_space<hbm>>)
      tpu.yield
    }) : () -> ()
    %add3A_26 = arith.constant 256 : i32
    %add3A_27 = arith.addi %mul3A_0, %add3A_26 : i32
    %add3A_28 = arith.constant 256 : i32
    %add3A_29 = arith.addi %mul3A_0, %add3A_28 : i32
    "tpu.region"() ({
      %run_scoped3A = tpu.sem_alloc : memref<!tpu.dma_semaphore, #tpu.memory_space<semaphore_mem>>
      %dma_start3A_38 = arith.constant 0 : i32
      %dma_start3A_39 = tpu.memref_slice %arg8[%arg0, %add3A_29, %dma_start3A_38] : memref<2x10240x128xf32, #tpu.memory_space<hbm>> -> memref<1x128x128xf32, #tpu.memory_space<hbm>>
      %dma_start3A_40 = tpu.memref_squeeze %dma_start3A_39 : memref<1x128x128xf32, #tpu.memory_space<hbm>> -> memref<128x128xf32, #tpu.memory_space<hbm>>
      %dma_start3A_41 = arith.constant 0 : i32
      %dma_start3A_42 = tpu.memref_slice %arg17[%add3A_27, %dma_start3A_41] : memref<10240x128xf32, #tpu.memory_space<vmem_shared>> -> memref<128x128xf32, #tpu.memory_space<vmem_shared>>
      tpu.enqueue_dma source(%dma_start3A_42 : memref<128x128xf32, #tpu.memory_space<vmem_shared>>) target(%dma_start3A_40 : memref<128x128xf32, #tpu.memory_space<hbm>>) target_semaphore(%run_scoped3A : memref<!tpu.dma_semaphore, #tpu.memory_space<semaphore_mem>>)
      %dma_wait3A_43 = arith.constant 0 : i32
      %dma_wait3A_44 = tpu.memref_slice %arg8[%arg0, %add3A_29, %dma_wait3A_43] : memref<2x10240x128xf32, #tpu.memory_space<hbm>> -> memref<1x128x128xf32, #tpu.memory_space<hbm>>
      %dma_wait3A_45 = tpu.memref_squeeze %dma_wait3A_44 : memref<1x128x128xf32, #tpu.memory_space<hbm>> -> memref<128x128xf32, #tpu.memory_space<hbm>>
      %dma_wait3A_46 = arith.constant 0 : i32
      %dma_wait3A_47 = tpu.memref_slice %arg17[%add3A_27, %dma_wait3A_46] : memref<10240x128xf32, #tpu.memory_space<vmem_shared>> -> memref<128x128xf32, #tpu.memory_space<vmem_shared>>
      tpu.wait_dma2 semaphore(%run_scoped3A : memref<!tpu.dma_semaphore, #tpu.memory_space<semaphore_mem>>) src(%dma_wait3A_47 : memref<128x128xf32, #tpu.memory_space<vmem_shared>>) dst(%dma_wait3A_45 : memref<128x128xf32, #tpu.memory_space<hbm>>)
      tpu.yield
    }) : () -> ()
    %add3A_30 = arith.constant 384 : i32
    %add3A_31 = arith.addi %mul3A_0, %add3A_30 : i32
    %add3A_32 = arith.constant 384 : i32
    %add3A_33 = arith.addi %mul3A_0, %add3A_32 : i32
    "tpu.region"() ({
      %run_scoped3A = tpu.sem_alloc : memref<!tpu.dma_semaphore, #tpu.memory_space<semaphore_mem>>
      %dma_start3A_38 = arith.constant 0 : i32
      %dma_start3A_39 = tpu.memref_slice %arg8[%arg0, %add3A_33, %dma_start3A_38] : memref<2x10240x128xf32, #tpu.memory_space<hbm>> -> memref<1x128x128xf32, #tpu.memory_space<hbm>>
      %dma_start3A_40 = tpu.memref_squeeze %dma_start3A_39 : memref<1x128x128xf32, #tpu.memory_space<hbm>> -> memref<128x128xf32, #tpu.memory_space<hbm>>
      %dma_start3A_41 = arith.constant 0 : i32
      %dma_start3A_42 = tpu.memref_slice %arg17[%add3A_31, %dma_start3A_41] : memref<10240x128xf32, #tpu.memory_space<vmem_shared>> -> memref<128x128xf32, #tpu.memory_space<vmem_shared>>
      tpu.enqueue_dma source(%dma_start3A_42 : memref<128x128xf32, #tpu.memory_space<vmem_shared>>) target(%dma_start3A_40 : memref<128x128xf32, #tpu.memory_space<hbm>>) target_semaphore(%run_scoped3A : memref<!tpu.dma_semaphore, #tpu.memory_space<semaphore_mem>>)
      %dma_wait3A_43 = arith.constant 0 : i32
      %dma_wait3A_44 = tpu.memref_slice %arg8[%arg0, %add3A_33, %dma_wait3A_43] : memref<2x10240x128xf32, #tpu.memory_space<hbm>> -> memref<1x128x128xf32, #tpu.memory_space<hbm>>
      %dma_wait3A_45 = tpu.memref_squeeze %dma_wait3A_44 : memref<1x128x128xf32, #tpu.memory_space<hbm>> -> memref<128x128xf32, #tpu.memory_space<hbm>>
      %dma_wait3A_46 = arith.constant 0 : i32
      %dma_wait3A_47 = tpu.memref_slice %arg17[%add3A_31, %dma_wait3A_46] : memref<10240x128xf32, #tpu.memory_space<vmem_shared>> -> memref<128x128xf32, #tpu.memory_space<vmem_shared>>
      tpu.wait_dma2 semaphore(%run_scoped3A : memref<!tpu.dma_semaphore, #tpu.memory_space<semaphore_mem>>) src(%dma_wait3A_47 : memref<128x128xf32, #tpu.memory_space<vmem_shared>>) dst(%dma_wait3A_45 : memref<128x128xf32, #tpu.memory_space<hbm>>)
      tpu.yield
    }) : () -> ()
    %add3A_34 = arith.constant 512 : i32
    %add3A_35 = arith.addi %mul3A_0, %add3A_34 : i32
    %add3A_36 = arith.constant 512 : i32
    %add3A_37 = arith.addi %mul3A_0, %add3A_36 : i32
    "tpu.region"() ({
      %run_scoped3A = tpu.sem_alloc : memref<!tpu.dma_semaphore, #tpu.memory_space<semaphore_mem>>
      %dma_start3A_38 = arith.constant 0 : i32
      %dma_start3A_39 = tpu.memref_slice %arg8[%arg0, %add3A_37, %dma_start3A_38] : memref<2x10240x128xf32, #tpu.memory_space<hbm>> -> memref<1x128x128xf32, #tpu.memory_space<hbm>>
      %dma_start3A_40 = tpu.memref_squeeze %dma_start3A_39 : memref<1x128x128xf32, #tpu.memory_space<hbm>> -> memref<128x128xf32, #tpu.memory_space<hbm>>
      %dma_start3A_41 = arith.constant 0 : i32
      %dma_start3A_42 = tpu.memref_slice %arg17[%add3A_35, %dma_start3A_41] : memref<10240x128xf32, #tpu.memory_space<vmem_shared>> -> memref<128x128xf32, #tpu.memory_space<vmem_shared>>
      tpu.enqueue_dma source(%dma_start3A_42 : memref<128x128xf32, #tpu.memory_space<vmem_shared>>) target(%dma_start3A_40 : memref<128x128xf32, #tpu.memory_space<hbm>>) target_semaphore(%run_scoped3A : memref<!tpu.dma_semaphore, #tpu.memory_space<semaphore_mem>>)
      %dma_wait3A_43 = arith.constant 0 : i32
      %dma_wait3A_44 = tpu.memref_slice %arg8[%arg0, %add3A_37, %dma_wait3A_43] : memref<2x10240x128xf32, #tpu.memory_space<hbm>> -> memref<1x128x128xf32, #tpu.memory_space<hbm>>
      %dma_wait3A_45 = tpu.memref_squeeze %dma_wait3A_44 : memref<1x128x128xf32, #tpu.memory_space<hbm>> -> memref<128x128xf32, #tpu.memory_space<hbm>>
      %dma_wait3A_46 = arith.constant 0 : i32
      %dma_wait3A_47 = tpu.memref_slice %arg17[%add3A_35, %dma_wait3A_46] : memref<10240x128xf32, #tpu.memory_space<vmem_shared>> -> memref<128x128xf32, #tpu.memory_space<vmem_shared>>
      tpu.wait_dma2 semaphore(%run_scoped3A : memref<!tpu.dma_semaphore, #tpu.memory_space<semaphore_mem>>) src(%dma_wait3A_47 : memref<128x128xf32, #tpu.memory_space<vmem_shared>>) dst(%dma_wait3A_45 : memref<128x128xf32, #tpu.memory_space<hbm>>)
      tpu.yield
    }) : () -> ()
    return
  }
}

#map = affine_map<(d0, d1) -> (0)>
module attributes {stable_mosaic.version = 14 : i64} {
  func.func @body(%arg0: i32, %arg1: i32, %arg2: memref<10240xf32, #tpu.memory_space<hbm>>, %arg3: memref<320000xi32, #tpu.memory_space<hbm>>, %arg4: memref<320000xi32, #tpu.memory_space<hbm>>, %arg5: memref<320000xi32, #tpu.memory_space<hbm>>, %arg6: memref<128xi32, #tpu.memory_space<vmem>>, %arg7: memref<128xi32, #tpu.memory_space<vmem>>, %arg8: memref<128xf32, #tpu.memory_space<vmem>>, %arg9: memref<128xf32, #tpu.memory_space<vmem>>, %arg10: memref<128xi32, #tpu.memory_space<vmem>>, %arg11: memref<16xi32, #tpu.memory_space<vmem>>, %arg12: memref<16xi32, #tpu.memory_space<vmem>>, %arg13: memref<16xf32, #tpu.memory_space<vmem>>, %arg14: memref<16xf32, #tpu.memory_space<vmem>>, %arg15: memref<16xi32, #tpu.memory_space<vmem>>, %arg16: memref<!tpu.dma_semaphore, #tpu.memory_space<semaphore_mem>>) attributes {dimension_semantics = [#tpu.dimension_semantics<core_parallel>, #tpu.dimension_semantics<subcore_parallel>], iteration_bounds = array<i64: 2, 16>, scalar_prefetch = 0 : i64, scratch_operands = 11 : i64, tpu.core_type = #tpu.core_type<sc_vector_subcore>, window_params = [{transform_indices = #map}, {transform_indices = #map}, {transform_indices = #map}, {transform_indices = #map}]} {
    %mul3A = arith.constant 16 : i32
    %mul3A_0 = arith.muli %arg0, %mul3A : i32
    %add3A = arith.addi %mul3A_0, %arg1 : i32
    %mul3A_1 = arith.constant 10000 : i32
    %mul3A_2 = arith.muli %add3A, %mul3A_1 : i32
    %iota3A = tpu.iota {dimensions = array<i32: 0>} : vector<16xi32>
    %scan3A = arith.constant 0 : i32
    %scan3A_3 = arith.constant 0 : i32
    %scan3A_4 = arith.constant 78 : i32
    %scan3A_5 = arith.addi %scan3A_3, %scan3A_4 : i32
    %scan3A_6 = arith.constant 1 : i32
    %scan3A_7 = scf.for %scan3A_36 = %scan3A_3 to %scan3A_5 step %scan3A_6 iter_args(%scan3A_37 = %scan3A) -> (i32)  : i32 {
      %mul3A_38 = arith.constant 128 : i32
      %mul3A_39 = arith.muli %scan3A_36, %mul3A_38 : i32
      %add3A_40 = arith.addi %mul3A_2, %mul3A_39 : i32
      "tpu.region"() ({
        %run_scoped3A = tpu.sem_alloc : memref<!tpu.dma_semaphore, #tpu.memory_space<semaphore_mem>>
        %dma_start3A_242 = tpu.memref_slice %arg3[%add3A_40] : memref<320000xi32, #tpu.memory_space<hbm>> -> memref<128xi32, #tpu.memory_space<hbm>>
        %dma_start3A_243 = tpu.memref_slice %arg3[%add3A_40] : memref<320000xi32, #tpu.memory_space<hbm>> -> memref<128xi32, #tpu.memory_space<hbm>>
        tpu.enqueue_dma source(%dma_start3A_243 : memref<128xi32, #tpu.memory_space<hbm>>) target(%arg6 : memref<128xi32, #tpu.memory_space<vmem>>) target_semaphore(%run_scoped3A : memref<!tpu.dma_semaphore, #tpu.memory_space<semaphore_mem>>)
        %dma_wait3A_244 = tpu.memref_slice %arg3[%add3A_40] : memref<320000xi32, #tpu.memory_space<hbm>> -> memref<128xi32, #tpu.memory_space<hbm>>
        %dma_wait3A_245 = tpu.memref_slice %arg3[%add3A_40] : memref<320000xi32, #tpu.memory_space<hbm>> -> memref<128xi32, #tpu.memory_space<hbm>>
        tpu.wait_dma2 semaphore(%run_scoped3A : memref<!tpu.dma_semaphore, #tpu.memory_space<semaphore_mem>>) src(%dma_wait3A_245 : memref<128xi32, #tpu.memory_space<hbm>>) dst(%arg6 : memref<128xi32, #tpu.memory_space<vmem>>)
        tpu.yield
      }) : () -> ()
      "tpu.region"() ({
        %run_scoped3A = tpu.sem_alloc : memref<!tpu.dma_semaphore, #tpu.memory_space<semaphore_mem>>
        %dma_start3A_242 = tpu.memref_slice %arg4[%add3A_40] : memref<320000xi32, #tpu.memory_space<hbm>> -> memref<128xi32, #tpu.memory_space<hbm>>
        %dma_start3A_243 = tpu.memref_slice %arg4[%add3A_40] : memref<320000xi32, #tpu.memory_space<hbm>> -> memref<128xi32, #tpu.memory_space<hbm>>
        tpu.enqueue_dma source(%dma_start3A_243 : memref<128xi32, #tpu.memory_space<hbm>>) target(%arg7 : memref<128xi32, #tpu.memory_space<vmem>>) target_semaphore(%run_scoped3A : memref<!tpu.dma_semaphore, #tpu.memory_space<semaphore_mem>>)
        %dma_wait3A_244 = tpu.memref_slice %arg4[%add3A_40] : memref<320000xi32, #tpu.memory_space<hbm>> -> memref<128xi32, #tpu.memory_space<hbm>>
        %dma_wait3A_245 = tpu.memref_slice %arg4[%add3A_40] : memref<320000xi32, #tpu.memory_space<hbm>> -> memref<128xi32, #tpu.memory_space<hbm>>
        tpu.wait_dma2 semaphore(%run_scoped3A : memref<!tpu.dma_semaphore, #tpu.memory_space<semaphore_mem>>) src(%dma_wait3A_245 : memref<128xi32, #tpu.memory_space<hbm>>) dst(%arg7 : memref<128xi32, #tpu.memory_space<vmem>>)
        tpu.yield
      }) : () -> ()
      %dma_start3A_41 = arith.constant 0 : i32
      %dma_start3A_42 = tpu.memref_slice %arg2[%dma_start3A_41] : memref<10240xf32, #tpu.memory_space<hbm>> -> memref<10240xf32, #tpu.memory_space<hbm>>
      tpu.enqueue_indirect_dma source(%dma_start3A_42 : memref<10240xf32, #tpu.memory_space<hbm>>) target(%arg8 : memref<128xf32, #tpu.memory_space<vmem>>) offsets(%arg6 : memref<128xi32, #tpu.memory_space<vmem>>) semaphore(%arg16 : memref<!tpu.dma_semaphore, #tpu.memory_space<semaphore_mem>>)
      %dma_wait3A_43 = arith.constant 0 : i32
      %dma_wait3A_44 = tpu.memref_slice %arg2[%dma_wait3A_43] : memref<10240xf32, #tpu.memory_space<hbm>> -> memref<10240xf32, #tpu.memory_space<hbm>>
      tpu.wait_indirect_dma semaphore(%arg16 : memref<!tpu.dma_semaphore, #tpu.memory_space<semaphore_mem>>) src(%dma_wait3A_44 : memref<10240xf32, #tpu.memory_space<hbm>>) dst(%arg8 : memref<128xf32, #tpu.memory_space<vmem>>)
      %dma_start3A_45 = arith.constant 0 : i32
      %dma_start3A_46 = tpu.memref_slice %arg2[%dma_start3A_45] : memref<10240xf32, #tpu.memory_space<hbm>> -> memref<10240xf32, #tpu.memory_space<hbm>>
      tpu.enqueue_indirect_dma source(%dma_start3A_46 : memref<10240xf32, #tpu.memory_space<hbm>>) target(%arg9 : memref<128xf32, #tpu.memory_space<vmem>>) offsets(%arg7 : memref<128xi32, #tpu.memory_space<vmem>>) semaphore(%arg16 : memref<!tpu.dma_semaphore, #tpu.memory_space<semaphore_mem>>)
      %dma_wait3A_47 = arith.constant 0 : i32
      %dma_wait3A_48 = tpu.memref_slice %arg2[%dma_wait3A_47] : memref<10240xf32, #tpu.memory_space<hbm>> -> memref<10240xf32, #tpu.memory_space<hbm>>
      tpu.wait_indirect_dma semaphore(%arg16 : memref<!tpu.dma_semaphore, #tpu.memory_space<semaphore_mem>>) src(%dma_wait3A_48 : memref<10240xf32, #tpu.memory_space<hbm>>) dst(%arg9 : memref<128xf32, #tpu.memory_space<vmem>>)
      %get3A_49 = arith.constant 0 : index
      %get3A_50 = tpu.vector_load %arg8[%get3A_49] {strides = array<i32>} : memref<128xf32, #tpu.memory_space<vmem>>, vector<16xf32>,
      %get3A_51 = vector.shape_cast %get3A_50 : vector<16xf32> to vector<16xf32>
      %gt3A_52 = arith.constant 0.000000e+00 : f32
      %gt3A_53 = vector.broadcast %gt3A_52 : f32 to vector<16xf32>
      %gt3A_54 = arith.cmpf ogt, %get3A_51, %gt3A_53 : vector<16xf32>
      %get3A_55 = arith.constant 0 : index
      %get3A_56 = tpu.vector_load %arg9[%get3A_55] {strides = array<i32>} : memref<128xf32, #tpu.memory_space<vmem>>, vector<16xf32>,
      %get3A_57 = vector.shape_cast %get3A_56 : vector<16xf32> to vector<16xf32>
      %gt3A_58 = arith.constant 0.000000e+00 : f32
      %gt3A_59 = vector.broadcast %gt3A_58 : f32 to vector<16xf32>
      %gt3A_60 = arith.cmpf ogt, %get3A_57, %gt3A_59 : vector<16xf32>
      %and3A_61 = arith.andi %gt3A_54, %gt3A_60 : vector<16xi1>
      %add3A_62 = arith.constant 10000 : i32
      %add3A_63 = vector.broadcast %add3A_62 : i32 to vector<16xi32>
      %add3A_64 = arith.addi %add3A_63, %iota3A : vector<16xi32>
      %get3A_65 = arith.constant 0 : index
      %get3A_66 = tpu.vector_load %arg7[%get3A_65] {strides = array<i32>} : memref<128xi32, #tpu.memory_space<vmem>>, vector<16xi32>,
      %get3A_67 = vector.shape_cast %get3A_66 : vector<16xi32> to vector<16xi32>
      %select_n3A_68 = arith.select %and3A_61, %get3A_67, %add3A_64 : vector<16xi1>, vector<16xi32>
      %swap3A_69 = arith.constant 0 : index
      %swap3A_70 = tpu.vector_load %arg10[%swap3A_69] {strides = array<i32>} : memref<128xi32, #tpu.memory_space<vmem>>, vector<16xi32>,
      %swap3A_71 = vector.shape_cast %swap3A_70 : vector<16xi32> to vector<16xi32>
      %swap3A_72 = vector.shape_cast %select_n3A_68 : vector<16xi32> to vector<16xi32>
      tpu.vector_store %arg10[%swap3A_69], %swap3A_72 {strides = array<i32>} : memref<128xi32, #tpu.memory_space<vmem>>, vector<16xi32>,
      %get3A_73 = arith.constant 16 : index
      %get3A_74 = tpu.vector_load %arg8[%get3A_73] {strides = array<i32>} : memref<128xf32, #tpu.memory_space<vmem>>, vector<16xf32>,
      %get3A_75 = vector.shape_cast %get3A_74 : vector<16xf32> to vector<16xf32>
      %gt3A_76 = arith.constant 0.000000e+00 : f32
      %gt3A_77 = vector.broadcast %gt3A_76 : f32 to vector<16xf32>
      %gt3A_78 = arith.cmpf ogt, %get3A_75, %gt3A_77 : vector<16xf32>
      %get3A_79 = arith.constant 16 : index
      %get3A_80 = tpu.vector_load %arg9[%get3A_79] {strides = array<i32>} : memref<128xf32, #tpu.memory_space<vmem>>, vector<16xf32>,
      %get3A_81 = vector.shape_cast %get3A_80 : vector<16xf32> to vector<16xf32>
      %gt3A_82 = arith.constant 0.000000e+00 : f32
      %gt3A_83 = vector.broadcast %gt3A_82 : f32 to vector<16xf32>
      %gt3A_84 = arith.cmpf ogt, %get3A_81, %gt3A_83 : vector<16xf32>
      %and3A_85 = arith.andi %gt3A_78, %gt3A_84 : vector<16xi1>
      %add3A_86 = arith.constant 10016 : i32
      %add3A_87 = vector.broadcast %add3A_86 : i32 to vector<16xi32>
      %add3A_88 = arith.addi %add3A_87, %iota3A : vector<16xi32>
      %get3A_89 = arith.constant 16 : index
      %get3A_90 = tpu.vector_load %arg7[%get3A_89] {strides = array<i32>} : memref<128xi32, #tpu.memory_space<vmem>>, vector<16xi32>,
      %get3A_91 = vector.shape_cast %get3A_90 : vector<16xi32> to vector<16xi32>
      %select_n3A_92 = arith.select %and3A_85, %get3A_91, %add3A_88 : vector<16xi1>, vector<16xi32>
      %swap3A_93 = arith.constant 16 : index
      %swap3A_94 = tpu.vector_load %arg10[%swap3A_93] {strides = array<i32>} : memref<128xi32, #tpu.memory_space<vmem>>, vector<16xi32>,
      %swap3A_95 = vector.shape_cast %swap3A_94 : vector<16xi32> to vector<16xi32>
      %swap3A_96 = vector.shape_cast %select_n3A_92 : vector<16xi32> to vector<16xi32>
      tpu.vector_store %arg10[%swap3A_93], %swap3A_96 {strides = array<i32>} : memref<128xi32, #tpu.memory_space<vmem>>, vector<16xi32>,
      %get3A_97 = arith.constant 32 : index
      %get3A_98 = tpu.vector_load %arg8[%get3A_97] {strides = array<i32>} : memref<128xf32, #tpu.memory_space<vmem>>, vector<16xf32>,
      %get3A_99 = vector.shape_cast %get3A_98 : vector<16xf32> to vector<16xf32>
      %gt3A_100 = arith.constant 0.000000e+00 : f32
      %gt3A_101 = vector.broadcast %gt3A_100 : f32 to vector<16xf32>
      %gt3A_102 = arith.cmpf ogt, %get3A_99, %gt3A_101 : vector<16xf32>
      %get3A_103 = arith.constant 32 : index
      %get3A_104 = tpu.vector_load %arg9[%get3A_103] {strides = array<i32>} : memref<128xf32, #tpu.memory_space<vmem>>, vector<16xf32>,
      %get3A_105 = vector.shape_cast %get3A_104 : vector<16xf32> to vector<16xf32>
      %gt3A_106 = arith.constant 0.000000e+00 : f32
      %gt3A_107 = vector.broadcast %gt3A_106 : f32 to vector<16xf32>
      %gt3A_108 = arith.cmpf ogt, %get3A_105, %gt3A_107 : vector<16xf32>
      %and3A_109 = arith.andi %gt3A_102, %gt3A_108 : vector<16xi1>
      %add3A_110 = arith.constant 10032 : i32
      %add3A_111 = vector.broadcast %add3A_110 : i32 to vector<16xi32>
      %add3A_112 = arith.addi %add3A_111, %iota3A : vector<16xi32>
      %get3A_113 = arith.constant 32 : index
      %get3A_114 = tpu.vector_load %arg7[%get3A_113] {strides = array<i32>} : memref<128xi32, #tpu.memory_space<vmem>>, vector<16xi32>,
      %get3A_115 = vector.shape_cast %get3A_114 : vector<16xi32> to vector<16xi32>
      %select_n3A_116 = arith.select %and3A_109, %get3A_115, %add3A_112 : vector<16xi1>, vector<16xi32>
      %swap3A_117 = arith.constant 32 : index
      %swap3A_118 = tpu.vector_load %arg10[%swap3A_117] {strides = array<i32>} : memref<128xi32, #tpu.memory_space<vmem>>, vector<16xi32>,
      %swap3A_119 = vector.shape_cast %swap3A_118 : vector<16xi32> to vector<16xi32>
      %swap3A_120 = vector.shape_cast %select_n3A_116 : vector<16xi32> to vector<16xi32>
      tpu.vector_store %arg10[%swap3A_117], %swap3A_120 {strides = array<i32>} : memref<128xi32, #tpu.memory_space<vmem>>, vector<16xi32>,
      %get3A_121 = arith.constant 48 : index
      %get3A_122 = tpu.vector_load %arg8[%get3A_121] {strides = array<i32>} : memref<128xf32, #tpu.memory_space<vmem>>, vector<16xf32>,
      %get3A_123 = vector.shape_cast %get3A_122 : vector<16xf32> to vector<16xf32>
      %gt3A_124 = arith.constant 0.000000e+00 : f32
      %gt3A_125 = vector.broadcast %gt3A_124 : f32 to vector<16xf32>
      %gt3A_126 = arith.cmpf ogt, %get3A_123, %gt3A_125 : vector<16xf32>
      %get3A_127 = arith.constant 48 : index
      %get3A_128 = tpu.vector_load %arg9[%get3A_127] {strides = array<i32>} : memref<128xf32, #tpu.memory_space<vmem>>, vector<16xf32>,
      %get3A_129 = vector.shape_cast %get3A_128 : vector<16xf32> to vector<16xf32>
      %gt3A_130 = arith.constant 0.000000e+00 : f32
      %gt3A_131 = vector.broadcast %gt3A_130 : f32 to vector<16xf32>
      %gt3A_132 = arith.cmpf ogt, %get3A_129, %gt3A_131 : vector<16xf32>
      %and3A_133 = arith.andi %gt3A_126, %gt3A_132 : vector<16xi1>
      %add3A_134 = arith.constant 10048 : i32
      %add3A_135 = vector.broadcast %add3A_134 : i32 to vector<16xi32>
      %add3A_136 = arith.addi %add3A_135, %iota3A : vector<16xi32>
      %get3A_137 = arith.constant 48 : index
      %get3A_138 = tpu.vector_load %arg7[%get3A_137] {strides = array<i32>} : memref<128xi32, #tpu.memory_space<vmem>>, vector<16xi32>,
      %get3A_139 = vector.shape_cast %get3A_138 : vector<16xi32> to vector<16xi32>
      %select_n3A_140 = arith.select %and3A_133, %get3A_139, %add3A_136 : vector<16xi1>, vector<16xi32>
      %swap3A_141 = arith.constant 48 : index
      %swap3A_142 = tpu.vector_load %arg10[%swap3A_141] {strides = array<i32>} : memref<128xi32, #tpu.memory_space<vmem>>, vector<16xi32>,
      %swap3A_143 = vector.shape_cast %swap3A_142 : vector<16xi32> to vector<16xi32>
      %swap3A_144 = vector.shape_cast %select_n3A_140 : vector<16xi32> to vector<16xi32>
      tpu.vector_store %arg10[%swap3A_141], %swap3A_144 {strides = array<i32>} : memref<128xi32, #tpu.memory_space<vmem>>, vector<16xi32>,
      %get3A_145 = arith.constant 64 : index
      %get3A_146 = tpu.vector_load %arg8[%get3A_145] {strides = array<i32>} : memref<128xf32, #tpu.memory_space<vmem>>, vector<16xf32>,
      %get3A_147 = vector.shape_cast %get3A_146 : vector<16xf32> to vector<16xf32>
      %gt3A_148 = arith.constant 0.000000e+00 : f32
      %gt3A_149 = vector.broadcast %gt3A_148 : f32 to vector<16xf32>
      %gt3A_150 = arith.cmpf ogt, %get3A_147, %gt3A_149 : vector<16xf32>
      %get3A_151 = arith.constant 64 : index
      %get3A_152 = tpu.vector_load %arg9[%get3A_151] {strides = array<i32>} : memref<128xf32, #tpu.memory_space<vmem>>, vector<16xf32>,
      %get3A_153 = vector.shape_cast %get3A_152 : vector<16xf32> to vector<16xf32>
      %gt3A_154 = arith.constant 0.000000e+00 : f32
      %gt3A_155 = vector.broadcast %gt3A_154 : f32 to vector<16xf32>
      %gt3A_156 = arith.cmpf ogt, %get3A_153, %gt3A_155 : vector<16xf32>
      %and3A_157 = arith.andi %gt3A_150, %gt3A_156 : vector<16xi1>
      %add3A_158 = arith.constant 10064 : i32
      %add3A_159 = vector.broadcast %add3A_158 : i32 to vector<16xi32>
      %add3A_160 = arith.addi %add3A_159, %iota3A : vector<16xi32>
      %get3A_161 = arith.constant 64 : index
      %get3A_162 = tpu.vector_load %arg7[%get3A_161] {strides = array<i32>} : memref<128xi32, #tpu.memory_space<vmem>>, vector<16xi32>,
      %get3A_163 = vector.shape_cast %get3A_162 : vector<16xi32> to vector<16xi32>
      %select_n3A_164 = arith.select %and3A_157, %get3A_163, %add3A_160 : vector<16xi1>, vector<16xi32>
      %swap3A_165 = arith.constant 64 : index
      %swap3A_166 = tpu.vector_load %arg10[%swap3A_165] {strides = array<i32>} : memref<128xi32, #tpu.memory_space<vmem>>, vector<16xi32>,
      %swap3A_167 = vector.shape_cast %swap3A_166 : vector<16xi32> to vector<16xi32>
      %swap3A_168 = vector.shape_cast %select_n3A_164 : vector<16xi32> to vector<16xi32>
      tpu.vector_store %arg10[%swap3A_165], %swap3A_168 {strides = array<i32>} : memref<128xi32, #tpu.memory_space<vmem>>, vector<16xi32>,
      %get3A_169 = arith.constant 80 : index
      %get3A_170 = tpu.vector_load %arg8[%get3A_169] {strides = array<i32>} : memref<128xf32, #tpu.memory_space<vmem>>, vector<16xf32>,
      %get3A_171 = vector.shape_cast %get3A_170 : vector<16xf32> to vector<16xf32>
      %gt3A_172 = arith.constant 0.000000e+00 : f32
      %gt3A_173 = vector.broadcast %gt3A_172 : f32 to vector<16xf32>
      %gt3A_174 = arith.cmpf ogt, %get3A_171, %gt3A_173 : vector<16xf32>
      %get3A_175 = arith.constant 80 : index
      %get3A_176 = tpu.vector_load %arg9[%get3A_175] {strides = array<i32>} : memref<128xf32, #tpu.memory_space<vmem>>, vector<16xf32>,
      %get3A_177 = vector.shape_cast %get3A_176 : vector<16xf32> to vector<16xf32>
      %gt3A_178 = arith.constant 0.000000e+00 : f32
      %gt3A_179 = vector.broadcast %gt3A_178 : f32 to vector<16xf32>
      %gt3A_180 = arith.cmpf ogt, %get3A_177, %gt3A_179 : vector<16xf32>
      %and3A_181 = arith.andi %gt3A_174, %gt3A_180 : vector<16xi1>
      %add3A_182 = arith.constant 10080 : i32
      %add3A_183 = vector.broadcast %add3A_182 : i32 to vector<16xi32>
      %add3A_184 = arith.addi %add3A_183, %iota3A : vector<16xi32>
      %get3A_185 = arith.constant 80 : index
      %get3A_186 = tpu.vector_load %arg7[%get3A_185] {strides = array<i32>} : memref<128xi32, #tpu.memory_space<vmem>>, vector<16xi32>,
      %get3A_187 = vector.shape_cast %get3A_186 : vector<16xi32> to vector<16xi32>
      %select_n3A_188 = arith.select %and3A_181, %get3A_187, %add3A_184 : vector<16xi1>, vector<16xi32>
      %swap3A_189 = arith.constant 80 : index
      %swap3A_190 = tpu.vector_load %arg10[%swap3A_189] {strides = array<i32>} : memref<128xi32, #tpu.memory_space<vmem>>, vector<16xi32>,
      %swap3A_191 = vector.shape_cast %swap3A_190 : vector<16xi32> to vector<16xi32>
      %swap3A_192 = vector.shape_cast %select_n3A_188 : vector<16xi32> to vector<16xi32>
      tpu.vector_store %arg10[%swap3A_189], %swap3A_192 {strides = array<i32>} : memref<128xi32, #tpu.memory_space<vmem>>, vector<16xi32>,
      %get3A_193 = arith.constant 96 : index
      %get3A_194 = tpu.vector_load %arg8[%get3A_193] {strides = array<i32>} : memref<128xf32, #tpu.memory_space<vmem>>, vector<16xf32>,
      %get3A_195 = vector.shape_cast %get3A_194 : vector<16xf32> to vector<16xf32>
      %gt3A_196 = arith.constant 0.000000e+00 : f32
      %gt3A_197 = vector.broadcast %gt3A_196 : f32 to vector<16xf32>
      %gt3A_198 = arith.cmpf ogt, %get3A_195, %gt3A_197 : vector<16xf32>
      %get3A_199 = arith.constant 96 : index
      %get3A_200 = tpu.vector_load %arg9[%get3A_199] {strides = array<i32>} : memref<128xf32, #tpu.memory_space<vmem>>, vector<16xf32>,
      %get3A_201 = vector.shape_cast %get3A_200 : vector<16xf32> to vector<16xf32>
      %gt3A_202 = arith.constant 0.000000e+00 : f32
      %gt3A_203 = vector.broadcast %gt3A_202 : f32 to vector<16xf32>
      %gt3A_204 = arith.cmpf ogt, %get3A_201, %gt3A_203 : vector<16xf32>
      %and3A_205 = arith.andi %gt3A_198, %gt3A_204 : vector<16xi1>
      %add3A_206 = arith.constant 10096 : i32
      %add3A_207 = vector.broadcast %add3A_206 : i32 to vector<16xi32>
      %add3A_208 = arith.addi %add3A_207, %iota3A : vector<16xi32>
      %get3A_209 = arith.constant 96 : index
      %get3A_210 = tpu.vector_load %arg7[%get3A_209] {strides = array<i32>} : memref<128xi32, #tpu.memory_space<vmem>>, vector<16xi32>,
      %get3A_211 = vector.shape_cast %get3A_210 : vector<16xi32> to vector<16xi32>
      %select_n3A_212 = arith.select %and3A_205, %get3A_211, %add3A_208 : vector<16xi1>, vector<16xi32>
      %swap3A_213 = arith.constant 96 : index
      %swap3A_214 = tpu.vector_load %arg10[%swap3A_213] {strides = array<i32>} : memref<128xi32, #tpu.memory_space<vmem>>, vector<16xi32>,
      %swap3A_215 = vector.shape_cast %swap3A_214 : vector<16xi32> to vector<16xi32>
      %swap3A_216 = vector.shape_cast %select_n3A_212 : vector<16xi32> to vector<16xi32>
      tpu.vector_store %arg10[%swap3A_213], %swap3A_216 {strides = array<i32>} : memref<128xi32, #tpu.memory_space<vmem>>, vector<16xi32>,
      %get3A_217 = arith.constant 112 : index
      %get3A_218 = tpu.vector_load %arg8[%get3A_217] {strides = array<i32>} : memref<128xf32, #tpu.memory_space<vmem>>, vector<16xf32>,
      %get3A_219 = vector.shape_cast %get3A_218 : vector<16xf32> to vector<16xf32>
      %gt3A_220 = arith.constant 0.000000e+00 : f32
      %gt3A_221 = vector.broadcast %gt3A_220 : f32 to vector<16xf32>
      %gt3A_222 = arith.cmpf ogt, %get3A_219, %gt3A_221 : vector<16xf32>
      %get3A_223 = arith.constant 112 : index
      %get3A_224 = tpu.vector_load %arg9[%get3A_223] {strides = array<i32>} : memref<128xf32, #tpu.memory_space<vmem>>, vector<16xf32>,
      %get3A_225 = vector.shape_cast %get3A_224 : vector<16xf32> to vector<16xf32>
      %gt3A_226 = arith.constant 0.000000e+00 : f32
      %gt3A_227 = vector.broadcast %gt3A_226 : f32 to vector<16xf32>
      %gt3A_228 = arith.cmpf ogt, %get3A_225, %gt3A_227 : vector<16xf32>
      %and3A_229 = arith.andi %gt3A_222, %gt3A_228 : vector<16xi1>
      %add3A_230 = arith.constant 10112 : i32
      %add3A_231 = vector.broadcast %add3A_230 : i32 to vector<16xi32>
      %add3A_232 = arith.addi %add3A_231, %iota3A : vector<16xi32>
      %get3A_233 = arith.constant 112 : index
      %get3A_234 = tpu.vector_load %arg7[%get3A_233] {strides = array<i32>} : memref<128xi32, #tpu.memory_space<vmem>>, vector<16xi32>,
      %get3A_235 = vector.shape_cast %get3A_234 : vector<16xi32> to vector<16xi32>
      %select_n3A_236 = arith.select %and3A_229, %get3A_235, %add3A_232 : vector<16xi1>, vector<16xi32>
      %swap3A_237 = arith.constant 112 : index
      %swap3A_238 = tpu.vector_load %arg10[%swap3A_237] {strides = array<i32>} : memref<128xi32, #tpu.memory_space<vmem>>, vector<16xi32>,
      %swap3A_239 = vector.shape_cast %swap3A_238 : vector<16xi32> to vector<16xi32>
      %swap3A_240 = vector.shape_cast %select_n3A_236 : vector<16xi32> to vector<16xi32>
      tpu.vector_store %arg10[%swap3A_237], %swap3A_240 {strides = array<i32>} : memref<128xi32, #tpu.memory_space<vmem>>, vector<16xi32>,
      "tpu.region"() ({
        %run_scoped3A = tpu.sem_alloc : memref<!tpu.dma_semaphore, #tpu.memory_space<semaphore_mem>>
        %dma_start3A_242 = tpu.memref_slice %arg5[%add3A_40] : memref<320000xi32, #tpu.memory_space<hbm>> -> memref<128xi32, #tpu.memory_space<hbm>>
        %dma_start3A_243 = tpu.memref_slice %arg5[%add3A_40] : memref<320000xi32, #tpu.memory_space<hbm>> -> memref<128xi32, #tpu.memory_space<hbm>>
        tpu.enqueue_dma source(%arg10 : memref<128xi32, #tpu.memory_space<vmem>>) target(%dma_start3A_243 : memref<128xi32, #tpu.memory_space<hbm>>) target_semaphore(%run_scoped3A : memref<!tpu.dma_semaphore, #tpu.memory_space<semaphore_mem>>)
        %dma_wait3A_244 = tpu.memref_slice %arg5[%add3A_40] : memref<320000xi32, #tpu.memory_space<hbm>> -> memref<128xi32, #tpu.memory_space<hbm>>
        %dma_wait3A_245 = tpu.memref_slice %arg5[%add3A_40] : memref<320000xi32, #tpu.memory_space<hbm>> -> memref<128xi32, #tpu.memory_space<hbm>>
        tpu.wait_dma2 semaphore(%run_scoped3A : memref<!tpu.dma_semaphore, #tpu.memory_space<semaphore_mem>>) src(%arg10 : memref<128xi32, #tpu.memory_space<vmem>>) dst(%dma_wait3A_245 : memref<128xi32, #tpu.memory_space<hbm>>)
        tpu.yield
      }) : () -> ()
      %scan3A_241 = arith.constant 0 : i32
      scf.yield %scan3A_241 : i32
    }
    %scan3A_8 = arith.constant 78 : i32
    %add3A_9 = arith.constant 9984 : i32
    %add3A_10 = arith.addi %mul3A_2, %add3A_9 : i32
    "tpu.region"() ({
      %run_scoped3A = tpu.sem_alloc : memref<!tpu.dma_semaphore, #tpu.memory_space<semaphore_mem>>
      %dma_start3A_36 = tpu.memref_slice %arg3[%add3A_10] : memref<320000xi32, #tpu.memory_space<hbm>> -> memref<16xi32, #tpu.memory_space<hbm>>
      %dma_start3A_37 = tpu.memref_slice %arg3[%add3A_10] : memref<320000xi32, #tpu.memory_space<hbm>> -> memref<16xi32, #tpu.memory_space<hbm>>
      tpu.enqueue_dma source(%dma_start3A_37 : memref<16xi32, #tpu.memory_space<hbm>>) target(%arg11 : memref<16xi32, #tpu.memory_space<vmem>>) target_semaphore(%run_scoped3A : memref<!tpu.dma_semaphore, #tpu.memory_space<semaphore_mem>>)
      %dma_wait3A_38 = tpu.memref_slice %arg3[%add3A_10] : memref<320000xi32, #tpu.memory_space<hbm>> -> memref<16xi32, #tpu.memory_space<hbm>>
      %dma_wait3A_39 = tpu.memref_slice %arg3[%add3A_10] : memref<320000xi32, #tpu.memory_space<hbm>> -> memref<16xi32, #tpu.memory_space<hbm>>
      tpu.wait_dma2 semaphore(%run_scoped3A : memref<!tpu.dma_semaphore, #tpu.memory_space<semaphore_mem>>) src(%dma_wait3A_39 : memref<16xi32, #tpu.memory_space<hbm>>) dst(%arg11 : memref<16xi32, #tpu.memory_space<vmem>>)
      tpu.yield
    }) : () -> ()
    "tpu.region"() ({
      %run_scoped3A = tpu.sem_alloc : memref<!tpu.dma_semaphore, #tpu.memory_space<semaphore_mem>>
      %dma_start3A_36 = tpu.memref_slice %arg4[%add3A_10] : memref<320000xi32, #tpu.memory_space<hbm>> -> memref<16xi32, #tpu.memory_space<hbm>>
      %dma_start3A_37 = tpu.memref_slice %arg4[%add3A_10] : memref<320000xi32, #tpu.memory_space<hbm>> -> memref<16xi32, #tpu.memory_space<hbm>>
      tpu.enqueue_dma source(%dma_start3A_37 : memref<16xi32, #tpu.memory_space<hbm>>) target(%arg12 : memref<16xi32, #tpu.memory_space<vmem>>) target_semaphore(%run_scoped3A : memref<!tpu.dma_semaphore, #tpu.memory_space<semaphore_mem>>)
      %dma_wait3A_38 = tpu.memref_slice %arg4[%add3A_10] : memref<320000xi32, #tpu.memory_space<hbm>> -> memref<16xi32, #tpu.memory_space<hbm>>
      %dma_wait3A_39 = tpu.memref_slice %arg4[%add3A_10] : memref<320000xi32, #tpu.memory_space<hbm>> -> memref<16xi32, #tpu.memory_space<hbm>>
      tpu.wait_dma2 semaphore(%run_scoped3A : memref<!tpu.dma_semaphore, #tpu.memory_space<semaphore_mem>>) src(%dma_wait3A_39 : memref<16xi32, #tpu.memory_space<hbm>>) dst(%arg12 : memref<16xi32, #tpu.memory_space<vmem>>)
      tpu.yield
    }) : () -> ()
    %dma_start3A = arith.constant 0 : i32
    %dma_start3A_11 = tpu.memref_slice %arg2[%dma_start3A] : memref<10240xf32, #tpu.memory_space<hbm>> -> memref<10240xf32, #tpu.memory_space<hbm>>
    tpu.enqueue_indirect_dma source(%dma_start3A_11 : memref<10240xf32, #tpu.memory_space<hbm>>) target(%arg13 : memref<16xf32, #tpu.memory_space<vmem>>) offsets(%arg11 : memref<16xi32, #tpu.memory_space<vmem>>) semaphore(%arg16 : memref<!tpu.dma_semaphore, #tpu.memory_space<semaphore_mem>>)
    %dma_wait3A = arith.constant 0 : i32
    %dma_wait3A_12 = tpu.memref_slice %arg2[%dma_wait3A] : memref<10240xf32, #tpu.memory_space<hbm>> -> memref<10240xf32, #tpu.memory_space<hbm>>
    tpu.wait_indirect_dma semaphore(%arg16 : memref<!tpu.dma_semaphore, #tpu.memory_space<semaphore_mem>>) src(%dma_wait3A_12 : memref<10240xf32, #tpu.memory_space<hbm>>) dst(%arg13 : memref<16xf32, #tpu.memory_space<vmem>>)
    %dma_start3A_13 = arith.constant 0 : i32
    %dma_start3A_14 = tpu.memref_slice %arg2[%dma_start3A_13] : memref<10240xf32, #tpu.memory_space<hbm>> -> memref<10240xf32, #tpu.memory_space<hbm>>
    tpu.enqueue_indirect_dma source(%dma_start3A_14 : memref<10240xf32, #tpu.memory_space<hbm>>) target(%arg14 : memref<16xf32, #tpu.memory_space<vmem>>) offsets(%arg12 : memref<16xi32, #tpu.memory_space<vmem>>) semaphore(%arg16 : memref<!tpu.dma_semaphore, #tpu.memory_space<semaphore_mem>>)
    %dma_wait3A_15 = arith.constant 0 : i32
    %dma_wait3A_16 = tpu.memref_slice %arg2[%dma_wait3A_15] : memref<10240xf32, #tpu.memory_space<hbm>> -> memref<10240xf32, #tpu.memory_space<hbm>>
    tpu.wait_indirect_dma semaphore(%arg16 : memref<!tpu.dma_semaphore, #tpu.memory_space<semaphore_mem>>) src(%dma_wait3A_16 : memref<10240xf32, #tpu.memory_space<hbm>>) dst(%arg14 : memref<16xf32, #tpu.memory_space<vmem>>)
    %get3A = arith.constant 0 : index
    %get3A_17 = tpu.vector_load %arg13[%get3A] {strides = array<i32>} : memref<16xf32, #tpu.memory_space<vmem>>, vector<16xf32>,
    %get3A_18 = vector.shape_cast %get3A_17 : vector<16xf32> to vector<16xf32>
    %gt3A = arith.constant 0.000000e+00 : f32
    %gt3A_19 = vector.broadcast %gt3A : f32 to vector<16xf32>
    %gt3A_20 = arith.cmpf ogt, %get3A_18, %gt3A_19 : vector<16xf32>
    %get3A_21 = arith.constant 0 : index
    %get3A_22 = tpu.vector_load %arg14[%get3A_21] {strides = array<i32>} : memref<16xf32, #tpu.memory_space<vmem>>, vector<16xf32>,
    %get3A_23 = vector.shape_cast %get3A_22 : vector<16xf32> to vector<16xf32>
    %gt3A_24 = arith.constant 0.000000e+00 : f32
    %gt3A_25 = vector.broadcast %gt3A_24 : f32 to vector<16xf32>
    %gt3A_26 = arith.cmpf ogt, %get3A_23, %gt3A_25 : vector<16xf32>
    %and3A = arith.andi %gt3A_20, %gt3A_26 : vector<16xi1>
    %get3A_27 = arith.constant 0 : index
    %get3A_28 = tpu.vector_load %arg12[%get3A_27] {strides = array<i32>} : memref<16xi32, #tpu.memory_space<vmem>>, vector<16xi32>,
    %get3A_29 = vector.shape_cast %get3A_28 : vector<16xi32> to vector<16xi32>
    %add3A_30 = arith.constant 10000 : i32
    %add3A_31 = vector.broadcast %add3A_30 : i32 to vector<16xi32>
    %add3A_32 = arith.addi %add3A_31, %iota3A : vector<16xi32>
    %select_n3A = arith.select %and3A, %get3A_29, %add3A_32 : vector<16xi1>, vector<16xi32>
    %swap3A = arith.constant 0 : index
    %swap3A_33 = tpu.vector_load %arg15[%swap3A] {strides = array<i32>} : memref<16xi32, #tpu.memory_space<vmem>>, vector<16xi32>,
    %swap3A_34 = vector.shape_cast %swap3A_33 : vector<16xi32> to vector<16xi32>
    %swap3A_35 = vector.shape_cast %select_n3A : vector<16xi32> to vector<16xi32>
    tpu.vector_store %arg15[%swap3A], %swap3A_35 {strides = array<i32>} : memref<16xi32, #tpu.memory_space<vmem>>, vector<16xi32>,
    "tpu.region"() ({
      %run_scoped3A = tpu.sem_alloc : memref<!tpu.dma_semaphore, #tpu.memory_space<semaphore_mem>>
      %dma_start3A_36 = tpu.memref_slice %arg5[%add3A_10] : memref<320000xi32, #tpu.memory_space<hbm>> -> memref<16xi32, #tpu.memory_space<hbm>>
      %dma_start3A_37 = tpu.memref_slice %arg5[%add3A_10] : memref<320000xi32, #tpu.memory_space<hbm>> -> memref<16xi32, #tpu.memory_space<hbm>>
      tpu.enqueue_dma source(%arg15 : memref<16xi32, #tpu.memory_space<vmem>>) target(%dma_start3A_37 : memref<16xi32, #tpu.memory_space<hbm>>) target_semaphore(%run_scoped3A : memref<!tpu.dma_semaphore, #tpu.memory_space<semaphore_mem>>)
      %dma_wait3A_38 = tpu.memref_slice %arg5[%add3A_10] : memref<320000xi32, #tpu.memory_space<hbm>> -> memref<16xi32, #tpu.memory_space<hbm>>
      %dma_wait3A_39 = tpu.memref_slice %arg5[%add3A_10] : memref<320000xi32, #tpu.memory_space<hbm>> -> memref<16xi32, #tpu.memory_space<hbm>>
      tpu.wait_dma2 semaphore(%run_scoped3A : memref<!tpu.dma_semaphore, #tpu.memory_space<semaphore_mem>>) src(%arg15 : memref<16xi32, #tpu.memory_space<vmem>>) dst(%dma_wait3A_39 : memref<16xi32, #tpu.memory_space<hbm>>)
      tpu.yield
    }) : () -> ()
    return
  }
}

#map = affine_map<(d0, d1) -> (0)>
#map1 = affine_map<(d0, d1) -> (0, 0)>
module attributes {stable_mosaic.version = 14 : i64} {
  func.func @body(%arg0: i32, %arg1: i32, %arg2: memref<10240xf32, #tpu.memory_space<hbm>>, %arg3: memref<320000xi32, #tpu.memory_space<hbm>>, %arg4: memref<320000xi32, #tpu.memory_space<hbm>>, %arg5: memref<10240xf32, #tpu.memory_space<hbm>>, %arg6: memref<2x10240xf32, #tpu.memory_space<hbm>>, %arg7: memref<128xi32, #tpu.memory_space<vmem>>, %arg8: memref<128xi32, #tpu.memory_space<vmem>>, %arg9: memref<128xf32, #tpu.memory_space<vmem>>, %arg10: memref<16xi32, #tpu.memory_space<vmem>>, %arg11: memref<16xi32, #tpu.memory_space<vmem>>, %arg12: memref<16xf32, #tpu.memory_space<vmem>>, %arg13: memref<10240xf32, #tpu.memory_space<vmem_shared>>, %arg14: memref<!tpu.dma_semaphore, #tpu.memory_space<semaphore_mem>>) attributes {dimension_semantics = [#tpu.dimension_semantics<core_parallel>, #tpu.dimension_semantics<subcore_parallel>], iteration_bounds = array<i64: 2, 16>, scalar_prefetch = 0 : i64, scratch_operands = 8 : i64, tpu.core_type = #tpu.core_type<sc_vector_subcore>, window_params = [{transform_indices = #map}, {transform_indices = #map}, {transform_indices = #map}, {transform_indices = #map}, {transform_indices = #map1}]} {
    %mul3A = arith.constant 640 : i32
    %mul3A_0 = arith.muli %arg1, %mul3A : i32
    "tpu.region"() ({
      %run_scoped3A = tpu.sem_alloc : memref<!tpu.dma_semaphore, #tpu.memory_space<semaphore_mem>>
      %dma_start3A_16 = tpu.memref_slice %arg13[%mul3A_0] : memref<10240xf32, #tpu.memory_space<vmem_shared>> -> memref<640xf32, #tpu.memory_space<vmem_shared>>
      %dma_start3A_17 = tpu.memref_slice %arg5[%mul3A_0] : memref<10240xf32, #tpu.memory_space<hbm>> -> memref<640xf32, #tpu.memory_space<hbm>>
      tpu.enqueue_dma source(%dma_start3A_17 : memref<640xf32, #tpu.memory_space<hbm>>) target(%dma_start3A_16 : memref<640xf32, #tpu.memory_space<vmem_shared>>) target_semaphore(%run_scoped3A : memref<!tpu.dma_semaphore, #tpu.memory_space<semaphore_mem>>)
      %dma_wait3A_18 = tpu.memref_slice %arg13[%mul3A_0] : memref<10240xf32, #tpu.memory_space<vmem_shared>> -> memref<640xf32, #tpu.memory_space<vmem_shared>>
      %dma_wait3A_19 = tpu.memref_slice %arg5[%mul3A_0] : memref<10240xf32, #tpu.memory_space<hbm>> -> memref<640xf32, #tpu.memory_space<hbm>>
      tpu.wait_dma2 semaphore(%run_scoped3A : memref<!tpu.dma_semaphore, #tpu.memory_space<semaphore_mem>>) src(%dma_wait3A_19 : memref<640xf32, #tpu.memory_space<hbm>>) dst(%dma_wait3A_18 : memref<640xf32, #tpu.memory_space<vmem_shared>>)
      tpu.yield
    }) : () -> ()
    %barrier3A = arith.constant 0 : index
    tpu.barrier barrier_id(%barrier3A)
    %mul3A_1 = arith.constant 16 : i32
    %mul3A_2 = arith.muli %arg0, %mul3A_1 : i32
    %add3A = arith.addi %mul3A_2, %arg1 : i32
    %mul3A_3 = arith.constant 10000 : i32
    %mul3A_4 = arith.muli %add3A, %mul3A_3 : i32
    %scan3A = arith.constant 0 : i32
    %scan3A_5 = arith.constant 0 : i32
    %scan3A_6 = arith.constant 78 : i32
    %scan3A_7 = arith.addi %scan3A_5, %scan3A_6 : i32
    %scan3A_8 = arith.constant 1 : i32
    %scan3A_9 = scf.for %scan3A_16 = %scan3A_5 to %scan3A_7 step %scan3A_8 iter_args(%scan3A_17 = %scan3A) -> (i32)  : i32 {
      %mul3A_18 = arith.constant 128 : i32
      %mul3A_19 = arith.muli %scan3A_16, %mul3A_18 : i32
      %add3A_20 = arith.addi %mul3A_4, %mul3A_19 : i32
      "tpu.region"() ({
        %run_scoped3A = tpu.sem_alloc : memref<!tpu.dma_semaphore, #tpu.memory_space<semaphore_mem>>
        %dma_start3A_26 = tpu.memref_slice %arg3[%add3A_20] : memref<320000xi32, #tpu.memory_space<hbm>> -> memref<128xi32, #tpu.memory_space<hbm>>
        %dma_start3A_27 = tpu.memref_slice %arg3[%add3A_20] : memref<320000xi32, #tpu.memory_space<hbm>> -> memref<128xi32, #tpu.memory_space<hbm>>
        tpu.enqueue_dma source(%dma_start3A_27 : memref<128xi32, #tpu.memory_space<hbm>>) target(%arg7 : memref<128xi32, #tpu.memory_space<vmem>>) target_semaphore(%run_scoped3A : memref<!tpu.dma_semaphore, #tpu.memory_space<semaphore_mem>>)
        %dma_wait3A_28 = tpu.memref_slice %arg3[%add3A_20] : memref<320000xi32, #tpu.memory_space<hbm>> -> memref<128xi32, #tpu.memory_space<hbm>>
        %dma_wait3A_29 = tpu.memref_slice %arg3[%add3A_20] : memref<320000xi32, #tpu.memory_space<hbm>> -> memref<128xi32, #tpu.memory_space<hbm>>
        tpu.wait_dma2 semaphore(%run_scoped3A : memref<!tpu.dma_semaphore, #tpu.memory_space<semaphore_mem>>) src(%dma_wait3A_29 : memref<128xi32, #tpu.memory_space<hbm>>) dst(%arg7 : memref<128xi32, #tpu.memory_space<vmem>>)
        tpu.yield
      }) : () -> ()
      "tpu.region"() ({
        %run_scoped3A = tpu.sem_alloc : memref<!tpu.dma_semaphore, #tpu.memory_space<semaphore_mem>>
        %dma_start3A_26 = tpu.memref_slice %arg4[%add3A_20] : memref<320000xi32, #tpu.memory_space<hbm>> -> memref<128xi32, #tpu.memory_space<hbm>>
        %dma_start3A_27 = tpu.memref_slice %arg4[%add3A_20] : memref<320000xi32, #tpu.memory_space<hbm>> -> memref<128xi32, #tpu.memory_space<hbm>>
        tpu.enqueue_dma source(%dma_start3A_27 : memref<128xi32, #tpu.memory_space<hbm>>) target(%arg8 : memref<128xi32, #tpu.memory_space<vmem>>) target_semaphore(%run_scoped3A : memref<!tpu.dma_semaphore, #tpu.memory_space<semaphore_mem>>)
        %dma_wait3A_28 = tpu.memref_slice %arg4[%add3A_20] : memref<320000xi32, #tpu.memory_space<hbm>> -> memref<128xi32, #tpu.memory_space<hbm>>
        %dma_wait3A_29 = tpu.memref_slice %arg4[%add3A_20] : memref<320000xi32, #tpu.memory_space<hbm>> -> memref<128xi32, #tpu.memory_space<hbm>>
        tpu.wait_dma2 semaphore(%run_scoped3A : memref<!tpu.dma_semaphore, #tpu.memory_space<semaphore_mem>>) src(%dma_wait3A_29 : memref<128xi32, #tpu.memory_space<hbm>>) dst(%arg8 : memref<128xi32, #tpu.memory_space<vmem>>)
        tpu.yield
      }) : () -> ()
      %dma_start3A_21 = arith.constant 0 : i32
      %dma_start3A_22 = tpu.memref_slice %arg2[%dma_start3A_21] : memref<10240xf32, #tpu.memory_space<hbm>> -> memref<10240xf32, #tpu.memory_space<hbm>>
      tpu.enqueue_indirect_dma source(%dma_start3A_22 : memref<10240xf32, #tpu.memory_space<hbm>>) target(%arg9 : memref<128xf32, #tpu.memory_space<vmem>>) offsets(%arg7 : memref<128xi32, #tpu.memory_space<vmem>>) semaphore(%arg14 : memref<!tpu.dma_semaphore, #tpu.memory_space<semaphore_mem>>)
      %dma_wait3A_23 = arith.constant 0 : i32
      %dma_wait3A_24 = tpu.memref_slice %arg2[%dma_wait3A_23] : memref<10240xf32, #tpu.memory_space<hbm>> -> memref<10240xf32, #tpu.memory_space<hbm>>
      tpu.wait_indirect_dma semaphore(%arg14 : memref<!tpu.dma_semaphore, #tpu.memory_space<semaphore_mem>>) src(%dma_wait3A_24 : memref<10240xf32, #tpu.memory_space<hbm>>) dst(%arg9 : memref<128xf32, #tpu.memory_space<vmem>>)
      "tpu.region"() ({
        %run_scoped3A = tpu.sem_alloc : memref<!tpu.dma_semaphore, #tpu.memory_space<semaphore_mem>>
        %dma_start3A_26 = arith.constant 0 : i32
        %dma_start3A_27 = tpu.memref_slice %arg13[%dma_start3A_26] : memref<10240xf32, #tpu.memory_space<vmem_shared>> -> memref<10240xf32, #tpu.memory_space<vmem_shared>>
        tpu.enqueue_indirect_dma source(%arg9 : memref<128xf32, #tpu.memory_space<vmem>>) target(%dma_start3A_27 : memref<10240xf32, #tpu.memory_space<vmem_shared>>) offsets(%arg8 : memref<128xi32, #tpu.memory_space<vmem>>) semaphore(%run_scoped3A : memref<!tpu.dma_semaphore, #tpu.memory_space<semaphore_mem>>) {add = true}
        %dma_wait3A_28 = arith.constant 0 : i32
        %dma_wait3A_29 = tpu.memref_slice %arg13[%dma_wait3A_28] : memref<10240xf32, #tpu.memory_space<vmem_shared>> -> memref<10240xf32, #tpu.memory_space<vmem_shared>>
        tpu.wait_indirect_dma semaphore(%run_scoped3A : memref<!tpu.dma_semaphore, #tpu.memory_space<semaphore_mem>>) src(%arg9 : memref<128xf32, #tpu.memory_space<vmem>>) dst(%dma_wait3A_29 : memref<10240xf32, #tpu.memory_space<vmem_shared>>)
        tpu.yield
      }) : () -> ()
      %scan3A_25 = arith.constant 0 : i32
      scf.yield %scan3A_25 : i32
    }
    %scan3A_10 = arith.constant 78 : i32
    %add3A_11 = arith.constant 9984 : i32
    %add3A_12 = arith.addi %mul3A_4, %add3A_11 : i32
    "tpu.region"() ({
      %run_scoped3A = tpu.sem_alloc : memref<!tpu.dma_semaphore, #tpu.memory_space<semaphore_mem>>
      %dma_start3A_16 = tpu.memref_slice %arg3[%add3A_12] : memref<320000xi32, #tpu.memory_space<hbm>> -> memref<16xi32, #tpu.memory_space<hbm>>
      %dma_start3A_17 = tpu.memref_slice %arg3[%add3A_12] : memref<320000xi32, #tpu.memory_space<hbm>> -> memref<16xi32, #tpu.memory_space<hbm>>
      tpu.enqueue_dma source(%dma_start3A_17 : memref<16xi32, #tpu.memory_space<hbm>>) target(%arg10 : memref<16xi32, #tpu.memory_space<vmem>>) target_semaphore(%run_scoped3A : memref<!tpu.dma_semaphore, #tpu.memory_space<semaphore_mem>>)
      %dma_wait3A_18 = tpu.memref_slice %arg3[%add3A_12] : memref<320000xi32, #tpu.memory_space<hbm>> -> memref<16xi32, #tpu.memory_space<hbm>>
      %dma_wait3A_19 = tpu.memref_slice %arg3[%add3A_12] : memref<320000xi32, #tpu.memory_space<hbm>> -> memref<16xi32, #tpu.memory_space<hbm>>
      tpu.wait_dma2 semaphore(%run_scoped3A : memref<!tpu.dma_semaphore, #tpu.memory_space<semaphore_mem>>) src(%dma_wait3A_19 : memref<16xi32, #tpu.memory_space<hbm>>) dst(%arg10 : memref<16xi32, #tpu.memory_space<vmem>>)
      tpu.yield
    }) : () -> ()
    "tpu.region"() ({
      %run_scoped3A = tpu.sem_alloc : memref<!tpu.dma_semaphore, #tpu.memory_space<semaphore_mem>>
      %dma_start3A_16 = tpu.memref_slice %arg4[%add3A_12] : memref<320000xi32, #tpu.memory_space<hbm>> -> memref<16xi32, #tpu.memory_space<hbm>>
      %dma_start3A_17 = tpu.memref_slice %arg4[%add3A_12] : memref<320000xi32, #tpu.memory_space<hbm>> -> memref<16xi32, #tpu.memory_space<hbm>>
      tpu.enqueue_dma source(%dma_start3A_17 : memref<16xi32, #tpu.memory_space<hbm>>) target(%arg11 : memref<16xi32, #tpu.memory_space<vmem>>) target_semaphore(%run_scoped3A : memref<!tpu.dma_semaphore, #tpu.memory_space<semaphore_mem>>)
      %dma_wait3A_18 = tpu.memref_slice %arg4[%add3A_12] : memref<320000xi32, #tpu.memory_space<hbm>> -> memref<16xi32, #tpu.memory_space<hbm>>
      %dma_wait3A_19 = tpu.memref_slice %arg4[%add3A_12] : memref<320000xi32, #tpu.memory_space<hbm>> -> memref<16xi32, #tpu.memory_space<hbm>>
      tpu.wait_dma2 semaphore(%run_scoped3A : memref<!tpu.dma_semaphore, #tpu.memory_space<semaphore_mem>>) src(%dma_wait3A_19 : memref<16xi32, #tpu.memory_space<hbm>>) dst(%arg11 : memref<16xi32, #tpu.memory_space<vmem>>)
      tpu.yield
    }) : () -> ()
    %dma_start3A = arith.constant 0 : i32
    %dma_start3A_13 = tpu.memref_slice %arg2[%dma_start3A] : memref<10240xf32, #tpu.memory_space<hbm>> -> memref<10240xf32, #tpu.memory_space<hbm>>
    tpu.enqueue_indirect_dma source(%dma_start3A_13 : memref<10240xf32, #tpu.memory_space<hbm>>) target(%arg12 : memref<16xf32, #tpu.memory_space<vmem>>) offsets(%arg10 : memref<16xi32, #tpu.memory_space<vmem>>) semaphore(%arg14 : memref<!tpu.dma_semaphore, #tpu.memory_space<semaphore_mem>>)
    %dma_wait3A = arith.constant 0 : i32
    %dma_wait3A_14 = tpu.memref_slice %arg2[%dma_wait3A] : memref<10240xf32, #tpu.memory_space<hbm>> -> memref<10240xf32, #tpu.memory_space<hbm>>
    tpu.wait_indirect_dma semaphore(%arg14 : memref<!tpu.dma_semaphore, #tpu.memory_space<semaphore_mem>>) src(%dma_wait3A_14 : memref<10240xf32, #tpu.memory_space<hbm>>) dst(%arg12 : memref<16xf32, #tpu.memory_space<vmem>>)
    "tpu.region"() ({
      %run_scoped3A = tpu.sem_alloc : memref<!tpu.dma_semaphore, #tpu.memory_space<semaphore_mem>>
      %dma_start3A_16 = arith.constant 0 : i32
      %dma_start3A_17 = tpu.memref_slice %arg13[%dma_start3A_16] : memref<10240xf32, #tpu.memory_space<vmem_shared>> -> memref<10240xf32, #tpu.memory_space<vmem_shared>>
      tpu.enqueue_indirect_dma source(%arg12 : memref<16xf32, #tpu.memory_space<vmem>>) target(%dma_start3A_17 : memref<10240xf32, #tpu.memory_space<vmem_shared>>) offsets(%arg11 : memref<16xi32, #tpu.memory_space<vmem>>) semaphore(%run_scoped3A : memref<!tpu.dma_semaphore, #tpu.memory_space<semaphore_mem>>) {add = true}
      %dma_wait3A_18 = arith.constant 0 : i32
      %dma_wait3A_19 = tpu.memref_slice %arg13[%dma_wait3A_18] : memref<10240xf32, #tpu.memory_space<vmem_shared>> -> memref<10240xf32, #tpu.memory_space<vmem_shared>>
      tpu.wait_indirect_dma semaphore(%run_scoped3A : memref<!tpu.dma_semaphore, #tpu.memory_space<semaphore_mem>>) src(%arg12 : memref<16xf32, #tpu.memory_space<vmem>>) dst(%dma_wait3A_19 : memref<10240xf32, #tpu.memory_space<vmem_shared>>)
      tpu.yield
    }) : () -> ()
    %barrier3A_15 = arith.constant 0 : index
    tpu.barrier barrier_id(%barrier3A_15)
    "tpu.region"() ({
      %run_scoped3A = tpu.sem_alloc : memref<!tpu.dma_semaphore, #tpu.memory_space<semaphore_mem>>
      %dma_start3A_16 = tpu.memref_slice %arg6[%arg0, %mul3A_0] : memref<2x10240xf32, #tpu.memory_space<hbm>> -> memref<1x640xf32, #tpu.memory_space<hbm>>
      %dma_start3A_17 = tpu.memref_squeeze %dma_start3A_16 : memref<1x640xf32, #tpu.memory_space<hbm>> -> memref<640xf32, #tpu.memory_space<hbm>>
      %dma_start3A_18 = tpu.memref_slice %arg13[%mul3A_0] : memref<10240xf32, #tpu.memory_space<vmem_shared>> -> memref<640xf32, #tpu.memory_space<vmem_shared>>
      tpu.enqueue_dma source(%dma_start3A_18 : memref<640xf32, #tpu.memory_space<vmem_shared>>) target(%dma_start3A_17 : memref<640xf32, #tpu.memory_space<hbm>>) target_semaphore(%run_scoped3A : memref<!tpu.dma_semaphore, #tpu.memory_space<semaphore_mem>>)
      %dma_wait3A_19 = tpu.memref_slice %arg6[%arg0, %mul3A_0] : memref<2x10240xf32, #tpu.memory_space<hbm>> -> memref<1x640xf32, #tpu.memory_space<hbm>>
      %dma_wait3A_20 = tpu.memref_squeeze %dma_wait3A_19 : memref<1x640xf32, #tpu.memory_space<hbm>> -> memref<640xf32, #tpu.memory_space<hbm>>
      %dma_wait3A_21 = tpu.memref_slice %arg13[%mul3A_0] : memref<10240xf32, #tpu.memory_space<vmem_shared>> -> memref<640xf32, #tpu.memory_space<vmem_shared>>
      tpu.wait_dma2 semaphore(%run_scoped3A : memref<!tpu.dma_semaphore, #tpu.memory_space<semaphore_mem>>) src(%dma_wait3A_21 : memref<640xf32, #tpu.memory_space<vmem_shared>>) dst(%dma_wait3A_20 : memref<640xf32, #tpu.memory_space<hbm>>)
      tpu.yield
    }) : () -> ()
    return
  }
}

#map = affine_map<(d0, d1) -> (0, 0)>
#map1 = affine_map<(d0, d1) -> (0)>
#map2 = affine_map<(d0, d1) -> (0, 0, 0)>
module attributes {stable_mosaic.version = 14 : i64} {
  func.func @body(%arg0: i32, %arg1: i32, %arg2: memref<10240x128xf32, #tpu.memory_space<hbm>>, %arg3: memref<320000xi32, #tpu.memory_space<hbm>>, %arg4: memref<320000xi32, #tpu.memory_space<hbm>>, %arg5: memref<10240x128xf32, #tpu.memory_space<hbm>>, %arg6: memref<10240xf32, #tpu.memory_space<hbm>>, %arg7: memref<128xf32, #tpu.memory_space<hbm>>, %arg8: memref<2x10240x128xf32, #tpu.memory_space<hbm>>, %arg9: memref<2x10240xf32, #tpu.memory_space<hbm>>, %arg10: memref<128xi32, #tpu.memory_space<vmem>>, %arg11: memref<128xi32, #tpu.memory_space<vmem>>, %arg12: memref<128x128xf32, #tpu.memory_space<vmem>>, %arg13: memref<16xi32, #tpu.memory_space<vmem>>, %arg14: memref<16xi32, #tpu.memory_space<vmem>>, %arg15: memref<16x128xf32, #tpu.memory_space<vmem>>, %arg16: memref<128xf32, #tpu.memory_space<vmem>>, %arg17: memref<16xf32, #tpu.memory_space<vmem>>, %arg18: memref<10240x128xf32, #tpu.memory_space<vmem_shared>>, %arg19: memref<10240xf32, #tpu.memory_space<vmem_shared>>, %arg20: memref<!tpu.dma_semaphore, #tpu.memory_space<semaphore_mem>>) attributes {dimension_semantics = [#tpu.dimension_semantics<core_parallel>, #tpu.dimension_semantics<subcore_parallel>], iteration_bounds = array<i64: 2, 16>, scalar_prefetch = 0 : i64, scratch_operands = 11 : i64, tpu.core_type = #tpu.core_type<sc_vector_subcore>, window_params = [{transform_indices = #map}, {transform_indices = #map1}, {transform_indices = #map1}, {transform_indices = #map}, {transform_indices = #map1}, {transform_indices = #map1}, {transform_indices = #map2}, {transform_indices = #map}]} {
    %mul3A = arith.constant 640 : i32
    %mul3A_0 = arith.muli %arg1, %mul3A : i32
    "tpu.region"() ({
      %run_scoped3A = tpu.sem_alloc : memref<!tpu.dma_semaphore, #tpu.memory_space<semaphore_mem>>
      %dma_start3A_38 = arith.constant 0 : i32
      %dma_start3A_39 = tpu.memref_slice %arg18[%mul3A_0, %dma_start3A_38] : memref<10240x128xf32, #tpu.memory_space<vmem_shared>> -> memref<640x128xf32, #tpu.memory_space<vmem_shared>>
      %dma_start3A_40 = arith.constant 0 : i32
      %dma_start3A_41 = tpu.memref_slice %arg5[%mul3A_0, %dma_start3A_40] : memref<10240x128xf32, #tpu.memory_space<hbm>> -> memref<640x128xf32, #tpu.memory_space<hbm>>
      tpu.enqueue_dma source(%dma_start3A_41 : memref<640x128xf32, #tpu.memory_space<hbm>>) target(%dma_start3A_39 : memref<640x128xf32, #tpu.memory_space<vmem_shared>>) target_semaphore(%run_scoped3A : memref<!tpu.dma_semaphore, #tpu.memory_space<semaphore_mem>>)
      %dma_wait3A_42 = arith.constant 0 : i32
      %dma_wait3A_43 = tpu.memref_slice %arg18[%mul3A_0, %dma_wait3A_42] : memref<10240x128xf32, #tpu.memory_space<vmem_shared>> -> memref<640x128xf32, #tpu.memory_space<vmem_shared>>
      %dma_wait3A_44 = arith.constant 0 : i32
      %dma_wait3A_45 = tpu.memref_slice %arg5[%mul3A_0, %dma_wait3A_44] : memref<10240x128xf32, #tpu.memory_space<hbm>> -> memref<640x128xf32, #tpu.memory_space<hbm>>
      tpu.wait_dma2 semaphore(%run_scoped3A : memref<!tpu.dma_semaphore, #tpu.memory_space<semaphore_mem>>) src(%dma_wait3A_45 : memref<640x128xf32, #tpu.memory_space<hbm>>) dst(%dma_wait3A_43 : memref<640x128xf32, #tpu.memory_space<vmem_shared>>)
      tpu.yield
    }) : () -> ()
    "tpu.region"() ({
      %run_scoped3A = tpu.sem_alloc : memref<!tpu.dma_semaphore, #tpu.memory_space<semaphore_mem>>
      %dma_start3A_38 = tpu.memref_slice %arg19[%mul3A_0] : memref<10240xf32, #tpu.memory_space<vmem_shared>> -> memref<640xf32, #tpu.memory_space<vmem_shared>>
      %dma_start3A_39 = tpu.memref_slice %arg6[%mul3A_0] : memref<10240xf32, #tpu.memory_space<hbm>> -> memref<640xf32, #tpu.memory_space<hbm>>
      tpu.enqueue_dma source(%dma_start3A_39 : memref<640xf32, #tpu.memory_space<hbm>>) target(%dma_start3A_38 : memref<640xf32, #tpu.memory_space<vmem_shared>>) target_semaphore(%run_scoped3A : memref<!tpu.dma_semaphore, #tpu.memory_space<semaphore_mem>>)
      %dma_wait3A_40 = tpu.memref_slice %arg19[%mul3A_0] : memref<10240xf32, #tpu.memory_space<vmem_shared>> -> memref<640xf32, #tpu.memory_space<vmem_shared>>
      %dma_wait3A_41 = tpu.memref_slice %arg6[%mul3A_0] : memref<10240xf32, #tpu.memory_space<hbm>> -> memref<640xf32, #tpu.memory_space<hbm>>
      tpu.wait_dma2 semaphore(%run_scoped3A : memref<!tpu.dma_semaphore, #tpu.memory_space<semaphore_mem>>) src(%dma_wait3A_41 : memref<640xf32, #tpu.memory_space<hbm>>) dst(%dma_wait3A_40 : memref<640xf32, #tpu.memory_space<vmem_shared>>)
      tpu.yield
    }) : () -> ()
    "tpu.region"() ({
      %run_scoped3A = tpu.sem_alloc : memref<!tpu.dma_semaphore, #tpu.memory_space<semaphore_mem>>
      tpu.enqueue_dma source(%arg7 : memref<128xf32, #tpu.memory_space<hbm>>) target(%arg16 : memref<128xf32, #tpu.memory_space<vmem>>) target_semaphore(%run_scoped3A : memref<!tpu.dma_semaphore, #tpu.memory_space<semaphore_mem>>)
      tpu.wait_dma2 semaphore(%run_scoped3A : memref<!tpu.dma_semaphore, #tpu.memory_space<semaphore_mem>>) src(%arg7 : memref<128xf32, #tpu.memory_space<hbm>>) dst(%arg16 : memref<128xf32, #tpu.memory_space<vmem>>)
      tpu.yield
    }) : () -> ()
    "tpu.region"() ({
      %run_scoped3A = tpu.sem_alloc : memref<!tpu.dma_semaphore, #tpu.memory_space<semaphore_mem>>
      %dma_start3A_38 = arith.constant 0 : i32
      %dma_start3A_39 = tpu.memref_slice %arg7[%dma_start3A_38] : memref<128xf32, #tpu.memory_space<hbm>> -> memref<16xf32, #tpu.memory_space<hbm>>
      %dma_start3A_40 = arith.constant 0 : i32
      %dma_start3A_41 = tpu.memref_slice %arg7[%dma_start3A_40] : memref<128xf32, #tpu.memory_space<hbm>> -> memref<16xf32, #tpu.memory_space<hbm>>
      tpu.enqueue_dma source(%dma_start3A_41 : memref<16xf32, #tpu.memory_space<hbm>>) target(%arg17 : memref<16xf32, #tpu.memory_space<vmem>>) target_semaphore(%run_scoped3A : memref<!tpu.dma_semaphore, #tpu.memory_space<semaphore_mem>>)
      %dma_wait3A_42 = arith.constant 0 : i32
      %dma_wait3A_43 = tpu.memref_slice %arg7[%dma_wait3A_42] : memref<128xf32, #tpu.memory_space<hbm>> -> memref<16xf32, #tpu.memory_space<hbm>>
      %dma_wait3A_44 = arith.constant 0 : i32
      %dma_wait3A_45 = tpu.memref_slice %arg7[%dma_wait3A_44] : memref<128xf32, #tpu.memory_space<hbm>> -> memref<16xf32, #tpu.memory_space<hbm>>
      tpu.wait_dma2 semaphore(%run_scoped3A : memref<!tpu.dma_semaphore, #tpu.memory_space<semaphore_mem>>) src(%dma_wait3A_45 : memref<16xf32, #tpu.memory_space<hbm>>) dst(%arg17 : memref<16xf32, #tpu.memory_space<vmem>>)
      tpu.yield
    }) : () -> ()
    %barrier3A = arith.constant 0 : index
    tpu.barrier barrier_id(%barrier3A)
    %mul3A_1 = arith.constant 16 : i32
    %mul3A_2 = arith.muli %arg0, %mul3A_1 : i32
    %add3A = arith.addi %mul3A_2, %arg1 : i32
    %mul3A_3 = arith.constant 10000 : i32
    %mul3A_4 = arith.muli %add3A, %mul3A_3 : i32
    %scan3A = arith.constant 0 : i32
    %scan3A_5 = arith.constant 0 : i32
    %scan3A_6 = arith.constant 78 : i32
    %scan3A_7 = arith.addi %scan3A_5, %scan3A_6 : i32
    %scan3A_8 = arith.constant 1 : i32
    %scan3A_9 = scf.for %scan3A_38 = %scan3A_5 to %scan3A_7 step %scan3A_8 iter_args(%scan3A_39 = %scan3A) -> (i32)  : i32 {
      %mul3A_40 = arith.constant 128 : i32
      %mul3A_41 = arith.muli %scan3A_38, %mul3A_40 : i32
      %add3A_42 = arith.addi %mul3A_4, %mul3A_41 : i32
      "tpu.region"() ({
        %run_scoped3A = tpu.sem_alloc : memref<!tpu.dma_semaphore, #tpu.memory_space<semaphore_mem>>
        %dma_start3A_50 = tpu.memref_slice %arg3[%add3A_42] : memref<320000xi32, #tpu.memory_space<hbm>> -> memref<128xi32, #tpu.memory_space<hbm>>
        %dma_start3A_51 = tpu.memref_slice %arg3[%add3A_42] : memref<320000xi32, #tpu.memory_space<hbm>> -> memref<128xi32, #tpu.memory_space<hbm>>
        tpu.enqueue_dma source(%dma_start3A_51 : memref<128xi32, #tpu.memory_space<hbm>>) target(%arg10 : memref<128xi32, #tpu.memory_space<vmem>>) target_semaphore(%run_scoped3A : memref<!tpu.dma_semaphore, #tpu.memory_space<semaphore_mem>>)
        %dma_wait3A_52 = tpu.memref_slice %arg3[%add3A_42] : memref<320000xi32, #tpu.memory_space<hbm>> -> memref<128xi32, #tpu.memory_space<hbm>>
        %dma_wait3A_53 = tpu.memref_slice %arg3[%add3A_42] : memref<320000xi32, #tpu.memory_space<hbm>> -> memref<128xi32, #tpu.memory_space<hbm>>
        tpu.wait_dma2 semaphore(%run_scoped3A : memref<!tpu.dma_semaphore, #tpu.memory_space<semaphore_mem>>) src(%dma_wait3A_53 : memref<128xi32, #tpu.memory_space<hbm>>) dst(%arg10 : memref<128xi32, #tpu.memory_space<vmem>>)
        tpu.yield
      }) : () -> ()
      "tpu.region"() ({
        %run_scoped3A = tpu.sem_alloc : memref<!tpu.dma_semaphore, #tpu.memory_space<semaphore_mem>>
        %dma_start3A_50 = tpu.memref_slice %arg4[%add3A_42] : memref<320000xi32, #tpu.memory_space<hbm>> -> memref<128xi32, #tpu.memory_space<hbm>>
        %dma_start3A_51 = tpu.memref_slice %arg4[%add3A_42] : memref<320000xi32, #tpu.memory_space<hbm>> -> memref<128xi32, #tpu.memory_space<hbm>>
        tpu.enqueue_dma source(%dma_start3A_51 : memref<128xi32, #tpu.memory_space<hbm>>) target(%arg11 : memref<128xi32, #tpu.memory_space<vmem>>) target_semaphore(%run_scoped3A : memref<!tpu.dma_semaphore, #tpu.memory_space<semaphore_mem>>)
        %dma_wait3A_52 = tpu.memref_slice %arg4[%add3A_42] : memref<320000xi32, #tpu.memory_space<hbm>> -> memref<128xi32, #tpu.memory_space<hbm>>
        %dma_wait3A_53 = tpu.memref_slice %arg4[%add3A_42] : memref<320000xi32, #tpu.memory_space<hbm>> -> memref<128xi32, #tpu.memory_space<hbm>>
        tpu.wait_dma2 semaphore(%run_scoped3A : memref<!tpu.dma_semaphore, #tpu.memory_space<semaphore_mem>>) src(%dma_wait3A_53 : memref<128xi32, #tpu.memory_space<hbm>>) dst(%arg11 : memref<128xi32, #tpu.memory_space<vmem>>)
        tpu.yield
      }) : () -> ()
      %dma_start3A_43 = arith.constant 0 : i32
      %dma_start3A_44 = arith.constant 0 : i32
      %dma_start3A_45 = tpu.memref_slice %arg2[%dma_start3A_43, %dma_start3A_44] : memref<10240x128xf32, #tpu.memory_space<hbm>> -> memref<10240x128xf32, #tpu.memory_space<hbm>>
      tpu.enqueue_indirect_dma source(%dma_start3A_45 : memref<10240x128xf32, #tpu.memory_space<hbm>>) target(%arg12 : memref<128x128xf32, #tpu.memory_space<vmem>>) offsets(%arg10 : memref<128xi32, #tpu.memory_space<vmem>>) semaphore(%arg20 : memref<!tpu.dma_semaphore, #tpu.memory_space<semaphore_mem>>)
      %dma_wait3A_46 = arith.constant 0 : i32
      %dma_wait3A_47 = arith.constant 0 : i32
      %dma_wait3A_48 = tpu.memref_slice %arg2[%dma_wait3A_46, %dma_wait3A_47] : memref<10240x128xf32, #tpu.memory_space<hbm>> -> memref<10240x128xf32, #tpu.memory_space<hbm>>
      tpu.wait_indirect_dma semaphore(%arg20 : memref<!tpu.dma_semaphore, #tpu.memory_space<semaphore_mem>>) src(%dma_wait3A_48 : memref<10240x128xf32, #tpu.memory_space<hbm>>) dst(%arg12 : memref<128x128xf32, #tpu.memory_space<vmem>>)
      "tpu.region"() ({
        %run_scoped3A = tpu.sem_alloc : memref<!tpu.dma_semaphore, #tpu.memory_space<semaphore_mem>>
        %dma_start3A_50 = arith.constant 0 : i32
        %dma_start3A_51 = arith.constant 0 : i32
        %dma_start3A_52 = tpu.memref_slice %arg18[%dma_start3A_50, %dma_start3A_51] : memref<10240x128xf32, #tpu.memory_space<vmem_shared>> -> memref<10240x128xf32, #tpu.memory_space<vmem_shared>>
        tpu.enqueue_indirect_dma source(%arg12 : memref<128x128xf32, #tpu.memory_space<vmem>>) target(%dma_start3A_52 : memref<10240x128xf32, #tpu.memory_space<vmem_shared>>) offsets(%arg11 : memref<128xi32, #tpu.memory_space<vmem>>) semaphore(%run_scoped3A : memref<!tpu.dma_semaphore, #tpu.memory_space<semaphore_mem>>) {add = true}
        %dma_wait3A_53 = arith.constant 0 : i32
        %dma_wait3A_54 = arith.constant 0 : i32
        %dma_wait3A_55 = tpu.memref_slice %arg18[%dma_wait3A_53, %dma_wait3A_54] : memref<10240x128xf32, #tpu.memory_space<vmem_shared>> -> memref<10240x128xf32, #tpu.memory_space<vmem_shared>>
        tpu.wait_indirect_dma semaphore(%run_scoped3A : memref<!tpu.dma_semaphore, #tpu.memory_space<semaphore_mem>>) src(%arg12 : memref<128x128xf32, #tpu.memory_space<vmem>>) dst(%dma_wait3A_55 : memref<10240x128xf32, #tpu.memory_space<vmem_shared>>)
        tpu.yield
      }) : () -> ()
      "tpu.region"() ({
        %run_scoped3A = tpu.sem_alloc : memref<!tpu.dma_semaphore, #tpu.memory_space<semaphore_mem>>
        %dma_start3A_50 = arith.constant 0 : i32
        %dma_start3A_51 = tpu.memref_slice %arg19[%dma_start3A_50] : memref<10240xf32, #tpu.memory_space<vmem_shared>> -> memref<10240xf32, #tpu.memory_space<vmem_shared>>
        tpu.enqueue_indirect_dma source(%arg16 : memref<128xf32, #tpu.memory_space<vmem>>) target(%dma_start3A_51 : memref<10240xf32, #tpu.memory_space<vmem_shared>>) offsets(%arg11 : memref<128xi32, #tpu.memory_space<vmem>>) semaphore(%run_scoped3A : memref<!tpu.dma_semaphore, #tpu.memory_space<semaphore_mem>>) {add = true}
        %dma_wait3A_52 = arith.constant 0 : i32
        %dma_wait3A_53 = tpu.memref_slice %arg19[%dma_wait3A_52] : memref<10240xf32, #tpu.memory_space<vmem_shared>> -> memref<10240xf32, #tpu.memory_space<vmem_shared>>
        tpu.wait_indirect_dma semaphore(%run_scoped3A : memref<!tpu.dma_semaphore, #tpu.memory_space<semaphore_mem>>) src(%arg16 : memref<128xf32, #tpu.memory_space<vmem>>) dst(%dma_wait3A_53 : memref<10240xf32, #tpu.memory_space<vmem_shared>>)
        tpu.yield
      }) : () -> ()
      %scan3A_49 = arith.constant 0 : i32
      scf.yield %scan3A_49 : i32
    }
    %scan3A_10 = arith.constant 78 : i32
    %add3A_11 = arith.constant 9984 : i32
    %add3A_12 = arith.addi %mul3A_4, %add3A_11 : i32
    "tpu.region"() ({
      %run_scoped3A = tpu.sem_alloc : memref<!tpu.dma_semaphore, #tpu.memory_space<semaphore_mem>>
      %dma_start3A_38 = tpu.memref_slice %arg3[%add3A_12] : memref<320000xi32, #tpu.memory_space<hbm>> -> memref<16xi32, #tpu.memory_space<hbm>>
      %dma_start3A_39 = tpu.memref_slice %arg3[%add3A_12] : memref<320000xi32, #tpu.memory_space<hbm>> -> memref<16xi32, #tpu.memory_space<hbm>>
      tpu.enqueue_dma source(%dma_start3A_39 : memref<16xi32, #tpu.memory_space<hbm>>) target(%arg13 : memref<16xi32, #tpu.memory_space<vmem>>) target_semaphore(%run_scoped3A : memref<!tpu.dma_semaphore, #tpu.memory_space<semaphore_mem>>)
      %dma_wait3A_40 = tpu.memref_slice %arg3[%add3A_12] : memref<320000xi32, #tpu.memory_space<hbm>> -> memref<16xi32, #tpu.memory_space<hbm>>
      %dma_wait3A_41 = tpu.memref_slice %arg3[%add3A_12] : memref<320000xi32, #tpu.memory_space<hbm>> -> memref<16xi32, #tpu.memory_space<hbm>>
      tpu.wait_dma2 semaphore(%run_scoped3A : memref<!tpu.dma_semaphore, #tpu.memory_space<semaphore_mem>>) src(%dma_wait3A_41 : memref<16xi32, #tpu.memory_space<hbm>>) dst(%arg13 : memref<16xi32, #tpu.memory_space<vmem>>)
      tpu.yield
    }) : () -> ()
    "tpu.region"() ({
      %run_scoped3A = tpu.sem_alloc : memref<!tpu.dma_semaphore, #tpu.memory_space<semaphore_mem>>
      %dma_start3A_38 = tpu.memref_slice %arg4[%add3A_12] : memref<320000xi32, #tpu.memory_space<hbm>> -> memref<16xi32, #tpu.memory_space<hbm>>
      %dma_start3A_39 = tpu.memref_slice %arg4[%add3A_12] : memref<320000xi32, #tpu.memory_space<hbm>> -> memref<16xi32, #tpu.memory_space<hbm>>
      tpu.enqueue_dma source(%dma_start3A_39 : memref<16xi32, #tpu.memory_space<hbm>>) target(%arg14 : memref<16xi32, #tpu.memory_space<vmem>>) target_semaphore(%run_scoped3A : memref<!tpu.dma_semaphore, #tpu.memory_space<semaphore_mem>>)
      %dma_wait3A_40 = tpu.memref_slice %arg4[%add3A_12] : memref<320000xi32, #tpu.memory_space<hbm>> -> memref<16xi32, #tpu.memory_space<hbm>>
      %dma_wait3A_41 = tpu.memref_slice %arg4[%add3A_12] : memref<320000xi32, #tpu.memory_space<hbm>> -> memref<16xi32, #tpu.memory_space<hbm>>
      tpu.wait_dma2 semaphore(%run_scoped3A : memref<!tpu.dma_semaphore, #tpu.memory_space<semaphore_mem>>) src(%dma_wait3A_41 : memref<16xi32, #tpu.memory_space<hbm>>) dst(%arg14 : memref<16xi32, #tpu.memory_space<vmem>>)
      tpu.yield
    }) : () -> ()
    %dma_start3A = arith.constant 0 : i32
    %dma_start3A_13 = arith.constant 0 : i32
    %dma_start3A_14 = tpu.memref_slice %arg2[%dma_start3A, %dma_start3A_13] : memref<10240x128xf32, #tpu.memory_space<hbm>> -> memref<10240x128xf32, #tpu.memory_space<hbm>>
    tpu.enqueue_indirect_dma source(%dma_start3A_14 : memref<10240x128xf32, #tpu.memory_space<hbm>>) target(%arg15 : memref<16x128xf32, #tpu.memory_space<vmem>>) offsets(%arg13 : memref<16xi32, #tpu.memory_space<vmem>>) semaphore(%arg20 : memref<!tpu.dma_semaphore, #tpu.memory_space<semaphore_mem>>)
    %dma_wait3A = arith.constant 0 : i32
    %dma_wait3A_15 = arith.constant 0 : i32
    %dma_wait3A_16 = tpu.memref_slice %arg2[%dma_wait3A, %dma_wait3A_15] : memref<10240x128xf32, #tpu.memory_space<hbm>> -> memref<10240x128xf32, #tpu.memory_space<hbm>>
    tpu.wait_indirect_dma semaphore(%arg20 : memref<!tpu.dma_semaphore, #tpu.memory_space<semaphore_mem>>) src(%dma_wait3A_16 : memref<10240x128xf32, #tpu.memory_space<hbm>>) dst(%arg15 : memref<16x128xf32, #tpu.memory_space<vmem>>)
    "tpu.region"() ({
      %run_scoped3A = tpu.sem_alloc : memref<!tpu.dma_semaphore, #tpu.memory_space<semaphore_mem>>
      %dma_start3A_38 = arith.constant 0 : i32
      %dma_start3A_39 = arith.constant 0 : i32
      %dma_start3A_40 = tpu.memref_slice %arg18[%dma_start3A_38, %dma_start3A_39] : memref<10240x128xf32, #tpu.memory_space<vmem_shared>> -> memref<10240x128xf32, #tpu.memory_space<vmem_shared>>
      tpu.enqueue_indirect_dma source(%arg15 : memref<16x128xf32, #tpu.memory_space<vmem>>) target(%dma_start3A_40 : memref<10240x128xf32, #tpu.memory_space<vmem_shared>>) offsets(%arg14 : memref<16xi32, #tpu.memory_space<vmem>>) semaphore(%run_scoped3A : memref<!tpu.dma_semaphore, #tpu.memory_space<semaphore_mem>>) {add = true}
      %dma_wait3A_41 = arith.constant 0 : i32
      %dma_wait3A_42 = arith.constant 0 : i32
      %dma_wait3A_43 = tpu.memref_slice %arg18[%dma_wait3A_41, %dma_wait3A_42] : memref<10240x128xf32, #tpu.memory_space<vmem_shared>> -> memref<10240x128xf32, #tpu.memory_space<vmem_shared>>
      tpu.wait_indirect_dma semaphore(%run_scoped3A : memref<!tpu.dma_semaphore, #tpu.memory_space<semaphore_mem>>) src(%arg15 : memref<16x128xf32, #tpu.memory_space<vmem>>) dst(%dma_wait3A_43 : memref<10240x128xf32, #tpu.memory_space<vmem_shared>>)
      tpu.yield
    }) : () -> ()
    "tpu.region"() ({
      %run_scoped3A = tpu.sem_alloc : memref<!tpu.dma_semaphore, #tpu.memory_space<semaphore_mem>>
      %dma_start3A_38 = arith.constant 0 : i32
      %dma_start3A_39 = tpu.memref_slice %arg19[%dma_start3A_38] : memref<10240xf32, #tpu.memory_space<vmem_shared>> -> memref<10240xf32, #tpu.memory_space<vmem_shared>>
      tpu.enqueue_indirect_dma source(%arg17 : memref<16xf32, #tpu.memory_space<vmem>>) target(%dma_start3A_39 : memref<10240xf32, #tpu.memory_space<vmem_shared>>) offsets(%arg14 : memref<16xi32, #tpu.memory_space<vmem>>) semaphore(%run_scoped3A : memref<!tpu.dma_semaphore, #tpu.memory_space<semaphore_mem>>) {add = true}
      %dma_wait3A_40 = arith.constant 0 : i32
      %dma_wait3A_41 = tpu.memref_slice %arg19[%dma_wait3A_40] : memref<10240xf32, #tpu.memory_space<vmem_shared>> -> memref<10240xf32, #tpu.memory_space<vmem_shared>>
      tpu.wait_indirect_dma semaphore(%run_scoped3A : memref<!tpu.dma_semaphore, #tpu.memory_space<semaphore_mem>>) src(%arg17 : memref<16xf32, #tpu.memory_space<vmem>>) dst(%dma_wait3A_41 : memref<10240xf32, #tpu.memory_space<vmem_shared>>)
      tpu.yield
    }) : () -> ()
    %barrier3A_17 = arith.constant 0 : index
    tpu.barrier barrier_id(%barrier3A_17)
    %add3A_18 = arith.constant 0 : i32
    %add3A_19 = arith.addi %mul3A_0, %add3A_18 : i32
    %add3A_20 = arith.constant 0 : i32
    %add3A_21 = arith.addi %mul3A_0, %add3A_20 : i32
    "tpu.region"() ({
      %run_scoped3A = tpu.sem_alloc : memref<!tpu.dma_semaphore, #tpu.memory_space<semaphore_mem>>
      %dma_start3A_38 = arith.constant 0 : i32
      %dma_start3A_39 = tpu.memref_slice %arg8[%arg0, %add3A_21, %dma_start3A_38] : memref<2x10240x128xf32, #tpu.memory_space<hbm>> -> memref<1x128x128xf32, #tpu.memory_space<hbm>>
      %dma_start3A_40 = tpu.memref_squeeze %dma_start3A_39 : memref<1x128x128xf32, #tpu.memory_space<hbm>> -> memref<128x128xf32, #tpu.memory_space<hbm>>
      %dma_start3A_41 = arith.constant 0 : i32
      %dma_start3A_42 = tpu.memref_slice %arg18[%add3A_19, %dma_start3A_41] : memref<10240x128xf32, #tpu.memory_space<vmem_shared>> -> memref<128x128xf32, #tpu.memory_space<vmem_shared>>
      tpu.enqueue_dma source(%dma_start3A_42 : memref<128x128xf32, #tpu.memory_space<vmem_shared>>) target(%dma_start3A_40 : memref<128x128xf32, #tpu.memory_space<hbm>>) target_semaphore(%run_scoped3A : memref<!tpu.dma_semaphore, #tpu.memory_space<semaphore_mem>>)
      %dma_wait3A_43 = arith.constant 0 : i32
      %dma_wait3A_44 = tpu.memref_slice %arg8[%arg0, %add3A_21, %dma_wait3A_43] : memref<2x10240x128xf32, #tpu.memory_space<hbm>> -> memref<1x128x128xf32, #tpu.memory_space<hbm>>
      %dma_wait3A_45 = tpu.memref_squeeze %dma_wait3A_44 : memref<1x128x128xf32, #tpu.memory_space<hbm>> -> memref<128x128xf32, #tpu.memory_space<hbm>>
      %dma_wait3A_46 = arith.constant 0 : i32
      %dma_wait3A_47 = tpu.memref_slice %arg18[%add3A_19, %dma_wait3A_46] : memref<10240x128xf32, #tpu.memory_space<vmem_shared>> -> memref<128x128xf32, #tpu.memory_space<vmem_shared>>
      tpu.wait_dma2 semaphore(%run_scoped3A : memref<!tpu.dma_semaphore, #tpu.memory_space<semaphore_mem>>) src(%dma_wait3A_47 : memref<128x128xf32, #tpu.memory_space<vmem_shared>>) dst(%dma_wait3A_45 : memref<128x128xf32, #tpu.memory_space<hbm>>)
      tpu.yield
    }) : () -> ()
    %add3A_22 = arith.constant 128 : i32
    %add3A_23 = arith.addi %mul3A_0, %add3A_22 : i32
    %add3A_24 = arith.constant 128 : i32
    %add3A_25 = arith.addi %mul3A_0, %add3A_24 : i32
    "tpu.region"() ({
      %run_scoped3A = tpu.sem_alloc : memref<!tpu.dma_semaphore, #tpu.memory_space<semaphore_mem>>
      %dma_start3A_38 = arith.constant 0 : i32
      %dma_start3A_39 = tpu.memref_slice %arg8[%arg0, %add3A_25, %dma_start3A_38] : memref<2x10240x128xf32, #tpu.memory_space<hbm>> -> memref<1x128x128xf32, #tpu.memory_space<hbm>>
      %dma_start3A_40 = tpu.memref_squeeze %dma_start3A_39 : memref<1x128x128xf32, #tpu.memory_space<hbm>> -> memref<128x128xf32, #tpu.memory_space<hbm>>
      %dma_start3A_41 = arith.constant 0 : i32
      %dma_start3A_42 = tpu.memref_slice %arg18[%add3A_23, %dma_start3A_41] : memref<10240x128xf32, #tpu.memory_space<vmem_shared>> -> memref<128x128xf32, #tpu.memory_space<vmem_shared>>
      tpu.enqueue_dma source(%dma_start3A_42 : memref<128x128xf32, #tpu.memory_space<vmem_shared>>) target(%dma_start3A_40 : memref<128x128xf32, #tpu.memory_space<hbm>>) target_semaphore(%run_scoped3A : memref<!tpu.dma_semaphore, #tpu.memory_space<semaphore_mem>>)
      %dma_wait3A_43 = arith.constant 0 : i32
      %dma_wait3A_44 = tpu.memref_slice %arg8[%arg0, %add3A_25, %dma_wait3A_43] : memref<2x10240x128xf32, #tpu.memory_space<hbm>> -> memref<1x128x128xf32, #tpu.memory_space<hbm>>
      %dma_wait3A_45 = tpu.memref_squeeze %dma_wait3A_44 : memref<1x128x128xf32, #tpu.memory_space<hbm>> -> memref<128x128xf32, #tpu.memory_space<hbm>>
      %dma_wait3A_46 = arith.constant 0 : i32
      %dma_wait3A_47 = tpu.memref_slice %arg18[%add3A_23, %dma_wait3A_46] : memref<10240x128xf32, #tpu.memory_space<vmem_shared>> -> memref<128x128xf32, #tpu.memory_space<vmem_shared>>
      tpu.wait_dma2 semaphore(%run_scoped3A : memref<!tpu.dma_semaphore, #tpu.memory_space<semaphore_mem>>) src(%dma_wait3A_47 : memref<128x128xf32, #tpu.memory_space<vmem_shared>>) dst(%dma_wait3A_45 : memref<128x128xf32, #tpu.memory_space<hbm>>)
      tpu.yield
    }) : () -> ()
    %add3A_26 = arith.constant 256 : i32
    %add3A_27 = arith.addi %mul3A_0, %add3A_26 : i32
    %add3A_28 = arith.constant 256 : i32
    %add3A_29 = arith.addi %mul3A_0, %add3A_28 : i32
    "tpu.region"() ({
      %run_scoped3A = tpu.sem_alloc : memref<!tpu.dma_semaphore, #tpu.memory_space<semaphore_mem>>
      %dma_start3A_38 = arith.constant 0 : i32
      %dma_start3A_39 = tpu.memref_slice %arg8[%arg0, %add3A_29, %dma_start3A_38] : memref<2x10240x128xf32, #tpu.memory_space<hbm>> -> memref<1x128x128xf32, #tpu.memory_space<hbm>>
      %dma_start3A_40 = tpu.memref_squeeze %dma_start3A_39 : memref<1x128x128xf32, #tpu.memory_space<hbm>> -> memref<128x128xf32, #tpu.memory_space<hbm>>
      %dma_start3A_41 = arith.constant 0 : i32
      %dma_start3A_42 = tpu.memref_slice %arg18[%add3A_27, %dma_start3A_41] : memref<10240x128xf32, #tpu.memory_space<vmem_shared>> -> memref<128x128xf32, #tpu.memory_space<vmem_shared>>
      tpu.enqueue_dma source(%dma_start3A_42 : memref<128x128xf32, #tpu.memory_space<vmem_shared>>) target(%dma_start3A_40 : memref<128x128xf32, #tpu.memory_space<hbm>>) target_semaphore(%run_scoped3A : memref<!tpu.dma_semaphore, #tpu.memory_space<semaphore_mem>>)
      %dma_wait3A_43 = arith.constant 0 : i32
      %dma_wait3A_44 = tpu.memref_slice %arg8[%arg0, %add3A_29, %dma_wait3A_43] : memref<2x10240x128xf32, #tpu.memory_space<hbm>> -> memref<1x128x128xf32, #tpu.memory_space<hbm>>
      %dma_wait3A_45 = tpu.memref_squeeze %dma_wait3A_44 : memref<1x128x128xf32, #tpu.memory_space<hbm>> -> memref<128x128xf32, #tpu.memory_space<hbm>>
      %dma_wait3A_46 = arith.constant 0 : i32
      %dma_wait3A_47 = tpu.memref_slice %arg18[%add3A_27, %dma_wait3A_46] : memref<10240x128xf32, #tpu.memory_space<vmem_shared>> -> memref<128x128xf32, #tpu.memory_space<vmem_shared>>
      tpu.wait_dma2 semaphore(%run_scoped3A : memref<!tpu.dma_semaphore, #tpu.memory_space<semaphore_mem>>) src(%dma_wait3A_47 : memref<128x128xf32, #tpu.memory_space<vmem_shared>>) dst(%dma_wait3A_45 : memref<128x128xf32, #tpu.memory_space<hbm>>)
      tpu.yield
    }) : () -> ()
    %add3A_30 = arith.constant 384 : i32
    %add3A_31 = arith.addi %mul3A_0, %add3A_30 : i32
    %add3A_32 = arith.constant 384 : i32
    %add3A_33 = arith.addi %mul3A_0, %add3A_32 : i32
    "tpu.region"() ({
      %run_scoped3A = tpu.sem_alloc : memref<!tpu.dma_semaphore, #tpu.memory_space<semaphore_mem>>
      %dma_start3A_38 = arith.constant 0 : i32
      %dma_start3A_39 = tpu.memref_slice %arg8[%arg0, %add3A_33, %dma_start3A_38] : memref<2x10240x128xf32, #tpu.memory_space<hbm>> -> memref<1x128x128xf32, #tpu.memory_space<hbm>>
      %dma_start3A_40 = tpu.memref_squeeze %dma_start3A_39 : memref<1x128x128xf32, #tpu.memory_space<hbm>> -> memref<128x128xf32, #tpu.memory_space<hbm>>
      %dma_start3A_41 = arith.constant 0 : i32
      %dma_start3A_42 = tpu.memref_slice %arg18[%add3A_31, %dma_start3A_41] : memref<10240x128xf32, #tpu.memory_space<vmem_shared>> -> memref<128x128xf32, #tpu.memory_space<vmem_shared>>
      tpu.enqueue_dma source(%dma_start3A_42 : memref<128x128xf32, #tpu.memory_space<vmem_shared>>) target(%dma_start3A_40 : memref<128x128xf32, #tpu.memory_space<hbm>>) target_semaphore(%run_scoped3A : memref<!tpu.dma_semaphore, #tpu.memory_space<semaphore_mem>>)
      %dma_wait3A_43 = arith.constant 0 : i32
      %dma_wait3A_44 = tpu.memref_slice %arg8[%arg0, %add3A_33, %dma_wait3A_43] : memref<2x10240x128xf32, #tpu.memory_space<hbm>> -> memref<1x128x128xf32, #tpu.memory_space<hbm>>
      %dma_wait3A_45 = tpu.memref_squeeze %dma_wait3A_44 : memref<1x128x128xf32, #tpu.memory_space<hbm>> -> memref<128x128xf32, #tpu.memory_space<hbm>>
      %dma_wait3A_46 = arith.constant 0 : i32
      %dma_wait3A_47 = tpu.memref_slice %arg18[%add3A_31, %dma_wait3A_46] : memref<10240x128xf32, #tpu.memory_space<vmem_shared>> -> memref<128x128xf32, #tpu.memory_space<vmem_shared>>
      tpu.wait_dma2 semaphore(%run_scoped3A : memref<!tpu.dma_semaphore, #tpu.memory_space<semaphore_mem>>) src(%dma_wait3A_47 : memref<128x128xf32, #tpu.memory_space<vmem_shared>>) dst(%dma_wait3A_45 : memref<128x128xf32, #tpu.memory_space<hbm>>)
      tpu.yield
    }) : () -> ()
    %add3A_34 = arith.constant 512 : i32
    %add3A_35 = arith.addi %mul3A_0, %add3A_34 : i32
    %add3A_36 = arith.constant 512 : i32
    %add3A_37 = arith.addi %mul3A_0, %add3A_36 : i32
    "tpu.region"() ({
      %run_scoped3A = tpu.sem_alloc : memref<!tpu.dma_semaphore, #tpu.memory_space<semaphore_mem>>
      %dma_start3A_38 = arith.constant 0 : i32
      %dma_start3A_39 = tpu.memref_slice %arg8[%arg0, %add3A_37, %dma_start3A_38] : memref<2x10240x128xf32, #tpu.memory_space<hbm>> -> memref<1x128x128xf32, #tpu.memory_space<hbm>>
      %dma_start3A_40 = tpu.memref_squeeze %dma_start3A_39 : memref<1x128x128xf32, #tpu.memory_space<hbm>> -> memref<128x128xf32, #tpu.memory_space<hbm>>
      %dma_start3A_41 = arith.constant 0 : i32
      %dma_start3A_42 = tpu.memref_slice %arg18[%add3A_35, %dma_start3A_41] : memref<10240x128xf32, #tpu.memory_space<vmem_shared>> -> memref<128x128xf32, #tpu.memory_space<vmem_shared>>
      tpu.enqueue_dma source(%dma_start3A_42 : memref<128x128xf32, #tpu.memory_space<vmem_shared>>) target(%dma_start3A_40 : memref<128x128xf32, #tpu.memory_space<hbm>>) target_semaphore(%run_scoped3A : memref<!tpu.dma_semaphore, #tpu.memory_space<semaphore_mem>>)
      %dma_wait3A_43 = arith.constant 0 : i32
      %dma_wait3A_44 = tpu.memref_slice %arg8[%arg0, %add3A_37, %dma_wait3A_43] : memref<2x10240x128xf32, #tpu.memory_space<hbm>> -> memref<1x128x128xf32, #tpu.memory_space<hbm>>
      %dma_wait3A_45 = tpu.memref_squeeze %dma_wait3A_44 : memref<1x128x128xf32, #tpu.memory_space<hbm>> -> memref<128x128xf32, #tpu.memory_space<hbm>>
      %dma_wait3A_46 = arith.constant 0 : i32
      %dma_wait3A_47 = tpu.memref_slice %arg18[%add3A_35, %dma_wait3A_46] : memref<10240x128xf32, #tpu.memory_space<vmem_shared>> -> memref<128x128xf32, #tpu.memory_space<vmem_shared>>
      tpu.wait_dma2 semaphore(%run_scoped3A : memref<!tpu.dma_semaphore, #tpu.memory_space<semaphore_mem>>) src(%dma_wait3A_47 : memref<128x128xf32, #tpu.memory_space<vmem_shared>>) dst(%dma_wait3A_45 : memref<128x128xf32, #tpu.memory_space<hbm>>)
      tpu.yield
    }) : () -> ()
    "tpu.region"() ({
      %run_scoped3A = tpu.sem_alloc : memref<!tpu.dma_semaphore, #tpu.memory_space<semaphore_mem>>
      %dma_start3A_38 = tpu.memref_slice %arg9[%arg0, %mul3A_0] : memref<2x10240xf32, #tpu.memory_space<hbm>> -> memref<1x640xf32, #tpu.memory_space<hbm>>
      %dma_start3A_39 = tpu.memref_squeeze %dma_start3A_38 : memref<1x640xf32, #tpu.memory_space<hbm>> -> memref<640xf32, #tpu.memory_space<hbm>>
      %dma_start3A_40 = tpu.memref_slice %arg19[%mul3A_0] : memref<10240xf32, #tpu.memory_space<vmem_shared>> -> memref<640xf32, #tpu.memory_space<vmem_shared>>
      tpu.enqueue_dma source(%dma_start3A_40 : memref<640xf32, #tpu.memory_space<vmem_shared>>) target(%dma_start3A_39 : memref<640xf32, #tpu.memory_space<hbm>>) target_semaphore(%run_scoped3A : memref<!tpu.dma_semaphore, #tpu.memory_space<semaphore_mem>>)
      %dma_wait3A_41 = tpu.memref_slice %arg9[%arg0, %mul3A_0] : memref<2x10240xf32, #tpu.memory_space<hbm>> -> memref<1x640xf32, #tpu.memory_space<hbm>>
      %dma_wait3A_42 = tpu.memref_squeeze %dma_wait3A_41 : memref<1x640xf32, #tpu.memory_space<hbm>> -> memref<640xf32, #tpu.memory_space<hbm>>
      %dma_wait3A_43 = tpu.memref_slice %arg19[%mul3A_0] : memref<10240xf32, #tpu.memory_space<vmem_shared>> -> memref<640xf32, #tpu.memory_space<vmem_shared>>
      tpu.wait_dma2 semaphore(%run_scoped3A : memref<!tpu.dma_semaphore, #tpu.memory_space<semaphore_mem>>) src(%dma_wait3A_43 : memref<640xf32, #tpu.memory_space<vmem_shared>>) dst(%dma_wait3A_42 : memref<640xf32, #tpu.memory_space<hbm>>)
      tpu.yield
    }) : () -> ()
    return
  }
}

#map = affine_map<(d0, d1) -> (0, 0)>
#map1 = affine_map<(d0, d1) -> (0)>
#map2 = affine_map<(d0, d1) -> (0, 0, 0)>
module attributes {stable_mosaic.version = 14 : i64} {
  func.func @body(%arg0: i32, %arg1: i32, %arg2: memref<10240x128xf32, #tpu.memory_space<hbm>>, %arg3: memref<320000xi32, #tpu.memory_space<hbm>>, %arg4: memref<320000xi32, #tpu.memory_space<hbm>>, %arg5: memref<10240x128xf32, #tpu.memory_space<hbm>>, %arg6: memref<10240xf32, #tpu.memory_space<hbm>>, %arg7: memref<128xf32, #tpu.memory_space<hbm>>, %arg8: memref<2x10240x128xf32, #tpu.memory_space<hbm>>, %arg9: memref<2x10240xf32, #tpu.memory_space<hbm>>, %arg10: memref<128xi32, #tpu.memory_space<vmem>>, %arg11: memref<128xi32, #tpu.memory_space<vmem>>, %arg12: memref<128x128xf32, #tpu.memory_space<vmem>>, %arg13: memref<16xi32, #tpu.memory_space<vmem>>, %arg14: memref<16xi32, #tpu.memory_space<vmem>>, %arg15: memref<16x128xf32, #tpu.memory_space<vmem>>, %arg16: memref<128xf32, #tpu.memory_space<vmem>>, %arg17: memref<16xf32, #tpu.memory_space<vmem>>, %arg18: memref<10240x128xf32, #tpu.memory_space<vmem_shared>>, %arg19: memref<10240xf32, #tpu.memory_space<vmem_shared>>, %arg20: memref<!tpu.dma_semaphore, #tpu.memory_space<semaphore_mem>>) attributes {dimension_semantics = [#tpu.dimension_semantics<core_parallel>, #tpu.dimension_semantics<subcore_parallel>], iteration_bounds = array<i64: 2, 16>, scalar_prefetch = 0 : i64, scratch_operands = 11 : i64, tpu.core_type = #tpu.core_type<sc_vector_subcore>, window_params = [{transform_indices = #map}, {transform_indices = #map1}, {transform_indices = #map1}, {transform_indices = #map}, {transform_indices = #map1}, {transform_indices = #map1}, {transform_indices = #map2}, {transform_indices = #map}]} {
    %mul3A = arith.constant 640 : i32
    %mul3A_0 = arith.muli %arg1, %mul3A : i32
    "tpu.region"() ({
      %run_scoped3A = tpu.sem_alloc : memref<!tpu.dma_semaphore, #tpu.memory_space<semaphore_mem>>
      %dma_start3A_38 = arith.constant 0 : i32
      %dma_start3A_39 = tpu.memref_slice %arg18[%mul3A_0, %dma_start3A_38] : memref<10240x128xf32, #tpu.memory_space<vmem_shared>> -> memref<640x128xf32, #tpu.memory_space<vmem_shared>>
      %dma_start3A_40 = arith.constant 0 : i32
      %dma_start3A_41 = tpu.memref_slice %arg5[%mul3A_0, %dma_start3A_40] : memref<10240x128xf32, #tpu.memory_space<hbm>> -> memref<640x128xf32, #tpu.memory_space<hbm>>
      tpu.enqueue_dma source(%dma_start3A_41 : memref<640x128xf32, #tpu.memory_space<hbm>>) target(%dma_start3A_39 : memref<640x128xf32, #tpu.memory_space<vmem_shared>>) target_semaphore(%run_scoped3A : memref<!tpu.dma_semaphore, #tpu.memory_space<semaphore_mem>>)
      %dma_wait3A_42 = arith.constant 0 : i32
      %dma_wait3A_43 = tpu.memref_slice %arg18[%mul3A_0, %dma_wait3A_42] : memref<10240x128xf32, #tpu.memory_space<vmem_shared>> -> memref<640x128xf32, #tpu.memory_space<vmem_shared>>
      %dma_wait3A_44 = arith.constant 0 : i32
      %dma_wait3A_45 = tpu.memref_slice %arg5[%mul3A_0, %dma_wait3A_44] : memref<10240x128xf32, #tpu.memory_space<hbm>> -> memref<640x128xf32, #tpu.memory_space<hbm>>
      tpu.wait_dma2 semaphore(%run_scoped3A : memref<!tpu.dma_semaphore, #tpu.memory_space<semaphore_mem>>) src(%dma_wait3A_45 : memref<640x128xf32, #tpu.memory_space<hbm>>) dst(%dma_wait3A_43 : memref<640x128xf32, #tpu.memory_space<vmem_shared>>)
      tpu.yield
    }) : () -> ()
    "tpu.region"() ({
      %run_scoped3A = tpu.sem_alloc : memref<!tpu.dma_semaphore, #tpu.memory_space<semaphore_mem>>
      %dma_start3A_38 = tpu.memref_slice %arg19[%mul3A_0] : memref<10240xf32, #tpu.memory_space<vmem_shared>> -> memref<640xf32, #tpu.memory_space<vmem_shared>>
      %dma_start3A_39 = tpu.memref_slice %arg6[%mul3A_0] : memref<10240xf32, #tpu.memory_space<hbm>> -> memref<640xf32, #tpu.memory_space<hbm>>
      tpu.enqueue_dma source(%dma_start3A_39 : memref<640xf32, #tpu.memory_space<hbm>>) target(%dma_start3A_38 : memref<640xf32, #tpu.memory_space<vmem_shared>>) target_semaphore(%run_scoped3A : memref<!tpu.dma_semaphore, #tpu.memory_space<semaphore_mem>>)
      %dma_wait3A_40 = tpu.memref_slice %arg19[%mul3A_0] : memref<10240xf32, #tpu.memory_space<vmem_shared>> -> memref<640xf32, #tpu.memory_space<vmem_shared>>
      %dma_wait3A_41 = tpu.memref_slice %arg6[%mul3A_0] : memref<10240xf32, #tpu.memory_space<hbm>> -> memref<640xf32, #tpu.memory_space<hbm>>
      tpu.wait_dma2 semaphore(%run_scoped3A : memref<!tpu.dma_semaphore, #tpu.memory_space<semaphore_mem>>) src(%dma_wait3A_41 : memref<640xf32, #tpu.memory_space<hbm>>) dst(%dma_wait3A_40 : memref<640xf32, #tpu.memory_space<vmem_shared>>)
      tpu.yield
    }) : () -> ()
    "tpu.region"() ({
      %run_scoped3A = tpu.sem_alloc : memref<!tpu.dma_semaphore, #tpu.memory_space<semaphore_mem>>
      tpu.enqueue_dma source(%arg7 : memref<128xf32, #tpu.memory_space<hbm>>) target(%arg16 : memref<128xf32, #tpu.memory_space<vmem>>) target_semaphore(%run_scoped3A : memref<!tpu.dma_semaphore, #tpu.memory_space<semaphore_mem>>)
      tpu.wait_dma2 semaphore(%run_scoped3A : memref<!tpu.dma_semaphore, #tpu.memory_space<semaphore_mem>>) src(%arg7 : memref<128xf32, #tpu.memory_space<hbm>>) dst(%arg16 : memref<128xf32, #tpu.memory_space<vmem>>)
      tpu.yield
    }) : () -> ()
    "tpu.region"() ({
      %run_scoped3A = tpu.sem_alloc : memref<!tpu.dma_semaphore, #tpu.memory_space<semaphore_mem>>
      %dma_start3A_38 = arith.constant 0 : i32
      %dma_start3A_39 = tpu.memref_slice %arg7[%dma_start3A_38] : memref<128xf32, #tpu.memory_space<hbm>> -> memref<16xf32, #tpu.memory_space<hbm>>
      %dma_start3A_40 = arith.constant 0 : i32
      %dma_start3A_41 = tpu.memref_slice %arg7[%dma_start3A_40] : memref<128xf32, #tpu.memory_space<hbm>> -> memref<16xf32, #tpu.memory_space<hbm>>
      tpu.enqueue_dma source(%dma_start3A_41 : memref<16xf32, #tpu.memory_space<hbm>>) target(%arg17 : memref<16xf32, #tpu.memory_space<vmem>>) target_semaphore(%run_scoped3A : memref<!tpu.dma_semaphore, #tpu.memory_space<semaphore_mem>>)
      %dma_wait3A_42 = arith.constant 0 : i32
      %dma_wait3A_43 = tpu.memref_slice %arg7[%dma_wait3A_42] : memref<128xf32, #tpu.memory_space<hbm>> -> memref<16xf32, #tpu.memory_space<hbm>>
      %dma_wait3A_44 = arith.constant 0 : i32
      %dma_wait3A_45 = tpu.memref_slice %arg7[%dma_wait3A_44] : memref<128xf32, #tpu.memory_space<hbm>> -> memref<16xf32, #tpu.memory_space<hbm>>
      tpu.wait_dma2 semaphore(%run_scoped3A : memref<!tpu.dma_semaphore, #tpu.memory_space<semaphore_mem>>) src(%dma_wait3A_45 : memref<16xf32, #tpu.memory_space<hbm>>) dst(%arg17 : memref<16xf32, #tpu.memory_space<vmem>>)
      tpu.yield
    }) : () -> ()
    %barrier3A = arith.constant 0 : index
    tpu.barrier barrier_id(%barrier3A)
    %mul3A_1 = arith.constant 16 : i32
    %mul3A_2 = arith.muli %arg0, %mul3A_1 : i32
    %add3A = arith.addi %mul3A_2, %arg1 : i32
    %mul3A_3 = arith.constant 10000 : i32
    %mul3A_4 = arith.muli %add3A, %mul3A_3 : i32
    %scan3A = arith.constant 0 : i32
    %scan3A_5 = arith.constant 0 : i32
    %scan3A_6 = arith.constant 78 : i32
    %scan3A_7 = arith.addi %scan3A_5, %scan3A_6 : i32
    %scan3A_8 = arith.constant 1 : i32
    %scan3A_9 = scf.for %scan3A_38 = %scan3A_5 to %scan3A_7 step %scan3A_8 iter_args(%scan3A_39 = %scan3A) -> (i32)  : i32 {
      %mul3A_40 = arith.constant 128 : i32
      %mul3A_41 = arith.muli %scan3A_38, %mul3A_40 : i32
      %add3A_42 = arith.addi %mul3A_4, %mul3A_41 : i32
      "tpu.region"() ({
        %run_scoped3A = tpu.sem_alloc : memref<!tpu.dma_semaphore, #tpu.memory_space<semaphore_mem>>
        %dma_start3A_50 = tpu.memref_slice %arg3[%add3A_42] : memref<320000xi32, #tpu.memory_space<hbm>> -> memref<128xi32, #tpu.memory_space<hbm>>
        %dma_start3A_51 = tpu.memref_slice %arg3[%add3A_42] : memref<320000xi32, #tpu.memory_space<hbm>> -> memref<128xi32, #tpu.memory_space<hbm>>
        tpu.enqueue_dma source(%dma_start3A_51 : memref<128xi32, #tpu.memory_space<hbm>>) target(%arg10 : memref<128xi32, #tpu.memory_space<vmem>>) target_semaphore(%run_scoped3A : memref<!tpu.dma_semaphore, #tpu.memory_space<semaphore_mem>>)
        %dma_wait3A_52 = tpu.memref_slice %arg3[%add3A_42] : memref<320000xi32, #tpu.memory_space<hbm>> -> memref<128xi32, #tpu.memory_space<hbm>>
        %dma_wait3A_53 = tpu.memref_slice %arg3[%add3A_42] : memref<320000xi32, #tpu.memory_space<hbm>> -> memref<128xi32, #tpu.memory_space<hbm>>
        tpu.wait_dma2 semaphore(%run_scoped3A : memref<!tpu.dma_semaphore, #tpu.memory_space<semaphore_mem>>) src(%dma_wait3A_53 : memref<128xi32, #tpu.memory_space<hbm>>) dst(%arg10 : memref<128xi32, #tpu.memory_space<vmem>>)
        tpu.yield
      }) : () -> ()
      "tpu.region"() ({
        %run_scoped3A = tpu.sem_alloc : memref<!tpu.dma_semaphore, #tpu.memory_space<semaphore_mem>>
        %dma_start3A_50 = tpu.memref_slice %arg4[%add3A_42] : memref<320000xi32, #tpu.memory_space<hbm>> -> memref<128xi32, #tpu.memory_space<hbm>>
        %dma_start3A_51 = tpu.memref_slice %arg4[%add3A_42] : memref<320000xi32, #tpu.memory_space<hbm>> -> memref<128xi32, #tpu.memory_space<hbm>>
        tpu.enqueue_dma source(%dma_start3A_51 : memref<128xi32, #tpu.memory_space<hbm>>) target(%arg11 : memref<128xi32, #tpu.memory_space<vmem>>) target_semaphore(%run_scoped3A : memref<!tpu.dma_semaphore, #tpu.memory_space<semaphore_mem>>)
        %dma_wait3A_52 = tpu.memref_slice %arg4[%add3A_42] : memref<320000xi32, #tpu.memory_space<hbm>> -> memref<128xi32, #tpu.memory_space<hbm>>
        %dma_wait3A_53 = tpu.memref_slice %arg4[%add3A_42] : memref<320000xi32, #tpu.memory_space<hbm>> -> memref<128xi32, #tpu.memory_space<hbm>>
        tpu.wait_dma2 semaphore(%run_scoped3A : memref<!tpu.dma_semaphore, #tpu.memory_space<semaphore_mem>>) src(%dma_wait3A_53 : memref<128xi32, #tpu.memory_space<hbm>>) dst(%arg11 : memref<128xi32, #tpu.memory_space<vmem>>)
        tpu.yield
      }) : () -> ()
      %dma_start3A_43 = arith.constant 0 : i32
      %dma_start3A_44 = arith.constant 0 : i32
      %dma_start3A_45 = tpu.memref_slice %arg2[%dma_start3A_43, %dma_start3A_44] : memref<10240x128xf32, #tpu.memory_space<hbm>> -> memref<10240x128xf32, #tpu.memory_space<hbm>>
      tpu.enqueue_indirect_dma source(%dma_start3A_45 : memref<10240x128xf32, #tpu.memory_space<hbm>>) target(%arg12 : memref<128x128xf32, #tpu.memory_space<vmem>>) offsets(%arg10 : memref<128xi32, #tpu.memory_space<vmem>>) semaphore(%arg20 : memref<!tpu.dma_semaphore, #tpu.memory_space<semaphore_mem>>)
      %dma_wait3A_46 = arith.constant 0 : i32
      %dma_wait3A_47 = arith.constant 0 : i32
      %dma_wait3A_48 = tpu.memref_slice %arg2[%dma_wait3A_46, %dma_wait3A_47] : memref<10240x128xf32, #tpu.memory_space<hbm>> -> memref<10240x128xf32, #tpu.memory_space<hbm>>
      tpu.wait_indirect_dma semaphore(%arg20 : memref<!tpu.dma_semaphore, #tpu.memory_space<semaphore_mem>>) src(%dma_wait3A_48 : memref<10240x128xf32, #tpu.memory_space<hbm>>) dst(%arg12 : memref<128x128xf32, #tpu.memory_space<vmem>>)
      "tpu.region"() ({
        %run_scoped3A = tpu.sem_alloc : memref<!tpu.dma_semaphore, #tpu.memory_space<semaphore_mem>>
        %dma_start3A_50 = arith.constant 0 : i32
        %dma_start3A_51 = arith.constant 0 : i32
        %dma_start3A_52 = tpu.memref_slice %arg18[%dma_start3A_50, %dma_start3A_51] : memref<10240x128xf32, #tpu.memory_space<vmem_shared>> -> memref<10240x128xf32, #tpu.memory_space<vmem_shared>>
        tpu.enqueue_indirect_dma source(%arg12 : memref<128x128xf32, #tpu.memory_space<vmem>>) target(%dma_start3A_52 : memref<10240x128xf32, #tpu.memory_space<vmem_shared>>) offsets(%arg11 : memref<128xi32, #tpu.memory_space<vmem>>) semaphore(%run_scoped3A : memref<!tpu.dma_semaphore, #tpu.memory_space<semaphore_mem>>) {add = true}
        %dma_wait3A_53 = arith.constant 0 : i32
        %dma_wait3A_54 = arith.constant 0 : i32
        %dma_wait3A_55 = tpu.memref_slice %arg18[%dma_wait3A_53, %dma_wait3A_54] : memref<10240x128xf32, #tpu.memory_space<vmem_shared>> -> memref<10240x128xf32, #tpu.memory_space<vmem_shared>>
        tpu.wait_indirect_dma semaphore(%run_scoped3A : memref<!tpu.dma_semaphore, #tpu.memory_space<semaphore_mem>>) src(%arg12 : memref<128x128xf32, #tpu.memory_space<vmem>>) dst(%dma_wait3A_55 : memref<10240x128xf32, #tpu.memory_space<vmem_shared>>)
        tpu.yield
      }) : () -> ()
      "tpu.region"() ({
        %run_scoped3A = tpu.sem_alloc : memref<!tpu.dma_semaphore, #tpu.memory_space<semaphore_mem>>
        %dma_start3A_50 = arith.constant 0 : i32
        %dma_start3A_51 = tpu.memref_slice %arg19[%dma_start3A_50] : memref<10240xf32, #tpu.memory_space<vmem_shared>> -> memref<10240xf32, #tpu.memory_space<vmem_shared>>
        tpu.enqueue_indirect_dma source(%arg16 : memref<128xf32, #tpu.memory_space<vmem>>) target(%dma_start3A_51 : memref<10240xf32, #tpu.memory_space<vmem_shared>>) offsets(%arg11 : memref<128xi32, #tpu.memory_space<vmem>>) semaphore(%run_scoped3A : memref<!tpu.dma_semaphore, #tpu.memory_space<semaphore_mem>>) {add = true}
        %dma_wait3A_52 = arith.constant 0 : i32
        %dma_wait3A_53 = tpu.memref_slice %arg19[%dma_wait3A_52] : memref<10240xf32, #tpu.memory_space<vmem_shared>> -> memref<10240xf32, #tpu.memory_space<vmem_shared>>
        tpu.wait_indirect_dma semaphore(%run_scoped3A : memref<!tpu.dma_semaphore, #tpu.memory_space<semaphore_mem>>) src(%arg16 : memref<128xf32, #tpu.memory_space<vmem>>) dst(%dma_wait3A_53 : memref<10240xf32, #tpu.memory_space<vmem_shared>>)
        tpu.yield
      }) : () -> ()
      %scan3A_49 = arith.constant 0 : i32
      scf.yield %scan3A_49 : i32
    }
    %scan3A_10 = arith.constant 78 : i32
    %add3A_11 = arith.constant 9984 : i32
    %add3A_12 = arith.addi %mul3A_4, %add3A_11 : i32
    "tpu.region"() ({
      %run_scoped3A = tpu.sem_alloc : memref<!tpu.dma_semaphore, #tpu.memory_space<semaphore_mem>>
      %dma_start3A_38 = tpu.memref_slice %arg3[%add3A_12] : memref<320000xi32, #tpu.memory_space<hbm>> -> memref<16xi32, #tpu.memory_space<hbm>>
      %dma_start3A_39 = tpu.memref_slice %arg3[%add3A_12] : memref<320000xi32, #tpu.memory_space<hbm>> -> memref<16xi32, #tpu.memory_space<hbm>>
      tpu.enqueue_dma source(%dma_start3A_39 : memref<16xi32, #tpu.memory_space<hbm>>) target(%arg13 : memref<16xi32, #tpu.memory_space<vmem>>) target_semaphore(%run_scoped3A : memref<!tpu.dma_semaphore, #tpu.memory_space<semaphore_mem>>)
      %dma_wait3A_40 = tpu.memref_slice %arg3[%add3A_12] : memref<320000xi32, #tpu.memory_space<hbm>> -> memref<16xi32, #tpu.memory_space<hbm>>
      %dma_wait3A_41 = tpu.memref_slice %arg3[%add3A_12] : memref<320000xi32, #tpu.memory_space<hbm>> -> memref<16xi32, #tpu.memory_space<hbm>>
      tpu.wait_dma2 semaphore(%run_scoped3A : memref<!tpu.dma_semaphore, #tpu.memory_space<semaphore_mem>>) src(%dma_wait3A_41 : memref<16xi32, #tpu.memory_space<hbm>>) dst(%arg13 : memref<16xi32, #tpu.memory_space<vmem>>)
      tpu.yield
    }) : () -> ()
    "tpu.region"() ({
      %run_scoped3A = tpu.sem_alloc : memref<!tpu.dma_semaphore, #tpu.memory_space<semaphore_mem>>
      %dma_start3A_38 = tpu.memref_slice %arg4[%add3A_12] : memref<320000xi32, #tpu.memory_space<hbm>> -> memref<16xi32, #tpu.memory_space<hbm>>
      %dma_start3A_39 = tpu.memref_slice %arg4[%add3A_12] : memref<320000xi32, #tpu.memory_space<hbm>> -> memref<16xi32, #tpu.memory_space<hbm>>
      tpu.enqueue_dma source(%dma_start3A_39 : memref<16xi32, #tpu.memory_space<hbm>>) target(%arg14 : memref<16xi32, #tpu.memory_space<vmem>>) target_semaphore(%run_scoped3A : memref<!tpu.dma_semaphore, #tpu.memory_space<semaphore_mem>>)
      %dma_wait3A_40 = tpu.memref_slice %arg4[%add3A_12] : memref<320000xi32, #tpu.memory_space<hbm>> -> memref<16xi32, #tpu.memory_space<hbm>>
      %dma_wait3A_41 = tpu.memref_slice %arg4[%add3A_12] : memref<320000xi32, #tpu.memory_space<hbm>> -> memref<16xi32, #tpu.memory_space<hbm>>
      tpu.wait_dma2 semaphore(%run_scoped3A : memref<!tpu.dma_semaphore, #tpu.memory_space<semaphore_mem>>) src(%dma_wait3A_41 : memref<16xi32, #tpu.memory_space<hbm>>) dst(%arg14 : memref<16xi32, #tpu.memory_space<vmem>>)
      tpu.yield
    }) : () -> ()
    %dma_start3A = arith.constant 0 : i32
    %dma_start3A_13 = arith.constant 0 : i32
    %dma_start3A_14 = tpu.memref_slice %arg2[%dma_start3A, %dma_start3A_13] : memref<10240x128xf32, #tpu.memory_space<hbm>> -> memref<10240x128xf32, #tpu.memory_space<hbm>>
    tpu.enqueue_indirect_dma source(%dma_start3A_14 : memref<10240x128xf32, #tpu.memory_space<hbm>>) target(%arg15 : memref<16x128xf32, #tpu.memory_space<vmem>>) offsets(%arg13 : memref<16xi32, #tpu.memory_space<vmem>>) semaphore(%arg20 : memref<!tpu.dma_semaphore, #tpu.memory_space<semaphore_mem>>)
    %dma_wait3A = arith.constant 0 : i32
    %dma_wait3A_15 = arith.constant 0 : i32
    %dma_wait3A_16 = tpu.memref_slice %arg2[%dma_wait3A, %dma_wait3A_15] : memref<10240x128xf32, #tpu.memory_space<hbm>> -> memref<10240x128xf32, #tpu.memory_space<hbm>>
    tpu.wait_indirect_dma semaphore(%arg20 : memref<!tpu.dma_semaphore, #tpu.memory_space<semaphore_mem>>) src(%dma_wait3A_16 : memref<10240x128xf32, #tpu.memory_space<hbm>>) dst(%arg15 : memref<16x128xf32, #tpu.memory_space<vmem>>)
    "tpu.region"() ({
      %run_scoped3A = tpu.sem_alloc : memref<!tpu.dma_semaphore, #tpu.memory_space<semaphore_mem>>
      %dma_start3A_38 = arith.constant 0 : i32
      %dma_start3A_39 = arith.constant 0 : i32
      %dma_start3A_40 = tpu.memref_slice %arg18[%dma_start3A_38, %dma_start3A_39] : memref<10240x128xf32, #tpu.memory_space<vmem_shared>> -> memref<10240x128xf32, #tpu.memory_space<vmem_shared>>
      tpu.enqueue_indirect_dma source(%arg15 : memref<16x128xf32, #tpu.memory_space<vmem>>) target(%dma_start3A_40 : memref<10240x128xf32, #tpu.memory_space<vmem_shared>>) offsets(%arg14 : memref<16xi32, #tpu.memory_space<vmem>>) semaphore(%run_scoped3A : memref<!tpu.dma_semaphore, #tpu.memory_space<semaphore_mem>>) {add = true}
      %dma_wait3A_41 = arith.constant 0 : i32
      %dma_wait3A_42 = arith.constant 0 : i32
      %dma_wait3A_43 = tpu.memref_slice %arg18[%dma_wait3A_41, %dma_wait3A_42] : memref<10240x128xf32, #tpu.memory_space<vmem_shared>> -> memref<10240x128xf32, #tpu.memory_space<vmem_shared>>
      tpu.wait_indirect_dma semaphore(%run_scoped3A : memref<!tpu.dma_semaphore, #tpu.memory_space<semaphore_mem>>) src(%arg15 : memref<16x128xf32, #tpu.memory_space<vmem>>) dst(%dma_wait3A_43 : memref<10240x128xf32, #tpu.memory_space<vmem_shared>>)
      tpu.yield
    }) : () -> ()
    "tpu.region"() ({
      %run_scoped3A = tpu.sem_alloc : memref<!tpu.dma_semaphore, #tpu.memory_space<semaphore_mem>>
      %dma_start3A_38 = arith.constant 0 : i32
      %dma_start3A_39 = tpu.memref_slice %arg19[%dma_start3A_38] : memref<10240xf32, #tpu.memory_space<vmem_shared>> -> memref<10240xf32, #tpu.memory_space<vmem_shared>>
      tpu.enqueue_indirect_dma source(%arg17 : memref<16xf32, #tpu.memory_space<vmem>>) target(%dma_start3A_39 : memref<10240xf32, #tpu.memory_space<vmem_shared>>) offsets(%arg14 : memref<16xi32, #tpu.memory_space<vmem>>) semaphore(%run_scoped3A : memref<!tpu.dma_semaphore, #tpu.memory_space<semaphore_mem>>) {add = true}
      %dma_wait3A_40 = arith.constant 0 : i32
      %dma_wait3A_41 = tpu.memref_slice %arg19[%dma_wait3A_40] : memref<10240xf32, #tpu.memory_space<vmem_shared>> -> memref<10240xf32, #tpu.memory_space<vmem_shared>>
      tpu.wait_indirect_dma semaphore(%run_scoped3A : memref<!tpu.dma_semaphore, #tpu.memory_space<semaphore_mem>>) src(%arg17 : memref<16xf32, #tpu.memory_space<vmem>>) dst(%dma_wait3A_41 : memref<10240xf32, #tpu.memory_space<vmem_shared>>)
      tpu.yield
    }) : () -> ()
    %barrier3A_17 = arith.constant 0 : index
    tpu.barrier barrier_id(%barrier3A_17)
    %add3A_18 = arith.constant 0 : i32
    %add3A_19 = arith.addi %mul3A_0, %add3A_18 : i32
    %add3A_20 = arith.constant 0 : i32
    %add3A_21 = arith.addi %mul3A_0, %add3A_20 : i32
    "tpu.region"() ({
      %run_scoped3A = tpu.sem_alloc : memref<!tpu.dma_semaphore, #tpu.memory_space<semaphore_mem>>
      %dma_start3A_38 = arith.constant 0 : i32
      %dma_start3A_39 = tpu.memref_slice %arg8[%arg0, %add3A_21, %dma_start3A_38] : memref<2x10240x128xf32, #tpu.memory_space<hbm>> -> memref<1x128x128xf32, #tpu.memory_space<hbm>>
      %dma_start3A_40 = tpu.memref_squeeze %dma_start3A_39 : memref<1x128x128xf32, #tpu.memory_space<hbm>> -> memref<128x128xf32, #tpu.memory_space<hbm>>
      %dma_start3A_41 = arith.constant 0 : i32
      %dma_start3A_42 = tpu.memref_slice %arg18[%add3A_19, %dma_start3A_41] : memref<10240x128xf32, #tpu.memory_space<vmem_shared>> -> memref<128x128xf32, #tpu.memory_space<vmem_shared>>
      tpu.enqueue_dma source(%dma_start3A_42 : memref<128x128xf32, #tpu.memory_space<vmem_shared>>) target(%dma_start3A_40 : memref<128x128xf32, #tpu.memory_space<hbm>>) target_semaphore(%run_scoped3A : memref<!tpu.dma_semaphore, #tpu.memory_space<semaphore_mem>>)
      %dma_wait3A_43 = arith.constant 0 : i32
      %dma_wait3A_44 = tpu.memref_slice %arg8[%arg0, %add3A_21, %dma_wait3A_43] : memref<2x10240x128xf32, #tpu.memory_space<hbm>> -> memref<1x128x128xf32, #tpu.memory_space<hbm>>
      %dma_wait3A_45 = tpu.memref_squeeze %dma_wait3A_44 : memref<1x128x128xf32, #tpu.memory_space<hbm>> -> memref<128x128xf32, #tpu.memory_space<hbm>>
      %dma_wait3A_46 = arith.constant 0 : i32
      %dma_wait3A_47 = tpu.memref_slice %arg18[%add3A_19, %dma_wait3A_46] : memref<10240x128xf32, #tpu.memory_space<vmem_shared>> -> memref<128x128xf32, #tpu.memory_space<vmem_shared>>
      tpu.wait_dma2 semaphore(%run_scoped3A : memref<!tpu.dma_semaphore, #tpu.memory_space<semaphore_mem>>) src(%dma_wait3A_47 : memref<128x128xf32, #tpu.memory_space<vmem_shared>>) dst(%dma_wait3A_45 : memref<128x128xf32, #tpu.memory_space<hbm>>)
      tpu.yield
    }) : () -> ()
    %add3A_22 = arith.constant 128 : i32
    %add3A_23 = arith.addi %mul3A_0, %add3A_22 : i32
    %add3A_24 = arith.constant 128 : i32
    %add3A_25 = arith.addi %mul3A_0, %add3A_24 : i32
    "tpu.region"() ({
      %run_scoped3A = tpu.sem_alloc : memref<!tpu.dma_semaphore, #tpu.memory_space<semaphore_mem>>
      %dma_start3A_38 = arith.constant 0 : i32
      %dma_start3A_39 = tpu.memref_slice %arg8[%arg0, %add3A_25, %dma_start3A_38] : memref<2x10240x128xf32, #tpu.memory_space<hbm>> -> memref<1x128x128xf32, #tpu.memory_space<hbm>>
      %dma_start3A_40 = tpu.memref_squeeze %dma_start3A_39 : memref<1x128x128xf32, #tpu.memory_space<hbm>> -> memref<128x128xf32, #tpu.memory_space<hbm>>
      %dma_start3A_41 = arith.constant 0 : i32
      %dma_start3A_42 = tpu.memref_slice %arg18[%add3A_23, %dma_start3A_41] : memref<10240x128xf32, #tpu.memory_space<vmem_shared>> -> memref<128x128xf32, #tpu.memory_space<vmem_shared>>
      tpu.enqueue_dma source(%dma_start3A_42 : memref<128x128xf32, #tpu.memory_space<vmem_shared>>) target(%dma_start3A_40 : memref<128x128xf32, #tpu.memory_space<hbm>>) target_semaphore(%run_scoped3A : memref<!tpu.dma_semaphore, #tpu.memory_space<semaphore_mem>>)
      %dma_wait3A_43 = arith.constant 0 : i32
      %dma_wait3A_44 = tpu.memref_slice %arg8[%arg0, %add3A_25, %dma_wait3A_43] : memref<2x10240x128xf32, #tpu.memory_space<hbm>> -> memref<1x128x128xf32, #tpu.memory_space<hbm>>
      %dma_wait3A_45 = tpu.memref_squeeze %dma_wait3A_44 : memref<1x128x128xf32, #tpu.memory_space<hbm>> -> memref<128x128xf32, #tpu.memory_space<hbm>>
      %dma_wait3A_46 = arith.constant 0 : i32
      %dma_wait3A_47 = tpu.memref_slice %arg18[%add3A_23, %dma_wait3A_46] : memref<10240x128xf32, #tpu.memory_space<vmem_shared>> -> memref<128x128xf32, #tpu.memory_space<vmem_shared>>
      tpu.wait_dma2 semaphore(%run_scoped3A : memref<!tpu.dma_semaphore, #tpu.memory_space<semaphore_mem>>) src(%dma_wait3A_47 : memref<128x128xf32, #tpu.memory_space<vmem_shared>>) dst(%dma_wait3A_45 : memref<128x128xf32, #tpu.memory_space<hbm>>)
      tpu.yield
    }) : () -> ()
    %add3A_26 = arith.constant 256 : i32
    %add3A_27 = arith.addi %mul3A_0, %add3A_26 : i32
    %add3A_28 = arith.constant 256 : i32
    %add3A_29 = arith.addi %mul3A_0, %add3A_28 : i32
    "tpu.region"() ({
      %run_scoped3A = tpu.sem_alloc : memref<!tpu.dma_semaphore, #tpu.memory_space<semaphore_mem>>
      %dma_start3A_38 = arith.constant 0 : i32
      %dma_start3A_39 = tpu.memref_slice %arg8[%arg0, %add3A_29, %dma_start3A_38] : memref<2x10240x128xf32, #tpu.memory_space<hbm>> -> memref<1x128x128xf32, #tpu.memory_space<hbm>>
      %dma_start3A_40 = tpu.memref_squeeze %dma_start3A_39 : memref<1x128x128xf32, #tpu.memory_space<hbm>> -> memref<128x128xf32, #tpu.memory_space<hbm>>
      %dma_start3A_41 = arith.constant 0 : i32
      %dma_start3A_42 = tpu.memref_slice %arg18[%add3A_27, %dma_start3A_41] : memref<10240x128xf32, #tpu.memory_space<vmem_shared>> -> memref<128x128xf32, #tpu.memory_space<vmem_shared>>
      tpu.enqueue_dma source(%dma_start3A_42 : memref<128x128xf32, #tpu.memory_space<vmem_shared>>) target(%dma_start3A_40 : memref<128x128xf32, #tpu.memory_space<hbm>>) target_semaphore(%run_scoped3A : memref<!tpu.dma_semaphore, #tpu.memory_space<semaphore_mem>>)
      %dma_wait3A_43 = arith.constant 0 : i32
      %dma_wait3A_44 = tpu.memref_slice %arg8[%arg0, %add3A_29, %dma_wait3A_43] : memref<2x10240x128xf32, #tpu.memory_space<hbm>> -> memref<1x128x128xf32, #tpu.memory_space<hbm>>
      %dma_wait3A_45 = tpu.memref_squeeze %dma_wait3A_44 : memref<1x128x128xf32, #tpu.memory_space<hbm>> -> memref<128x128xf32, #tpu.memory_space<hbm>>
      %dma_wait3A_46 = arith.constant 0 : i32
      %dma_wait3A_47 = tpu.memref_slice %arg18[%add3A_27, %dma_wait3A_46] : memref<10240x128xf32, #tpu.memory_space<vmem_shared>> -> memref<128x128xf32, #tpu.memory_space<vmem_shared>>
      tpu.wait_dma2 semaphore(%run_scoped3A : memref<!tpu.dma_semaphore, #tpu.memory_space<semaphore_mem>>) src(%dma_wait3A_47 : memref<128x128xf32, #tpu.memory_space<vmem_shared>>) dst(%dma_wait3A_45 : memref<128x128xf32, #tpu.memory_space<hbm>>)
      tpu.yield
    }) : () -> ()
    %add3A_30 = arith.constant 384 : i32
    %add3A_31 = arith.addi %mul3A_0, %add3A_30 : i32
    %add3A_32 = arith.constant 384 : i32
    %add3A_33 = arith.addi %mul3A_0, %add3A_32 : i32
    "tpu.region"() ({
      %run_scoped3A = tpu.sem_alloc : memref<!tpu.dma_semaphore, #tpu.memory_space<semaphore_mem>>
      %dma_start3A_38 = arith.constant 0 : i32
      %dma_start3A_39 = tpu.memref_slice %arg8[%arg0, %add3A_33, %dma_start3A_38] : memref<2x10240x128xf32, #tpu.memory_space<hbm>> -> memref<1x128x128xf32, #tpu.memory_space<hbm>>
      %dma_start3A_40 = tpu.memref_squeeze %dma_start3A_39 : memref<1x128x128xf32, #tpu.memory_space<hbm>> -> memref<128x128xf32, #tpu.memory_space<hbm>>
      %dma_start3A_41 = arith.constant 0 : i32
      %dma_start3A_42 = tpu.memref_slice %arg18[%add3A_31, %dma_start3A_41] : memref<10240x128xf32, #tpu.memory_space<vmem_shared>> -> memref<128x128xf32, #tpu.memory_space<vmem_shared>>
      tpu.enqueue_dma source(%dma_start3A_42 : memref<128x128xf32, #tpu.memory_space<vmem_shared>>) target(%dma_start3A_40 : memref<128x128xf32, #tpu.memory_space<hbm>>) target_semaphore(%run_scoped3A : memref<!tpu.dma_semaphore, #tpu.memory_space<semaphore_mem>>)
      %dma_wait3A_43 = arith.constant 0 : i32
      %dma_wait3A_44 = tpu.memref_slice %arg8[%arg0, %add3A_33, %dma_wait3A_43] : memref<2x10240x128xf32, #tpu.memory_space<hbm>> -> memref<1x128x128xf32, #tpu.memory_space<hbm>>
      %dma_wait3A_45 = tpu.memref_squeeze %dma_wait3A_44 : memref<1x128x128xf32, #tpu.memory_space<hbm>> -> memref<128x128xf32, #tpu.memory_space<hbm>>
      %dma_wait3A_46 = arith.constant 0 : i32
      %dma_wait3A_47 = tpu.memref_slice %arg18[%add3A_31, %dma_wait3A_46] : memref<10240x128xf32, #tpu.memory_space<vmem_shared>> -> memref<128x128xf32, #tpu.memory_space<vmem_shared>>
      tpu.wait_dma2 semaphore(%run_scoped3A : memref<!tpu.dma_semaphore, #tpu.memory_space<semaphore_mem>>) src(%dma_wait3A_47 : memref<128x128xf32, #tpu.memory_space<vmem_shared>>) dst(%dma_wait3A_45 : memref<128x128xf32, #tpu.memory_space<hbm>>)
      tpu.yield
    }) : () -> ()
    %add3A_34 = arith.constant 512 : i32
    %add3A_35 = arith.addi %mul3A_0, %add3A_34 : i32
    %add3A_36 = arith.constant 512 : i32
    %add3A_37 = arith.addi %mul3A_0, %add3A_36 : i32
    "tpu.region"() ({
      %run_scoped3A = tpu.sem_alloc : memref<!tpu.dma_semaphore, #tpu.memory_space<semaphore_mem>>
      %dma_start3A_38 = arith.constant 0 : i32
      %dma_start3A_39 = tpu.memref_slice %arg8[%arg0, %add3A_37, %dma_start3A_38] : memref<2x10240x128xf32, #tpu.memory_space<hbm>> -> memref<1x128x128xf32, #tpu.memory_space<hbm>>
      %dma_start3A_40 = tpu.memref_squeeze %dma_start3A_39 : memref<1x128x128xf32, #tpu.memory_space<hbm>> -> memref<128x128xf32, #tpu.memory_space<hbm>>
      %dma_start3A_41 = arith.constant 0 : i32
      %dma_start3A_42 = tpu.memref_slice %arg18[%add3A_35, %dma_start3A_41] : memref<10240x128xf32, #tpu.memory_space<vmem_shared>> -> memref<128x128xf32, #tpu.memory_space<vmem_shared>>
      tpu.enqueue_dma source(%dma_start3A_42 : memref<128x128xf32, #tpu.memory_space<vmem_shared>>) target(%dma_start3A_40 : memref<128x128xf32, #tpu.memory_space<hbm>>) target_semaphore(%run_scoped3A : memref<!tpu.dma_semaphore, #tpu.memory_space<semaphore_mem>>)
      %dma_wait3A_43 = arith.constant 0 : i32
      %dma_wait3A_44 = tpu.memref_slice %arg8[%arg0, %add3A_37, %dma_wait3A_43] : memref<2x10240x128xf32, #tpu.memory_space<hbm>> -> memref<1x128x128xf32, #tpu.memory_space<hbm>>
      %dma_wait3A_45 = tpu.memref_squeeze %dma_wait3A_44 : memref<1x128x128xf32, #tpu.memory_space<hbm>> -> memref<128x128xf32, #tpu.memory_space<hbm>>
      %dma_wait3A_46 = arith.constant 0 : i32
      %dma_wait3A_47 = tpu.memref_slice %arg18[%add3A_35, %dma_wait3A_46] : memref<10240x128xf32, #tpu.memory_space<vmem_shared>> -> memref<128x128xf32, #tpu.memory_space<vmem_shared>>
      tpu.wait_dma2 semaphore(%run_scoped3A : memref<!tpu.dma_semaphore, #tpu.memory_space<semaphore_mem>>) src(%dma_wait3A_47 : memref<128x128xf32, #tpu.memory_space<vmem_shared>>) dst(%dma_wait3A_45 : memref<128x128xf32, #tpu.memory_space<hbm>>)
      tpu.yield
    }) : () -> ()
    "tpu.region"() ({
      %run_scoped3A = tpu.sem_alloc : memref<!tpu.dma_semaphore, #tpu.memory_space<semaphore_mem>>
      %dma_start3A_38 = tpu.memref_slice %arg9[%arg0, %mul3A_0] : memref<2x10240xf32, #tpu.memory_space<hbm>> -> memref<1x640xf32, #tpu.memory_space<hbm>>
      %dma_start3A_39 = tpu.memref_squeeze %dma_start3A_38 : memref<1x640xf32, #tpu.memory_space<hbm>> -> memref<640xf32, #tpu.memory_space<hbm>>
      %dma_start3A_40 = tpu.memref_slice %arg19[%mul3A_0] : memref<10240xf32, #tpu.memory_space<vmem_shared>> -> memref<640xf32, #tpu.memory_space<vmem_shared>>
      tpu.enqueue_dma source(%dma_start3A_40 : memref<640xf32, #tpu.memory_space<vmem_shared>>) target(%dma_start3A_39 : memref<640xf32, #tpu.memory_space<hbm>>) target_semaphore(%run_scoped3A : memref<!tpu.dma_semaphore, #tpu.memory_space<semaphore_mem>>)
      %dma_wait3A_41 = tpu.memref_slice %arg9[%arg0, %mul3A_0] : memref<2x10240xf32, #tpu.memory_space<hbm>> -> memref<1x640xf32, #tpu.memory_space<hbm>>
      %dma_wait3A_42 = tpu.memref_squeeze %dma_wait3A_41 : memref<1x640xf32, #tpu.memory_space<hbm>> -> memref<640xf32, #tpu.memory_space<hbm>>
      %dma_wait3A_43 = tpu.memref_slice %arg19[%mul3A_0] : memref<10240xf32, #tpu.memory_space<vmem_shared>> -> memref<640xf32, #tpu.memory_space<vmem_shared>>
      tpu.wait_dma2 semaphore(%run_scoped3A : memref<!tpu.dma_semaphore, #tpu.memory_space<semaphore_mem>>) src(%dma_wait3A_43 : memref<640xf32, #tpu.memory_space<vmem_shared>>) dst(%dma_wait3A_42 : memref<640xf32, #tpu.memory_space<hbm>>)
      tpu.yield
    }) : () -> ()
    return
  }
}

#map = affine_map<(d0, d1) -> (0, 0)>
#map1 = affine_map<(d0, d1) -> (0)>
#map2 = affine_map<(d0, d1) -> (0, 0, 0)>
module attributes {stable_mosaic.version = 14 : i64} {
  func.func @body(%arg0: i32, %arg1: i32, %arg2: memref<10240x128xf32, #tpu.memory_space<hbm>>, %arg3: memref<320000xi32, #tpu.memory_space<hbm>>, %arg4: memref<320000xi32, #tpu.memory_space<hbm>>, %arg5: memref<10240x128xf32, #tpu.memory_space<hbm>>, %arg6: memref<10240xf32, #tpu.memory_space<hbm>>, %arg7: memref<128xf32, #tpu.memory_space<hbm>>, %arg8: memref<2x10240x128xf32, #tpu.memory_space<hbm>>, %arg9: memref<128xi32, #tpu.memory_space<vmem>>, %arg10: memref<128xi32, #tpu.memory_space<vmem>>, %arg11: memref<128x128xf32, #tpu.memory_space<vmem>>, %arg12: memref<16xi32, #tpu.memory_space<vmem>>, %arg13: memref<16xi32, #tpu.memory_space<vmem>>, %arg14: memref<16x128xf32, #tpu.memory_space<vmem>>, %arg15: memref<128xf32, #tpu.memory_space<vmem>>, %arg16: memref<16xf32, #tpu.memory_space<vmem>>, %arg17: memref<10240x128xf32, #tpu.memory_space<vmem_shared>>, %arg18: memref<10240xf32, #tpu.memory_space<vmem_shared>>, %arg19: memref<!tpu.dma_semaphore, #tpu.memory_space<semaphore_mem>>) attributes {dimension_semantics = [#tpu.dimension_semantics<core_parallel>, #tpu.dimension_semantics<subcore_parallel>], iteration_bounds = array<i64: 2, 16>, scalar_prefetch = 0 : i64, scratch_operands = 11 : i64, tpu.core_type = #tpu.core_type<sc_vector_subcore>, window_params = [{transform_indices = #map}, {transform_indices = #map1}, {transform_indices = #map1}, {transform_indices = #map}, {transform_indices = #map1}, {transform_indices = #map1}, {transform_indices = #map2}]} {
    %mul3A = arith.constant 640 : i32
    %mul3A_0 = arith.muli %arg1, %mul3A : i32
    "tpu.region"() ({
      %run_scoped3A = tpu.sem_alloc : memref<!tpu.dma_semaphore, #tpu.memory_space<semaphore_mem>>
      %dma_start3A_38 = arith.constant 0 : i32
      %dma_start3A_39 = tpu.memref_slice %arg17[%mul3A_0, %dma_start3A_38] : memref<10240x128xf32, #tpu.memory_space<vmem_shared>> -> memref<640x128xf32, #tpu.memory_space<vmem_shared>>
      %dma_start3A_40 = arith.constant 0 : i32
      %dma_start3A_41 = tpu.memref_slice %arg5[%mul3A_0, %dma_start3A_40] : memref<10240x128xf32, #tpu.memory_space<hbm>> -> memref<640x128xf32, #tpu.memory_space<hbm>>
      tpu.enqueue_dma source(%dma_start3A_41 : memref<640x128xf32, #tpu.memory_space<hbm>>) target(%dma_start3A_39 : memref<640x128xf32, #tpu.memory_space<vmem_shared>>) target_semaphore(%run_scoped3A : memref<!tpu.dma_semaphore, #tpu.memory_space<semaphore_mem>>)
      %dma_wait3A_42 = arith.constant 0 : i32
      %dma_wait3A_43 = tpu.memref_slice %arg17[%mul3A_0, %dma_wait3A_42] : memref<10240x128xf32, #tpu.memory_space<vmem_shared>> -> memref<640x128xf32, #tpu.memory_space<vmem_shared>>
      %dma_wait3A_44 = arith.constant 0 : i32
      %dma_wait3A_45 = tpu.memref_slice %arg5[%mul3A_0, %dma_wait3A_44] : memref<10240x128xf32, #tpu.memory_space<hbm>> -> memref<640x128xf32, #tpu.memory_space<hbm>>
      tpu.wait_dma2 semaphore(%run_scoped3A : memref<!tpu.dma_semaphore, #tpu.memory_space<semaphore_mem>>) src(%dma_wait3A_45 : memref<640x128xf32, #tpu.memory_space<hbm>>) dst(%dma_wait3A_43 : memref<640x128xf32, #tpu.memory_space<vmem_shared>>)
      tpu.yield
    }) : () -> ()
    %barrier3A = arith.constant 0 : index
    tpu.barrier barrier_id(%barrier3A)
    %mul3A_1 = arith.constant 16 : i32
    %mul3A_2 = arith.muli %arg0, %mul3A_1 : i32
    %add3A = arith.addi %mul3A_2, %arg1 : i32
    %mul3A_3 = arith.constant 10000 : i32
    %mul3A_4 = arith.muli %add3A, %mul3A_3 : i32
    %scan3A = arith.constant 0 : i32
    %scan3A_5 = arith.constant 0 : i32
    %scan3A_6 = arith.constant 78 : i32
    %scan3A_7 = arith.addi %scan3A_5, %scan3A_6 : i32
    %scan3A_8 = arith.constant 1 : i32
    %scan3A_9 = scf.for %scan3A_38 = %scan3A_5 to %scan3A_7 step %scan3A_8 iter_args(%scan3A_39 = %scan3A) -> (i32)  : i32 {
      %mul3A_40 = arith.constant 128 : i32
      %mul3A_41 = arith.muli %scan3A_38, %mul3A_40 : i32
      %add3A_42 = arith.addi %mul3A_4, %mul3A_41 : i32
      "tpu.region"() ({
        %run_scoped3A = tpu.sem_alloc : memref<!tpu.dma_semaphore, #tpu.memory_space<semaphore_mem>>
        %dma_start3A_50 = tpu.memref_slice %arg3[%add3A_42] : memref<320000xi32, #tpu.memory_space<hbm>> -> memref<128xi32, #tpu.memory_space<hbm>>
        %dma_start3A_51 = tpu.memref_slice %arg3[%add3A_42] : memref<320000xi32, #tpu.memory_space<hbm>> -> memref<128xi32, #tpu.memory_space<hbm>>
        tpu.enqueue_dma source(%dma_start3A_51 : memref<128xi32, #tpu.memory_space<hbm>>) target(%arg9 : memref<128xi32, #tpu.memory_space<vmem>>) target_semaphore(%run_scoped3A : memref<!tpu.dma_semaphore, #tpu.memory_space<semaphore_mem>>)
        %dma_wait3A_52 = tpu.memref_slice %arg3[%add3A_42] : memref<320000xi32, #tpu.memory_space<hbm>> -> memref<128xi32, #tpu.memory_space<hbm>>
        %dma_wait3A_53 = tpu.memref_slice %arg3[%add3A_42] : memref<320000xi32, #tpu.memory_space<hbm>> -> memref<128xi32, #tpu.memory_space<hbm>>
        tpu.wait_dma2 semaphore(%run_scoped3A : memref<!tpu.dma_semaphore, #tpu.memory_space<semaphore_mem>>) src(%dma_wait3A_53 : memref<128xi32, #tpu.memory_space<hbm>>) dst(%arg9 : memref<128xi32, #tpu.memory_space<vmem>>)
        tpu.yield
      }) : () -> ()
      "tpu.region"() ({
        %run_scoped3A = tpu.sem_alloc : memref<!tpu.dma_semaphore, #tpu.memory_space<semaphore_mem>>
        %dma_start3A_50 = tpu.memref_slice %arg4[%add3A_42] : memref<320000xi32, #tpu.memory_space<hbm>> -> memref<128xi32, #tpu.memory_space<hbm>>
        %dma_start3A_51 = tpu.memref_slice %arg4[%add3A_42] : memref<320000xi32, #tpu.memory_space<hbm>> -> memref<128xi32, #tpu.memory_space<hbm>>
        tpu.enqueue_dma source(%dma_start3A_51 : memref<128xi32, #tpu.memory_space<hbm>>) target(%arg10 : memref<128xi32, #tpu.memory_space<vmem>>) target_semaphore(%run_scoped3A : memref<!tpu.dma_semaphore, #tpu.memory_space<semaphore_mem>>)
        %dma_wait3A_52 = tpu.memref_slice %arg4[%add3A_42] : memref<320000xi32, #tpu.memory_space<hbm>> -> memref<128xi32, #tpu.memory_space<hbm>>
        %dma_wait3A_53 = tpu.memref_slice %arg4[%add3A_42] : memref<320000xi32, #tpu.memory_space<hbm>> -> memref<128xi32, #tpu.memory_space<hbm>>
        tpu.wait_dma2 semaphore(%run_scoped3A : memref<!tpu.dma_semaphore, #tpu.memory_space<semaphore_mem>>) src(%dma_wait3A_53 : memref<128xi32, #tpu.memory_space<hbm>>) dst(%arg10 : memref<128xi32, #tpu.memory_space<vmem>>)
        tpu.yield
      }) : () -> ()
      %dma_start3A_43 = arith.constant 0 : i32
      %dma_start3A_44 = arith.constant 0 : i32
      %dma_start3A_45 = tpu.memref_slice %arg2[%dma_start3A_43, %dma_start3A_44] : memref<10240x128xf32, #tpu.memory_space<hbm>> -> memref<10240x128xf32, #tpu.memory_space<hbm>>
      tpu.enqueue_indirect_dma source(%dma_start3A_45 : memref<10240x128xf32, #tpu.memory_space<hbm>>) target(%arg11 : memref<128x128xf32, #tpu.memory_space<vmem>>) offsets(%arg9 : memref<128xi32, #tpu.memory_space<vmem>>) semaphore(%arg19 : memref<!tpu.dma_semaphore, #tpu.memory_space<semaphore_mem>>)
      %dma_wait3A_46 = arith.constant 0 : i32
      %dma_wait3A_47 = arith.constant 0 : i32
      %dma_wait3A_48 = tpu.memref_slice %arg2[%dma_wait3A_46, %dma_wait3A_47] : memref<10240x128xf32, #tpu.memory_space<hbm>> -> memref<10240x128xf32, #tpu.memory_space<hbm>>
      tpu.wait_indirect_dma semaphore(%arg19 : memref<!tpu.dma_semaphore, #tpu.memory_space<semaphore_mem>>) src(%dma_wait3A_48 : memref<10240x128xf32, #tpu.memory_space<hbm>>) dst(%arg11 : memref<128x128xf32, #tpu.memory_space<vmem>>)
      "tpu.region"() ({
        %run_scoped3A = tpu.sem_alloc : memref<!tpu.dma_semaphore, #tpu.memory_space<semaphore_mem>>
        %dma_start3A_50 = arith.constant 0 : i32
        %dma_start3A_51 = arith.constant 0 : i32
        %dma_start3A_52 = tpu.memref_slice %arg17[%dma_start3A_50, %dma_start3A_51] : memref<10240x128xf32, #tpu.memory_space<vmem_shared>> -> memref<10240x128xf32, #tpu.memory_space<vmem_shared>>
        tpu.enqueue_indirect_dma source(%arg11 : memref<128x128xf32, #tpu.memory_space<vmem>>) target(%dma_start3A_52 : memref<10240x128xf32, #tpu.memory_space<vmem_shared>>) offsets(%arg10 : memref<128xi32, #tpu.memory_space<vmem>>) semaphore(%run_scoped3A : memref<!tpu.dma_semaphore, #tpu.memory_space<semaphore_mem>>) {add = true}
        %dma_wait3A_53 = arith.constant 0 : i32
        %dma_wait3A_54 = arith.constant 0 : i32
        %dma_wait3A_55 = tpu.memref_slice %arg17[%dma_wait3A_53, %dma_wait3A_54] : memref<10240x128xf32, #tpu.memory_space<vmem_shared>> -> memref<10240x128xf32, #tpu.memory_space<vmem_shared>>
        tpu.wait_indirect_dma semaphore(%run_scoped3A : memref<!tpu.dma_semaphore, #tpu.memory_space<semaphore_mem>>) src(%arg11 : memref<128x128xf32, #tpu.memory_space<vmem>>) dst(%dma_wait3A_55 : memref<10240x128xf32, #tpu.memory_space<vmem_shared>>)
        tpu.yield
      }) : () -> ()
      %scan3A_49 = arith.constant 0 : i32
      scf.yield %scan3A_49 : i32
    }
    %scan3A_10 = arith.constant 78 : i32
    %add3A_11 = arith.constant 9984 : i32
    %add3A_12 = arith.addi %mul3A_4, %add3A_11 : i32
    "tpu.region"() ({
      %run_scoped3A = tpu.sem_alloc : memref<!tpu.dma_semaphore, #tpu.memory_space<semaphore_mem>>
      %dma_start3A_38 = tpu.memref_slice %arg3[%add3A_12] : memref<320000xi32, #tpu.memory_space<hbm>> -> memref<16xi32, #tpu.memory_space<hbm>>
      %dma_start3A_39 = tpu.memref_slice %arg3[%add3A_12] : memref<320000xi32, #tpu.memory_space<hbm>> -> memref<16xi32, #tpu.memory_space<hbm>>
      tpu.enqueue_dma source(%dma_start3A_39 : memref<16xi32, #tpu.memory_space<hbm>>) target(%arg12 : memref<16xi32, #tpu.memory_space<vmem>>) target_semaphore(%run_scoped3A : memref<!tpu.dma_semaphore, #tpu.memory_space<semaphore_mem>>)
      %dma_wait3A_40 = tpu.memref_slice %arg3[%add3A_12] : memref<320000xi32, #tpu.memory_space<hbm>> -> memref<16xi32, #tpu.memory_space<hbm>>
      %dma_wait3A_41 = tpu.memref_slice %arg3[%add3A_12] : memref<320000xi32, #tpu.memory_space<hbm>> -> memref<16xi32, #tpu.memory_space<hbm>>
      tpu.wait_dma2 semaphore(%run_scoped3A : memref<!tpu.dma_semaphore, #tpu.memory_space<semaphore_mem>>) src(%dma_wait3A_41 : memref<16xi32, #tpu.memory_space<hbm>>) dst(%arg12 : memref<16xi32, #tpu.memory_space<vmem>>)
      tpu.yield
    }) : () -> ()
    "tpu.region"() ({
      %run_scoped3A = tpu.sem_alloc : memref<!tpu.dma_semaphore, #tpu.memory_space<semaphore_mem>>
      %dma_start3A_38 = tpu.memref_slice %arg4[%add3A_12] : memref<320000xi32, #tpu.memory_space<hbm>> -> memref<16xi32, #tpu.memory_space<hbm>>
      %dma_start3A_39 = tpu.memref_slice %arg4[%add3A_12] : memref<320000xi32, #tpu.memory_space<hbm>> -> memref<16xi32, #tpu.memory_space<hbm>>
      tpu.enqueue_dma source(%dma_start3A_39 : memref<16xi32, #tpu.memory_space<hbm>>) target(%arg13 : memref<16xi32, #tpu.memory_space<vmem>>) target_semaphore(%run_scoped3A : memref<!tpu.dma_semaphore, #tpu.memory_space<semaphore_mem>>)
      %dma_wait3A_40 = tpu.memref_slice %arg4[%add3A_12] : memref<320000xi32, #tpu.memory_space<hbm>> -> memref<16xi32, #tpu.memory_space<hbm>>
      %dma_wait3A_41 = tpu.memref_slice %arg4[%add3A_12] : memref<320000xi32, #tpu.memory_space<hbm>> -> memref<16xi32, #tpu.memory_space<hbm>>
      tpu.wait_dma2 semaphore(%run_scoped3A : memref<!tpu.dma_semaphore, #tpu.memory_space<semaphore_mem>>) src(%dma_wait3A_41 : memref<16xi32, #tpu.memory_space<hbm>>) dst(%arg13 : memref<16xi32, #tpu.memory_space<vmem>>)
      tpu.yield
    }) : () -> ()
    %dma_start3A = arith.constant 0 : i32
    %dma_start3A_13 = arith.constant 0 : i32
    %dma_start3A_14 = tpu.memref_slice %arg2[%dma_start3A, %dma_start3A_13] : memref<10240x128xf32, #tpu.memory_space<hbm>> -> memref<10240x128xf32, #tpu.memory_space<hbm>>
    tpu.enqueue_indirect_dma source(%dma_start3A_14 : memref<10240x128xf32, #tpu.memory_space<hbm>>) target(%arg14 : memref<16x128xf32, #tpu.memory_space<vmem>>) offsets(%arg12 : memref<16xi32, #tpu.memory_space<vmem>>) semaphore(%arg19 : memref<!tpu.dma_semaphore, #tpu.memory_space<semaphore_mem>>)
    %dma_wait3A = arith.constant 0 : i32
    %dma_wait3A_15 = arith.constant 0 : i32
    %dma_wait3A_16 = tpu.memref_slice %arg2[%dma_wait3A, %dma_wait3A_15] : memref<10240x128xf32, #tpu.memory_space<hbm>> -> memref<10240x128xf32, #tpu.memory_space<hbm>>
    tpu.wait_indirect_dma semaphore(%arg19 : memref<!tpu.dma_semaphore, #tpu.memory_space<semaphore_mem>>) src(%dma_wait3A_16 : memref<10240x128xf32, #tpu.memory_space<hbm>>) dst(%arg14 : memref<16x128xf32, #tpu.memory_space<vmem>>)
    "tpu.region"() ({
      %run_scoped3A = tpu.sem_alloc : memref<!tpu.dma_semaphore, #tpu.memory_space<semaphore_mem>>
      %dma_start3A_38 = arith.constant 0 : i32
      %dma_start3A_39 = arith.constant 0 : i32
      %dma_start3A_40 = tpu.memref_slice %arg17[%dma_start3A_38, %dma_start3A_39] : memref<10240x128xf32, #tpu.memory_space<vmem_shared>> -> memref<10240x128xf32, #tpu.memory_space<vmem_shared>>
      tpu.enqueue_indirect_dma source(%arg14 : memref<16x128xf32, #tpu.memory_space<vmem>>) target(%dma_start3A_40 : memref<10240x128xf32, #tpu.memory_space<vmem_shared>>) offsets(%arg13 : memref<16xi32, #tpu.memory_space<vmem>>) semaphore(%run_scoped3A : memref<!tpu.dma_semaphore, #tpu.memory_space<semaphore_mem>>) {add = true}
      %dma_wait3A_41 = arith.constant 0 : i32
      %dma_wait3A_42 = arith.constant 0 : i32
      %dma_wait3A_43 = tpu.memref_slice %arg17[%dma_wait3A_41, %dma_wait3A_42] : memref<10240x128xf32, #tpu.memory_space<vmem_shared>> -> memref<10240x128xf32, #tpu.memory_space<vmem_shared>>
      tpu.wait_indirect_dma semaphore(%run_scoped3A : memref<!tpu.dma_semaphore, #tpu.memory_space<semaphore_mem>>) src(%arg14 : memref<16x128xf32, #tpu.memory_space<vmem>>) dst(%dma_wait3A_43 : memref<10240x128xf32, #tpu.memory_space<vmem_shared>>)
      tpu.yield
    }) : () -> ()
    %barrier3A_17 = arith.constant 0 : index
    tpu.barrier barrier_id(%barrier3A_17)
    %add3A_18 = arith.constant 0 : i32
    %add3A_19 = arith.addi %mul3A_0, %add3A_18 : i32
    %add3A_20 = arith.constant 0 : i32
    %add3A_21 = arith.addi %mul3A_0, %add3A_20 : i32
    "tpu.region"() ({
      %run_scoped3A = tpu.sem_alloc : memref<!tpu.dma_semaphore, #tpu.memory_space<semaphore_mem>>
      %dma_start3A_38 = arith.constant 0 : i32
      %dma_start3A_39 = tpu.memref_slice %arg8[%arg0, %add3A_21, %dma_start3A_38] : memref<2x10240x128xf32, #tpu.memory_space<hbm>> -> memref<1x128x128xf32, #tpu.memory_space<hbm>>
      %dma_start3A_40 = tpu.memref_squeeze %dma_start3A_39 : memref<1x128x128xf32, #tpu.memory_space<hbm>> -> memref<128x128xf32, #tpu.memory_space<hbm>>
      %dma_start3A_41 = arith.constant 0 : i32
      %dma_start3A_42 = tpu.memref_slice %arg17[%add3A_19, %dma_start3A_41] : memref<10240x128xf32, #tpu.memory_space<vmem_shared>> -> memref<128x128xf32, #tpu.memory_space<vmem_shared>>
      tpu.enqueue_dma source(%dma_start3A_42 : memref<128x128xf32, #tpu.memory_space<vmem_shared>>) target(%dma_start3A_40 : memref<128x128xf32, #tpu.memory_space<hbm>>) target_semaphore(%run_scoped3A : memref<!tpu.dma_semaphore, #tpu.memory_space<semaphore_mem>>)
      %dma_wait3A_43 = arith.constant 0 : i32
      %dma_wait3A_44 = tpu.memref_slice %arg8[%arg0, %add3A_21, %dma_wait3A_43] : memref<2x10240x128xf32, #tpu.memory_space<hbm>> -> memref<1x128x128xf32, #tpu.memory_space<hbm>>
      %dma_wait3A_45 = tpu.memref_squeeze %dma_wait3A_44 : memref<1x128x128xf32, #tpu.memory_space<hbm>> -> memref<128x128xf32, #tpu.memory_space<hbm>>
      %dma_wait3A_46 = arith.constant 0 : i32
      %dma_wait3A_47 = tpu.memref_slice %arg17[%add3A_19, %dma_wait3A_46] : memref<10240x128xf32, #tpu.memory_space<vmem_shared>> -> memref<128x128xf32, #tpu.memory_space<vmem_shared>>
      tpu.wait_dma2 semaphore(%run_scoped3A : memref<!tpu.dma_semaphore, #tpu.memory_space<semaphore_mem>>) src(%dma_wait3A_47 : memref<128x128xf32, #tpu.memory_space<vmem_shared>>) dst(%dma_wait3A_45 : memref<128x128xf32, #tpu.memory_space<hbm>>)
      tpu.yield
    }) : () -> ()
    %add3A_22 = arith.constant 128 : i32
    %add3A_23 = arith.addi %mul3A_0, %add3A_22 : i32
    %add3A_24 = arith.constant 128 : i32
    %add3A_25 = arith.addi %mul3A_0, %add3A_24 : i32
    "tpu.region"() ({
      %run_scoped3A = tpu.sem_alloc : memref<!tpu.dma_semaphore, #tpu.memory_space<semaphore_mem>>
      %dma_start3A_38 = arith.constant 0 : i32
      %dma_start3A_39 = tpu.memref_slice %arg8[%arg0, %add3A_25, %dma_start3A_38] : memref<2x10240x128xf32, #tpu.memory_space<hbm>> -> memref<1x128x128xf32, #tpu.memory_space<hbm>>
      %dma_start3A_40 = tpu.memref_squeeze %dma_start3A_39 : memref<1x128x128xf32, #tpu.memory_space<hbm>> -> memref<128x128xf32, #tpu.memory_space<hbm>>
      %dma_start3A_41 = arith.constant 0 : i32
      %dma_start3A_42 = tpu.memref_slice %arg17[%add3A_23, %dma_start3A_41] : memref<10240x128xf32, #tpu.memory_space<vmem_shared>> -> memref<128x128xf32, #tpu.memory_space<vmem_shared>>
      tpu.enqueue_dma source(%dma_start3A_42 : memref<128x128xf32, #tpu.memory_space<vmem_shared>>) target(%dma_start3A_40 : memref<128x128xf32, #tpu.memory_space<hbm>>) target_semaphore(%run_scoped3A : memref<!tpu.dma_semaphore, #tpu.memory_space<semaphore_mem>>)
      %dma_wait3A_43 = arith.constant 0 : i32
      %dma_wait3A_44 = tpu.memref_slice %arg8[%arg0, %add3A_25, %dma_wait3A_43] : memref<2x10240x128xf32, #tpu.memory_space<hbm>> -> memref<1x128x128xf32, #tpu.memory_space<hbm>>
      %dma_wait3A_45 = tpu.memref_squeeze %dma_wait3A_44 : memref<1x128x128xf32, #tpu.memory_space<hbm>> -> memref<128x128xf32, #tpu.memory_space<hbm>>
      %dma_wait3A_46 = arith.constant 0 : i32
      %dma_wait3A_47 = tpu.memref_slice %arg17[%add3A_23, %dma_wait3A_46] : memref<10240x128xf32, #tpu.memory_space<vmem_shared>> -> memref<128x128xf32, #tpu.memory_space<vmem_shared>>
      tpu.wait_dma2 semaphore(%run_scoped3A : memref<!tpu.dma_semaphore, #tpu.memory_space<semaphore_mem>>) src(%dma_wait3A_47 : memref<128x128xf32, #tpu.memory_space<vmem_shared>>) dst(%dma_wait3A_45 : memref<128x128xf32, #tpu.memory_space<hbm>>)
      tpu.yield
    }) : () -> ()
    %add3A_26 = arith.constant 256 : i32
    %add3A_27 = arith.addi %mul3A_0, %add3A_26 : i32
    %add3A_28 = arith.constant 256 : i32
    %add3A_29 = arith.addi %mul3A_0, %add3A_28 : i32
    "tpu.region"() ({
      %run_scoped3A = tpu.sem_alloc : memref<!tpu.dma_semaphore, #tpu.memory_space<semaphore_mem>>
      %dma_start3A_38 = arith.constant 0 : i32
      %dma_start3A_39 = tpu.memref_slice %arg8[%arg0, %add3A_29, %dma_start3A_38] : memref<2x10240x128xf32, #tpu.memory_space<hbm>> -> memref<1x128x128xf32, #tpu.memory_space<hbm>>
      %dma_start3A_40 = tpu.memref_squeeze %dma_start3A_39 : memref<1x128x128xf32, #tpu.memory_space<hbm>> -> memref<128x128xf32, #tpu.memory_space<hbm>>
      %dma_start3A_41 = arith.constant 0 : i32
      %dma_start3A_42 = tpu.memref_slice %arg17[%add3A_27, %dma_start3A_41] : memref<10240x128xf32, #tpu.memory_space<vmem_shared>> -> memref<128x128xf32, #tpu.memory_space<vmem_shared>>
      tpu.enqueue_dma source(%dma_start3A_42 : memref<128x128xf32, #tpu.memory_space<vmem_shared>>) target(%dma_start3A_40 : memref<128x128xf32, #tpu.memory_space<hbm>>) target_semaphore(%run_scoped3A : memref<!tpu.dma_semaphore, #tpu.memory_space<semaphore_mem>>)
      %dma_wait3A_43 = arith.constant 0 : i32
      %dma_wait3A_44 = tpu.memref_slice %arg8[%arg0, %add3A_29, %dma_wait3A_43] : memref<2x10240x128xf32, #tpu.memory_space<hbm>> -> memref<1x128x128xf32, #tpu.memory_space<hbm>>
      %dma_wait3A_45 = tpu.memref_squeeze %dma_wait3A_44 : memref<1x128x128xf32, #tpu.memory_space<hbm>> -> memref<128x128xf32, #tpu.memory_space<hbm>>
      %dma_wait3A_46 = arith.constant 0 : i32
      %dma_wait3A_47 = tpu.memref_slice %arg17[%add3A_27, %dma_wait3A_46] : memref<10240x128xf32, #tpu.memory_space<vmem_shared>> -> memref<128x128xf32, #tpu.memory_space<vmem_shared>>
      tpu.wait_dma2 semaphore(%run_scoped3A : memref<!tpu.dma_semaphore, #tpu.memory_space<semaphore_mem>>) src(%dma_wait3A_47 : memref<128x128xf32, #tpu.memory_space<vmem_shared>>) dst(%dma_wait3A_45 : memref<128x128xf32, #tpu.memory_space<hbm>>)
      tpu.yield
    }) : () -> ()
    %add3A_30 = arith.constant 384 : i32
    %add3A_31 = arith.addi %mul3A_0, %add3A_30 : i32
    %add3A_32 = arith.constant 384 : i32
    %add3A_33 = arith.addi %mul3A_0, %add3A_32 : i32
    "tpu.region"() ({
      %run_scoped3A = tpu.sem_alloc : memref<!tpu.dma_semaphore, #tpu.memory_space<semaphore_mem>>
      %dma_start3A_38 = arith.constant 0 : i32
      %dma_start3A_39 = tpu.memref_slice %arg8[%arg0, %add3A_33, %dma_start3A_38] : memref<2x10240x128xf32, #tpu.memory_space<hbm>> -> memref<1x128x128xf32, #tpu.memory_space<hbm>>
      %dma_start3A_40 = tpu.memref_squeeze %dma_start3A_39 : memref<1x128x128xf32, #tpu.memory_space<hbm>> -> memref<128x128xf32, #tpu.memory_space<hbm>>
      %dma_start3A_41 = arith.constant 0 : i32
      %dma_start3A_42 = tpu.memref_slice %arg17[%add3A_31, %dma_start3A_41] : memref<10240x128xf32, #tpu.memory_space<vmem_shared>> -> memref<128x128xf32, #tpu.memory_space<vmem_shared>>
      tpu.enqueue_dma source(%dma_start3A_42 : memref<128x128xf32, #tpu.memory_space<vmem_shared>>) target(%dma_start3A_40 : memref<128x128xf32, #tpu.memory_space<hbm>>) target_semaphore(%run_scoped3A : memref<!tpu.dma_semaphore, #tpu.memory_space<semaphore_mem>>)
      %dma_wait3A_43 = arith.constant 0 : i32
      %dma_wait3A_44 = tpu.memref_slice %arg8[%arg0, %add3A_33, %dma_wait3A_43] : memref<2x10240x128xf32, #tpu.memory_space<hbm>> -> memref<1x128x128xf32, #tpu.memory_space<hbm>>
      %dma_wait3A_45 = tpu.memref_squeeze %dma_wait3A_44 : memref<1x128x128xf32, #tpu.memory_space<hbm>> -> memref<128x128xf32, #tpu.memory_space<hbm>>
      %dma_wait3A_46 = arith.constant 0 : i32
      %dma_wait3A_47 = tpu.memref_slice %arg17[%add3A_31, %dma_wait3A_46] : memref<10240x128xf32, #tpu.memory_space<vmem_shared>> -> memref<128x128xf32, #tpu.memory_space<vmem_shared>>
      tpu.wait_dma2 semaphore(%run_scoped3A : memref<!tpu.dma_semaphore, #tpu.memory_space<semaphore_mem>>) src(%dma_wait3A_47 : memref<128x128xf32, #tpu.memory_space<vmem_shared>>) dst(%dma_wait3A_45 : memref<128x128xf32, #tpu.memory_space<hbm>>)
      tpu.yield
    }) : () -> ()
    %add3A_34 = arith.constant 512 : i32
    %add3A_35 = arith.addi %mul3A_0, %add3A_34 : i32
    %add3A_36 = arith.constant 512 : i32
    %add3A_37 = arith.addi %mul3A_0, %add3A_36 : i32
    "tpu.region"() ({
      %run_scoped3A = tpu.sem_alloc : memref<!tpu.dma_semaphore, #tpu.memory_space<semaphore_mem>>
      %dma_start3A_38 = arith.constant 0 : i32
      %dma_start3A_39 = tpu.memref_slice %arg8[%arg0, %add3A_37, %dma_start3A_38] : memref<2x10240x128xf32, #tpu.memory_space<hbm>> -> memref<1x128x128xf32, #tpu.memory_space<hbm>>
      %dma_start3A_40 = tpu.memref_squeeze %dma_start3A_39 : memref<1x128x128xf32, #tpu.memory_space<hbm>> -> memref<128x128xf32, #tpu.memory_space<hbm>>
      %dma_start3A_41 = arith.constant 0 : i32
      %dma_start3A_42 = tpu.memref_slice %arg17[%add3A_35, %dma_start3A_41] : memref<10240x128xf32, #tpu.memory_space<vmem_shared>> -> memref<128x128xf32, #tpu.memory_space<vmem_shared>>
      tpu.enqueue_dma source(%dma_start3A_42 : memref<128x128xf32, #tpu.memory_space<vmem_shared>>) target(%dma_start3A_40 : memref<128x128xf32, #tpu.memory_space<hbm>>) target_semaphore(%run_scoped3A : memref<!tpu.dma_semaphore, #tpu.memory_space<semaphore_mem>>)
      %dma_wait3A_43 = arith.constant 0 : i32
      %dma_wait3A_44 = tpu.memref_slice %arg8[%arg0, %add3A_37, %dma_wait3A_43] : memref<2x10240x128xf32, #tpu.memory_space<hbm>> -> memref<1x128x128xf32, #tpu.memory_space<hbm>>
      %dma_wait3A_45 = tpu.memref_squeeze %dma_wait3A_44 : memref<1x128x128xf32, #tpu.memory_space<hbm>> -> memref<128x128xf32, #tpu.memory_space<hbm>>
      %dma_wait3A_46 = arith.constant 0 : i32
      %dma_wait3A_47 = tpu.memref_slice %arg17[%add3A_35, %dma_wait3A_46] : memref<10240x128xf32, #tpu.memory_space<vmem_shared>> -> memref<128x128xf32, #tpu.memory_space<vmem_shared>>
      tpu.wait_dma2 semaphore(%run_scoped3A : memref<!tpu.dma_semaphore, #tpu.memory_space<semaphore_mem>>) src(%dma_wait3A_47 : memref<128x128xf32, #tpu.memory_space<vmem_shared>>) dst(%dma_wait3A_45 : memref<128x128xf32, #tpu.memory_space<hbm>>)
      tpu.yield
    }) : () -> ()
    return
  }
}

#map = affine_map<(d0, d1) -> (0)>
#map1 = affine_map<(d0, d1) -> (0, 0)>
module attributes {stable_mosaic.version = 14 : i64} {
  func.func @body(%arg0: i32, %arg1: i32, %arg2: memref<10240xf32, #tpu.memory_space<hbm>>, %arg3: memref<320000xi32, #tpu.memory_space<hbm>>, %arg4: memref<320000xi32, #tpu.memory_space<hbm>>, %arg5: memref<10240xf32, #tpu.memory_space<hbm>>, %arg6: memref<2x10240xf32, #tpu.memory_space<hbm>>, %arg7: memref<128xi32, #tpu.memory_space<vmem>>, %arg8: memref<128xi32, #tpu.memory_space<vmem>>, %arg9: memref<128xf32, #tpu.memory_space<vmem>>, %arg10: memref<16xi32, #tpu.memory_space<vmem>>, %arg11: memref<16xi32, #tpu.memory_space<vmem>>, %arg12: memref<16xf32, #tpu.memory_space<vmem>>, %arg13: memref<10240xf32, #tpu.memory_space<vmem_shared>>, %arg14: memref<!tpu.dma_semaphore, #tpu.memory_space<semaphore_mem>>) attributes {dimension_semantics = [#tpu.dimension_semantics<core_parallel>, #tpu.dimension_semantics<subcore_parallel>], iteration_bounds = array<i64: 2, 16>, scalar_prefetch = 0 : i64, scratch_operands = 8 : i64, tpu.core_type = #tpu.core_type<sc_vector_subcore>, window_params = [{transform_indices = #map}, {transform_indices = #map}, {transform_indices = #map}, {transform_indices = #map}, {transform_indices = #map1}]} {
    %mul3A = arith.constant 640 : i32
    %mul3A_0 = arith.muli %arg1, %mul3A : i32
    "tpu.region"() ({
      %run_scoped3A = tpu.sem_alloc : memref<!tpu.dma_semaphore, #tpu.memory_space<semaphore_mem>>
      %dma_start3A_16 = tpu.memref_slice %arg13[%mul3A_0] : memref<10240xf32, #tpu.memory_space<vmem_shared>> -> memref<640xf32, #tpu.memory_space<vmem_shared>>
      %dma_start3A_17 = tpu.memref_slice %arg5[%mul3A_0] : memref<10240xf32, #tpu.memory_space<hbm>> -> memref<640xf32, #tpu.memory_space<hbm>>
      tpu.enqueue_dma source(%dma_start3A_17 : memref<640xf32, #tpu.memory_space<hbm>>) target(%dma_start3A_16 : memref<640xf32, #tpu.memory_space<vmem_shared>>) target_semaphore(%run_scoped3A : memref<!tpu.dma_semaphore, #tpu.memory_space<semaphore_mem>>)
      %dma_wait3A_18 = tpu.memref_slice %arg13[%mul3A_0] : memref<10240xf32, #tpu.memory_space<vmem_shared>> -> memref<640xf32, #tpu.memory_space<vmem_shared>>
      %dma_wait3A_19 = tpu.memref_slice %arg5[%mul3A_0] : memref<10240xf32, #tpu.memory_space<hbm>> -> memref<640xf32, #tpu.memory_space<hbm>>
      tpu.wait_dma2 semaphore(%run_scoped3A : memref<!tpu.dma_semaphore, #tpu.memory_space<semaphore_mem>>) src(%dma_wait3A_19 : memref<640xf32, #tpu.memory_space<hbm>>) dst(%dma_wait3A_18 : memref<640xf32, #tpu.memory_space<vmem_shared>>)
      tpu.yield
    }) : () -> ()
    %barrier3A = arith.constant 0 : index
    tpu.barrier barrier_id(%barrier3A)
    %mul3A_1 = arith.constant 16 : i32
    %mul3A_2 = arith.muli %arg0, %mul3A_1 : i32
    %add3A = arith.addi %mul3A_2, %arg1 : i32
    %mul3A_3 = arith.constant 10000 : i32
    %mul3A_4 = arith.muli %add3A, %mul3A_3 : i32
    %scan3A = arith.constant 0 : i32
    %scan3A_5 = arith.constant 0 : i32
    %scan3A_6 = arith.constant 78 : i32
    %scan3A_7 = arith.addi %scan3A_5, %scan3A_6 : i32
    %scan3A_8 = arith.constant 1 : i32
    %scan3A_9 = scf.for %scan3A_16 = %scan3A_5 to %scan3A_7 step %scan3A_8 iter_args(%scan3A_17 = %scan3A) -> (i32)  : i32 {
      %mul3A_18 = arith.constant 128 : i32
      %mul3A_19 = arith.muli %scan3A_16, %mul3A_18 : i32
      %add3A_20 = arith.addi %mul3A_4, %mul3A_19 : i32
      "tpu.region"() ({
        %run_scoped3A = tpu.sem_alloc : memref<!tpu.dma_semaphore, #tpu.memory_space<semaphore_mem>>
        %dma_start3A_26 = tpu.memref_slice %arg3[%add3A_20] : memref<320000xi32, #tpu.memory_space<hbm>> -> memref<128xi32, #tpu.memory_space<hbm>>
        %dma_start3A_27 = tpu.memref_slice %arg3[%add3A_20] : memref<320000xi32, #tpu.memory_space<hbm>> -> memref<128xi32, #tpu.memory_space<hbm>>
        tpu.enqueue_dma source(%dma_start3A_27 : memref<128xi32, #tpu.memory_space<hbm>>) target(%arg7 : memref<128xi32, #tpu.memory_space<vmem>>) target_semaphore(%run_scoped3A : memref<!tpu.dma_semaphore, #tpu.memory_space<semaphore_mem>>)
        %dma_wait3A_28 = tpu.memref_slice %arg3[%add3A_20] : memref<320000xi32, #tpu.memory_space<hbm>> -> memref<128xi32, #tpu.memory_space<hbm>>
        %dma_wait3A_29 = tpu.memref_slice %arg3[%add3A_20] : memref<320000xi32, #tpu.memory_space<hbm>> -> memref<128xi32, #tpu.memory_space<hbm>>
        tpu.wait_dma2 semaphore(%run_scoped3A : memref<!tpu.dma_semaphore, #tpu.memory_space<semaphore_mem>>) src(%dma_wait3A_29 : memref<128xi32, #tpu.memory_space<hbm>>) dst(%arg7 : memref<128xi32, #tpu.memory_space<vmem>>)
        tpu.yield
      }) : () -> ()
      "tpu.region"() ({
        %run_scoped3A = tpu.sem_alloc : memref<!tpu.dma_semaphore, #tpu.memory_space<semaphore_mem>>
        %dma_start3A_26 = tpu.memref_slice %arg4[%add3A_20] : memref<320000xi32, #tpu.memory_space<hbm>> -> memref<128xi32, #tpu.memory_space<hbm>>
        %dma_start3A_27 = tpu.memref_slice %arg4[%add3A_20] : memref<320000xi32, #tpu.memory_space<hbm>> -> memref<128xi32, #tpu.memory_space<hbm>>
        tpu.enqueue_dma source(%dma_start3A_27 : memref<128xi32, #tpu.memory_space<hbm>>) target(%arg8 : memref<128xi32, #tpu.memory_space<vmem>>) target_semaphore(%run_scoped3A : memref<!tpu.dma_semaphore, #tpu.memory_space<semaphore_mem>>)
        %dma_wait3A_28 = tpu.memref_slice %arg4[%add3A_20] : memref<320000xi32, #tpu.memory_space<hbm>> -> memref<128xi32, #tpu.memory_space<hbm>>
        %dma_wait3A_29 = tpu.memref_slice %arg4[%add3A_20] : memref<320000xi32, #tpu.memory_space<hbm>> -> memref<128xi32, #tpu.memory_space<hbm>>
        tpu.wait_dma2 semaphore(%run_scoped3A : memref<!tpu.dma_semaphore, #tpu.memory_space<semaphore_mem>>) src(%dma_wait3A_29 : memref<128xi32, #tpu.memory_space<hbm>>) dst(%arg8 : memref<128xi32, #tpu.memory_space<vmem>>)
        tpu.yield
      }) : () -> ()
      %dma_start3A_21 = arith.constant 0 : i32
      %dma_start3A_22 = tpu.memref_slice %arg2[%dma_start3A_21] : memref<10240xf32, #tpu.memory_space<hbm>> -> memref<10240xf32, #tpu.memory_space<hbm>>
      tpu.enqueue_indirect_dma source(%dma_start3A_22 : memref<10240xf32, #tpu.memory_space<hbm>>) target(%arg9 : memref<128xf32, #tpu.memory_space<vmem>>) offsets(%arg7 : memref<128xi32, #tpu.memory_space<vmem>>) semaphore(%arg14 : memref<!tpu.dma_semaphore, #tpu.memory_space<semaphore_mem>>)
      %dma_wait3A_23 = arith.constant 0 : i32
      %dma_wait3A_24 = tpu.memref_slice %arg2[%dma_wait3A_23] : memref<10240xf32, #tpu.memory_space<hbm>> -> memref<10240xf32, #tpu.memory_space<hbm>>
      tpu.wait_indirect_dma semaphore(%arg14 : memref<!tpu.dma_semaphore, #tpu.memory_space<semaphore_mem>>) src(%dma_wait3A_24 : memref<10240xf32, #tpu.memory_space<hbm>>) dst(%arg9 : memref<128xf32, #tpu.memory_space<vmem>>)
      "tpu.region"() ({
        %run_scoped3A = tpu.sem_alloc : memref<!tpu.dma_semaphore, #tpu.memory_space<semaphore_mem>>
        %dma_start3A_26 = arith.constant 0 : i32
        %dma_start3A_27 = tpu.memref_slice %arg13[%dma_start3A_26] : memref<10240xf32, #tpu.memory_space<vmem_shared>> -> memref<10240xf32, #tpu.memory_space<vmem_shared>>
        tpu.enqueue_indirect_dma source(%arg9 : memref<128xf32, #tpu.memory_space<vmem>>) target(%dma_start3A_27 : memref<10240xf32, #tpu.memory_space<vmem_shared>>) offsets(%arg8 : memref<128xi32, #tpu.memory_space<vmem>>) semaphore(%run_scoped3A : memref<!tpu.dma_semaphore, #tpu.memory_space<semaphore_mem>>) {add = true}
        %dma_wait3A_28 = arith.constant 0 : i32
        %dma_wait3A_29 = tpu.memref_slice %arg13[%dma_wait3A_28] : memref<10240xf32, #tpu.memory_space<vmem_shared>> -> memref<10240xf32, #tpu.memory_space<vmem_shared>>
        tpu.wait_indirect_dma semaphore(%run_scoped3A : memref<!tpu.dma_semaphore, #tpu.memory_space<semaphore_mem>>) src(%arg9 : memref<128xf32, #tpu.memory_space<vmem>>) dst(%dma_wait3A_29 : memref<10240xf32, #tpu.memory_space<vmem_shared>>)
        tpu.yield
      }) : () -> ()
      %scan3A_25 = arith.constant 0 : i32
      scf.yield %scan3A_25 : i32
    }
    %scan3A_10 = arith.constant 78 : i32
    %add3A_11 = arith.constant 9984 : i32
    %add3A_12 = arith.addi %mul3A_4, %add3A_11 : i32
    "tpu.region"() ({
      %run_scoped3A = tpu.sem_alloc : memref<!tpu.dma_semaphore, #tpu.memory_space<semaphore_mem>>
      %dma_start3A_16 = tpu.memref_slice %arg3[%add3A_12] : memref<320000xi32, #tpu.memory_space<hbm>> -> memref<16xi32, #tpu.memory_space<hbm>>
      %dma_start3A_17 = tpu.memref_slice %arg3[%add3A_12] : memref<320000xi32, #tpu.memory_space<hbm>> -> memref<16xi32, #tpu.memory_space<hbm>>
      tpu.enqueue_dma source(%dma_start3A_17 : memref<16xi32, #tpu.memory_space<hbm>>) target(%arg10 : memref<16xi32, #tpu.memory_space<vmem>>) target_semaphore(%run_scoped3A : memref<!tpu.dma_semaphore, #tpu.memory_space<semaphore_mem>>)
      %dma_wait3A_18 = tpu.memref_slice %arg3[%add3A_12] : memref<320000xi32, #tpu.memory_space<hbm>> -> memref<16xi32, #tpu.memory_space<hbm>>
      %dma_wait3A_19 = tpu.memref_slice %arg3[%add3A_12] : memref<320000xi32, #tpu.memory_space<hbm>> -> memref<16xi32, #tpu.memory_space<hbm>>
      tpu.wait_dma2 semaphore(%run_scoped3A : memref<!tpu.dma_semaphore, #tpu.memory_space<semaphore_mem>>) src(%dma_wait3A_19 : memref<16xi32, #tpu.memory_space<hbm>>) dst(%arg10 : memref<16xi32, #tpu.memory_space<vmem>>)
      tpu.yield
    }) : () -> ()
    "tpu.region"() ({
      %run_scoped3A = tpu.sem_alloc : memref<!tpu.dma_semaphore, #tpu.memory_space<semaphore_mem>>
      %dma_start3A_16 = tpu.memref_slice %arg4[%add3A_12] : memref<320000xi32, #tpu.memory_space<hbm>> -> memref<16xi32, #tpu.memory_space<hbm>>
      %dma_start3A_17 = tpu.memref_slice %arg4[%add3A_12] : memref<320000xi32, #tpu.memory_space<hbm>> -> memref<16xi32, #tpu.memory_space<hbm>>
      tpu.enqueue_dma source(%dma_start3A_17 : memref<16xi32, #tpu.memory_space<hbm>>) target(%arg11 : memref<16xi32, #tpu.memory_space<vmem>>) target_semaphore(%run_scoped3A : memref<!tpu.dma_semaphore, #tpu.memory_space<semaphore_mem>>)
      %dma_wait3A_18 = tpu.memref_slice %arg4[%add3A_12] : memref<320000xi32, #tpu.memory_space<hbm>> -> memref<16xi32, #tpu.memory_space<hbm>>
      %dma_wait3A_19 = tpu.memref_slice %arg4[%add3A_12] : memref<320000xi32, #tpu.memory_space<hbm>> -> memref<16xi32, #tpu.memory_space<hbm>>
      tpu.wait_dma2 semaphore(%run_scoped3A : memref<!tpu.dma_semaphore, #tpu.memory_space<semaphore_mem>>) src(%dma_wait3A_19 : memref<16xi32, #tpu.memory_space<hbm>>) dst(%arg11 : memref<16xi32, #tpu.memory_space<vmem>>)
      tpu.yield
    }) : () -> ()
    %dma_start3A = arith.constant 0 : i32
    %dma_start3A_13 = tpu.memref_slice %arg2[%dma_start3A] : memref<10240xf32, #tpu.memory_space<hbm>> -> memref<10240xf32, #tpu.memory_space<hbm>>
    tpu.enqueue_indirect_dma source(%dma_start3A_13 : memref<10240xf32, #tpu.memory_space<hbm>>) target(%arg12 : memref<16xf32, #tpu.memory_space<vmem>>) offsets(%arg10 : memref<16xi32, #tpu.memory_space<vmem>>) semaphore(%arg14 : memref<!tpu.dma_semaphore, #tpu.memory_space<semaphore_mem>>)
    %dma_wait3A = arith.constant 0 : i32
    %dma_wait3A_14 = tpu.memref_slice %arg2[%dma_wait3A] : memref<10240xf32, #tpu.memory_space<hbm>> -> memref<10240xf32, #tpu.memory_space<hbm>>
    tpu.wait_indirect_dma semaphore(%arg14 : memref<!tpu.dma_semaphore, #tpu.memory_space<semaphore_mem>>) src(%dma_wait3A_14 : memref<10240xf32, #tpu.memory_space<hbm>>) dst(%arg12 : memref<16xf32, #tpu.memory_space<vmem>>)
    "tpu.region"() ({
      %run_scoped3A = tpu.sem_alloc : memref<!tpu.dma_semaphore, #tpu.memory_space<semaphore_mem>>
      %dma_start3A_16 = arith.constant 0 : i32
      %dma_start3A_17 = tpu.memref_slice %arg13[%dma_start3A_16] : memref<10240xf32, #tpu.memory_space<vmem_shared>> -> memref<10240xf32, #tpu.memory_space<vmem_shared>>
      tpu.enqueue_indirect_dma source(%arg12 : memref<16xf32, #tpu.memory_space<vmem>>) target(%dma_start3A_17 : memref<10240xf32, #tpu.memory_space<vmem_shared>>) offsets(%arg11 : memref<16xi32, #tpu.memory_space<vmem>>) semaphore(%run_scoped3A : memref<!tpu.dma_semaphore, #tpu.memory_space<semaphore_mem>>) {add = true}
      %dma_wait3A_18 = arith.constant 0 : i32
      %dma_wait3A_19 = tpu.memref_slice %arg13[%dma_wait3A_18] : memref<10240xf32, #tpu.memory_space<vmem_shared>> -> memref<10240xf32, #tpu.memory_space<vmem_shared>>
      tpu.wait_indirect_dma semaphore(%run_scoped3A : memref<!tpu.dma_semaphore, #tpu.memory_space<semaphore_mem>>) src(%arg12 : memref<16xf32, #tpu.memory_space<vmem>>) dst(%dma_wait3A_19 : memref<10240xf32, #tpu.memory_space<vmem_shared>>)
      tpu.yield
    }) : () -> ()
    %barrier3A_15 = arith.constant 0 : index
    tpu.barrier barrier_id(%barrier3A_15)
    "tpu.region"() ({
      %run_scoped3A = tpu.sem_alloc : memref<!tpu.dma_semaphore, #tpu.memory_space<semaphore_mem>>
      %dma_start3A_16 = tpu.memref_slice %arg6[%arg0, %mul3A_0] : memref<2x10240xf32, #tpu.memory_space<hbm>> -> memref<1x640xf32, #tpu.memory_space<hbm>>
      %dma_start3A_17 = tpu.memref_squeeze %dma_start3A_16 : memref<1x640xf32, #tpu.memory_space<hbm>> -> memref<640xf32, #tpu.memory_space<hbm>>
      %dma_start3A_18 = tpu.memref_slice %arg13[%mul3A_0] : memref<10240xf32, #tpu.memory_space<vmem_shared>> -> memref<640xf32, #tpu.memory_space<vmem_shared>>
      tpu.enqueue_dma source(%dma_start3A_18 : memref<640xf32, #tpu.memory_space<vmem_shared>>) target(%dma_start3A_17 : memref<640xf32, #tpu.memory_space<hbm>>) target_semaphore(%run_scoped3A : memref<!tpu.dma_semaphore, #tpu.memory_space<semaphore_mem>>)
      %dma_wait3A_19 = tpu.memref_slice %arg6[%arg0, %mul3A_0] : memref<2x10240xf32, #tpu.memory_space<hbm>> -> memref<1x640xf32, #tpu.memory_space<hbm>>
      %dma_wait3A_20 = tpu.memref_squeeze %dma_wait3A_19 : memref<1x640xf32, #tpu.memory_space<hbm>> -> memref<640xf32, #tpu.memory_space<hbm>>
      %dma_wait3A_21 = tpu.memref_slice %arg13[%mul3A_0] : memref<10240xf32, #tpu.memory_space<vmem_shared>> -> memref<640xf32, #tpu.memory_space<vmem_shared>>
      tpu.wait_dma2 semaphore(%run_scoped3A : memref<!tpu.dma_semaphore, #tpu.memory_space<semaphore_mem>>) src(%dma_wait3A_21 : memref<640xf32, #tpu.memory_space<vmem_shared>>) dst(%dma_wait3A_20 : memref<640xf32, #tpu.memory_space<hbm>>)
      tpu.yield
    }) : () -> ()
    return
  }
}

module attributes {stable_mosaic.version = 14 : i64} {
  func.func @_dense1_body(%arg0: i32, %arg1: memref<1024x128xf32, #tpu.memory_space<vmem>>, %arg2: memref<1x128xf32, #tpu.memory_space<vmem>>, %arg3: memref<1x128xf32, #tpu.memory_space<vmem>>, %arg4: memref<128x256xf32, #tpu.memory_space<vmem>>, %arg5: memref<1x256xf32, #tpu.memory_space<vmem>>, %arg6: memref<1x128xf32, #tpu.memory_space<vmem>>, %arg7: memref<1x128xf32, #tpu.memory_space<vmem>>, %arg8: memref<1024x128xf32, #tpu.memory_space<vmem>>, %arg9: memref<1024x128xf32, #tpu.memory_space<vmem>>) attributes {dimension_semantics = [#tpu.dimension_semantics<arbitrary>], iteration_bounds = array<i64: 10>, scalar_prefetch = 0 : i64, scratch_operands = 0 : i64, tpu.core_type = #tpu.core_type<tc>, window_params = [{transform_indices = @transform_0, window_bounds = array<i64: 1024, 128>}, {pipeline_mode = #tpu.pipeline_mode<synchronous>, transform_indices = @transform_1, window_bounds = array<i64: 1, 128>}, {pipeline_mode = #tpu.pipeline_mode<synchronous>, transform_indices = @transform_2, window_bounds = array<i64: 1, 128>}, {pipeline_mode = #tpu.pipeline_mode<synchronous>, transform_indices = @transform_3, window_bounds = array<i64: 128, 256>}, {pipeline_mode = #tpu.pipeline_mode<synchronous>, transform_indices = @transform_4, window_bounds = array<i64: 1, 256>}, {pipeline_mode = #tpu.pipeline_mode<synchronous>, transform_indices = @transform_5, window_bounds = array<i64: 1, 128>}, {pipeline_mode = #tpu.pipeline_mode<synchronous>, transform_indices = @transform_6, window_bounds = array<i64: 1, 128>}, {transform_indices = @transform_7, window_bounds = array<i64: 1024, 128>}, {transform_indices = @transform_8, window_bounds = array<i64: 1024, 128>}]} {
    %get3A = arith.constant 0 : index
    %get3A_0 = arith.constant 0 : index
    %get3A_1 = vector.load %arg1[%get3A, %get3A_0] : memref<1024x128xf32, #tpu.memory_space<vmem>>, vector<1024x128xf32>
    %get3A_2 = arith.constant 0 : index
    %get3A_3 = arith.constant 0 : index
    %get3A_4 = vector.load %arg2[%get3A_2, %get3A_3] : memref<1x128xf32, #tpu.memory_space<vmem>>, vector<1x128xf32>
    %get3A_5 = arith.constant 0 : index
    %get3A_6 = arith.constant 0 : index
    %get3A_7 = vector.load %arg3[%get3A_5, %get3A_6] : memref<1x128xf32, #tpu.memory_space<vmem>>, vector<1x128xf32>
    %reduce_sum3A = arith.constant dense<0.000000e+00> : vector<1024xf32>
    %reduce_sum3A_8 = vector.multi_reduction <add>, %get3A_1, %reduce_sum3A [1] : vector<1024x128xf32> to vector<1024xf32>
    %broadcast_in_dim3A = vector.shape_cast %reduce_sum3A_8 : vector<1024xf32> to vector<1024x1xf32>
    %div3A = arith.constant 1.280000e+02 : f32
    %div3A_9 = vector.broadcast %div3A : f32 to vector<1024x1xf32>
    %div3A_10 = arith.divf %broadcast_in_dim3A, %div3A_9 : vector<1024x1xf32>
    %sub3A = vector.broadcast %div3A_10 : vector<1024x1xf32> to vector<1024x128xf32>
    %sub3A_11 = arith.subf %get3A_1, %sub3A : vector<1024x128xf32>
    %mul3A = arith.mulf %sub3A_11, %sub3A_11 : vector<1024x128xf32>
    %reduce_sum3A_12 = arith.constant dense<0.000000e+00> : vector<1024xf32>
    %reduce_sum3A_13 = vector.multi_reduction <add>, %mul3A, %reduce_sum3A_12 [1] : vector<1024x128xf32> to vector<1024xf32>
    %broadcast_in_dim3A_14 = vector.shape_cast %reduce_sum3A_13 : vector<1024xf32> to vector<1024x1xf32>
    %div3A_15 = arith.constant 1.280000e+02 : f32
    %div3A_16 = vector.broadcast %div3A_15 : f32 to vector<1024x1xf32>
    %div3A_17 = arith.divf %broadcast_in_dim3A_14, %div3A_16 : vector<1024x1xf32>
    %add3A = arith.constant 9.99999974E-6 : f32
    %add3A_18 = vector.broadcast %add3A : f32 to vector<1024x1xf32>
    %add3A_19 = arith.addf %div3A_17, %add3A_18 : vector<1024x1xf32>
    %sqrt3A = math.sqrt %add3A_19 : vector<1024x1xf32>
    %div3A_20 = vector.broadcast %sqrt3A : vector<1024x1xf32> to vector<1024x128xf32>
    %div3A_21 = arith.divf %sub3A_11, %div3A_20 : vector<1024x128xf32>
    %mul3A_22 = vector.broadcast %get3A_4 : vector<1x128xf32> to vector<1024x128xf32>
    %mul3A_23 = arith.mulf %div3A_21, %mul3A_22 : vector<1024x128xf32>
    %add3A_24 = vector.broadcast %get3A_7 : vector<1x128xf32> to vector<1024x128xf32>
    %add3A_25 = arith.addf %mul3A_23, %add3A_24 : vector<1024x128xf32>
    %get3A_26 = arith.constant 0 : index
    %get3A_27 = arith.constant 0 : index
    %get3A_28 = vector.load %arg4[%get3A_26, %get3A_27] : memref<128x256xf32, #tpu.memory_space<vmem>>, vector<128x256xf32>
    %dot_general3A = arith.constant dense<0.000000e+00> : vector<1024x256xf32>
    %dot_general3A_29 = tpu.matmul %add3A_25, %get3A_28, %dot_general3A {dimension_numbers = #tpu.dot_dimension_numbers<[1], [0], [0], [1], [0, 0, 1, 1], [], []>, transpose_lhs_hint = false} : vector<1024x128xf32>, vector<128x256xf32>, vector<1024x256xf32> -> vector<1024x256xf32>
    %get3A_30 = arith.constant 0 : index
    %get3A_31 = arith.constant 0 : index
    %get3A_32 = vector.load %arg5[%get3A_30, %get3A_31] : memref<1x256xf32, #tpu.memory_space<vmem>>, vector<1x256xf32>
    %add3A_33 = vector.broadcast %get3A_32 : vector<1x256xf32> to vector<1024x256xf32>
    %add3A_34 = arith.addf %dot_general3A_29, %add3A_33 : vector<1024x256xf32>
    %integer_pow3A = arith.mulf %add3A_34, %add3A_34 : vector<1024x256xf32>
    %integer_pow3A_35 = arith.mulf %add3A_34, %integer_pow3A : vector<1024x256xf32>
    %mul3A_36 = arith.constant 4.471500e-02 : f32
    %mul3A_37 = vector.broadcast %mul3A_36 : f32 to vector<1024x256xf32>
    %mul3A_38 = arith.mulf %mul3A_37, %integer_pow3A_35 : vector<1024x256xf32>
    %add3A_39 = arith.addf %add3A_34, %mul3A_38 : vector<1024x256xf32>
    %mul3A_40 = arith.constant 0.797884583 : f32
    %mul3A_41 = vector.broadcast %mul3A_40 : f32 to vector<1024x256xf32>
    %mul3A_42 = arith.mulf %mul3A_41, %add3A_39 : vector<1024x256xf32>
    %tanh3A = math.tanh %mul3A_42 : vector<1024x256xf32>
    %add3A_43 = arith.constant 1.000000e+00 : f32
    %add3A_44 = vector.broadcast %add3A_43 : f32 to vector<1024x256xf32>
    %add3A_45 = arith.addf %add3A_44, %tanh3A : vector<1024x256xf32>
    %mul3A_46 = arith.constant 5.000000e-01 : f32
    %mul3A_47 = vector.broadcast %mul3A_46 : f32 to vector<1024x256xf32>
    %mul3A_48 = arith.mulf %mul3A_47, %add3A_45 : vector<1024x256xf32>
    %mul3A_49 = arith.mulf %add3A_34, %mul3A_48 : vector<1024x256xf32>
    %slice3A = vector.extract_strided_slice %mul3A_49 {offsets = [0, 0], sizes = [1024, 128], strides = [1, 1]} : vector<1024x256xf32> to vector<1024x128xf32>
    %swap3A = arith.constant 0 : index
    %swap3A_50 = arith.constant 0 : index
    %swap3A_51 = vector.load %arg8[%swap3A, %swap3A_50] : memref<1024x128xf32, #tpu.memory_space<vmem>>, vector<1024x128xf32>
    tpu.vector_store %arg8[%swap3A, %swap3A_50], %slice3A {strides = array<i32>} : memref<1024x128xf32, #tpu.memory_space<vmem>>, vector<1024x128xf32>,
    %slice3A_52 = vector.extract_strided_slice %mul3A_49 {offsets = [0, 128], sizes = [1024, 128], strides = [1, 1]} : vector<1024x256xf32> to vector<1024x128xf32>
    %get3A_53 = arith.constant 0 : index
    %get3A_54 = arith.constant 0 : index
    %get3A_55 = vector.load %arg6[%get3A_53, %get3A_54] : memref<1x128xf32, #tpu.memory_space<vmem>>, vector<1x128xf32>
    %get3A_56 = arith.constant 0 : index
    %get3A_57 = arith.constant 0 : index
    %get3A_58 = vector.load %arg7[%get3A_56, %get3A_57] : memref<1x128xf32, #tpu.memory_space<vmem>>, vector<1x128xf32>
    %reduce_sum3A_59 = arith.constant dense<0.000000e+00> : vector<1024xf32>
    %reduce_sum3A_60 = vector.multi_reduction <add>, %slice3A_52, %reduce_sum3A_59 [1] : vector<1024x128xf32> to vector<1024xf32>
    %broadcast_in_dim3A_61 = vector.shape_cast %reduce_sum3A_60 : vector<1024xf32> to vector<1024x1xf32>
    %div3A_62 = arith.constant 1.280000e+02 : f32
    %div3A_63 = vector.broadcast %div3A_62 : f32 to vector<1024x1xf32>
    %div3A_64 = arith.divf %broadcast_in_dim3A_61, %div3A_63 : vector<1024x1xf32>
    %sub3A_65 = vector.broadcast %div3A_64 : vector<1024x1xf32> to vector<1024x128xf32>
    %sub3A_66 = arith.subf %slice3A_52, %sub3A_65 : vector<1024x128xf32>
    %mul3A_67 = arith.mulf %sub3A_66, %sub3A_66 : vector<1024x128xf32>
    %reduce_sum3A_68 = arith.constant dense<0.000000e+00> : vector<1024xf32>
    %reduce_sum3A_69 = vector.multi_reduction <add>, %mul3A_67, %reduce_sum3A_68 [1] : vector<1024x128xf32> to vector<1024xf32>
    %broadcast_in_dim3A_70 = vector.shape_cast %reduce_sum3A_69 : vector<1024xf32> to vector<1024x1xf32>
    %div3A_71 = arith.constant 1.280000e+02 : f32
    %div3A_72 = vector.broadcast %div3A_71 : f32 to vector<1024x1xf32>
    %div3A_73 = arith.divf %broadcast_in_dim3A_70, %div3A_72 : vector<1024x1xf32>
    %add3A_74 = arith.constant 9.99999974E-6 : f32
    %add3A_75 = vector.broadcast %add3A_74 : f32 to vector<1024x1xf32>
    %add3A_76 = arith.addf %div3A_73, %add3A_75 : vector<1024x1xf32>
    %sqrt3A_77 = math.sqrt %add3A_76 : vector<1024x1xf32>
    %div3A_78 = vector.broadcast %sqrt3A_77 : vector<1024x1xf32> to vector<1024x128xf32>
    %div3A_79 = arith.divf %sub3A_66, %div3A_78 : vector<1024x128xf32>
    %mul3A_80 = vector.broadcast %get3A_55 : vector<1x128xf32> to vector<1024x128xf32>
    %mul3A_81 = arith.mulf %div3A_79, %mul3A_80 : vector<1024x128xf32>
    %add3A_82 = vector.broadcast %get3A_58 : vector<1x128xf32> to vector<1024x128xf32>
    %add3A_83 = arith.addf %mul3A_81, %add3A_82 : vector<1024x128xf32>
    %swap3A_84 = arith.constant 0 : index
    %swap3A_85 = arith.constant 0 : index
    %swap3A_86 = vector.load %arg9[%swap3A_84, %swap3A_85] : memref<1024x128xf32, #tpu.memory_space<vmem>>, vector<1024x128xf32>
    tpu.vector_store %arg9[%swap3A_84, %swap3A_85], %add3A_83 {strides = array<i32>} : memref<1024x128xf32, #tpu.memory_space<vmem>>, vector<1024x128xf32>,
    return
  }
  func.func @transform_0(%arg0: i32) -> (i32, i32) {
    %c0_i32 = arith.constant 0 : i32
    %c0_i32_0 = arith.constant 0 : i32
    return %arg0, %c0_i32 : i32, i32
  }
  func.func @transform_1(%arg0: i32) -> (i32, i32) {
    %c0_i32 = arith.constant 0 : i32
    %c0_i32_0 = arith.constant 0 : i32
    %c0_i32_1 = arith.constant 0 : i32
    return %c0_i32, %c0_i32_0 : i32, i32
  }
  func.func @transform_2(%arg0: i32) -> (i32, i32) {
    %c0_i32 = arith.constant 0 : i32
    %c0_i32_0 = arith.constant 0 : i32
    %c0_i32_1 = arith.constant 0 : i32
    return %c0_i32, %c0_i32_0 : i32, i32
  }
  func.func @transform_3(%arg0: i32) -> (i32, i32) {
    %c0_i32 = arith.constant 0 : i32
    %c0_i32_0 = arith.constant 0 : i32
    %c0_i32_1 = arith.constant 0 : i32
    return %c0_i32, %c0_i32_0 : i32, i32
  }
  func.func @transform_4(%arg0: i32) -> (i32, i32) {
    %c0_i32 = arith.constant 0 : i32
    %c0_i32_0 = arith.constant 0 : i32
    %c0_i32_1 = arith.constant 0 : i32
    return %c0_i32, %c0_i32_0 : i32, i32
  }
  func.func @transform_5(%arg0: i32) -> (i32, i32) {
    %c0_i32 = arith.constant 0 : i32
    %c0_i32_0 = arith.constant 0 : i32
    %c0_i32_1 = arith.constant 0 : i32
    return %c0_i32, %c0_i32_0 : i32, i32
  }
  func.func @transform_6(%arg0: i32) -> (i32, i32) {
    %c0_i32 = arith.constant 0 : i32
    %c0_i32_0 = arith.constant 0 : i32
    %c0_i32_1 = arith.constant 0 : i32
    return %c0_i32, %c0_i32_0 : i32, i32
  }
  func.func @transform_7(%arg0: i32) -> (i32, i32) {
    %c0_i32 = arith.constant 0 : i32
    %c0_i32_0 = arith.constant 0 : i32
    return %arg0, %c0_i32 : i32, i32
  }
  func.func @transform_8(%arg0: i32) -> (i32, i32) {
    %c0_i32 = arith.constant 0 : i32
    %c0_i32_0 = arith.constant 0 : i32
    return %arg0, %c0_i32 : i32, i32
  }
}

module attributes {stable_mosaic.version = 14 : i64} {
  func.func @_embed_body(%arg0: i32, %arg1: memref<1024x128xf32, #tpu.memory_space<vmem>>, %arg2: memref<128x128xf32, #tpu.memory_space<vmem>>, %arg3: memref<1x128xf32, #tpu.memory_space<vmem>>, %arg4: memref<1024x128xf32, #tpu.memory_space<vmem>>) attributes {dimension_semantics = [#tpu.dimension_semantics<arbitrary>], iteration_bounds = array<i64: 10>, scalar_prefetch = 0 : i64, scratch_operands = 0 : i64, tpu.core_type = #tpu.core_type<tc>, window_params = [{transform_indices = @transform_0, window_bounds = array<i64: 1024, 128>}, {pipeline_mode = #tpu.pipeline_mode<synchronous>, transform_indices = @transform_1, window_bounds = array<i64: 128, 128>}, {pipeline_mode = #tpu.pipeline_mode<synchronous>, transform_indices = @transform_2, window_bounds = array<i64: 1, 128>}, {transform_indices = @transform_3, window_bounds = array<i64: 1024, 128>}]} {
    %get3A = arith.constant 0 : index
    %get3A_0 = arith.constant 0 : index
    %get3A_1 = vector.load %arg1[%get3A, %get3A_0] : memref<1024x128xf32, #tpu.memory_space<vmem>>, vector<1024x128xf32>
    %get3A_2 = arith.constant 0 : index
    %get3A_3 = arith.constant 0 : index
    %get3A_4 = vector.load %arg2[%get3A_2, %get3A_3] : memref<128x128xf32, #tpu.memory_space<vmem>>, vector<128x128xf32>
    %dot_general3A = arith.constant dense<0.000000e+00> : vector<1024x128xf32>
    %dot_general3A_5 = tpu.matmul %get3A_1, %get3A_4, %dot_general3A {dimension_numbers = #tpu.dot_dimension_numbers<[1], [0], [0], [1], [0, 0, 1, 1], [], []>, transpose_lhs_hint = false} : vector<1024x128xf32>, vector<128x128xf32>, vector<1024x128xf32> -> vector<1024x128xf32>
    %get3A_6 = arith.constant 0 : index
    %get3A_7 = arith.constant 0 : index
    %get3A_8 = vector.load %arg3[%get3A_6, %get3A_7] : memref<1x128xf32, #tpu.memory_space<vmem>>, vector<1x128xf32>
    %add3A = vector.broadcast %get3A_8 : vector<1x128xf32> to vector<1024x128xf32>
    %add3A_9 = arith.addf %dot_general3A_5, %add3A : vector<1024x128xf32>
    %swap3A = arith.constant 0 : index
    %swap3A_10 = arith.constant 0 : index
    %swap3A_11 = vector.load %arg4[%swap3A, %swap3A_10] : memref<1024x128xf32, #tpu.memory_space<vmem>>, vector<1024x128xf32>
    tpu.vector_store %arg4[%swap3A, %swap3A_10], %add3A_9 {strides = array<i32>} : memref<1024x128xf32, #tpu.memory_space<vmem>>, vector<1024x128xf32>,
    return
  }
  func.func @transform_0(%arg0: i32) -> (i32, i32) {
    %c0_i32 = arith.constant 0 : i32
    %c0_i32_0 = arith.constant 0 : i32
    return %arg0, %c0_i32 : i32, i32
  }
  func.func @transform_1(%arg0: i32) -> (i32, i32) {
    %c0_i32 = arith.constant 0 : i32
    %c0_i32_0 = arith.constant 0 : i32
    %c0_i32_1 = arith.constant 0 : i32
    return %c0_i32, %c0_i32_0 : i32, i32
  }
  func.func @transform_2(%arg0: i32) -> (i32, i32) {
    %c0_i32 = arith.constant 0 : i32
    %c0_i32_0 = arith.constant 0 : i32
    %c0_i32_1 = arith.constant 0 : i32
    return %c0_i32, %c0_i32_0 : i32, i32
  }
  func.func @transform_3(%arg0: i32) -> (i32, i32) {
    %c0_i32 = arith.constant 0 : i32
    %c0_i32_0 = arith.constant 0 : i32
    return %arg0, %c0_i32 : i32, i32
  }
}

module attributes {stable_mosaic.version = 14 : i64} {
  func.func @_dense2_body(%arg0: i32, %arg1: memref<1024x128xf32, #tpu.memory_space<vmem>>, %arg2: memref<2x1024x128xf32, #tpu.memory_space<vmem>>, %arg3: memref<2x1024x1xf32, #tpu.memory_space<vmem>>, %arg4: memref<1x128xf32, #tpu.memory_space<vmem>>, %arg5: memref<128x128xf32, #tpu.memory_space<vmem>>, %arg6: memref<1x128xf32, #tpu.memory_space<vmem>>, %arg7: memref<1024x128xf32, #tpu.memory_space<vmem>>, %arg8: memref<128x8xf32, #tpu.memory_space<vmem>>, %arg9: memref<1024x128xf32, #tpu.memory_space<vmem>>) attributes {dimension_semantics = [#tpu.dimension_semantics<arbitrary>], iteration_bounds = array<i64: 10>, scalar_prefetch = 0 : i64, scratch_operands = 0 : i64, tpu.core_type = #tpu.core_type<tc>, window_params = [{transform_indices = @transform_0, window_bounds = array<i64: 1024, 128>}, {transform_indices = @transform_1, window_bounds = array<i64: 2, 1024, 128>}, {transform_indices = @transform_2, window_bounds = array<i64: 2, 1024, 1>}, {pipeline_mode = #tpu.pipeline_mode<synchronous>, transform_indices = @transform_3, window_bounds = array<i64: 1, 128>}, {pipeline_mode = #tpu.pipeline_mode<synchronous>, transform_indices = @transform_4, window_bounds = array<i64: 128, 128>}, {pipeline_mode = #tpu.pipeline_mode<synchronous>, transform_indices = @transform_5, window_bounds = array<i64: 1, 128>}, {transform_indices = @transform_6, window_bounds = array<i64: 1024, 128>}, {pipeline_mode = #tpu.pipeline_mode<synchronous>, transform_indices = @transform_7, window_bounds = array<i64: 128, 8>}, {transform_indices = @transform_8, window_bounds = array<i64: 1024, 128>}]} {
    %get3A = arith.constant 0 : index
    %get3A_0 = arith.constant 0 : index
    %get3A_1 = arith.constant 0 : index
    %get3A_2 = vector.load %arg3[%get3A, %get3A_0, %get3A_1] : memref<2x1024x1xf32, #tpu.memory_space<vmem>>, vector<1x1024x1xf32>
    %get3A_3 = vector.shape_cast %get3A_2 : vector<1x1024x1xf32> to vector<1024x1xf32>
    %get3A_4 = arith.constant 1 : index
    %get3A_5 = arith.constant 0 : index
    %get3A_6 = arith.constant 0 : index
    %get3A_7 = vector.load %arg3[%get3A_4, %get3A_5, %get3A_6] : memref<2x1024x1xf32, #tpu.memory_space<vmem>>, vector<1x1024x1xf32>
    %get3A_8 = vector.shape_cast %get3A_7 : vector<1x1024x1xf32> to vector<1024x1xf32>
    %add3A = arith.addf %get3A_3, %get3A_8 : vector<1024x1xf32>
    %max3A = arith.constant 1.000000e+00 : f32
    %max3A_9 = vector.broadcast %max3A : f32 to vector<1024x1xf32>
    %max3A_10 = arith.maximumf %add3A, %max3A_9 : vector<1024x1xf32>
    %get3A_11 = arith.constant 0 : index
    %get3A_12 = arith.constant 0 : index
    %get3A_13 = arith.constant 0 : index
    %get3A_14 = vector.load %arg2[%get3A_11, %get3A_12, %get3A_13] : memref<2x1024x128xf32, #tpu.memory_space<vmem>>, vector<1x1024x128xf32>
    %get3A_15 = vector.shape_cast %get3A_14 : vector<1x1024x128xf32> to vector<1024x128xf32>
    %get3A_16 = arith.constant 1 : index
    %get3A_17 = arith.constant 0 : index
    %get3A_18 = arith.constant 0 : index
    %get3A_19 = vector.load %arg2[%get3A_16, %get3A_17, %get3A_18] : memref<2x1024x128xf32, #tpu.memory_space<vmem>>, vector<1x1024x128xf32>
    %get3A_20 = vector.shape_cast %get3A_19 : vector<1x1024x128xf32> to vector<1024x128xf32>
    %add3A_21 = arith.addf %get3A_15, %get3A_20 : vector<1024x128xf32>
    %div3A = vector.broadcast %max3A_10 : vector<1024x1xf32> to vector<1024x128xf32>
    %div3A_22 = arith.divf %add3A_21, %div3A : vector<1024x128xf32>
    %get3A_23 = arith.constant 0 : index
    %get3A_24 = arith.constant 0 : index
    %get3A_25 = vector.load %arg4[%get3A_23, %get3A_24] : memref<1x128xf32, #tpu.memory_space<vmem>>, vector<1x128xf32>
    %add3A_26 = vector.broadcast %get3A_25 : vector<1x128xf32> to vector<1024x128xf32>
    %add3A_27 = arith.addf %div3A_22, %add3A_26 : vector<1024x128xf32>
    %get3A_28 = arith.constant 0 : index
    %get3A_29 = arith.constant 0 : index
    %get3A_30 = vector.load %arg1[%get3A_28, %get3A_29] : memref<1024x128xf32, #tpu.memory_space<vmem>>, vector<1024x128xf32>
    %mul3A = arith.mulf %get3A_30, %add3A_27 : vector<1024x128xf32>
    %get3A_31 = arith.constant 0 : index
    %get3A_32 = arith.constant 0 : index
    %get3A_33 = vector.load %arg5[%get3A_31, %get3A_32] : memref<128x128xf32, #tpu.memory_space<vmem>>, vector<128x128xf32>
    %dot_general3A = arith.constant dense<0.000000e+00> : vector<1024x128xf32>
    %dot_general3A_34 = tpu.matmul %mul3A, %get3A_33, %dot_general3A {dimension_numbers = #tpu.dot_dimension_numbers<[1], [0], [0], [1], [0, 0, 1, 1], [], []>, transpose_lhs_hint = false} : vector<1024x128xf32>, vector<128x128xf32>, vector<1024x128xf32> -> vector<1024x128xf32>
    %get3A_35 = arith.constant 0 : index
    %get3A_36 = arith.constant 0 : index
    %get3A_37 = vector.load %arg6[%get3A_35, %get3A_36] : memref<1x128xf32, #tpu.memory_space<vmem>>, vector<1x128xf32>
    %add3A_38 = vector.broadcast %get3A_37 : vector<1x128xf32> to vector<1024x128xf32>
    %add3A_39 = arith.addf %dot_general3A_34, %add3A_38 : vector<1024x128xf32>
    %get3A_40 = arith.constant 0 : index
    %get3A_41 = arith.constant 0 : index
    %get3A_42 = vector.load %arg7[%get3A_40, %get3A_41] : memref<1024x128xf32, #tpu.memory_space<vmem>>, vector<1024x128xf32>
    %add3A_43 = arith.addf %add3A_39, %get3A_42 : vector<1024x128xf32>
    %swap3A = arith.constant 0 : index
    %swap3A_44 = arith.constant 0 : index
    %swap3A_45 = vector.load %arg9[%swap3A, %swap3A_44] : memref<1024x128xf32, #tpu.memory_space<vmem>>, vector<1024x128xf32>
    tpu.vector_store %arg9[%swap3A, %swap3A_44], %add3A_43 {strides = array<i32>} : memref<1024x128xf32, #tpu.memory_space<vmem>>, vector<1024x128xf32>,
    return
  }
  func.func @transform_0(%arg0: i32) -> (i32, i32) {
    %c0_i32 = arith.constant 0 : i32
    %c0_i32_0 = arith.constant 0 : i32
    return %arg0, %c0_i32 : i32, i32
  }
  func.func @transform_1(%arg0: i32) -> (i32, i32, i32) {
    %c0_i32 = arith.constant 0 : i32
    %c0_i32_0 = arith.constant 0 : i32
    %c0_i32_1 = arith.constant 0 : i32
    return %c0_i32, %arg0, %c0_i32_0 : i32, i32, i32
  }
  func.func @transform_2(%arg0: i32) -> (i32, i32, i32) {
    %c0_i32 = arith.constant 0 : i32
    %c0_i32_0 = arith.constant 0 : i32
    %c0_i32_1 = arith.constant 0 : i32
    return %c0_i32, %arg0, %c0_i32_0 : i32, i32, i32
  }
  func.func @transform_3(%arg0: i32) -> (i32, i32) {
    %c0_i32 = arith.constant 0 : i32
    %c0_i32_0 = arith.constant 0 : i32
    %c0_i32_1 = arith.constant 0 : i32
    return %c0_i32, %c0_i32_0 : i32, i32
  }
  func.func @transform_4(%arg0: i32) -> (i32, i32) {
    %c0_i32 = arith.constant 0 : i32
    %c0_i32_0 = arith.constant 0 : i32
    %c0_i32_1 = arith.constant 0 : i32
    return %c0_i32, %c0_i32_0 : i32, i32
  }
  func.func @transform_5(%arg0: i32) -> (i32, i32) {
    %c0_i32 = arith.constant 0 : i32
    %c0_i32_0 = arith.constant 0 : i32
    %c0_i32_1 = arith.constant 0 : i32
    return %c0_i32, %c0_i32_0 : i32, i32
  }
  func.func @transform_6(%arg0: i32) -> (i32, i32) {
    %c0_i32 = arith.constant 0 : i32
    %c0_i32_0 = arith.constant 0 : i32
    return %arg0, %c0_i32 : i32, i32
  }
  func.func @transform_7(%arg0: i32) -> (i32, i32) {
    %c0_i32 = arith.constant 0 : i32
    %c0_i32_0 = arith.constant 0 : i32
    %c0_i32_1 = arith.constant 0 : i32
    return %c0_i32, %c0_i32_0 : i32, i32
  }
  func.func @transform_8(%arg0: i32) -> (i32, i32) {
    %c0_i32 = arith.constant 0 : i32
    %c0_i32_0 = arith.constant 0 : i32
    return %arg0, %c0_i32 : i32, i32
  }
}

module attributes {stable_mosaic.version = 14 : i64} {
  func.func @_dense2_body(%arg0: i32, %arg1: memref<1024x128xf32, #tpu.memory_space<vmem>>, %arg2: memref<2x1024x128xf32, #tpu.memory_space<vmem>>, %arg3: memref<2x1024x1xf32, #tpu.memory_space<vmem>>, %arg4: memref<1x128xf32, #tpu.memory_space<vmem>>, %arg5: memref<128x128xf32, #tpu.memory_space<vmem>>, %arg6: memref<1x128xf32, #tpu.memory_space<vmem>>, %arg7: memref<1024x128xf32, #tpu.memory_space<vmem>>, %arg8: memref<128x8xf32, #tpu.memory_space<vmem>>, %arg9: memref<1024x128xf32, #tpu.memory_space<vmem>>, %arg10: memref<1024x8xf32, #tpu.memory_space<vmem>>) attributes {dimension_semantics = [#tpu.dimension_semantics<arbitrary>], iteration_bounds = array<i64: 10>, scalar_prefetch = 0 : i64, scratch_operands = 0 : i64, tpu.core_type = #tpu.core_type<tc>, window_params = [{transform_indices = @transform_0, window_bounds = array<i64: 1024, 128>}, {transform_indices = @transform_1, window_bounds = array<i64: 2, 1024, 128>}, {transform_indices = @transform_2, window_bounds = array<i64: 2, 1024, 1>}, {pipeline_mode = #tpu.pipeline_mode<synchronous>, transform_indices = @transform_3, window_bounds = array<i64: 1, 128>}, {pipeline_mode = #tpu.pipeline_mode<synchronous>, transform_indices = @transform_4, window_bounds = array<i64: 128, 128>}, {pipeline_mode = #tpu.pipeline_mode<synchronous>, transform_indices = @transform_5, window_bounds = array<i64: 1, 128>}, {transform_indices = @transform_6, window_bounds = array<i64: 1024, 128>}, {pipeline_mode = #tpu.pipeline_mode<synchronous>, transform_indices = @transform_7, window_bounds = array<i64: 128, 8>}, {transform_indices = @transform_8, window_bounds = array<i64: 1024, 128>}, {transform_indices = @transform_9, window_bounds = array<i64: 1024, 8>}]} {
    %get3A = arith.constant 0 : index
    %get3A_0 = arith.constant 0 : index
    %get3A_1 = arith.constant 0 : index
    %get3A_2 = vector.load %arg3[%get3A, %get3A_0, %get3A_1] : memref<2x1024x1xf32, #tpu.memory_space<vmem>>, vector<1x1024x1xf32>
    %get3A_3 = vector.shape_cast %get3A_2 : vector<1x1024x1xf32> to vector<1024x1xf32>
    %get3A_4 = arith.constant 1 : index
    %get3A_5 = arith.constant 0 : index
    %get3A_6 = arith.constant 0 : index
    %get3A_7 = vector.load %arg3[%get3A_4, %get3A_5, %get3A_6] : memref<2x1024x1xf32, #tpu.memory_space<vmem>>, vector<1x1024x1xf32>
    %get3A_8 = vector.shape_cast %get3A_7 : vector<1x1024x1xf32> to vector<1024x1xf32>
    %add3A = arith.addf %get3A_3, %get3A_8 : vector<1024x1xf32>
    %max3A = arith.constant 1.000000e+00 : f32
    %max3A_9 = vector.broadcast %max3A : f32 to vector<1024x1xf32>
    %max3A_10 = arith.maximumf %add3A, %max3A_9 : vector<1024x1xf32>
    %get3A_11 = arith.constant 0 : index
    %get3A_12 = arith.constant 0 : index
    %get3A_13 = arith.constant 0 : index
    %get3A_14 = vector.load %arg2[%get3A_11, %get3A_12, %get3A_13] : memref<2x1024x128xf32, #tpu.memory_space<vmem>>, vector<1x1024x128xf32>
    %get3A_15 = vector.shape_cast %get3A_14 : vector<1x1024x128xf32> to vector<1024x128xf32>
    %get3A_16 = arith.constant 1 : index
    %get3A_17 = arith.constant 0 : index
    %get3A_18 = arith.constant 0 : index
    %get3A_19 = vector.load %arg2[%get3A_16, %get3A_17, %get3A_18] : memref<2x1024x128xf32, #tpu.memory_space<vmem>>, vector<1x1024x128xf32>
    %get3A_20 = vector.shape_cast %get3A_19 : vector<1x1024x128xf32> to vector<1024x128xf32>
    %add3A_21 = arith.addf %get3A_15, %get3A_20 : vector<1024x128xf32>
    %div3A = vector.broadcast %max3A_10 : vector<1024x1xf32> to vector<1024x128xf32>
    %div3A_22 = arith.divf %add3A_21, %div3A : vector<1024x128xf32>
    %get3A_23 = arith.constant 0 : index
    %get3A_24 = arith.constant 0 : index
    %get3A_25 = vector.load %arg4[%get3A_23, %get3A_24] : memref<1x128xf32, #tpu.memory_space<vmem>>, vector<1x128xf32>
    %add3A_26 = vector.broadcast %get3A_25 : vector<1x128xf32> to vector<1024x128xf32>
    %add3A_27 = arith.addf %div3A_22, %add3A_26 : vector<1024x128xf32>
    %get3A_28 = arith.constant 0 : index
    %get3A_29 = arith.constant 0 : index
    %get3A_30 = vector.load %arg1[%get3A_28, %get3A_29] : memref<1024x128xf32, #tpu.memory_space<vmem>>, vector<1024x128xf32>
    %mul3A = arith.mulf %get3A_30, %add3A_27 : vector<1024x128xf32>
    %get3A_31 = arith.constant 0 : index
    %get3A_32 = arith.constant 0 : index
    %get3A_33 = vector.load %arg5[%get3A_31, %get3A_32] : memref<128x128xf32, #tpu.memory_space<vmem>>, vector<128x128xf32>
    %dot_general3A = arith.constant dense<0.000000e+00> : vector<1024x128xf32>
    %dot_general3A_34 = tpu.matmul %mul3A, %get3A_33, %dot_general3A {dimension_numbers = #tpu.dot_dimension_numbers<[1], [0], [0], [1], [0, 0, 1, 1], [], []>, transpose_lhs_hint = false} : vector<1024x128xf32>, vector<128x128xf32>, vector<1024x128xf32> -> vector<1024x128xf32>
    %get3A_35 = arith.constant 0 : index
    %get3A_36 = arith.constant 0 : index
    %get3A_37 = vector.load %arg6[%get3A_35, %get3A_36] : memref<1x128xf32, #tpu.memory_space<vmem>>, vector<1x128xf32>
    %add3A_38 = vector.broadcast %get3A_37 : vector<1x128xf32> to vector<1024x128xf32>
    %add3A_39 = arith.addf %dot_general3A_34, %add3A_38 : vector<1024x128xf32>
    %get3A_40 = arith.constant 0 : index
    %get3A_41 = arith.constant 0 : index
    %get3A_42 = vector.load %arg7[%get3A_40, %get3A_41] : memref<1024x128xf32, #tpu.memory_space<vmem>>, vector<1024x128xf32>
    %add3A_43 = arith.addf %add3A_39, %get3A_42 : vector<1024x128xf32>
    %swap3A = arith.constant 0 : index
    %swap3A_44 = arith.constant 0 : index
    %swap3A_45 = vector.load %arg9[%swap3A, %swap3A_44] : memref<1024x128xf32, #tpu.memory_space<vmem>>, vector<1024x128xf32>
    tpu.vector_store %arg9[%swap3A, %swap3A_44], %add3A_43 {strides = array<i32>} : memref<1024x128xf32, #tpu.memory_space<vmem>>, vector<1024x128xf32>,
    %get3A_46 = arith.constant 0 : index
    %get3A_47 = arith.constant 0 : index
    %get3A_48 = vector.load %arg8[%get3A_46, %get3A_47] : memref<128x8xf32, #tpu.memory_space<vmem>>, vector<128x8xf32>
    %dot_general3A_49 = arith.constant dense<0.000000e+00> : vector<1024x8xf32>
    %dot_general3A_50 = tpu.matmul %add3A_43, %get3A_48, %dot_general3A_49 {dimension_numbers = #tpu.dot_dimension_numbers<[1], [0], [0], [1], [0, 0, 1, 1], [], []>, transpose_lhs_hint = false} : vector<1024x128xf32>, vector<128x8xf32>, vector<1024x8xf32> -> vector<1024x8xf32>
    %swap3A_51 = arith.constant 0 : index
    %swap3A_52 = arith.constant 0 : index
    %swap3A_53 = vector.load %arg10[%swap3A_51, %swap3A_52] : memref<1024x8xf32, #tpu.memory_space<vmem>>, vector<1024x8xf32>
    tpu.vector_store %arg10[%swap3A_51, %swap3A_52], %dot_general3A_50 {strides = array<i32>} : memref<1024x8xf32, #tpu.memory_space<vmem>>, vector<1024x8xf32>,
    return
  }
  func.func @transform_0(%arg0: i32) -> (i32, i32) {
    %c0_i32 = arith.constant 0 : i32
    %c0_i32_0 = arith.constant 0 : i32
    return %arg0, %c0_i32 : i32, i32
  }
  func.func @transform_1(%arg0: i32) -> (i32, i32, i32) {
    %c0_i32 = arith.constant 0 : i32
    %c0_i32_0 = arith.constant 0 : i32
    %c0_i32_1 = arith.constant 0 : i32
    return %c0_i32, %arg0, %c0_i32_0 : i32, i32, i32
  }
  func.func @transform_2(%arg0: i32) -> (i32, i32, i32) {
    %c0_i32 = arith.constant 0 : i32
    %c0_i32_0 = arith.constant 0 : i32
    %c0_i32_1 = arith.constant 0 : i32
    return %c0_i32, %arg0, %c0_i32_0 : i32, i32, i32
  }
  func.func @transform_3(%arg0: i32) -> (i32, i32) {
    %c0_i32 = arith.constant 0 : i32
    %c0_i32_0 = arith.constant 0 : i32
    %c0_i32_1 = arith.constant 0 : i32
    return %c0_i32, %c0_i32_0 : i32, i32
  }
  func.func @transform_4(%arg0: i32) -> (i32, i32) {
    %c0_i32 = arith.constant 0 : i32
    %c0_i32_0 = arith.constant 0 : i32
    %c0_i32_1 = arith.constant 0 : i32
    return %c0_i32, %c0_i32_0 : i32, i32
  }
  func.func @transform_5(%arg0: i32) -> (i32, i32) {
    %c0_i32 = arith.constant 0 : i32
    %c0_i32_0 = arith.constant 0 : i32
    %c0_i32_1 = arith.constant 0 : i32
    return %c0_i32, %c0_i32_0 : i32, i32
  }
  func.func @transform_6(%arg0: i32) -> (i32, i32) {
    %c0_i32 = arith.constant 0 : i32
    %c0_i32_0 = arith.constant 0 : i32
    return %arg0, %c0_i32 : i32, i32
  }
  func.func @transform_7(%arg0: i32) -> (i32, i32) {
    %c0_i32 = arith.constant 0 : i32
    %c0_i32_0 = arith.constant 0 : i32
    %c0_i32_1 = arith.constant 0 : i32
    return %c0_i32, %c0_i32_0 : i32, i32
  }
  func.func @transform_8(%arg0: i32) -> (i32, i32) {
    %c0_i32 = arith.constant 0 : i32
    %c0_i32_0 = arith.constant 0 : i32
    return %arg0, %c0_i32 : i32, i32
  }
  func.func @transform_9(%arg0: i32) -> (i32, i32) {
    %c0_i32 = arith.constant 0 : i32
    %c0_i32_0 = arith.constant 0 : i32
    return %arg0, %c0_i32 : i32, i32
  }
}

module attributes {stable_mosaic.version = 14 : i64} {
  func.func @_pool_body(%arg0: i32, %arg1: memref<10x2xi32, #tpu.memory_space<smem>>, %arg2: memref<1x1024xi32, #tpu.memory_space<vmem>>, %arg3: memref<1x1024xf32, #tpu.memory_space<vmem>>, %arg4: memref<1024x1xi32, #tpu.memory_space<vmem>>, %arg5: memref<1024x1xf32, #tpu.memory_space<vmem>>, %arg6: memref<1024x128xf32, #tpu.memory_space<vmem>>, %arg7: memref<64x128xf32, #tpu.memory_space<vmem>>, %arg8: memref<64x128xf32, #tpu.memory_space<vmem>>, %arg9: memref<64x1xf32, #tpu.memory_space<vmem>>) attributes {dimension_semantics = [#tpu.dimension_semantics<arbitrary>], iteration_bounds = array<i64: 10>, scalar_prefetch = 0 : i64, scratch_operands = 0 : i64, tpu.core_type = #tpu.core_type<tc>, window_params = [{transform_indices = @transform_0, window_bounds = array<i64: 10, 2>}, {transform_indices = @transform_1, window_bounds = array<i64: 1, 1024>}, {transform_indices = @transform_2, window_bounds = array<i64: 1, 1024>}, {transform_indices = @transform_3, window_bounds = array<i64: 1024, 1>}, {transform_indices = @transform_4, window_bounds = array<i64: 1024, 1>}, {transform_indices = @transform_5, window_bounds = array<i64: 1024, 128>}, {pipeline_mode = #tpu.pipeline_mode<synchronous>, transform_indices = @transform_6, window_bounds = array<i64: 64, 128>}, {pipeline_mode = #tpu.pipeline_mode<synchronous>, transform_indices = @transform_7, window_bounds = array<i64: 64, 128>}, {pipeline_mode = #tpu.pipeline_mode<synchronous>, transform_indices = @transform_8, window_bounds = array<i64: 64, 1>}]} {
    %eq3A = arith.constant 0 : i32
    %eq3A_0 = arith.cmpi eq, %arg0, %eq3A : i32
    %convert_element_type3A = arith.extui %eq3A_0 : i1 to i32
    %cond3A = arith.constant 0 : i32
    %cond3A_1 = arith.cmpi ne, %convert_element_type3A, %cond3A : i32
    scf.if %cond3A_1 {
      %broadcast_in_dim3A_56 = arith.constant 0.000000e+00 : f32
      %broadcast_in_dim3A_57 = vector.broadcast %broadcast_in_dim3A_56 : f32 to vector<64x128xf32>
      %swap3A_58 = arith.constant 0 : index
      %swap3A_59 = arith.constant 0 : index
      %swap3A_60 = vector.load %arg7[%swap3A_58, %swap3A_59] : memref<64x128xf32, #tpu.memory_space<vmem>>, vector<64x128xf32>
      tpu.vector_store %arg7[%swap3A_58, %swap3A_59], %broadcast_in_dim3A_57 {strides = array<i32>} : memref<64x128xf32, #tpu.memory_space<vmem>>, vector<64x128xf32>,
      %broadcast_in_dim3A_61 = arith.constant 0xFF800000 : f32
      %broadcast_in_dim3A_62 = vector.broadcast %broadcast_in_dim3A_61 : f32 to vector<64x128xf32>
      %swap3A_63 = arith.constant 0 : index
      %swap3A_64 = arith.constant 0 : index
      %swap3A_65 = vector.load %arg8[%swap3A_63, %swap3A_64] : memref<64x128xf32, #tpu.memory_space<vmem>>, vector<64x128xf32>
      tpu.vector_store %arg8[%swap3A_63, %swap3A_64], %broadcast_in_dim3A_62 {strides = array<i32>} : memref<64x128xf32, #tpu.memory_space<vmem>>, vector<64x128xf32>,
      %broadcast_in_dim3A_66 = arith.constant 0.000000e+00 : f32
      %broadcast_in_dim3A_67 = vector.broadcast %broadcast_in_dim3A_66 : f32 to vector<64x1xf32>
      %swap3A_68 = arith.constant 0 : index
      %swap3A_69 = arith.constant 0 : index
      %swap3A_70 = vector.load %arg9[%swap3A_68, %swap3A_69] : memref<64x1xf32, #tpu.memory_space<vmem>>, vector<64x1xf32>
      tpu.vector_store %arg9[%swap3A_68, %swap3A_69], %broadcast_in_dim3A_67 {strides = array<i32>} : memref<64x1xf32, #tpu.memory_space<vmem>>, vector<64x1xf32>,
    } else {
    }
    %get3A = arith.constant 0 : index
    %get3A_2 = arith.constant 0 : index
    %get3A_3 = vector.load %arg6[%get3A, %get3A_2] : memref<1024x128xf32, #tpu.memory_space<vmem>>, vector<1024x128xf32>
    %iota3A = tpu.iota {dimensions = array<i32: 0>} : vector<64x1xi32>
    %get3A_4 = arith.constant 0 : index
    %get3A_5 = arith.constant 0 : index
    %get3A_6 = vector.load %arg2[%get3A_4, %get3A_5] : memref<1x1024xi32, #tpu.memory_space<vmem>>, vector<1x1024xi32>
    %eq3A_7 = vector.broadcast %iota3A : vector<64x1xi32> to vector<64x1024xi32>
    %eq3A_8 = vector.broadcast %get3A_6 : vector<1x1024xi32> to vector<64x1024xi32>
    %eq3A_9 = arith.cmpi eq, %eq3A_7, %eq3A_8 : vector<64x1024xi32>
    %get3A_10 = arith.constant 0 : index
    %get3A_11 = arith.constant 0 : index
    %get3A_12 = vector.load %arg3[%get3A_10, %get3A_11] : memref<1x1024xf32, #tpu.memory_space<vmem>>, vector<1x1024xf32>
    %gt3A = arith.constant 0.000000e+00 : f32
    %gt3A_13 = vector.broadcast %gt3A : f32 to vector<1x1024xf32>
    %gt3A_14 = arith.cmpf ogt, %get3A_12, %gt3A_13 : vector<1x1024xf32>
    %and3A = vector.broadcast %gt3A_14 : vector<1x1024xi1> to vector<64x1024xi1>
    %and3A_15 = arith.andi %eq3A_9, %and3A : vector<64x1024xi1>
    %convert_element_type3A_16 = arith.extui %and3A_15 : vector<64x1024xi1> to vector<64x1024xi32>
    %convert_element_type3A_17 = arith.sitofp %convert_element_type3A_16 : vector<64x1024xi32> to vector<64x1024xf32>
    %get3A_18 = arith.constant 0 : index
    %get3A_19 = arith.constant 0 : index
    %get3A_20 = vector.load %arg7[%get3A_18, %get3A_19] : memref<64x128xf32, #tpu.memory_space<vmem>>, vector<64x128xf32>
    %dot_general3A = arith.constant dense<0.000000e+00> : vector<64x128xf32>
    %dot_general3A_21 = tpu.matmul %convert_element_type3A_17, %get3A_3, %dot_general3A {dimension_numbers = #tpu.dot_dimension_numbers<[1], [0], [0], [1], [0, 0, 1, 1], [], []>, transpose_lhs_hint = false} : vector<64x1024xf32>, vector<1024x128xf32>, vector<64x128xf32> -> vector<64x128xf32>
    %add3A = arith.addf %get3A_20, %dot_general3A_21 : vector<64x128xf32>
    %swap3A = arith.constant 0 : index
    %swap3A_22 = arith.constant 0 : index
    %swap3A_23 = vector.load %arg7[%swap3A, %swap3A_22] : memref<64x128xf32, #tpu.memory_space<vmem>>, vector<64x128xf32>
    tpu.vector_store %arg7[%swap3A, %swap3A_22], %add3A {strides = array<i32>} : memref<64x128xf32, #tpu.memory_space<vmem>>, vector<64x128xf32>,
    %get3A_24 = arith.constant 0 : index
    %get3A_25 = arith.constant 0 : index
    %get3A_26 = vector.load %arg9[%get3A_24, %get3A_25] : memref<64x1xf32, #tpu.memory_space<vmem>>, vector<64x1xf32>
    %reduce_sum3A = arith.constant dense<0.000000e+00> : vector<64xf32>
    %reduce_sum3A_27 = vector.multi_reduction <add>, %convert_element_type3A_17, %reduce_sum3A [1] : vector<64x1024xf32> to vector<64xf32>
    %broadcast_in_dim3A = vector.shape_cast %reduce_sum3A_27 : vector<64xf32> to vector<64x1xf32>
    %add3A_28 = arith.addf %get3A_26, %broadcast_in_dim3A : vector<64x1xf32>
    %swap3A_29 = arith.constant 0 : index
    %swap3A_30 = arith.constant 0 : index
    %swap3A_31 = vector.load %arg9[%swap3A_29, %swap3A_30] : memref<64x1xf32, #tpu.memory_space<vmem>>, vector<64x1xf32>
    tpu.vector_store %arg9[%swap3A_29, %swap3A_30], %add3A_28 {strides = array<i32>} : memref<64x1xf32, #tpu.memory_space<vmem>>, vector<64x1xf32>,
    %get3A_32 = arith.constant 0 : index
    %get3A_33 = arith.constant 0 : index
    %get3A_34 = vector.load %arg4[%get3A_32, %get3A_33] : memref<1024x1xi32, #tpu.memory_space<vmem>>, vector<1024x1xi32>
    %get3A_35 = arith.constant 0 : index
    %get3A_36 = arith.constant 0 : index
    %get3A_37 = vector.load %arg5[%get3A_35, %get3A_36] : memref<1024x1xf32, #tpu.memory_space<vmem>>, vector<1024x1xf32>
    %get3A_38 = arith.index_cast %arg0 : i32 to index
    %get3A_39 = arith.constant 0 : index
    %get3A_40 = memref.load %arg1[%get3A_38, %get3A_39] : memref<10x2xi32, #tpu.memory_space<smem>>
    %get3A_41 = arith.index_cast %arg0 : i32 to index
    %get3A_42 = arith.constant 1 : index
    %get3A_43 = memref.load %arg1[%get3A_41, %get3A_42] : memref<10x2xi32, #tpu.memory_space<smem>>
    %add3A_44 = arith.constant 1 : i32
    %add3A_45 = arith.addi %get3A_43, %add3A_44 : i32
    %while3A = arith.constant 0 : i32
    %while3A_46 = arith.subi %add3A_45, %get3A_40 : i32
    %while3A_47 = arith.addi %get3A_40, %while3A_46 : i32
    %while3A_48 = arith.constant 1 : i32
    %while3A_49 = arith.divsi %while3A_46, %while3A_48 : i32
    %while3A_50 = arith.muli %while3A_49, %while3A_48 : i32
    %while3A_51 = arith.addi %get3A_40, %while3A_50 : i32
    %while3A_52 = arith.constant 1 : i32
    %while3A_53 = scf.for %while3A_56 = %get3A_40 to %while3A_51 step %while3A_52 iter_args(%while3A_57 = %while3A) -> (i32)  : i32 {
      %eq3A_58 = vector.broadcast %while3A_56 : i32 to vector<1024x1xi32>
      %eq3A_59 = arith.cmpi eq, %get3A_34, %eq3A_58 : vector<1024x1xi32>
      %gt3A_60 = arith.constant 0.000000e+00 : f32
      %gt3A_61 = vector.broadcast %gt3A_60 : f32 to vector<1024x1xf32>
      %gt3A_62 = arith.cmpf ogt, %get3A_37, %gt3A_61 : vector<1024x1xf32>
      %and3A_63 = arith.andi %eq3A_59, %gt3A_62 : vector<1024x1xi1>
      %jit3A = arith.constant 0xFF800000 : f32
      %broadcast_in_dim3A_64 = vector.shape_cast %and3A_63 : vector<1024x1xi1> to vector<1024x1xi1>
      %broadcast_in_dim3A_65 = vector.broadcast %broadcast_in_dim3A_64 : vector<1024x1xi1> to vector<1024x128xi1>
      %broadcast_in_dim3A_66 = vector.broadcast %jit3A : f32 to vector<1024x128xf32>
      %select_n3A = arith.select %broadcast_in_dim3A_65, %get3A_3, %broadcast_in_dim3A_66 : vector<1024x128xi1>, vector<1024x128xf32>
      %reduce_max3A = arith.constant dense<0xFF800000> : vector<128xf32>
      %reduce_max3A_67 = vector.multi_reduction <maximumf>, %select_n3A, %reduce_max3A [0] : vector<1024x128xf32> to vector<128xf32>
      %broadcast_in_dim3A_68 = vector.shape_cast %reduce_max3A_67 : vector<128xf32> to vector<1x128xf32>
      %get3A_69 = arith.index_cast %while3A_56 : i32 to index
      %get3A_70 = arith.constant 0 : index
      %get3A_71 = vector.load %arg8[%get3A_69, %get3A_70] : memref<64x128xf32, #tpu.memory_space<vmem>>, vector<1x128xf32>
      %max3A = arith.maximumf %get3A_71, %broadcast_in_dim3A_68 : vector<1x128xf32>
      %swap3A_72 = arith.index_cast %while3A_56 : i32 to index
      %swap3A_73 = arith.constant 0 : index
      %swap3A_74 = vector.load %arg8[%swap3A_72, %swap3A_73] : memref<64x128xf32, #tpu.memory_space<vmem>>, vector<1x128xf32>
      tpu.vector_store %arg8[%swap3A_72, %swap3A_73], %max3A {strides = array<i32>} : memref<64x128xf32, #tpu.memory_space<vmem>>, vector<1x128xf32>,
      %while3A_75 = arith.constant 0 : i32
      scf.yield %while3A_75 : i32
    }
    %while3A_54 = arith.constant 1 : i32
    %while3A_55 = scf.for %while3A_56 = %while3A_51 to %while3A_47 step %while3A_54 iter_args(%while3A_57 = %while3A_53) -> (i32)  : i32 {
      %eq3A_58 = vector.broadcast %while3A_56 : i32 to vector<1024x1xi32>
      %eq3A_59 = arith.cmpi eq, %get3A_34, %eq3A_58 : vector<1024x1xi32>
      %gt3A_60 = arith.constant 0.000000e+00 : f32
      %gt3A_61 = vector.broadcast %gt3A_60 : f32 to vector<1024x1xf32>
      %gt3A_62 = arith.cmpf ogt, %get3A_37, %gt3A_61 : vector<1024x1xf32>
      %and3A_63 = arith.andi %eq3A_59, %gt3A_62 : vector<1024x1xi1>
      %jit3A = arith.constant 0xFF800000 : f32
      %broadcast_in_dim3A_64 = vector.shape_cast %and3A_63 : vector<1024x1xi1> to vector<1024x1xi1>
      %broadcast_in_dim3A_65 = vector.broadcast %broadcast_in_dim3A_64 : vector<1024x1xi1> to vector<1024x128xi1>
      %broadcast_in_dim3A_66 = vector.broadcast %jit3A : f32 to vector<1024x128xf32>
      %select_n3A = arith.select %broadcast_in_dim3A_65, %get3A_3, %broadcast_in_dim3A_66 : vector<1024x128xi1>, vector<1024x128xf32>
      %reduce_max3A = arith.constant dense<0xFF800000> : vector<128xf32>
      %reduce_max3A_67 = vector.multi_reduction <maximumf>, %select_n3A, %reduce_max3A [0] : vector<1024x128xf32> to vector<128xf32>
      %broadcast_in_dim3A_68 = vector.shape_cast %reduce_max3A_67 : vector<128xf32> to vector<1x128xf32>
      %get3A_69 = arith.index_cast %while3A_56 : i32 to index
      %get3A_70 = arith.constant 0 : index
      %get3A_71 = vector.load %arg8[%get3A_69, %get3A_70] : memref<64x128xf32, #tpu.memory_space<vmem>>, vector<1x128xf32>
      %max3A = arith.maximumf %get3A_71, %broadcast_in_dim3A_68 : vector<1x128xf32>
      %swap3A_72 = arith.index_cast %while3A_56 : i32 to index
      %swap3A_73 = arith.constant 0 : index
      %swap3A_74 = vector.load %arg8[%swap3A_72, %swap3A_73] : memref<64x128xf32, #tpu.memory_space<vmem>>, vector<1x128xf32>
      tpu.vector_store %arg8[%swap3A_72, %swap3A_73], %max3A {strides = array<i32>} : memref<64x128xf32, #tpu.memory_space<vmem>>, vector<1x128xf32>,
      %while3A_75 = arith.constant 0 : i32
      scf.yield %while3A_75 : i32
    }
    return
  }
  func.func @transform_0(%arg0: i32) -> (i32, i32) {
    %c0_i32 = arith.constant 0 : i32
    %c0_i32_0 = arith.constant 0 : i32
    %c0_i32_1 = arith.constant 0 : i32
    return %c0_i32, %c0_i32_0 : i32, i32
  }
  func.func @transform_1(%arg0: i32) -> (i32, i32) {
    %c0_i32 = arith.constant 0 : i32
    %c0_i32_0 = arith.constant 0 : i32
    return %c0_i32, %arg0 : i32, i32
  }
  func.func @transform_2(%arg0: i32) -> (i32, i32) {
    %c0_i32 = arith.constant 0 : i32
    %c0_i32_0 = arith.constant 0 : i32
    return %c0_i32, %arg0 : i32, i32
  }
  func.func @transform_3(%arg0: i32) -> (i32, i32) {
    %c0_i32 = arith.constant 0 : i32
    %c0_i32_0 = arith.constant 0 : i32
    return %arg0, %c0_i32 : i32, i32
  }
  func.func @transform_4(%arg0: i32) -> (i32, i32) {
    %c0_i32 = arith.constant 0 : i32
    %c0_i32_0 = arith.constant 0 : i32
    return %arg0, %c0_i32 : i32, i32
  }
  func.func @transform_5(%arg0: i32) -> (i32, i32) {
    %c0_i32 = arith.constant 0 : i32
    %c0_i32_0 = arith.constant 0 : i32
    return %arg0, %c0_i32 : i32, i32
  }
  func.func @transform_6(%arg0: i32) -> (i32, i32) {
    %c0_i32 = arith.constant 0 : i32
    %c0_i32_0 = arith.constant 0 : i32
    %c0_i32_1 = arith.constant 0 : i32
    return %c0_i32, %c0_i32_0 : i32, i32
  }
  func.func @transform_7(%arg0: i32) -> (i32, i32) {
    %c0_i32 = arith.constant 0 : i32
    %c0_i32_0 = arith.constant 0 : i32
    %c0_i32_1 = arith.constant 0 : i32
    return %c0_i32, %c0_i32_0 : i32, i32
  }
  func.func @transform_8(%arg0: i32) -> (i32, i32) {
    %c0_i32 = arith.constant 0 : i32
    %c0_i32_0 = arith.constant 0 : i32
    %c0_i32_1 = arith.constant 0 : i32
    return %c0_i32, %c0_i32_0 : i32, i32
  }
}

module attributes {stable_mosaic.version = 14 : i64} {
  func.func @_rank_body(%arg0: i32, %arg1: memref<20x2xi32, #tpu.memory_space<smem>>, %arg2: memref<512x1xf32, #tpu.memory_space<vmem>>, %arg3: memref<2x512x1xf32, #tpu.memory_space<vmem>>, %arg4: memref<512x1xi32, #tpu.memory_space<vmem>>, %arg5: memref<512x1xf32, #tpu.memory_space<vmem>>, %arg6: memref<1x10240xf32, #tpu.memory_space<vmem>>, %arg7: memref<2x10240xf32, #tpu.memory_space<vmem>>, %arg8: memref<1x10240xi32, #tpu.memory_space<vmem>>, %arg9: memref<1x10240xf32, #tpu.memory_space<vmem>>, %arg10: memref<64x1xf32, #tpu.memory_space<vmem>>, %arg11: memref<1x1xf32, #tpu.memory_space<vmem>>, %arg12: memref<512x128xf32, #tpu.memory_space<vmem>>, %arg13: memref<512x1xf32, #tpu.memory_space<vmem>>, %arg14: memref<512x128xf32, #tpu.memory_space<vmem>>) attributes {dimension_semantics = [#tpu.dimension_semantics<arbitrary>], iteration_bounds = array<i64: 20>, scalar_prefetch = 0 : i64, scratch_operands = 0 : i64, tpu.core_type = #tpu.core_type<tc>, window_params = [{transform_indices = @transform_0, window_bounds = array<i64: 20, 2>}, {transform_indices = @transform_1, window_bounds = array<i64: 512, 1>}, {transform_indices = @transform_2, window_bounds = array<i64: 2, 512, 1>}, {transform_indices = @transform_3, window_bounds = array<i64: 512, 1>}, {transform_indices = @transform_4, window_bounds = array<i64: 512, 1>}, {pipeline_mode = #tpu.pipeline_mode<synchronous>, transform_indices = @transform_5, window_bounds = array<i64: 1, 10240>}, {pipeline_mode = #tpu.pipeline_mode<synchronous>, transform_indices = @transform_6, window_bounds = array<i64: 2, 10240>}, {pipeline_mode = #tpu.pipeline_mode<synchronous>, transform_indices = @transform_7, window_bounds = array<i64: 1, 10240>}, {pipeline_mode = #tpu.pipeline_mode<synchronous>, transform_indices = @transform_8, window_bounds = array<i64: 1, 10240>}, {pipeline_mode = #tpu.pipeline_mode<synchronous>, transform_indices = @transform_9, window_bounds = array<i64: 64, 1>}, {pipeline_mode = #tpu.pipeline_mode<synchronous>, transform_indices = @transform_10, window_bounds = array<i64: 1, 1>}, {transform_indices = @transform_11, window_bounds = array<i64: 512, 128>}, {transform_indices = @transform_12, window_bounds = array<i64: 512, 1>}, {transform_indices = @transform_13, window_bounds = array<i64: 512, 128>}]} {
    %get3A = arith.constant 0 : index
    %get3A_0 = arith.constant 0 : index
    %get3A_1 = vector.load %arg11[%get3A, %get3A_0] : memref<1x1xf32, #tpu.memory_space<vmem>>, vector<1x1xf32>
    %get3A_2 = vector.extract %get3A_1[0, 0] : f32 from vector<1x1xf32>
    %get3A_3 = arith.constant 0 : index
    %get3A_4 = arith.constant 0 : index
    %get3A_5 = vector.load %arg2[%get3A_3, %get3A_4] : memref<512x1xf32, #tpu.memory_space<vmem>>, vector<512x1xf32>
    %get3A_6 = arith.constant 0 : index
    %get3A_7 = arith.constant 0 : index
    %get3A_8 = arith.constant 0 : index
    %get3A_9 = vector.load %arg3[%get3A_6, %get3A_7, %get3A_8] : memref<2x512x1xf32, #tpu.memory_space<vmem>>, vector<1x512x1xf32>
    %get3A_10 = vector.shape_cast %get3A_9 : vector<1x512x1xf32> to vector<512x1xf32>
    %add3A = arith.addf %get3A_5, %get3A_10 : vector<512x1xf32>
    %get3A_11 = arith.constant 1 : index
    %get3A_12 = arith.constant 0 : index
    %get3A_13 = arith.constant 0 : index
    %get3A_14 = vector.load %arg3[%get3A_11, %get3A_12, %get3A_13] : memref<2x512x1xf32, #tpu.memory_space<vmem>>, vector<1x512x1xf32>
    %get3A_15 = vector.shape_cast %get3A_14 : vector<1x512x1xf32> to vector<512x1xf32>
    %add3A_16 = arith.addf %add3A, %get3A_15 : vector<512x1xf32>
    %add3A_17 = vector.broadcast %get3A_2 : f32 to vector<512x1xf32>
    %add3A_18 = arith.addf %add3A_16, %add3A_17 : vector<512x1xf32>
    %get3A_19 = arith.constant 0 : index
    %get3A_20 = arith.constant 0 : index
    %get3A_21 = vector.load %arg4[%get3A_19, %get3A_20] : memref<512x1xi32, #tpu.memory_space<vmem>>, vector<512x1xi32>
    %get3A_22 = arith.constant 0 : index
    %get3A_23 = arith.constant 0 : index
    %get3A_24 = vector.load %arg5[%get3A_22, %get3A_23] : memref<512x1xf32, #tpu.memory_space<vmem>>, vector<512x1xf32>
    %mul3A = arith.constant 512 : i32
    %mul3A_25 = arith.muli %arg0, %mul3A : i32
    %iota3A = tpu.iota {dimensions = array<i32: 0>} : vector<512x1xi32>
    %add3A_26 = vector.broadcast %mul3A_25 : i32 to vector<512x1xi32>
    %add3A_27 = arith.addi %add3A_26, %iota3A : vector<512x1xi32>
    %get3A_28 = arith.index_cast %arg0 : i32 to index
    %get3A_29 = arith.constant 0 : index
    %get3A_30 = memref.load %arg1[%get3A_28, %get3A_29] : memref<20x2xi32, #tpu.memory_space<smem>>
    %get3A_31 = arith.index_cast %arg0 : i32 to index
    %get3A_32 = arith.constant 1 : index
    %get3A_33 = memref.load %arg1[%get3A_31, %get3A_32] : memref<20x2xi32, #tpu.memory_space<smem>>
    %broadcast_in_dim3A = arith.constant 0.000000e+00 : f32
    %broadcast_in_dim3A_34 = vector.broadcast %broadcast_in_dim3A : f32 to vector<512x1xf32>
    %while3A = arith.subi %get3A_33, %get3A_30 : i32
    %while3A_35 = arith.addi %get3A_30, %while3A : i32
    %while3A_36 = arith.constant 1 : i32
    %while3A_37 = arith.divsi %while3A, %while3A_36 : i32
    %while3A_38 = arith.muli %while3A_37, %while3A_36 : i32
    %while3A_39 = arith.addi %get3A_30, %while3A_38 : i32
    %while3A_40 = arith.constant 1 : i32
    %while3A_41 = scf.for %while3A_70 = %get3A_30 to %while3A_39 step %while3A_40 iter_args(%while3A_71 = %broadcast_in_dim3A_34) -> (vector<512x1xf32>)  : i32 {
      %mul3A_72 = arith.constant 512 : i32
      %mul3A_73 = arith.muli %while3A_70, %mul3A_72 : i32
      %get3A_74 = arith.constant 0 : index
      %get3A_75 = arith.index_cast %mul3A_73 : i32 to index
      %get3A_76 = vector.load %arg6[%get3A_74, %get3A_75] : memref<1x10240xf32, #tpu.memory_space<vmem>>, vector<1x512xf32>
      %get3A_77 = arith.constant 0 : index
      %get3A_78 = arith.index_cast %mul3A_73 : i32 to index
      %get3A_79 = vector.load %arg7[%get3A_77, %get3A_78] : memref<2x10240xf32, #tpu.memory_space<vmem>>, vector<1x512xf32>
      %add3A_80 = arith.addf %get3A_76, %get3A_79 : vector<1x512xf32>
      %get3A_81 = arith.constant 1 : index
      %get3A_82 = arith.index_cast %mul3A_73 : i32 to index
      %get3A_83 = vector.load %arg7[%get3A_81, %get3A_82] : memref<2x10240xf32, #tpu.memory_space<vmem>>, vector<1x512xf32>
      %add3A_84 = arith.addf %add3A_80, %get3A_83 : vector<1x512xf32>
      %add3A_85 = vector.broadcast %get3A_2 : f32 to vector<1x512xf32>
      %add3A_86 = arith.addf %add3A_84, %add3A_85 : vector<1x512xf32>
      %get3A_87 = arith.constant 0 : index
      %get3A_88 = arith.index_cast %mul3A_73 : i32 to index
      %get3A_89 = vector.load %arg8[%get3A_87, %get3A_88] : memref<1x10240xi32, #tpu.memory_space<vmem>>, vector<1x512xi32>
      %get3A_90 = arith.constant 0 : index
      %get3A_91 = arith.index_cast %mul3A_73 : i32 to index
      %get3A_92 = vector.load %arg9[%get3A_90, %get3A_91] : memref<1x10240xf32, #tpu.memory_space<vmem>>, vector<1x512xf32>
      %mul3A_93 = arith.constant 512 : i32
      %mul3A_94 = arith.muli %while3A_70, %mul3A_93 : i32
      %iota3A_95 = tpu.iota {dimensions = array<i32: 1>} : vector<1x512xi32>
      %add3A_96 = vector.broadcast %mul3A_94 : i32 to vector<1x512xi32>
      %add3A_97 = arith.addi %add3A_96, %iota3A_95 : vector<1x512xi32>
      %gt3A_98 = vector.broadcast %add3A_86 : vector<1x512xf32> to vector<512x512xf32>
      %gt3A_99 = vector.broadcast %add3A_18 : vector<512x1xf32> to vector<512x512xf32>
      %gt3A_100 = arith.cmpf ogt, %gt3A_98, %gt3A_99 : vector<512x512xf32>
      %eq3A_101 = vector.broadcast %add3A_86 : vector<1x512xf32> to vector<512x512xf32>
      %eq3A_102 = vector.broadcast %add3A_18 : vector<512x1xf32> to vector<512x512xf32>
      %eq3A_103 = arith.cmpf oeq, %eq3A_101, %eq3A_102 : vector<512x512xf32>
      %lt3A_104 = vector.broadcast %add3A_97 : vector<1x512xi32> to vector<512x512xi32>
      %lt3A_105 = vector.broadcast %add3A_27 : vector<512x1xi32> to vector<512x512xi32>
      %lt3A_106 = arith.cmpi slt, %lt3A_104, %lt3A_105 : vector<512x512xi32>
      %and3A_107 = arith.andi %eq3A_103, %lt3A_106 : vector<512x512xi1>
      %or3A = arith.ori %gt3A_100, %and3A_107 : vector<512x512xi1>
      %eq3A_108 = vector.broadcast %get3A_89 : vector<1x512xi32> to vector<512x512xi32>
      %eq3A_109 = vector.broadcast %get3A_21 : vector<512x1xi32> to vector<512x512xi32>
      %eq3A_110 = arith.cmpi eq, %eq3A_108, %eq3A_109 : vector<512x512xi32>
      %gt3A_111 = arith.constant 0.000000e+00 : f32
      %gt3A_112 = vector.broadcast %gt3A_111 : f32 to vector<1x512xf32>
      %gt3A_113 = arith.cmpf ogt, %get3A_92, %gt3A_112 : vector<1x512xf32>
      %and3A_114 = vector.broadcast %gt3A_113 : vector<1x512xi1> to vector<512x512xi1>
      %and3A_115 = arith.andi %eq3A_110, %and3A_114 : vector<512x512xi1>
      %and3A_116 = arith.andi %and3A_115, %or3A : vector<512x512xi1>
      %convert_element_type3A_117 = arith.extui %and3A_116 : vector<512x512xi1> to vector<512x512xi32>
      %convert_element_type3A_118 = arith.sitofp %convert_element_type3A_117 : vector<512x512xi32> to vector<512x512xf32>
      %reduce_sum3A = arith.constant dense<0.000000e+00> : vector<512xf32>
      %reduce_sum3A_119 = vector.multi_reduction <add>, %convert_element_type3A_118, %reduce_sum3A [1] : vector<512x512xf32> to vector<512xf32>
      %broadcast_in_dim3A_120 = vector.shape_cast %reduce_sum3A_119 : vector<512xf32> to vector<512x1xf32>
      %add3A_121 = arith.addf %while3A_71, %broadcast_in_dim3A_120 : vector<512x1xf32>
      scf.yield %add3A_121 : vector<512x1xf32>
    }
    %while3A_42 = arith.constant 1 : i32
    %while3A_43 = scf.for %while3A_70 = %while3A_39 to %while3A_35 step %while3A_42 iter_args(%while3A_71 = %while3A_41) -> (vector<512x1xf32>)  : i32 {
      %mul3A_72 = arith.constant 512 : i32
      %mul3A_73 = arith.muli %while3A_70, %mul3A_72 : i32
      %get3A_74 = arith.constant 0 : index
      %get3A_75 = arith.index_cast %mul3A_73 : i32 to index
      %get3A_76 = vector.load %arg6[%get3A_74, %get3A_75] : memref<1x10240xf32, #tpu.memory_space<vmem>>, vector<1x512xf32>
      %get3A_77 = arith.constant 0 : index
      %get3A_78 = arith.index_cast %mul3A_73 : i32 to index
      %get3A_79 = vector.load %arg7[%get3A_77, %get3A_78] : memref<2x10240xf32, #tpu.memory_space<vmem>>, vector<1x512xf32>
      %add3A_80 = arith.addf %get3A_76, %get3A_79 : vector<1x512xf32>
      %get3A_81 = arith.constant 1 : index
      %get3A_82 = arith.index_cast %mul3A_73 : i32 to index
      %get3A_83 = vector.load %arg7[%get3A_81, %get3A_82] : memref<2x10240xf32, #tpu.memory_space<vmem>>, vector<1x512xf32>
      %add3A_84 = arith.addf %add3A_80, %get3A_83 : vector<1x512xf32>
      %add3A_85 = vector.broadcast %get3A_2 : f32 to vector<1x512xf32>
      %add3A_86 = arith.addf %add3A_84, %add3A_85 : vector<1x512xf32>
      %get3A_87 = arith.constant 0 : index
      %get3A_88 = arith.index_cast %mul3A_73 : i32 to index
      %get3A_89 = vector.load %arg8[%get3A_87, %get3A_88] : memref<1x10240xi32, #tpu.memory_space<vmem>>, vector<1x512xi32>
      %get3A_90 = arith.constant 0 : index
      %get3A_91 = arith.index_cast %mul3A_73 : i32 to index
      %get3A_92 = vector.load %arg9[%get3A_90, %get3A_91] : memref<1x10240xf32, #tpu.memory_space<vmem>>, vector<1x512xf32>
      %mul3A_93 = arith.constant 512 : i32
      %mul3A_94 = arith.muli %while3A_70, %mul3A_93 : i32
      %iota3A_95 = tpu.iota {dimensions = array<i32: 1>} : vector<1x512xi32>
      %add3A_96 = vector.broadcast %mul3A_94 : i32 to vector<1x512xi32>
      %add3A_97 = arith.addi %add3A_96, %iota3A_95 : vector<1x512xi32>
      %gt3A_98 = vector.broadcast %add3A_86 : vector<1x512xf32> to vector<512x512xf32>
      %gt3A_99 = vector.broadcast %add3A_18 : vector<512x1xf32> to vector<512x512xf32>
      %gt3A_100 = arith.cmpf ogt, %gt3A_98, %gt3A_99 : vector<512x512xf32>
      %eq3A_101 = vector.broadcast %add3A_86 : vector<1x512xf32> to vector<512x512xf32>
      %eq3A_102 = vector.broadcast %add3A_18 : vector<512x1xf32> to vector<512x512xf32>
      %eq3A_103 = arith.cmpf oeq, %eq3A_101, %eq3A_102 : vector<512x512xf32>
      %lt3A_104 = vector.broadcast %add3A_97 : vector<1x512xi32> to vector<512x512xi32>
      %lt3A_105 = vector.broadcast %add3A_27 : vector<512x1xi32> to vector<512x512xi32>
      %lt3A_106 = arith.cmpi slt, %lt3A_104, %lt3A_105 : vector<512x512xi32>
      %and3A_107 = arith.andi %eq3A_103, %lt3A_106 : vector<512x512xi1>
      %or3A = arith.ori %gt3A_100, %and3A_107 : vector<512x512xi1>
      %eq3A_108 = vector.broadcast %get3A_89 : vector<1x512xi32> to vector<512x512xi32>
      %eq3A_109 = vector.broadcast %get3A_21 : vector<512x1xi32> to vector<512x512xi32>
      %eq3A_110 = arith.cmpi eq, %eq3A_108, %eq3A_109 : vector<512x512xi32>
      %gt3A_111 = arith.constant 0.000000e+00 : f32
      %gt3A_112 = vector.broadcast %gt3A_111 : f32 to vector<1x512xf32>
      %gt3A_113 = arith.cmpf ogt, %get3A_92, %gt3A_112 : vector<1x512xf32>
      %and3A_114 = vector.broadcast %gt3A_113 : vector<1x512xi1> to vector<512x512xi1>
      %and3A_115 = arith.andi %eq3A_110, %and3A_114 : vector<512x512xi1>
      %and3A_116 = arith.andi %and3A_115, %or3A : vector<512x512xi1>
      %convert_element_type3A_117 = arith.extui %and3A_116 : vector<512x512xi1> to vector<512x512xi32>
      %convert_element_type3A_118 = arith.sitofp %convert_element_type3A_117 : vector<512x512xi32> to vector<512x512xf32>
      %reduce_sum3A = arith.constant dense<0.000000e+00> : vector<512xf32>
      %reduce_sum3A_119 = vector.multi_reduction <add>, %convert_element_type3A_118, %reduce_sum3A [1] : vector<512x512xf32> to vector<512xf32>
      %broadcast_in_dim3A_120 = vector.shape_cast %reduce_sum3A_119 : vector<512xf32> to vector<512x1xf32>
      %add3A_121 = arith.addf %while3A_71, %broadcast_in_dim3A_120 : vector<512x1xf32>
      scf.yield %add3A_121 : vector<512x1xf32>
    }
    %iota3A_44 = tpu.iota {dimensions = array<i32: 1>} : vector<1x64xi32>
    %eq3A = vector.broadcast %get3A_21 : vector<512x1xi32> to vector<512x64xi32>
    %eq3A_45 = vector.broadcast %iota3A_44 : vector<1x64xi32> to vector<512x64xi32>
    %eq3A_46 = arith.cmpi eq, %eq3A, %eq3A_45 : vector<512x64xi32>
    %convert_element_type3A = arith.extui %eq3A_46 : vector<512x64xi1> to vector<512x64xi32>
    %convert_element_type3A_47 = arith.sitofp %convert_element_type3A : vector<512x64xi32> to vector<512x64xf32>
    %get3A_48 = arith.constant 0 : index
    %get3A_49 = arith.constant 0 : index
    %get3A_50 = vector.load %arg10[%get3A_48, %get3A_49] : memref<64x1xf32, #tpu.memory_space<vmem>>, vector<64x1xf32>
    %mul3A_51 = arith.constant 5.000000e-01 : f32
    %mul3A_52 = vector.broadcast %mul3A_51 : f32 to vector<64x1xf32>
    %mul3A_53 = arith.mulf %mul3A_52, %get3A_50 : vector<64x1xf32>
    %ceil3A = math.ceil %mul3A_53 : vector<64x1xf32>
    %dot_general3A = arith.constant dense<0.000000e+00> : vector<512x1xf32>
    %dot_general3A_54 = tpu.matmul %convert_element_type3A_47, %ceil3A, %dot_general3A {dimension_numbers = #tpu.dot_dimension_numbers<[1], [0], [0], [1], [0, 0, 1, 1], [], []>, transpose_lhs_hint = false} : vector<512x64xf32>, vector<64x1xf32>, vector<512x1xf32> -> vector<512x1xf32>
    %gt3A = arith.constant 0.000000e+00 : f32
    %gt3A_55 = vector.broadcast %gt3A : f32 to vector<512x1xf32>
    %gt3A_56 = arith.cmpf ogt, %get3A_24, %gt3A_55 : vector<512x1xf32>
    %lt3A = arith.cmpf olt, %while3A_43, %dot_general3A_54 : vector<512x1xf32>
    %and3A = arith.andi %gt3A_56, %lt3A : vector<512x1xi1>
    %convert_element_type3A_57 = arith.extui %and3A : vector<512x1xi1> to vector<512x1xi32>
    %convert_element_type3A_58 = arith.sitofp %convert_element_type3A_57 : vector<512x1xi32> to vector<512x1xf32>
    %swap3A = arith.constant 0 : index
    %swap3A_59 = arith.constant 0 : index
    %swap3A_60 = vector.load %arg13[%swap3A, %swap3A_59] : memref<512x1xf32, #tpu.memory_space<vmem>>, vector<512x1xf32>
    tpu.vector_store %arg13[%swap3A, %swap3A_59], %convert_element_type3A_58 {strides = array<i32>} : memref<512x1xf32, #tpu.memory_space<vmem>>, vector<512x1xf32>,
    %get3A_61 = arith.constant 0 : index
    %get3A_62 = arith.constant 0 : index
    %get3A_63 = vector.load %arg12[%get3A_61, %get3A_62] : memref<512x128xf32, #tpu.memory_space<vmem>>, vector<512x128xf32>
    %tanh3A = math.tanh %add3A_18 : vector<512x1xf32>
    %jit3A = arith.constant 0.000000e+00 : f32
    %broadcast_in_dim3A_64 = vector.broadcast %jit3A : f32 to vector<512x1xf32>
    %select_n3A = arith.select %and3A, %tanh3A, %broadcast_in_dim3A_64 : vector<512x1xi1>, vector<512x1xf32>
    %mul3A_65 = vector.broadcast %select_n3A : vector<512x1xf32> to vector<512x128xf32>
    %mul3A_66 = arith.mulf %get3A_63, %mul3A_65 : vector<512x128xf32>
    %swap3A_67 = arith.constant 0 : index
    %swap3A_68 = arith.constant 0 : index
    %swap3A_69 = vector.load %arg14[%swap3A_67, %swap3A_68] : memref<512x128xf32, #tpu.memory_space<vmem>>, vector<512x128xf32>
    tpu.vector_store %arg14[%swap3A_67, %swap3A_68], %mul3A_66 {strides = array<i32>} : memref<512x128xf32, #tpu.memory_space<vmem>>, vector<512x128xf32>,
    return
  }
  func.func @transform_0(%arg0: i32) -> (i32, i32) {
    %c0_i32 = arith.constant 0 : i32
    %c0_i32_0 = arith.constant 0 : i32
    %c0_i32_1 = arith.constant 0 : i32
    return %c0_i32, %c0_i32_0 : i32, i32
  }
  func.func @transform_1(%arg0: i32) -> (i32, i32) {
    %c0_i32 = arith.constant 0 : i32
    %c0_i32_0 = arith.constant 0 : i32
    return %arg0, %c0_i32 : i32, i32
  }
  func.func @transform_2(%arg0: i32) -> (i32, i32, i32) {
    %c0_i32 = arith.constant 0 : i32
    %c0_i32_0 = arith.constant 0 : i32
    %c0_i32_1 = arith.constant 0 : i32
    return %c0_i32, %arg0, %c0_i32_0 : i32, i32, i32
  }
  func.func @transform_3(%arg0: i32) -> (i32, i32) {
    %c0_i32 = arith.constant 0 : i32
    %c0_i32_0 = arith.constant 0 : i32
    return %arg0, %c0_i32 : i32, i32
  }
  func.func @transform_4(%arg0: i32) -> (i32, i32) {
    %c0_i32 = arith.constant 0 : i32
    %c0_i32_0 = arith.constant 0 : i32
    return %arg0, %c0_i32 : i32, i32
  }
  func.func @transform_5(%arg0: i32) -> (i32, i32) {
    %c0_i32 = arith.constant 0 : i32
    %c0_i32_0 = arith.constant 0 : i32
    %c0_i32_1 = arith.constant 0 : i32
    return %c0_i32, %c0_i32_0 : i32, i32
  }
  func.func @transform_6(%arg0: i32) -> (i32, i32) {
    %c0_i32 = arith.constant 0 : i32
    %c0_i32_0 = arith.constant 0 : i32
    %c0_i32_1 = arith.constant 0 : i32
    return %c0_i32, %c0_i32_0 : i32, i32
  }
  func.func @transform_7(%arg0: i32) -> (i32, i32) {
    %c0_i32 = arith.constant 0 : i32
    %c0_i32_0 = arith.constant 0 : i32
    %c0_i32_1 = arith.constant 0 : i32
    return %c0_i32, %c0_i32_0 : i32, i32
  }
  func.func @transform_8(%arg0: i32) -> (i32, i32) {
    %c0_i32 = arith.constant 0 : i32
    %c0_i32_0 = arith.constant 0 : i32
    %c0_i32_1 = arith.constant 0 : i32
    return %c0_i32, %c0_i32_0 : i32, i32
  }
  func.func @transform_9(%arg0: i32) -> (i32, i32) {
    %c0_i32 = arith.constant 0 : i32
    %c0_i32_0 = arith.constant 0 : i32
    %c0_i32_1 = arith.constant 0 : i32
    return %c0_i32, %c0_i32_0 : i32, i32
  }
  func.func @transform_10(%arg0: i32) -> (i32, i32) {
    %c0_i32 = arith.constant 0 : i32
    %c0_i32_0 = arith.constant 0 : i32
    %c0_i32_1 = arith.constant 0 : i32
    return %c0_i32, %c0_i32_0 : i32, i32
  }
  func.func @transform_11(%arg0: i32) -> (i32, i32) {
    %c0_i32 = arith.constant 0 : i32
    %c0_i32_0 = arith.constant 0 : i32
    return %arg0, %c0_i32 : i32, i32
  }
  func.func @transform_12(%arg0: i32) -> (i32, i32) {
    %c0_i32 = arith.constant 0 : i32
    %c0_i32_0 = arith.constant 0 : i32
    return %arg0, %c0_i32 : i32, i32
  }
  func.func @transform_13(%arg0: i32) -> (i32, i32) {
    %c0_i32 = arith.constant 0 : i32
    %c0_i32_0 = arith.constant 0 : i32
    return %arg0, %c0_i32 : i32, i32
  }
}

module attributes {stable_mosaic.version = 14 : i64} {
  func.func @_head_body(%arg0: memref<64x128xf32, #tpu.memory_space<vmem>>, %arg1: memref<64x128xf32, #tpu.memory_space<vmem>>, %arg2: memref<64x1xf32, #tpu.memory_space<vmem>>, %arg3: memref<64x128xf32, #tpu.memory_space<vmem>>, %arg4: memref<64x128xf32, #tpu.memory_space<vmem>>, %arg5: memref<64x1xf32, #tpu.memory_space<vmem>>, %arg6: memref<64x128xf32, #tpu.memory_space<vmem>>, %arg7: memref<64x128xf32, #tpu.memory_space<vmem>>, %arg8: memref<64x1xf32, #tpu.memory_space<vmem>>, %arg9: memref<64x128xf32, #tpu.memory_space<vmem>>, %arg10: memref<64x128xf32, #tpu.memory_space<vmem>>, %arg11: memref<64x1xf32, #tpu.memory_space<vmem>>, %arg12: memref<64x128xf32, #tpu.memory_space<vmem>>, %arg13: memref<64x128xf32, #tpu.memory_space<vmem>>, %arg14: memref<64x1xf32, #tpu.memory_space<vmem>>, %arg15: memref<64x128xf32, #tpu.memory_space<vmem>>, %arg16: memref<64x128xf32, #tpu.memory_space<vmem>>, %arg17: memref<64x1xf32, #tpu.memory_space<vmem>>, %arg18: memref<512x128xf32, #tpu.memory_space<vmem>>, %arg19: memref<1x128xf32, #tpu.memory_space<vmem>>, %arg20: memref<128x128xf32, #tpu.memory_space<vmem>>, %arg21: memref<1x128xf32, #tpu.memory_space<vmem>>, %arg22: memref<128x10xf32, #tpu.memory_space<vmem>>, %arg23: memref<1x10xf32, #tpu.memory_space<vmem>>, %arg24: memref<64x10xf32, #tpu.memory_space<vmem>>) attributes {dimension_semantics = [], scalar_prefetch = 0 : i64, scratch_operands = 0 : i64, tpu.core_type = #tpu.core_type<tc>} {
    %get3A = arith.constant 0 : index
    %get3A_0 = arith.constant 0 : index
    %get3A_1 = vector.load %arg0[%get3A, %get3A_0] : memref<64x128xf32, #tpu.memory_space<vmem>>, vector<64x128xf32>
    %get3A_2 = arith.constant 0 : index
    %get3A_3 = arith.constant 0 : index
    %get3A_4 = vector.load %arg2[%get3A_2, %get3A_3] : memref<64x1xf32, #tpu.memory_space<vmem>>, vector<64x1xf32>
    %max3A = arith.constant 1.000000e+00 : f32
    %max3A_5 = vector.broadcast %max3A : f32 to vector<64x1xf32>
    %max3A_6 = arith.maximumf %get3A_4, %max3A_5 : vector<64x1xf32>
    %div3A = vector.broadcast %max3A_6 : vector<64x1xf32> to vector<64x128xf32>
    %div3A_7 = arith.divf %get3A_1, %div3A : vector<64x128xf32>
    %get3A_8 = arith.constant 0 : index
    %get3A_9 = arith.constant 0 : index
    %get3A_10 = vector.load %arg1[%get3A_8, %get3A_9] : memref<64x128xf32, #tpu.memory_space<vmem>>, vector<64x128xf32>
    %concatenate3A = tpu.concatenate %div3A_7, %get3A_10 in 1 : vector<64x128xf32>, vector<64x128xf32> -> vector<64x256xf32>
    %integer_pow3A = arith.mulf %concatenate3A, %concatenate3A : vector<64x256xf32>
    %integer_pow3A_11 = arith.mulf %concatenate3A, %integer_pow3A : vector<64x256xf32>
    %mul3A = arith.constant 4.471500e-02 : f32
    %mul3A_12 = vector.broadcast %mul3A : f32 to vector<64x256xf32>
    %mul3A_13 = arith.mulf %mul3A_12, %integer_pow3A_11 : vector<64x256xf32>
    %add3A = arith.addf %concatenate3A, %mul3A_13 : vector<64x256xf32>
    %mul3A_14 = arith.constant 0.797884583 : f32
    %mul3A_15 = vector.broadcast %mul3A_14 : f32 to vector<64x256xf32>
    %mul3A_16 = arith.mulf %mul3A_15, %add3A : vector<64x256xf32>
    %tanh3A = math.tanh %mul3A_16 : vector<64x256xf32>
    %add3A_17 = arith.constant 1.000000e+00 : f32
    %add3A_18 = vector.broadcast %add3A_17 : f32 to vector<64x256xf32>
    %add3A_19 = arith.addf %add3A_18, %tanh3A : vector<64x256xf32>
    %mul3A_20 = arith.constant 5.000000e-01 : f32
    %mul3A_21 = vector.broadcast %mul3A_20 : f32 to vector<64x256xf32>
    %mul3A_22 = arith.mulf %mul3A_21, %add3A_19 : vector<64x256xf32>
    %mul3A_23 = arith.mulf %concatenate3A, %mul3A_22 : vector<64x256xf32>
    %get3A_24 = arith.constant 0 : index
    %get3A_25 = arith.constant 0 : index
    %get3A_26 = vector.load %arg3[%get3A_24, %get3A_25] : memref<64x128xf32, #tpu.memory_space<vmem>>, vector<64x128xf32>
    %get3A_27 = arith.constant 0 : index
    %get3A_28 = arith.constant 0 : index
    %get3A_29 = vector.load %arg5[%get3A_27, %get3A_28] : memref<64x1xf32, #tpu.memory_space<vmem>>, vector<64x1xf32>
    %max3A_30 = arith.constant 1.000000e+00 : f32
    %max3A_31 = vector.broadcast %max3A_30 : f32 to vector<64x1xf32>
    %max3A_32 = arith.maximumf %get3A_29, %max3A_31 : vector<64x1xf32>
    %div3A_33 = vector.broadcast %max3A_32 : vector<64x1xf32> to vector<64x128xf32>
    %div3A_34 = arith.divf %get3A_26, %div3A_33 : vector<64x128xf32>
    %get3A_35 = arith.constant 0 : index
    %get3A_36 = arith.constant 0 : index
    %get3A_37 = vector.load %arg4[%get3A_35, %get3A_36] : memref<64x128xf32, #tpu.memory_space<vmem>>, vector<64x128xf32>
    %concatenate3A_38 = tpu.concatenate %div3A_34, %get3A_37 in 1 : vector<64x128xf32>, vector<64x128xf32> -> vector<64x256xf32>
    %integer_pow3A_39 = arith.mulf %concatenate3A_38, %concatenate3A_38 : vector<64x256xf32>
    %integer_pow3A_40 = arith.mulf %concatenate3A_38, %integer_pow3A_39 : vector<64x256xf32>
    %mul3A_41 = arith.constant 4.471500e-02 : f32
    %mul3A_42 = vector.broadcast %mul3A_41 : f32 to vector<64x256xf32>
    %mul3A_43 = arith.mulf %mul3A_42, %integer_pow3A_40 : vector<64x256xf32>
    %add3A_44 = arith.addf %concatenate3A_38, %mul3A_43 : vector<64x256xf32>
    %mul3A_45 = arith.constant 0.797884583 : f32
    %mul3A_46 = vector.broadcast %mul3A_45 : f32 to vector<64x256xf32>
    %mul3A_47 = arith.mulf %mul3A_46, %add3A_44 : vector<64x256xf32>
    %tanh3A_48 = math.tanh %mul3A_47 : vector<64x256xf32>
    %add3A_49 = arith.constant 1.000000e+00 : f32
    %add3A_50 = vector.broadcast %add3A_49 : f32 to vector<64x256xf32>
    %add3A_51 = arith.addf %add3A_50, %tanh3A_48 : vector<64x256xf32>
    %mul3A_52 = arith.constant 5.000000e-01 : f32
    %mul3A_53 = vector.broadcast %mul3A_52 : f32 to vector<64x256xf32>
    %mul3A_54 = arith.mulf %mul3A_53, %add3A_51 : vector<64x256xf32>
    %mul3A_55 = arith.mulf %concatenate3A_38, %mul3A_54 : vector<64x256xf32>
    %add3A_56 = arith.addf %mul3A_23, %mul3A_55 : vector<64x256xf32>
    %get3A_57 = arith.constant 0 : index
    %get3A_58 = arith.constant 0 : index
    %get3A_59 = vector.load %arg6[%get3A_57, %get3A_58] : memref<64x128xf32, #tpu.memory_space<vmem>>, vector<64x128xf32>
    %get3A_60 = arith.constant 0 : index
    %get3A_61 = arith.constant 0 : index
    %get3A_62 = vector.load %arg8[%get3A_60, %get3A_61] : memref<64x1xf32, #tpu.memory_space<vmem>>, vector<64x1xf32>
    %max3A_63 = arith.constant 1.000000e+00 : f32
    %max3A_64 = vector.broadcast %max3A_63 : f32 to vector<64x1xf32>
    %max3A_65 = arith.maximumf %get3A_62, %max3A_64 : vector<64x1xf32>
    %div3A_66 = vector.broadcast %max3A_65 : vector<64x1xf32> to vector<64x128xf32>
    %div3A_67 = arith.divf %get3A_59, %div3A_66 : vector<64x128xf32>
    %get3A_68 = arith.constant 0 : index
    %get3A_69 = arith.constant 0 : index
    %get3A_70 = vector.load %arg7[%get3A_68, %get3A_69] : memref<64x128xf32, #tpu.memory_space<vmem>>, vector<64x128xf32>
    %concatenate3A_71 = tpu.concatenate %div3A_67, %get3A_70 in 1 : vector<64x128xf32>, vector<64x128xf32> -> vector<64x256xf32>
    %integer_pow3A_72 = arith.mulf %concatenate3A_71, %concatenate3A_71 : vector<64x256xf32>
    %integer_pow3A_73 = arith.mulf %concatenate3A_71, %integer_pow3A_72 : vector<64x256xf32>
    %mul3A_74 = arith.constant 4.471500e-02 : f32
    %mul3A_75 = vector.broadcast %mul3A_74 : f32 to vector<64x256xf32>
    %mul3A_76 = arith.mulf %mul3A_75, %integer_pow3A_73 : vector<64x256xf32>
    %add3A_77 = arith.addf %concatenate3A_71, %mul3A_76 : vector<64x256xf32>
    %mul3A_78 = arith.constant 0.797884583 : f32
    %mul3A_79 = vector.broadcast %mul3A_78 : f32 to vector<64x256xf32>
    %mul3A_80 = arith.mulf %mul3A_79, %add3A_77 : vector<64x256xf32>
    %tanh3A_81 = math.tanh %mul3A_80 : vector<64x256xf32>
    %add3A_82 = arith.constant 1.000000e+00 : f32
    %add3A_83 = vector.broadcast %add3A_82 : f32 to vector<64x256xf32>
    %add3A_84 = arith.addf %add3A_83, %tanh3A_81 : vector<64x256xf32>
    %mul3A_85 = arith.constant 5.000000e-01 : f32
    %mul3A_86 = vector.broadcast %mul3A_85 : f32 to vector<64x256xf32>
    %mul3A_87 = arith.mulf %mul3A_86, %add3A_84 : vector<64x256xf32>
    %mul3A_88 = arith.mulf %concatenate3A_71, %mul3A_87 : vector<64x256xf32>
    %add3A_89 = arith.addf %add3A_56, %mul3A_88 : vector<64x256xf32>
    %get3A_90 = arith.constant 0 : index
    %get3A_91 = arith.constant 0 : index
    %get3A_92 = vector.load %arg9[%get3A_90, %get3A_91] : memref<64x128xf32, #tpu.memory_space<vmem>>, vector<64x128xf32>
    %get3A_93 = arith.constant 0 : index
    %get3A_94 = arith.constant 0 : index
    %get3A_95 = vector.load %arg11[%get3A_93, %get3A_94] : memref<64x1xf32, #tpu.memory_space<vmem>>, vector<64x1xf32>
    %max3A_96 = arith.constant 1.000000e+00 : f32
    %max3A_97 = vector.broadcast %max3A_96 : f32 to vector<64x1xf32>
    %max3A_98 = arith.maximumf %get3A_95, %max3A_97 : vector<64x1xf32>
    %div3A_99 = vector.broadcast %max3A_98 : vector<64x1xf32> to vector<64x128xf32>
    %div3A_100 = arith.divf %get3A_92, %div3A_99 : vector<64x128xf32>
    %get3A_101 = arith.constant 0 : index
    %get3A_102 = arith.constant 0 : index
    %get3A_103 = vector.load %arg10[%get3A_101, %get3A_102] : memref<64x128xf32, #tpu.memory_space<vmem>>, vector<64x128xf32>
    %concatenate3A_104 = tpu.concatenate %div3A_100, %get3A_103 in 1 : vector<64x128xf32>, vector<64x128xf32> -> vector<64x256xf32>
    %integer_pow3A_105 = arith.mulf %concatenate3A_104, %concatenate3A_104 : vector<64x256xf32>
    %integer_pow3A_106 = arith.mulf %concatenate3A_104, %integer_pow3A_105 : vector<64x256xf32>
    %mul3A_107 = arith.constant 4.471500e-02 : f32
    %mul3A_108 = vector.broadcast %mul3A_107 : f32 to vector<64x256xf32>
    %mul3A_109 = arith.mulf %mul3A_108, %integer_pow3A_106 : vector<64x256xf32>
    %add3A_110 = arith.addf %concatenate3A_104, %mul3A_109 : vector<64x256xf32>
    %mul3A_111 = arith.constant 0.797884583 : f32
    %mul3A_112 = vector.broadcast %mul3A_111 : f32 to vector<64x256xf32>
    %mul3A_113 = arith.mulf %mul3A_112, %add3A_110 : vector<64x256xf32>
    %tanh3A_114 = math.tanh %mul3A_113 : vector<64x256xf32>
    %add3A_115 = arith.constant 1.000000e+00 : f32
    %add3A_116 = vector.broadcast %add3A_115 : f32 to vector<64x256xf32>
    %add3A_117 = arith.addf %add3A_116, %tanh3A_114 : vector<64x256xf32>
    %mul3A_118 = arith.constant 5.000000e-01 : f32
    %mul3A_119 = vector.broadcast %mul3A_118 : f32 to vector<64x256xf32>
    %mul3A_120 = arith.mulf %mul3A_119, %add3A_117 : vector<64x256xf32>
    %mul3A_121 = arith.mulf %concatenate3A_104, %mul3A_120 : vector<64x256xf32>
    %get3A_122 = arith.constant 0 : index
    %get3A_123 = arith.constant 0 : index
    %get3A_124 = vector.load %arg12[%get3A_122, %get3A_123] : memref<64x128xf32, #tpu.memory_space<vmem>>, vector<64x128xf32>
    %get3A_125 = arith.constant 0 : index
    %get3A_126 = arith.constant 0 : index
    %get3A_127 = vector.load %arg14[%get3A_125, %get3A_126] : memref<64x1xf32, #tpu.memory_space<vmem>>, vector<64x1xf32>
    %max3A_128 = arith.constant 1.000000e+00 : f32
    %max3A_129 = vector.broadcast %max3A_128 : f32 to vector<64x1xf32>
    %max3A_130 = arith.maximumf %get3A_127, %max3A_129 : vector<64x1xf32>
    %div3A_131 = vector.broadcast %max3A_130 : vector<64x1xf32> to vector<64x128xf32>
    %div3A_132 = arith.divf %get3A_124, %div3A_131 : vector<64x128xf32>
    %get3A_133 = arith.constant 0 : index
    %get3A_134 = arith.constant 0 : index
    %get3A_135 = vector.load %arg13[%get3A_133, %get3A_134] : memref<64x128xf32, #tpu.memory_space<vmem>>, vector<64x128xf32>
    %concatenate3A_136 = tpu.concatenate %div3A_132, %get3A_135 in 1 : vector<64x128xf32>, vector<64x128xf32> -> vector<64x256xf32>
    %integer_pow3A_137 = arith.mulf %concatenate3A_136, %concatenate3A_136 : vector<64x256xf32>
    %integer_pow3A_138 = arith.mulf %concatenate3A_136, %integer_pow3A_137 : vector<64x256xf32>
    %mul3A_139 = arith.constant 4.471500e-02 : f32
    %mul3A_140 = vector.broadcast %mul3A_139 : f32 to vector<64x256xf32>
    %mul3A_141 = arith.mulf %mul3A_140, %integer_pow3A_138 : vector<64x256xf32>
    %add3A_142 = arith.addf %concatenate3A_136, %mul3A_141 : vector<64x256xf32>
    %mul3A_143 = arith.constant 0.797884583 : f32
    %mul3A_144 = vector.broadcast %mul3A_143 : f32 to vector<64x256xf32>
    %mul3A_145 = arith.mulf %mul3A_144, %add3A_142 : vector<64x256xf32>
    %tanh3A_146 = math.tanh %mul3A_145 : vector<64x256xf32>
    %add3A_147 = arith.constant 1.000000e+00 : f32
    %add3A_148 = vector.broadcast %add3A_147 : f32 to vector<64x256xf32>
    %add3A_149 = arith.addf %add3A_148, %tanh3A_146 : vector<64x256xf32>
    %mul3A_150 = arith.constant 5.000000e-01 : f32
    %mul3A_151 = vector.broadcast %mul3A_150 : f32 to vector<64x256xf32>
    %mul3A_152 = arith.mulf %mul3A_151, %add3A_149 : vector<64x256xf32>
    %mul3A_153 = arith.mulf %concatenate3A_136, %mul3A_152 : vector<64x256xf32>
    %add3A_154 = arith.addf %mul3A_121, %mul3A_153 : vector<64x256xf32>
    %get3A_155 = arith.constant 0 : index
    %get3A_156 = arith.constant 0 : index
    %get3A_157 = vector.load %arg15[%get3A_155, %get3A_156] : memref<64x128xf32, #tpu.memory_space<vmem>>, vector<64x128xf32>
    %get3A_158 = arith.constant 0 : index
    %get3A_159 = arith.constant 0 : index
    %get3A_160 = vector.load %arg17[%get3A_158, %get3A_159] : memref<64x1xf32, #tpu.memory_space<vmem>>, vector<64x1xf32>
    %max3A_161 = arith.constant 1.000000e+00 : f32
    %max3A_162 = vector.broadcast %max3A_161 : f32 to vector<64x1xf32>
    %max3A_163 = arith.maximumf %get3A_160, %max3A_162 : vector<64x1xf32>
    %div3A_164 = vector.broadcast %max3A_163 : vector<64x1xf32> to vector<64x128xf32>
    %div3A_165 = arith.divf %get3A_157, %div3A_164 : vector<64x128xf32>
    %get3A_166 = arith.constant 0 : index
    %get3A_167 = arith.constant 0 : index
    %get3A_168 = vector.load %arg16[%get3A_166, %get3A_167] : memref<64x128xf32, #tpu.memory_space<vmem>>, vector<64x128xf32>
    %concatenate3A_169 = tpu.concatenate %div3A_165, %get3A_168 in 1 : vector<64x128xf32>, vector<64x128xf32> -> vector<64x256xf32>
    %integer_pow3A_170 = arith.mulf %concatenate3A_169, %concatenate3A_169 : vector<64x256xf32>
    %integer_pow3A_171 = arith.mulf %concatenate3A_169, %integer_pow3A_170 : vector<64x256xf32>
    %mul3A_172 = arith.constant 4.471500e-02 : f32
    %mul3A_173 = vector.broadcast %mul3A_172 : f32 to vector<64x256xf32>
    %mul3A_174 = arith.mulf %mul3A_173, %integer_pow3A_171 : vector<64x256xf32>
    %add3A_175 = arith.addf %concatenate3A_169, %mul3A_174 : vector<64x256xf32>
    %mul3A_176 = arith.constant 0.797884583 : f32
    %mul3A_177 = vector.broadcast %mul3A_176 : f32 to vector<64x256xf32>
    %mul3A_178 = arith.mulf %mul3A_177, %add3A_175 : vector<64x256xf32>
    %tanh3A_179 = math.tanh %mul3A_178 : vector<64x256xf32>
    %add3A_180 = arith.constant 1.000000e+00 : f32
    %add3A_181 = vector.broadcast %add3A_180 : f32 to vector<64x256xf32>
    %add3A_182 = arith.addf %add3A_181, %tanh3A_179 : vector<64x256xf32>
    %mul3A_183 = arith.constant 5.000000e-01 : f32
    %mul3A_184 = vector.broadcast %mul3A_183 : f32 to vector<64x256xf32>
    %mul3A_185 = arith.mulf %mul3A_184, %add3A_182 : vector<64x256xf32>
    %mul3A_186 = arith.mulf %concatenate3A_169, %mul3A_185 : vector<64x256xf32>
    %add3A_187 = arith.addf %add3A_154, %mul3A_186 : vector<64x256xf32>
    %concatenate3A_188 = tpu.concatenate %add3A_89, %add3A_187 in 1 : vector<64x256xf32>, vector<64x256xf32> -> vector<64x512xf32>
    %integer_pow3A_189 = arith.mulf %concatenate3A_188, %concatenate3A_188 : vector<64x512xf32>
    %integer_pow3A_190 = arith.mulf %concatenate3A_188, %integer_pow3A_189 : vector<64x512xf32>
    %mul3A_191 = arith.constant 4.471500e-02 : f32
    %mul3A_192 = vector.broadcast %mul3A_191 : f32 to vector<64x512xf32>
    %mul3A_193 = arith.mulf %mul3A_192, %integer_pow3A_190 : vector<64x512xf32>
    %add3A_194 = arith.addf %concatenate3A_188, %mul3A_193 : vector<64x512xf32>
    %mul3A_195 = arith.constant 0.797884583 : f32
    %mul3A_196 = vector.broadcast %mul3A_195 : f32 to vector<64x512xf32>
    %mul3A_197 = arith.mulf %mul3A_196, %add3A_194 : vector<64x512xf32>
    %tanh3A_198 = math.tanh %mul3A_197 : vector<64x512xf32>
    %add3A_199 = arith.constant 1.000000e+00 : f32
    %add3A_200 = vector.broadcast %add3A_199 : f32 to vector<64x512xf32>
    %add3A_201 = arith.addf %add3A_200, %tanh3A_198 : vector<64x512xf32>
    %mul3A_202 = arith.constant 5.000000e-01 : f32
    %mul3A_203 = vector.broadcast %mul3A_202 : f32 to vector<64x512xf32>
    %mul3A_204 = arith.mulf %mul3A_203, %add3A_201 : vector<64x512xf32>
    %mul3A_205 = arith.mulf %concatenate3A_188, %mul3A_204 : vector<64x512xf32>
    %get3A_206 = arith.constant 0 : index
    %get3A_207 = arith.constant 0 : index
    %get3A_208 = vector.load %arg18[%get3A_206, %get3A_207] : memref<512x128xf32, #tpu.memory_space<vmem>>, vector<512x128xf32>
    %dot_general3A = arith.constant dense<0.000000e+00> : vector<64x128xf32>
    %dot_general3A_209 = tpu.matmul %mul3A_205, %get3A_208, %dot_general3A {dimension_numbers = #tpu.dot_dimension_numbers<[1], [0], [0], [1], [0, 0, 1, 1], [], []>, transpose_lhs_hint = false} : vector<64x512xf32>, vector<512x128xf32>, vector<64x128xf32> -> vector<64x128xf32>
    %get3A_210 = arith.constant 0 : index
    %get3A_211 = arith.constant 0 : index
    %get3A_212 = vector.load %arg19[%get3A_210, %get3A_211] : memref<1x128xf32, #tpu.memory_space<vmem>>, vector<1x128xf32>
    %add3A_213 = vector.broadcast %get3A_212 : vector<1x128xf32> to vector<64x128xf32>
    %add3A_214 = arith.addf %dot_general3A_209, %add3A_213 : vector<64x128xf32>
    %max3A_215 = arith.constant 0.000000e+00 : f32
    %max3A_216 = vector.broadcast %max3A_215 : f32 to vector<64x128xf32>
    %max3A_217 = arith.maximumf %add3A_214, %max3A_216 : vector<64x128xf32>
    %get3A_218 = arith.constant 0 : index
    %get3A_219 = arith.constant 0 : index
    %get3A_220 = vector.load %arg20[%get3A_218, %get3A_219] : memref<128x128xf32, #tpu.memory_space<vmem>>, vector<128x128xf32>
    %dot_general3A_221 = arith.constant dense<0.000000e+00> : vector<64x128xf32>
    %dot_general3A_222 = tpu.matmul %max3A_217, %get3A_220, %dot_general3A_221 {dimension_numbers = #tpu.dot_dimension_numbers<[1], [0], [0], [1], [0, 0, 1, 1], [], []>, transpose_lhs_hint = false} : vector<64x128xf32>, vector<128x128xf32>, vector<64x128xf32> -> vector<64x128xf32>
    %get3A_223 = arith.constant 0 : index
    %get3A_224 = arith.constant 0 : index
    %get3A_225 = vector.load %arg21[%get3A_223, %get3A_224] : memref<1x128xf32, #tpu.memory_space<vmem>>, vector<1x128xf32>
    %add3A_226 = vector.broadcast %get3A_225 : vector<1x128xf32> to vector<64x128xf32>
    %add3A_227 = arith.addf %dot_general3A_222, %add3A_226 : vector<64x128xf32>
    %max3A_228 = arith.constant 0.000000e+00 : f32
    %max3A_229 = vector.broadcast %max3A_228 : f32 to vector<64x128xf32>
    %max3A_230 = arith.maximumf %add3A_227, %max3A_229 : vector<64x128xf32>
    %get3A_231 = arith.constant 0 : index
    %get3A_232 = arith.constant 0 : index
    %get3A_233 = vector.load %arg22[%get3A_231, %get3A_232] : memref<128x10xf32, #tpu.memory_space<vmem>>, vector<128x10xf32>
    %dot_general3A_234 = arith.constant dense<0.000000e+00> : vector<64x10xf32>
    %dot_general3A_235 = tpu.matmul %max3A_230, %get3A_233, %dot_general3A_234 {dimension_numbers = #tpu.dot_dimension_numbers<[1], [0], [0], [1], [0, 0, 1, 1], [], []>, transpose_lhs_hint = false} : vector<64x128xf32>, vector<128x10xf32>, vector<64x10xf32> -> vector<64x10xf32>
    %get3A_236 = arith.constant 0 : index
    %get3A_237 = arith.constant 0 : index
    %get3A_238 = vector.load %arg23[%get3A_236, %get3A_237] : memref<1x10xf32, #tpu.memory_space<vmem>>, vector<1x10xf32>
    %add3A_239 = vector.broadcast %get3A_238 : vector<1x10xf32> to vector<64x10xf32>
    %add3A_240 = arith.addf %dot_general3A_235, %add3A_239 : vector<64x10xf32>
    %swap3A = arith.constant 0 : index
    %swap3A_241 = arith.constant 0 : index
    %swap3A_242 = vector.load %arg24[%swap3A, %swap3A_241] : memref<64x10xf32, #tpu.memory_space<vmem>>, vector<64x10xf32>
    tpu.vector_store %arg24[%swap3A, %swap3A_241], %add3A_240 {strides = array<i32>} : memref<64x10xf32, #tpu.memory_space<vmem>>, vector<64x10xf32>,
    return
  }
}

</mosaic_0001>

<sc_bundles>
// kernel: kernel.27.cloned.1.call-start
scs
__scs_entry_jumppad:
0x0: {  	(pc) =	sbr.rel $0x88, $3  }
0x1: {  	(tag) =	ssettag $0x0;
	lr =	simm.s32 $0x1  }
0x2: {  	[smem:$0x3F6C] =	sst lr;
	_ =	strace $0xD0000000  }
0x3: {  	_ = 	snop  }
0x4: {  	_ = 	snop  }
0x5: {  	_ = 	snop  }
0x6: {  	_ = 	snop  }
0x7: {  	_ = 	snop  }
__scs_overlays_trampoline_lowered:
0x8: {  	[smem:$0x3F7B] =	sst s0  }
0x9: {  	[smem:$0x3F7C] =	sst s1  }
0xa: {  	[smem:$0x3F7D] =	sst s2  }
0xb: {  	[smem:$0x3F7E] =	sst s3  }
0xc: {  	[smem:$0x3F7F] =	sst s4  }
0xd: {  	[smem:$0x3F80] =	sst s5  }
0xe: {  	[smem:$0x3F81] =	sst s6  }
0xf: {  	[smem:$0x3F82] =	sst s7  }
0x10: {  	[smem:$0x3F83] =	sst s8  }
0x11: {  	[smem:$0x3F84] =	sst s9;
	s0 =	simm.s32 @!p0 $0x0  }
0x12: {  	s1 =	sld [smem:$0x3F6A];
	s0 =	simm.s32 @p0 $0x1  }
0x13: {  	[smem:$0x3F85] =	sst s0;
	s0 =	simm.s32 @!p1 $0x0  }
0x14: {  	s2 =	sld [smem:$0x3F69];
	s0 =	simm.s32 @p1 $0x1  }
0x15: {  	[smem:$0x3F86] =	sst s0;
	s0 =	simm.s32 @!p2 $0x0  }
0x16: {  	s3 =	sld [smem:$0x3FDB];
	s0 =	simm.s32 @p2 $0x1  }
0x17: {  	s4 =	simm.s32 $0x1BF5;
	[smem:$0x3F88] =	sst s0  }
0x18: {  	s0 =	sld [smem:$0x3F6B];
	_ =	swait.ge [sflag:s4], $0x0  }
0x19: {  	s7 =	sld [smem:$0x3F6C]  }
0x1a: {  	s8 =	sadd.s32 $0xFFFFE003, lr  }
0x1b: {  	s9 =	sadd.s32 $0xFFFFFEF7, lr;
	s5 =	simm.s32 $0xFFFFFFFF;
	p2 =	slt.u32 s8, $0xFFFFF086  }
0x1c: {  	p1 =	slt.u32 s9, $0xF7A;
	s5 =	simm.s32 @!p2 $0x0  }
0x1d: {  	s5 =	simm.s32 @p1 $0x1;
	p0 =	seq.s32 s7, s2  }
0x1e: {  	s7 =	smul.u32 @!p0 $0xF7A, s2;
	p2 =	seq.s32 @!p0 s5, $0x0  }
0x1f: {  	s9 =	smul.u32 $0xF7A, s1;
	s8 =	simm.s32 @!p0 $0x1BF5;
	p2 =	por !p2, p0  }
0x20: {  	[sflag:s8] =	ssyncset.s32 @!p0 $0xFFFFF086;
	s6 =	sadd.s32 @!p0 s3, s7;
	s7 =	simm.s32 @!p0 $0x108  }
0x21: {  	s3 =	sadd.s32 s3, s9;
	s6 =	sadd.s32 @!p0 $0x88, s6;
	s7 =	simm.s32 @p2 $0x1082  }
0x22: {  	[simem:s7], [sflag:s8] =	dma.local @!p0 [hbm:s6], $0xF7A  }
0x23: {  	s9 =	sor.u32 $0xD0000000, s2;
	s6 =	simm.s32 $0x108;
	_ =	swait.ge @!p0 [sflag:s8], $0x0  }
0x24: {  	s3 =	sadd.s32 $0x88, s3;
	s6 =	simm.s32 @!p1 $0x1082;
	[sflag:s4] =	ssyncset.s32 $0xFFFFF086  }
0x25: {  	[simem:s6], [sflag:s4] =	dma.local [hbm:s3], $0xF7A  }
0x26: {  	[smem:$0x3F6C] =	sst s1;
	(tag) =	ssettag s2;
	_ =	strace s9  }
0x27: {  	s1 =	sld [smem:$0x3F7C]  }
0x28: {  	s2 =	sld [smem:$0x3F7D]  }
0x29: {  	s4 =	sld [smem:$0x3F7F]  }
0x2a: {  	p0 =	seq.s32 s5, $0x0;
	s5 =	sld [smem:$0x3F80]  }
0x2b: {  	s6 =	sld [smem:$0x3F81]  }
0x2c: {  	s7 =	sld [smem:$0x3F82]  }
0x2d: {  	s3 =	simm.s32 $0x108;
	s8 =	sld [smem:$0x3F83]  }
0x2e: {  	s3 =	simm.s32 @!p0 $0x1082;
	s9 =	sld [smem:$0x3F84]  }
0x2f: {  	lr =	sadd.s32 s0, s3;
	s0 =	sld [smem:$0x3F7B]  }
0x30: {  	s3 =	sld [smem:$0x3F7E]  }
0x31: {  	[smem:$0x3F87] =	sst s10  }
0x32: {  	s10 =	sld [smem:$0x3F85];
	_ =	sdelay $0x3  }
0x33: {  	p0 =	seq.s32 s10, $0x1;
	s10 =	sld [smem:$0x3F87];
	_ =	sdelay $0x3  }
0x34: {  	[smem:$0x3F87] =	sst s10  }
0x35: {  	s10 =	sld [smem:$0x3F86];
	_ =	sdelay $0x3  }
0x36: {  	p1 =	seq.s32 s10, $0x1;
	s10 =	sld [smem:$0x3F87];
	_ =	sdelay $0x3  }
0x37: {  	[smem:$0x3F87] =	sst s10  }
0x38: {  	s10 =	sld [smem:$0x3F88]  }
0x39: {  	_ = 	snop;
	(pc) =	sbr.ind lr, $3  }
0x3a: {  	_ = 	snop  }
0x3b: {  	_ = 	snop  }
0x3c: {  	p2 =	seq.s32 s10, $0x1;
	s10 =	sld [smem:$0x3F87]  }
0x3d: {  	_ =	shalt  }
0x3e: {  	_ =	shalt  }
0x3f: {  	_ =	shalt  }
0x40: {  	_ =	shalt  }
0x41: {  	_ =	shalt  }
0x42: {  	_ =	shalt  }
0x43: {  	_ =	shalt  }
0x44: {  	_ =	shalt  }
0x45: {  	_ =	shalt  }
0x46: {  	_ =	shalt  }
0x47: {  	_ =	shalt  }
0x48: {  	_ =	shalt  }
0x49: {  	_ =	shalt  }
0x4a: {  	_ =	shalt  }
0x4b: {  	_ =	shalt  }
0x4c: {  	_ =	shalt  }
0x4d: {  	_ =	shalt  }
0x4e: {  	_ =	shalt  }
0x4f: {  	_ =	shalt  }
0x50: {  	_ =	shalt  }
0x51: {  	_ =	shalt  }
0x52: {  	_ =	shalt  }
0x53: {  	_ =	shalt  }
0x54: {  	_ =	shalt  }
0x55: {  	_ =	shalt  }
0x56: {  	_ =	shalt  }
0x57: {  	_ =	shalt  }
0x58: {  	_ =	shalt  }
0x59: {  	_ =	shalt  }
0x5a: {  	_ =	shalt  }
0x5b: {  	_ =	shalt  }
0x5c: {  	_ =	shalt  }
0x5d: {  	_ =	shalt  }
0x5e: {  	_ =	shalt  }
0x5f: {  	_ =	shalt  }
0x60: {  	_ =	shalt  }
0x61: {  	_ =	shalt  }
0x62: {  	_ =	shalt  }
0x63: {  	_ =	shalt  }
0x64: {  	_ =	shalt  }
0x65: {  	_ =	shalt  }
0x66: {  	_ =	shalt  }
0x67: {  	_ =	shalt  }
0x68: {  	_ =	shalt  }
0x69: {  	_ =	shalt  }
0x6a: {  	_ =	shalt  }
0x6b: {  	_ =	shalt  }
0x6c: {  	_ =	shalt  }
0x6d: {  	_ =	shalt  }
0x6e: {  	_ =	shalt  }
0x6f: {  	_ =	shalt  }
0x70: {  	_ =	shalt  }
0x71: {  	_ =	shalt  }
0x72: {  	_ =	shalt  }
0x73: {  	_ =	shalt  }
0x74: {  	_ =	shalt  }
0x75: {  	_ =	shalt  }
0x76: {  	_ =	shalt  }
0x77: {  	_ =	shalt  }
0x78: {  	_ =	shalt  }
0x79: {  	_ =	shalt  }
0x7a: {  	_ =	shalt  }
0x7b: {  	_ =	shalt  }
0x7c: {  	_ =	shalt  }
0x7d: {  	_ =	shalt  }
0x7e: {  	_ =	shalt  }
0x7f: {  	_ =	shalt  }
0x80: {  	_ =	shalt  }
0x81: {  	_ =	shalt  }
0x82: {  	_ =	shalt  }
0x83: {  	_ =	shalt  }
0x84: {  	_ =	shalt  }
0x85: {  	_ =	shalt  }
0x86: {  	_ =	shalt  }
0x87: {  	_ =	shalt  }
.Lfunc_end0:
.L_simem_size_0:
called_computation_lowered:
.L_overlay_start_0:
0x88: {  	s2 =	sld [smem:$0x3FD9]  }
0x89: {  	s3 =	sld [smem:$0x3FFE];
	_ =	sdelay $0x1  }
0x8a: {  	s1 =	srdreg.scid  }
0x8b: {  	s0 =	sand.u32 $0x1, s1  }
0x8c: {  	s17 =	sshll.u32 s0, $0xA;
	s2 =	sadd.s32 s3, s2  }
0x8d: {  	s2 =	sadd.s32 s2, s17  }
0x8e: {  	[smem:$0x3F93] =	sst s2  }
0x8f: {  	_ = 	snop  }
0x90: {  	s2 =	sld [smem:$0x3FD0];
	(tm) =	ssettm $0x1  }
0x91: {  	s18 =	sld [smem:$0x3FFB];
	_ =	sdelay $0x3  }
0x92: {  	_ =	strace s18  }
0x93: {  	s3 =	sld [smem:$0x3FFC];
	_ =	sdelay $0x3  }
0x94: {  	_ =	strace s3  }
0x95: {  	s3 =	sld [smem:$0x3FFD];
	_ =	sdelay $0x3  }
0x96: {  	_ =	strace s3  }
0x97: {  	_ =	strace $0x8FFFFFFF  }
0x98: {  	s19 =	sld [smem:$0x3FDB];
	_ =	sdelay $0x1  }
0x99: {  	s4 =	simm.s32 $_scs_section_size  }
0x9a: {  	s5 =	simm.s32 $_size__tile_overlayer_lowered;
	s6 =	simm.s32 $_tile_overlayer_lowered  }
0x9b: {  	s22 =	simm.s32 $0x1BFF;
	s21 =	sshll.u32 s6, $0x1;
	s3 =	sadd.s32 s4, s19  }
0x9c: {  	s7 =	simm.s32 $0x0;
	s20 =	sshll.u32 s5, $0x1;
	s5 =	sadd.s32 s21, s3  }
0x9d: {  	[timem:s7], [sflag:s22] =	dma.local [hbm:s5], s20  }
0x9e: {  	_ =	swait.ge [sflag:s22], s20  }
0x9f: {  	s4 =	ssub.s32 $0x0, s20;
	[sflag:s22] =	ssyncset.done $0x0  }
0xa0: {  	[sflag:s22] =	ssyncadd.s32 s4;
	_ =	sdelay $0x1  }
0xa1: {  	s23 =	simm.s32 $0x1B8B  }
0xa2: {  	_ =	swait.ge [sflag:s23], $0x1  }
0xa3: {  	[sflag:s23] =	ssyncset.done $0x0  }
0xa4: {  	s25 =	simm.s32 $0x1B8E;
	s24 =	sld [smem:$0x3FFE];
	[sflag:s23] =	ssyncadd.s32 $0xFFFFFFFF  }
0xa5: {  	s26 =	simm.s32 $execute0_lowered;
	[smem:$0x3FD2] =	sst s25  }
0xa6: {  	s5 =	sshll.u32 s26, $0x1;
	_ =	strace $0x80000046;
	[dreg:$0x1] =	wrdreg $0xFFFFFFFF  }
0xa7: {  	s28 =	simm.s32 $_size_execute0_lowered;
	s3 =	sadd.s32 s3, s5;
	[dreg:$0x0] =	wrdreg $0x0  }
0xa8: {  	s5 =	sshll.u32 s28, $0x1;
	[dreg:$0x2] =	wrdreg s3  }
0xa9: {  	[dreg:$0x3] =	wrdreg s5  }
0xaa: {  	[dreg:$0x4] =	wrdreg $0xC0  }
0xab: {  	_ =	task [dreg:s7], $0x5FFFF  }
0xac: {  	[dreg:$0x1] =	wrdreg $0xFFFFFFFF  }
0xad: {  	[dreg:$0x0] =	wrdreg $0x60  }
0xae: {  	[dreg:$0x2] =	wrdreg s24  }
0xaf: {  	[dreg:$0x3] =	wrdreg s2  }
0xb0: {  	[dreg:$0x4] =	wrdreg $0x4B000  }
0xb1: {  	[dreg:$0x5] =	wrdreg $0x18B000  }
0xb2: {  	[dreg:$0x6] =	wrdreg $0x9  }
0xb3: {  	_ =	task.clear_ibuf [dreg:s7], $0x7FFFF;
	_ =	strace $0x90000046  }
0xb4: {  	s29 =	simm.s32 $0x9;
	_ =	strace $0x80000048  }
0xb5: {  	_ =	swait.ge [sflag:s29], $0x1  }
0xb6: {  	[sflag:s29] =	ssyncadd.s32 $0xFFFFFFFF  }
0xb7: {  	_ =	strace $0x90000048  }
0xb8: {  	_ =	sfence  }
0xb9: {  	s30 =	sld [smem:$0x0];
	_ =	sdelay $0x2  }
0xba: {  	s31 =	sshll.u32 s1, $0xD;
	s1 =	sshrl.u32 s1, $0x2  }
0xbb: {  	s3 =	sand.u32 $0x4000, s31;
	s1 =	sadd.s32 s1, s30  }
0xbc: {  	s0 =	sor.u32 s3, s0;
	s1 =	sshll.u32 s1, $0x11  }
0xbd: {  	s0 =	sor.u32 s1, s0  }
0xbe: {  	s0 =	sadd.s32 $0x8F2B, s0  }
0xbf: {  	[sflag:s0] =	ssyncadd.remote.s32 $0x1  }
0xc0: {  	_ =	sfence.sel $0xFFFF  }
0xc1: {  	[dreg:$0x0] =	wrdreg $0xFFFFFFFF;
	(pc) =	sbr.abs _section_cstart, $3  }
0xc2: {  	[dreg:$0x1] =	wrdreg $0xFFFFFFFF  }
0xc3: {  	_ =	task.clear_ibuf [dreg:s7], $0x2FFFF;
	_ =	strace $0x9FFFFFFF  }
0xc4: {  	(tm) =	ssettm $0x7FFFFFFF  }
0xc5: {  	_ =	shalt  }
tec
execute0_lowered:
.L_overlay_start_1:
0x0: {  	(tag) =	ssettag $0x1  }
0x1: {  	s0 =	rddreg [dreg:$0x0]  }
0x2: {  	s2 =	rddreg [dreg:$0x2]  }
0x3: {  	s3 =	rddreg [dreg:$0x3];
	s5 =	simm.s32 $0x0;
	s18 =	stileid.u32  }
0x4: {  	s6 =	srdreg.scid;
	s28 =	simm.s32 $0x2;
	s29 =	simm.s32 $0x4A00  }
0x5: {  	s30 =	simm.s32 $0x4A80;
	s31 =	simm.s32 $0x80;
	s4 =	smul.u32 $0x14000, s18  }
0x6: {  	[smem:$0x7FF] =	sst s5;
	s1 =	sadd.s32 $0x17200, s0;
	s8 =	smul.u32 $0x500, s18  }
0x7: {  	s7 =	sadd.s32 $0xD400, s0;
	s6 =	sand.u32 $0x1, s6;
	s10 =	smul.u32 $0x280, s18  }
0x8: {  	s12 =	sadd.s32 $0x72000, s0;
	_ =	strace $0x80000047;
	s11 =	sshll.u32 s6, $0x7  }
0x9: {  	s17 =	ssub.s32 $0x2, s6;
	s14 =	sshll.u32 s6, $0x4;
	s15 =	smul.u32 $0x140000, s6  }
0xa: {  	s6 =	smul.u32 $0x27100, s6;
	s9 =	sshrl.u32 s4, $0x3;
	s8 =	sor.u32 s11, s8  }
0xb: {  	s13 =	sshrl.u32 s17, $0x1;
	s19 =	sor.u32 s18, s14;
	s20 =	sshll.u32 s10, $0x7  }
0xc: {  	s11 =	ssub.s32 s17, s13;
	s13 =	smul.u32 $0x2710, s19;
	s4 =	sadd.s32 s4, s15  }
0xd: {  	s16 =	sadd.s32 $0x4000, s20;
	s21 =	sadd.s32 $0x8000, s20;
	s22 =	sadd.s32 $0xC000, s20  }
0xe: {  	s19 =	sshrl.u32 s10, $0x3;
	s8 =	sshrl.u32 s8, $0x3;
	s4 =	sshrl.u32 s4, $0x3  }
0xf: {  	s17 =	sadd.s32 s15, s16;
	s24 =	sadd.s32 s15, s21;
	s26 =	sadd.s32 s15, s22  }
0x10: {  	s4 =	sadd.s32 s12, s4;
	s23 =	sshrl.u32 s17, $0x3;
	s25 =	sshrl.u32 s24, $0x3  }
0x11: {  	s17 =	smul.u32 $0x2710, s18;
	[dreg:$0x5] =	wrdreg s4;
	s4 =	sadd.s32 s12, s23  }
0x12: {  	s23 =	sadd.s32 $0x10000, s20;
	s20 =	sshrl.u32 s13, $0x3;
	[dreg:$0x6] =	wrdreg s4  }
0x13: {  	s4 =	sadd.s32 s12, s25;
	s14 =	sadd.s32 s15, s23;
	s6 =	sadd.s32 s17, s6  }
0x14: {  	s25 =	smul.u32 $0x50000, s18;
	s17 =	sadd.s32 s10, s3;
	[dreg:$0x7] =	wrdreg s4  }
0x15: {  	s4 =	sshrl.u32 s26, $0x3;
	s15 =	sshrl.u32 s14, $0x3;
	s6 =	sshrl.u32 s6, $0x3  }
0x16: {  	s26 =	sadd.s32 s9, s0;
	s9 =	sshll.u32 s18, $0x6;
	[dreg:$0xe] =	wrdreg s17  }
0x17: {  	s4 =	sadd.s32 s12, s4;
	s13 =	sadd.s32 s6, s7;
	s14 =	sadd.s32 s6, s1  }
0x18: {  	s18 =	sor.u32 $0x1C02, s9;
	s6 =	simm.s32 $0x4180;
	s9 =	simm.s32 $0x0  }
0x19: {  	[dreg:$0x8] =	wrdreg s4;
	s4 =	sadd.s32 s12, s15;
	s12 =	sadd.s32 $0x4E0, s20  }
0x1a: {  	s15 =	sadd.s32 $0x21000, s0;
	s20 =	sadd.s32 s16, s2;
	[dreg:$0x9] =	wrdreg s4  }
0x1b: {  	s24 =	sadd.s32 s1, s12;
	s12 =	sadd.s32 s7, s12;
	s4 =	sadd.s32 s19, s0  }
0x1c: {  	s7 =	sadd.s32 s8, s0;
	s8 =	sshrl.u32 s25, $0x2;
	s25 =	sadd.s32 s22, s2  }
0x1d: {  	s22 =	smax.u32 s11, $0x1;
	s1 =	simm.s32 $0x4100;
	[dreg:$0xa] =	wrdreg s24  }
0x1e: {  	[dreg:$0xb] =	wrdreg s12;
	s0 =	sadd.s32 s8, s2;
	s12 =	sadd.s32 $0x49000, s26  }
0x1f: {  	s19 =	sadd.s32 $0x71000, s4;
	s24 =	sadd.s32 s21, s2;
	s26 =	sadd.s32 s23, s2  }
0x20: {  	s21 =	sadd.s32 $0x71600, s7;
	s23 =	sshrl.u32 s20, $0x3;
	[dreg:$0xc] =	wrdreg s0  }
0x21: {  	s25 =	sshrl.u32 s25, $0x3;
	s4 =	simm.s32 $0x1;
	[dreg:$0xd] =	wrdreg s12  }
0x22: {  	s7 =	simm.s32 $0x10;
	s8 =	simm.s32 $0x4200;
	[dreg:$0xf] =	wrdreg s19  }
0x23: {  	s24 =	sshrl.u32 s24, $0x3;
	s26 =	sshrl.u32 s26, $0x3;
	s0 =	simm.s32 $0x100  }
.LBB2_1:
0x24: {  	s10 =	rddreg [dreg:$0xc]  }
0x25: {  	s12 =	rddreg [dreg:$0xd];
	s11 =	sshrl.u32 s10, $0x3  }
0x26: {  	[spmem:s11], [sflag:s18] =	dma.local [hbm:s12], $0x2800  }
0x27: {  	_ =	swait.ge [sflag:s28], $0x2800  }
0x28: {  	[sflag:s28] =	ssyncset.done $0x0;
	s16 =	rddreg [dreg:$0xe]  }
0x29: {  	s12 =	rddreg [dreg:$0xf];
	[sflag:s28] =	ssyncadd.s32 $0xFFFFD800;
	s10 =	sshrl.u32 s16, $0x3  }
0x2a: {  	[spmem:s10], [sflag:s18] =	dma.local [hbm:s12], $0x50  }
0x2b: {  	_ =	swait.ge [sflag:s28], $0x50  }
0x2c: {  	[sflag:s28] =	ssyncset.done $0x0  }
0x2d: {  	[sflag:s28] =	ssyncadd.s32 $0xFFFFFFB0  }
0x2e: {  	s17 =	rddreg [dreg:$0x1]  }
0x2f: {  	[tilespmem:s29], [sflag:$0x2] =	stream.linear.gather [hbm4b:s17+s5], $0x80, $0x38;
	[tilespmem:$0x18D80] =	vst v63  }
0x30: {  	_ =	swait.ge [sflag:s28], $0x80  }
0x31: {  	[sflag:s28] =	ssyncset.done $0x0  }
0x32: {  	[sflag:s28] =	ssyncadd.s32 $0xFFFFFF80  }
0x33: {  	[tilespmem:s30], [sflag:$0x2] =	stream.linear.gather [hbm4b:s17+s5], $0x10, $0x38;
	[tilespmem:$0x18D80] =	vst v63  }
0x34: {  	_ =	swait.ge [sflag:s28], $0x10  }
0x35: {  	[sflag:s28] =	ssyncset.done $0x0  }
0x36: {  	[sflag:s28] =	ssyncadd.s32 $0xFFFFFFF0  }
0x37: {  	s19 =	sadd.s32 $0x0, s14;
	[bflag:$0x0] =	sbarrier.arrive $0xFFFF  }
0x38: {  	[tilespmem:s5], [sflag:$0x2] =	stream.linear.gather [hbm4b:s19+s5], $0x80, $0x38;
	[tilespmem:$0x18D80] =	vst v63  }
0x39: {  	_ =	swait.ge [sflag:s28], $0x80  }
0x3a: {  	[sflag:s28] =	ssyncset.done $0x0  }
0x3b: {  	s20 =	sadd.s32 $0x0, s13;
	[sflag:s28] =	ssyncadd.s32 $0xFFFFFF80  }
0x3c: {  	[tilespmem:s31], [sflag:$0x2] =	stream.linear.gather [hbm4b:s20+s5], $0x80, $0x38;
	[tilespmem:$0x18D80] =	vst v63  }
0x3d: {  	_ =	swait.ge [sflag:s28], $0x80  }
0x3e: {  	[sflag:s28] =	ssyncset.done $0x0  }
0x3f: {  	[sflag:s28] =	ssyncadd.s32 $0xFFFFFF80  }
0x40: {  	[tilespmem:s0], [sflag:$0x1] =	stream.indirect.gather [hbm4b:s15+s31], $0x80, s5, s31, $0xb8;
	[tilespmem:$0x18D80] =	vst v63  }
0x41: {  	_ =	swait.ge [sflag:s4], $0x4000  }
0x42: {  	[sflag:s4] =	ssyncset.done $0x0  }
0x43: {  	[sflag:s4] =	ssyncadd.s32 $0xFFFFC000  }
0x44: {  	[spmem:s2] =	stream.indirect.scatter.add.f32 [tilespmem:s0], [sflag:$0x2], $0x80, s31, s31, $0xb8;
	[tilespmem:$0x18D80] =	vst v63  }
0x45: {  	_ =	swait.ge [sflag:s28], $0x4000  }
0x46: {  	[sflag:s28] =	ssyncset.done $0x0  }
0x47: {  	[sflag:s28] =	ssyncadd.s32 $0xFFFFC000  }
0x48: {  	[spmem:s3] =	stream.indirect.scatter.add.f32 [tilespmem:s29], [sflag:$0x2], $0x1, s31, s31, $0xb8;
	[tilespmem:$0x18D80] =	vst v63  }
0x49: {  	_ =	swait.ge [sflag:s28], $0x80  }
0x4a: {  	s16 =	simm.s32 $0x20;
	s12 =	simm.s32 $0x10;
	[sflag:s28] =	ssyncset.done $0x0  }
.LBB2_2:
0x4b: {  	s17 =	sadd.s32 s12, s14  }
0x4c: {  	[sflag:s28] =	ssyncadd.s32 $0xFFFFFF80;
	s19 =	smov.u32 s16;
	s20 =	sadd.s32 $0x10, s16  }
0x4d: {  	[tilespmem:s5], [sflag:$0x2] =	stream.linear.gather [hbm4b:s17+s5], $0x80, $0x38;
	[tilespmem:$0x18D80] =	vst v63  }
0x4e: {  	p0 =	sne.s32 s16, $0x4D0;
	_ =	swait.ge [sflag:s28], $0x80  }
0x4f: {  	[sflag:s28] =	ssyncset.done $0x0  }
0x50: {  	s16 =	sadd.s32 s12, s13;
	s12 =	smov.u32 s19;
	[sflag:s28] =	ssyncadd.s32 $0xFFFFFF80  }
0x51: {  	[tilespmem:s31], [sflag:$0x2] =	stream.linear.gather [hbm4b:s16+s5], $0x80, $0x38;
	[tilespmem:$0x18D80] =	vst v63  }
0x52: {  	_ =	swait.ge [sflag:s28], $0x80  }
0x53: {  	[sflag:s28] =	ssyncset.done $0x0  }
0x54: {  	[sflag:s28] =	ssyncadd.s32 $0xFFFFFF80  }
0x55: {  	[tilespmem:s0], [sflag:$0x1] =	stream.indirect.gather [hbm4b:s15+s31], $0x80, s5, s31, $0xb8;
	[tilespmem:$0x18D80] =	vst v63  }
0x56: {  	_ =	swait.ge [sflag:s4], $0x4000  }
0x57: {  	[sflag:s4] =	ssyncset.done $0x0  }
0x58: {  	[sflag:s4] =	ssyncadd.s32 $0xFFFFC000  }
0x59: {  	[spmem:s2] =	stream.indirect.scatter.add.f32 [tilespmem:s0], [sflag:$0x2], $0x80, s31, s31, $0xb8;
	[tilespmem:$0x18D80] =	vst v63  }
0x5a: {  	_ =	swait.ge [sflag:s28], $0x4000  }
.Ltmp0:
0x5b: {  	[sflag:s28] =	ssyncset.done $0x0;
	(pc) =	sbr.rel @p0 .LBB2_2-.Ltmp0, $4  }
0x5c: {  	[sflag:s28] =	ssyncadd.s32 $0xFFFFC000  }
0x5d: {  	[spmem:s3] =	stream.indirect.scatter.add.f32 [tilespmem:s29], [sflag:$0x2], $0x1, s31, s31, $0xb8;
	[tilespmem:$0x18D80] =	vst v63  }
0x5e: {  	_ =	swait.ge [sflag:s28], $0x80  }
0x5f: {  	s16 =	smov.u32 s20;
	[sflag:s28] =	ssyncset.done $0x0  }
0x60: {  	s16 =	sadd.s32 s12, s14;
	[sflag:s28] =	ssyncadd.s32 $0xFFFFFF80  }
0x61: {  	[tilespmem:s5], [sflag:$0x2] =	stream.linear.gather [hbm4b:s16+s5], $0x80, $0x38;
	[tilespmem:$0x18D80] =	vst v63  }
0x62: {  	_ =	swait.ge [sflag:s28], $0x80  }
0x63: {  	[sflag:s28] =	ssyncset.done $0x0  }
0x64: {  	s16 =	sadd.s32 s12, s13;
	[sflag:s28] =	ssyncadd.s32 $0xFFFFFF80  }
0x65: {  	[tilespmem:s31], [sflag:$0x2] =	stream.linear.gather [hbm4b:s16+s5], $0x80, $0x38;
	[tilespmem:$0x18D80] =	vst v63  }
0x66: {  	_ =	swait.ge [sflag:s28], $0x80  }
0x67: {  	[sflag:s28] =	ssyncset.done $0x0  }
0x68: {  	[sflag:s28] =	ssyncadd.s32 $0xFFFFFF80  }
0x69: {  	[tilespmem:s0], [sflag:$0x1] =	stream.indirect.gather [hbm4b:s15+s31], $0x80, s5, s31, $0xb8;
	[tilespmem:$0x18D80] =	vst v63  }
0x6a: {  	_ =	swait.ge [sflag:s4], $0x4000  }
0x6b: {  	[sflag:s4] =	ssyncset.done $0x0  }
0x6c: {  	[sflag:s4] =	ssyncadd.s32 $0xFFFFC000  }
0x6d: {  	[spmem:s2] =	stream.indirect.scatter.add.f32 [tilespmem:s0], [sflag:$0x2], $0x80, s31, s31, $0xb8;
	[tilespmem:$0x18D80] =	vst v63  }
0x6e: {  	_ =	swait.ge [sflag:s28], $0x4000  }
0x6f: {  	[sflag:s28] =	ssyncset.done $0x0  }
0x70: {  	[sflag:s28] =	ssyncadd.s32 $0xFFFFC000  }
0x71: {  	[spmem:s3] =	stream.indirect.scatter.add.f32 [tilespmem:s29], [sflag:$0x2], $0x1, s31, s31, $0xb8;
	[tilespmem:$0x18D80] =	vst v63  }
0x72: {  	_ =	swait.ge [sflag:s28], $0x80  }
0x73: {  	[sflag:s28] =	ssyncset.done $0x0  }
0x74: {  	s17 =	rddreg [dreg:$0xa];
	[sflag:s28] =	ssyncadd.s32 $0xFFFFFF80  }
0x75: {  	[tilespmem:s1], [sflag:$0x2] =	stream.linear.gather [hbm4b:s17+s5], $0x10, $0x38;
	[tilespmem:$0x18D80] =	vst v63  }
0x76: {  	_ =	swait.ge [sflag:s28], $0x10  }
0x77: {  	[sflag:s28] =	ssyncset.done $0x0  }
0x78: {  	s19 =	rddreg [dreg:$0xb];
	[sflag:s28] =	ssyncadd.s32 $0xFFFFFFF0  }
0x79: {  	[tilespmem:s6], [sflag:$0x2] =	stream.linear.gather [hbm4b:s19+s5], $0x10, $0x38;
	[tilespmem:$0x18D80] =	vst v63  }
0x7a: {  	_ =	swait.ge [sflag:s28], $0x10  }
0x7b: {  	[sflag:s28] =	ssyncset.done $0x0  }
0x7c: {  	[sflag:s28] =	ssyncadd.s32 $0xFFFFFFF0  }
0x7d: {  	[tilespmem:s8], [sflag:$0x1] =	stream.indirect.gather [hbm4b:s15+s7], $0x80, s1, s7, $0xb8;
	[tilespmem:$0x18D80] =	vst v63  }
0x7e: {  	_ =	swait.ge [sflag:s4], $0x800  }
0x7f: {  	[sflag:s4] =	ssyncset.done $0x0  }
0x80: {  	[sflag:s4] =	ssyncadd.s32 $0xFFFFF800  }
0x81: {  	[spmem:s2] =	stream.indirect.scatter.add.f32 [tilespmem:s8], [sflag:$0x2], $0x80, s6, s7, $0xb8;
	[tilespmem:$0x18D80] =	vst v63  }
0x82: {  	_ =	swait.ge [sflag:s28], $0x800  }
0x83: {  	[sflag:s28] =	ssyncset.done $0x0  }
0x84: {  	[sflag:s28] =	ssyncadd.s32 $0xFFFFF800  }
0x85: {  	[spmem:s3] =	stream.indirect.scatter.add.f32 [tilespmem:s30], [sflag:$0x2], $0x1, s6, s7, $0xb8;
	[tilespmem:$0x18D80] =	vst v63  }
0x86: {  	_ =	swait.ge [sflag:s28], $0x10  }
0x87: {  	[sflag:s28] =	ssyncset.done $0x0  }
0x88: {  	[sflag:s28] =	ssyncadd.s32 $0xFFFFFFF0  }
0x89: {  	[bflag:$0x0] =	sbarrier.arrive $0xFFFF  }
0x8a: {  	s20 =	rddreg [dreg:$0x5]  }
0x8b: {  	[hbm:s20], [sflag:s18] =	dma.local [spmem:s11], $0x800  }
0x8c: {  	_ =	swait.ge [sflag:s28], $0x800  }
0x8d: {  	[sflag:s28] =	ssyncset.done $0x0  }
0x8e: {  	s12 =	rddreg [dreg:$0x6];
	[sflag:s28] =	ssyncadd.s32 $0xFFFFF800  }
0x8f: {  	[hbm:s12], [sflag:s18] =	dma.local [spmem:s23], $0x800  }
0x90: {  	_ =	swait.ge [sflag:s28], $0x800  }
0x91: {  	[sflag:s28] =	ssyncset.done $0x0  }
0x92: {  	s16 =	rddreg [dreg:$0x7];
	[sflag:s28] =	ssyncadd.s32 $0xFFFFF800  }
0x93: {  	[hbm:s16], [sflag:s18] =	dma.local [spmem:s24], $0x800  }
0x94: {  	_ =	swait.ge [sflag:s28], $0x800  }
0x95: {  	[sflag:s28] =	ssyncset.done $0x0  }
0x96: {  	s17 =	rddreg [dreg:$0x8];
	[sflag:s28] =	ssyncadd.s32 $0xFFFFF800  }
0x97: {  	[hbm:s17], [sflag:s18] =	dma.local [spmem:s25], $0x800  }
0x98: {  	_ =	swait.ge [sflag:s28], $0x800  }
0x99: {  	[sflag:s28] =	ssyncset.done $0x0  }
0x9a: {  	s19 =	rddreg [dreg:$0x9];
	[sflag:s28] =	ssyncadd.s32 $0xFFFFF800  }
0x9b: {  	[hbm:s19], [sflag:s18] =	dma.local [spmem:s26], $0x800  }
0x9c: {  	s9 =	sadd.s32 $0x1, s9;
	_ =	swait.ge [sflag:s28], $0x800  }
0x9d: {  	p0 =	sne.s32 s9, s22;
	[sflag:s28] =	ssyncset.done $0x0  }
.Ltmp1:
0x9e: {  	s20 =	simm.s32 $0x20;
	[sflag:s28] =	ssyncadd.s32 $0xFFFFF800;
	(pc) =	sbr.rel @p0 .LBB2_1-.Ltmp1, $4  }
0x9f: {  	[hbm:s21@s20], [sflag:s18] =	dma.strided [spmem:s10@s7], $0x50, s4, $0x10   }
0xa0: {  	_ =	swait.ge [sflag:s28], $0x50  }
0xa1: {  	[sflag:s28] =	ssyncset.done $0x0  }
0xa2: {  	[sflag:s28] =	ssyncadd.s32 $0xFFFFFFB0  }
0xa3: {  	_ =	sfence.sel $0x180000  }
0xa4: {  	[bflag:$0x0] =	sbarrier.arrive $0xFFFF  }
0xa5: {  	_ =	strace $0x90000047  }
0xa6: {  	s0 =	stileid.u32;
	[bflag:$0x2] =	sbarrier.arrive $0xFFFF  }
0xa7: {  	p0 =	sne.s32 s0, $0x0;
	s0 =	rddreg [dreg:$0x4]  }
0xa8: {  	s0 =	sadd.s32 @!p0 $0x100000, s0  }
0xa9: {  	[sflag:s0] =	ssyncadd.tile.s32 @!p0 $0x1;
	_ =	shalt  }
.Lfunc_end2:
_tile_overlayer_lowered:
.L_overlay_start_2:
0xaa: {  	(tag) =	ssettag $0x2  }
0xab: {  	s0 =	rddreg [dreg:$0x0];
	s2 =	stileid.u32  }
0xac: {  	s1 =	rddreg [dreg:$0x1];
	p0 =	sne.s32 s2, $0x0  }
0xad: {  	s3 =	rddreg [dreg:$0x2];
	[bflag:$0x3] =	sbarrier.arrive $0xFFFF;
	s2 =	simm.s32 @!p0 $0x1C02  }
0xae: {  	[timem:s3], [sflag:s2] =	dma.local @!p0 [hbm:s0], s1  }
0xaf: {  	s0 =	simm.s32 @!p0 $0x2  }
0xb0: {  	_ =	swait.ge @!p0 [sflag:s0], s1  }
0xb1: {  	s1 =	ssub.s32 @!p0 $0x0, s1;
	[sflag:s0] =	ssyncset.done @!p0 $0x0  }
0xb2: {  	[sflag:s0] =	ssyncadd.s32 @!p0 s1  }
0xb3: {  	[bflag:$0x3] =	sbarrier.arrive $0xFFFF  }
0xb4: {  	_ =	shalt  }

// kernel: kernel.30.cloned.1.call-start
scs
__scs_entry_jumppad:
0x0: {  	(pc) =	sbr.rel $0x88, $3  }
0x1: {  	(tag) =	ssettag $0x0;
	lr =	simm.s32 $0x1  }
0x2: {  	[smem:$0x3F6C] =	sst lr;
	_ =	strace $0xD0000000  }
0x3: {  	_ = 	snop  }
0x4: {  	_ = 	snop  }
0x5: {  	_ = 	snop  }
0x6: {  	_ = 	snop  }
0x7: {  	_ = 	snop  }
__scs_overlays_trampoline_lowered:
0x8: {  	[smem:$0x3F7B] =	sst s0  }
0x9: {  	[smem:$0x3F7C] =	sst s1  }
0xa: {  	[smem:$0x3F7D] =	sst s2  }
0xb: {  	[smem:$0x3F7E] =	sst s3  }
0xc: {  	[smem:$0x3F7F] =	sst s4  }
0xd: {  	[smem:$0x3F80] =	sst s5  }
0xe: {  	[smem:$0x3F81] =	sst s6  }
0xf: {  	[smem:$0x3F82] =	sst s7  }
0x10: {  	[smem:$0x3F83] =	sst s8  }
0x11: {  	[smem:$0x3F84] =	sst s9;
	s0 =	simm.s32 @!p0 $0x0  }
0x12: {  	s1 =	sld [smem:$0x3F6A];
	s0 =	simm.s32 @p0 $0x1  }
0x13: {  	[smem:$0x3F85] =	sst s0;
	s0 =	simm.s32 @!p1 $0x0  }
0x14: {  	s2 =	sld [smem:$0x3F69];
	s0 =	simm.s32 @p1 $0x1  }
0x15: {  	[smem:$0x3F86] =	sst s0;
	s0 =	simm.s32 @!p2 $0x0  }
0x16: {  	s3 =	sld [smem:$0x3FDB];
	s0 =	simm.s32 @p2 $0x1  }
0x17: {  	s4 =	simm.s32 $0x1BF5;
	[smem:$0x3F88] =	sst s0  }
0x18: {  	s0 =	sld [smem:$0x3F6B];
	_ =	swait.ge [sflag:s4], $0x0  }
0x19: {  	s7 =	sld [smem:$0x3F6C]  }
0x1a: {  	s8 =	sadd.s32 $0xFFFFE003, lr  }
0x1b: {  	s9 =	sadd.s32 $0xFFFFFEF7, lr;
	s5 =	simm.s32 $0xFFFFFFFF;
	p2 =	slt.u32 s8, $0xFFFFF086  }
0x1c: {  	p1 =	slt.u32 s9, $0xF7A;
	s5 =	simm.s32 @!p2 $0x0  }
0x1d: {  	s5 =	simm.s32 @p1 $0x1;
	p0 =	seq.s32 s7, s2  }
0x1e: {  	s7 =	smul.u32 @!p0 $0xF7A, s2;
	p2 =	seq.s32 @!p0 s5, $0x0  }
0x1f: {  	s9 =	smul.u32 $0xF7A, s1;
	s8 =	simm.s32 @!p0 $0x1BF5;
	p2 =	por !p2, p0  }
0x20: {  	[sflag:s8] =	ssyncset.s32 @!p0 $0xFFFFF086;
	s6 =	sadd.s32 @!p0 s3, s7;
	s7 =	simm.s32 @!p0 $0x108  }
0x21: {  	s3 =	sadd.s32 s3, s9;
	s6 =	sadd.s32 @!p0 $0x88, s6;
	s7 =	simm.s32 @p2 $0x1082  }
0x22: {  	[simem:s7], [sflag:s8] =	dma.local @!p0 [hbm:s6], $0xF7A  }
0x23: {  	s9 =	sor.u32 $0xD0000000, s2;
	s6 =	simm.s32 $0x108;
	_ =	swait.ge @!p0 [sflag:s8], $0x0  }
0x24: {  	s3 =	sadd.s32 $0x88, s3;
	s6 =	simm.s32 @!p1 $0x1082;
	[sflag:s4] =	ssyncset.s32 $0xFFFFF086  }
0x25: {  	[simem:s6], [sflag:s4] =	dma.local [hbm:s3], $0xF7A  }
0x26: {  	[smem:$0x3F6C] =	sst s1;
	(tag) =	ssettag s2;
	_ =	strace s9  }
0x27: {  	s1 =	sld [smem:$0x3F7C]  }
0x28: {  	s2 =	sld [smem:$0x3F7D]  }
0x29: {  	s4 =	sld [smem:$0x3F7F]  }
0x2a: {  	p0 =	seq.s32 s5, $0x0;
	s5 =	sld [smem:$0x3F80]  }
0x2b: {  	s6 =	sld [smem:$0x3F81]  }
0x2c: {  	s7 =	sld [smem:$0x3F82]  }
0x2d: {  	s3 =	simm.s32 $0x108;
	s8 =	sld [smem:$0x3F83]  }
0x2e: {  	s3 =	simm.s32 @!p0 $0x1082;
	s9 =	sld [smem:$0x3F84]  }
0x2f: {  	lr =	sadd.s32 s0, s3;
	s0 =	sld [smem:$0x3F7B]  }
0x30: {  	s3 =	sld [smem:$0x3F7E]  }
0x31: {  	[smem:$0x3F87] =	sst s10  }
0x32: {  	s10 =	sld [smem:$0x3F85];
	_ =	sdelay $0x3  }
0x33: {  	p0 =	seq.s32 s10, $0x1;
	s10 =	sld [smem:$0x3F87];
	_ =	sdelay $0x3  }
0x34: {  	[smem:$0x3F87] =	sst s10  }
0x35: {  	s10 =	sld [smem:$0x3F86];
	_ =	sdelay $0x3  }
0x36: {  	p1 =	seq.s32 s10, $0x1;
	s10 =	sld [smem:$0x3F87];
	_ =	sdelay $0x3  }
0x37: {  	[smem:$0x3F87] =	sst s10  }
0x38: {  	s10 =	sld [smem:$0x3F88]  }
0x39: {  	_ = 	snop;
	(pc) =	sbr.ind lr, $3  }
0x3a: {  	_ = 	snop  }
0x3b: {  	_ = 	snop  }
0x3c: {  	p2 =	seq.s32 s10, $0x1;
	s10 =	sld [smem:$0x3F87]  }
0x3d: {  	_ =	shalt  }
0x3e: {  	_ =	shalt  }
0x3f: {  	_ =	shalt  }
0x40: {  	_ =	shalt  }
0x41: {  	_ =	shalt  }
0x42: {  	_ =	shalt  }
0x43: {  	_ =	shalt  }
0x44: {  	_ =	shalt  }
0x45: {  	_ =	shalt  }
0x46: {  	_ =	shalt  }
0x47: {  	_ =	shalt  }
0x48: {  	_ =	shalt  }
0x49: {  	_ =	shalt  }
0x4a: {  	_ =	shalt  }
0x4b: {  	_ =	shalt  }
0x4c: {  	_ =	shalt  }
0x4d: {  	_ =	shalt  }
0x4e: {  	_ =	shalt  }
0x4f: {  	_ =	shalt  }
0x50: {  	_ =	shalt  }
0x51: {  	_ =	shalt  }
0x52: {  	_ =	shalt  }
0x53: {  	_ =	shalt  }
0x54: {  	_ =	shalt  }
0x55: {  	_ =	shalt  }
0x56: {  	_ =	shalt  }
0x57: {  	_ =	shalt  }
0x58: {  	_ =	shalt  }
0x59: {  	_ =	shalt  }
0x5a: {  	_ =	shalt  }
0x5b: {  	_ =	shalt  }
0x5c: {  	_ =	shalt  }
0x5d: {  	_ =	shalt  }
0x5e: {  	_ =	shalt  }
0x5f: {  	_ =	shalt  }
0x60: {  	_ =	shalt  }
0x61: {  	_ =	shalt  }
0x62: {  	_ =	shalt  }
0x63: {  	_ =	shalt  }
0x64: {  	_ =	shalt  }
0x65: {  	_ =	shalt  }
0x66: {  	_ =	shalt  }
0x67: {  	_ =	shalt  }
0x68: {  	_ =	shalt  }
0x69: {  	_ =	shalt  }
0x6a: {  	_ =	shalt  }
0x6b: {  	_ =	shalt  }
0x6c: {  	_ =	shalt  }
0x6d: {  	_ =	shalt  }
0x6e: {  	_ =	shalt  }
0x6f: {  	_ =	shalt  }
0x70: {  	_ =	shalt  }
0x71: {  	_ =	shalt  }
0x72: {  	_ =	shalt  }
0x73: {  	_ =	shalt  }
0x74: {  	_ =	shalt  }
0x75: {  	_ =	shalt  }
0x76: {  	_ =	shalt  }
0x77: {  	_ =	shalt  }
0x78: {  	_ =	shalt  }
0x79: {  	_ =	shalt  }
0x7a: {  	_ =	shalt  }
0x7b: {  	_ =	shalt  }
0x7c: {  	_ =	shalt  }
0x7d: {  	_ =	shalt  }
0x7e: {  	_ =	shalt  }
0x7f: {  	_ =	shalt  }
0x80: {  	_ =	shalt  }
0x81: {  	_ =	shalt  }
0x82: {  	_ =	shalt  }
0x83: {  	_ =	shalt  }
0x84: {  	_ =	shalt  }
0x85: {  	_ =	shalt  }
0x86: {  	_ =	shalt  }
0x87: {  	_ =	shalt  }
.Lfunc_end0:
.L_simem_size_0:
called_computation.1_lowered:
.L_overlay_start_0:
0x88: {  	s2 =	sld [smem:$0x3FD9]  }
0x89: {  	s3 =	sld [smem:$0x3FFE];
	_ =	sdelay $0x1  }
0x8a: {  	s1 =	srdreg.scid  }
0x8b: {  	s0 =	sand.u32 $0x1, s1  }
0x8c: {  	s16 =	sshll.u32 s0, $0xA;
	s2 =	sadd.s32 s3, s2  }
0x8d: {  	s2 =	sadd.s32 s2, s16  }
0x8e: {  	[smem:$0x3F93] =	sst s2  }
0x8f: {  	_ = 	snop  }
0x90: {  	(tm) =	ssettm $0x1  }
0x91: {  	s17 =	sld [smem:$0x3FFB];
	_ =	sdelay $0x3  }
0x92: {  	_ =	strace s17  }
0x93: {  	s2 =	sld [smem:$0x3FFC];
	_ =	sdelay $0x3  }
0x94: {  	_ =	strace s2  }
0x95: {  	s2 =	sld [smem:$0x3FFD];
	_ =	sdelay $0x3  }
0x96: {  	_ =	strace s2  }
0x97: {  	_ =	strace $0x8FFFFFFF  }
0x98: {  	s18 =	sld [smem:$0x3FDB];
	_ =	sdelay $0x1  }
0x99: {  	s19 =	simm.s32 $_scs_section_size  }
0x9a: {  	s4 =	simm.s32 $_size__tile_overlayer_lowered;
	s5 =	simm.s32 $_tile_overlayer_lowered  }
0x9b: {  	s22 =	simm.s32 $0x1BFF;
	s21 =	sshll.u32 s5, $0x1;
	s2 =	sadd.s32 s19, s18  }
0x9c: {  	s6 =	simm.s32 $0x0;
	s20 =	sshll.u32 s4, $0x1;
	s4 =	sadd.s32 s21, s2  }
0x9d: {  	[timem:s6], [sflag:s22] =	dma.local [hbm:s4], s20  }
0x9e: {  	_ =	swait.ge [sflag:s22], s20  }
0x9f: {  	s3 =	ssub.s32 $0x0, s20;
	[sflag:s22] =	ssyncset.done $0x0  }
0xa0: {  	[sflag:s22] =	ssyncadd.s32 s3;
	_ =	sdelay $0x1  }
0xa1: {  	s23 =	simm.s32 $0x1B8B  }
0xa2: {  	_ =	swait.ge [sflag:s23], $0x1  }
0xa3: {  	[sflag:s23] =	ssyncset.done $0x0  }
0xa4: {  	s25 =	simm.s32 $0x1B8E;
	s24 =	sld [smem:$0x3FFE];
	[sflag:s23] =	ssyncadd.s32 $0xFFFFFFFF  }
0xa5: {  	s26 =	simm.s32 $execute0_lowered;
	[smem:$0x3FD2] =	sst s25  }
0xa6: {  	s4 =	sshll.u32 s26, $0x1;
	_ =	strace $0x80000049;
	[dreg:$0x1] =	wrdreg $0xFFFFFFFF  }
0xa7: {  	s28 =	simm.s32 $_size_execute0_lowered;
	s2 =	sadd.s32 s2, s4;
	[dreg:$0x0] =	wrdreg $0x0  }
0xa8: {  	s4 =	sshll.u32 s28, $0x1;
	[dreg:$0x2] =	wrdreg s2  }
0xa9: {  	[dreg:$0x3] =	wrdreg s4  }
0xaa: {  	[dreg:$0x4] =	wrdreg $0xC0  }
0xab: {  	_ =	task [dreg:s6], $0x5FFFF  }
0xac: {  	[dreg:$0x1] =	wrdreg $0xFFFFFFFF  }
0xad: {  	[dreg:$0x0] =	wrdreg $0x60  }
0xae: {  	[dreg:$0x2] =	wrdreg s24  }
0xaf: {  	[dreg:$0x3] =	wrdreg $0x4A000  }
0xb0: {  	[dreg:$0x4] =	wrdreg $0x9  }
0xb1: {  	_ =	task.clear_ibuf [dreg:s6], $0x5FFFF;
	_ =	strace $0x90000049  }
0xb2: {  	s29 =	simm.s32 $0x9;
	_ =	strace $0x8000004B  }
0xb3: {  	_ =	swait.ge [sflag:s29], $0x1  }
0xb4: {  	[sflag:s29] =	ssyncadd.s32 $0xFFFFFFFF  }
0xb5: {  	_ =	strace $0x9000004B  }
0xb6: {  	_ =	sfence  }
0xb7: {  	s30 =	sld [smem:$0x0];
	_ =	sdelay $0x2  }
0xb8: {  	s31 =	sshll.u32 s1, $0xD;
	s1 =	sshrl.u32 s1, $0x2  }
0xb9: {  	s3 =	sand.u32 $0x4000, s31;
	s1 =	sadd.s32 s1, s30  }
0xba: {  	s0 =	sor.u32 s3, s0;
	s1 =	sshll.u32 s1, $0x11  }
0xbb: {  	s0 =	sor.u32 s1, s0  }
0xbc: {  	s0 =	sadd.s32 $0x8F2B, s0  }
0xbd: {  	[sflag:s0] =	ssyncadd.remote.s32 $0x1  }
0xbe: {  	_ =	sfence.sel $0xFFFF  }
0xbf: {  	[dreg:$0x0] =	wrdreg $0xFFFFFFFF;
	(pc) =	sbr.abs _section_cstart, $3  }
0xc0: {  	[dreg:$0x1] =	wrdreg $0xFFFFFFFF  }
0xc1: {  	_ =	task.clear_ibuf [dreg:s6], $0x2FFFF;
	_ =	strace $0x9FFFFFFF  }
0xc2: {  	(tm) =	ssettm $0x7FFFFFFF  }
0xc3: {  	_ =	shalt  }
tec
execute0_lowered:
.L_overlay_start_1:
0x0: {  	(tag) =	ssettag $0x1  }
0x1: {  	s0 =	rddreg [dreg:$0x0]  }
0x2: {  	s1 =	rddreg [dreg:$0x1];
	s3 =	simm.s32 $0x0;
	s21 =	stileid.u32  }
0x3: {  	s5 =	srdreg.scid;
	s28 =	simm.s32 $0x4180;
	s29 =	simm.s32 $0x10  }
0x4: {  	s30 =	simm.s32 $0x4200;
	s31 =	simm.s32 $0x0;
	[smem:$0x7FF] =	sst s3  }
0x5: {  	s4 =	sadd.s32 $0x21000, s0;
	s2 =	smul.u32 $0x14000, s21;
	s17 =	sadd.s32 $0x17200, s0  }
0x6: {  	s16 =	sadd.s32 $0xD400, s0;
	s5 =	sand.u32 $0x1, s5;
	s7 =	smul.u32 $0x50000, s21  }
0x7: {  	s18 =	sshll.u32 s21, $0x6;
	_ =	strace $0x8000004A;
	s13 =	smul.u32 $0x140000, s5  }
0x8: {  	s8 =	sshll.u32 s5, $0x4;
	s9 =	ssub.s32 $0x2, s5;
	s5 =	smul.u32 $0x27100, s5  }
0x9: {  	s6 =	sshrl.u32 s2, $0x3;
	s8 =	sor.u32 s21, s8;
	s10 =	sshrl.u32 s9, $0x1  }
0xa: {  	s7 =	sshrl.u32 s7, $0x2;
	s12 =	sadd.s32 $0x4000, s2;
	s14 =	sadd.s32 $0x8000, s2  }
0xb: {  	s24 =	sadd.s32 $0xC000, s2;
	s21 =	smul.u32 $0x2710, s21;
	s6 =	sadd.s32 s6, s0  }
0xc: {  	s8 =	smul.u32 $0x2710, s8;
	s0 =	sadd.s32 $0x71600, s0;
	s15 =	ssub.s32 s9, s10  }
0xd: {  	s7 =	sadd.s32 s7, s1;
	s23 =	sadd.s32 s2, s13;
	s11 =	sadd.s32 s13, s12  }
0xe: {  	s2 =	sadd.s32 $0x10000, s2;
	[dreg:$0x3] =	wrdreg s7;
	s6 =	sadd.s32 $0x49000, s6  }
0xf: {  	s7 =	sor.u32 $0x1C02, s18;
	s10 =	sshrl.u32 s23, $0x3;
	s11 =	sshrl.u32 s11, $0x3  }
0x10: {  	s18 =	sadd.s32 s13, s14;
	s23 =	sadd.s32 s14, s1;
	s26 =	sadd.s32 s21, s5  }
0x11: {  	s15 =	smax.u32 s15, $0x1;
	s21 =	simm.s32 $0x1;
	s8 =	sshrl.u32 s8, $0x3  }
0x12: {  	[dreg:$0x4] =	wrdreg s6;
	s10 =	sadd.s32 s0, s10;
	s19 =	sadd.s32 $0x4E0, s8  }
0x13: {  	s11 =	sadd.s32 s0, s11;
	s18 =	sshrl.u32 s18, $0x3;
	s20 =	sadd.s32 s17, s19  }
0x14: {  	s23 =	sshrl.u32 s23, $0x3;
	s22 =	sadd.s32 s16, s19;
	[dreg:$0x5] =	wrdreg s20  }
0x15: {  	s19 =	sadd.s32 s13, s24;
	s24 =	sadd.s32 s24, s1;
	[dreg:$0x6] =	wrdreg s22  }
0x16: {  	s22 =	sadd.s32 s12, s1;
	s12 =	sadd.s32 s0, s18;
	s19 =	sshrl.u32 s19, $0x3  }
0x17: {  	s20 =	sadd.s32 s13, s2;
	s2 =	sadd.s32 s2, s1;
	s18 =	simm.s32 $0x2  }
0x18: {  	s24 =	sshrl.u32 s24, $0x3;
	s13 =	sadd.s32 s0, s19;
	s25 =	sshrl.u32 s20, $0x3  }
0x19: {  	s19 =	simm.s32 $0x80;
	s20 =	simm.s32 $0x100;
	s22 =	sshrl.u32 s22, $0x3  }
0x1a: {  	s14 =	sadd.s32 s0, s25;
	s0 =	sshrl.u32 s26, $0x3;
	s25 =	sshrl.u32 s2, $0x3  }
0x1b: {  	s26 =	simm.s32 $0x4100;
	s16 =	sadd.s32 s0, s16;
	s17 =	sadd.s32 s0, s17  }
.LBB2_1:
0x1c: {  	s0 =	rddreg [dreg:$0x3]  }
0x1d: {  	s2 =	rddreg [dreg:$0x4];
	s0 =	sshrl.u32 s0, $0x3  }
0x1e: {  	[spmem:s0], [sflag:s7] =	dma.local [hbm:s2], $0x2800  }
0x1f: {  	_ =	swait.ge [sflag:s18], $0x2800  }
0x20: {  	[sflag:s18] =	ssyncset.done $0x0  }
0x21: {  	[sflag:s18] =	ssyncadd.s32 $0xFFFFD800  }
0x22: {  	s8 =	sadd.s32 $0x0, s17;
	[bflag:$0x0] =	sbarrier.arrive $0xFFFF  }
0x23: {  	[tilespmem:s3], [sflag:$0x2] =	stream.linear.gather [hbm4b:s8+s3], $0x80, $0x38;
	[tilespmem:$0x18A00] =	vst v63  }
0x24: {  	_ =	swait.ge [sflag:s18], $0x80  }
0x25: {  	[sflag:s18] =	ssyncset.done $0x0  }
0x26: {  	s9 =	sadd.s32 $0x0, s16;
	[sflag:s18] =	ssyncadd.s32 $0xFFFFFF80  }
0x27: {  	[tilespmem:s19], [sflag:$0x2] =	stream.linear.gather [hbm4b:s9+s3], $0x80, $0x38;
	[tilespmem:$0x18A00] =	vst v63  }
0x28: {  	_ =	swait.ge [sflag:s18], $0x80  }
0x29: {  	[sflag:s18] =	ssyncset.done $0x0  }
0x2a: {  	[sflag:s18] =	ssyncadd.s32 $0xFFFFFF80  }
0x2b: {  	[tilespmem:s20], [sflag:$0x1] =	stream.indirect.gather [hbm4b:s4+s19], $0x80, s3, s19, $0xb8;
	[tilespmem:$0x18A00] =	vst v63  }
0x2c: {  	_ =	swait.ge [sflag:s21], $0x4000  }
0x2d: {  	[sflag:s21] =	ssyncset.done $0x0  }
0x2e: {  	[sflag:s21] =	ssyncadd.s32 $0xFFFFC000  }
0x2f: {  	[spmem:s1] =	stream.indirect.scatter.add.f32 [tilespmem:s20], [sflag:$0x2], $0x80, s19, s19, $0xb8;
	[tilespmem:$0x18A00] =	vst v63  }
0x30: {  	_ =	swait.ge [sflag:s18], $0x4000  }
0x31: {  	s5 =	simm.s32 $0x20;
	s2 =	simm.s32 $0x10;
	[sflag:s18] =	ssyncset.done $0x0  }
.LBB2_2:
0x32: {  	s6 =	sadd.s32 s2, s17  }
0x33: {  	[sflag:s18] =	ssyncadd.s32 $0xFFFFC000;
	s8 =	smov.u32 s5;
	s9 =	sadd.s32 $0x10, s5  }
0x34: {  	[tilespmem:s3], [sflag:$0x2] =	stream.linear.gather [hbm4b:s6+s3], $0x80, $0x38;
	[tilespmem:$0x18A00] =	vst v63  }
0x35: {  	p0 =	sne.s32 s5, $0x4D0;
	_ =	swait.ge [sflag:s18], $0x80  }
0x36: {  	[sflag:s18] =	ssyncset.done $0x0  }
0x37: {  	s5 =	sadd.s32 s2, s16;
	s2 =	smov.u32 s8;
	[sflag:s18] =	ssyncadd.s32 $0xFFFFFF80  }
0x38: {  	[tilespmem:s19], [sflag:$0x2] =	stream.linear.gather [hbm4b:s5+s3], $0x80, $0x38;
	[tilespmem:$0x18A00] =	vst v63  }
0x39: {  	_ =	swait.ge [sflag:s18], $0x80  }
0x3a: {  	[sflag:s18] =	ssyncset.done $0x0  }
0x3b: {  	[sflag:s18] =	ssyncadd.s32 $0xFFFFFF80  }
0x3c: {  	[tilespmem:s20], [sflag:$0x1] =	stream.indirect.gather [hbm4b:s4+s19], $0x80, s3, s19, $0xb8;
	[tilespmem:$0x18A00] =	vst v63  }
0x3d: {  	_ =	swait.ge [sflag:s21], $0x4000  }
.Ltmp0:
0x3e: {  	[sflag:s21] =	ssyncset.done $0x0;
	(pc) =	sbr.rel @p0 .LBB2_2-.Ltmp0, $4  }
0x3f: {  	[sflag:s21] =	ssyncadd.s32 $0xFFFFC000  }
0x40: {  	[spmem:s1] =	stream.indirect.scatter.add.f32 [tilespmem:s20], [sflag:$0x2], $0x80, s19, s19, $0xb8;
	[tilespmem:$0x18A00] =	vst v63  }
0x41: {  	_ =	swait.ge [sflag:s18], $0x4000  }
0x42: {  	s5 =	smov.u32 s9;
	[sflag:s18] =	ssyncset.done $0x0  }
0x43: {  	s5 =	sadd.s32 s2, s17;
	[sflag:s18] =	ssyncadd.s32 $0xFFFFC000  }
0x44: {  	[tilespmem:s3], [sflag:$0x2] =	stream.linear.gather [hbm4b:s5+s3], $0x80, $0x38;
	[tilespmem:$0x18A00] =	vst v63  }
0x45: {  	_ =	swait.ge [sflag:s18], $0x80  }
0x46: {  	[sflag:s18] =	ssyncset.done $0x0  }
0x47: {  	s6 =	sadd.s32 s2, s16;
	[sflag:s18] =	ssyncadd.s32 $0xFFFFFF80  }
0x48: {  	[tilespmem:s19], [sflag:$0x2] =	stream.linear.gather [hbm4b:s6+s3], $0x80, $0x38;
	[tilespmem:$0x18A00] =	vst v63  }
0x49: {  	_ =	swait.ge [sflag:s18], $0x80  }
0x4a: {  	[sflag:s18] =	ssyncset.done $0x0  }
0x4b: {  	[sflag:s18] =	ssyncadd.s32 $0xFFFFFF80  }
0x4c: {  	[tilespmem:s20], [sflag:$0x1] =	stream.indirect.gather [hbm4b:s4+s19], $0x80, s3, s19, $0xb8;
	[tilespmem:$0x18A00] =	vst v63  }
0x4d: {  	_ =	swait.ge [sflag:s21], $0x4000  }
0x4e: {  	[sflag:s21] =	ssyncset.done $0x0  }
0x4f: {  	[sflag:s21] =	ssyncadd.s32 $0xFFFFC000  }
0x50: {  	[spmem:s1] =	stream.indirect.scatter.add.f32 [tilespmem:s20], [sflag:$0x2], $0x80, s19, s19, $0xb8;
	[tilespmem:$0x18A00] =	vst v63  }
0x51: {  	_ =	swait.ge [sflag:s18], $0x4000  }
0x52: {  	[sflag:s18] =	ssyncset.done $0x0  }
0x53: {  	s8 =	rddreg [dreg:$0x5];
	[sflag:s18] =	ssyncadd.s32 $0xFFFFC000  }
0x54: {  	[tilespmem:s26], [sflag:$0x2] =	stream.linear.gather [hbm4b:s8+s3], $0x10, $0x38;
	[tilespmem:$0x18A00] =	vst v63  }
0x55: {  	_ =	swait.ge [sflag:s18], $0x10  }
0x56: {  	[sflag:s18] =	ssyncset.done $0x0  }
0x57: {  	s9 =	rddreg [dreg:$0x6];
	[sflag:s18] =	ssyncadd.s32 $0xFFFFFFF0  }
0x58: {  	[tilespmem:s28], [sflag:$0x2] =	stream.linear.gather [hbm4b:s9+s3], $0x10, $0x38;
	[tilespmem:$0x18A00] =	vst v63  }
0x59: {  	_ =	swait.ge [sflag:s18], $0x10  }
0x5a: {  	[sflag:s18] =	ssyncset.done $0x0  }
0x5b: {  	[sflag:s18] =	ssyncadd.s32 $0xFFFFFFF0  }
0x5c: {  	[tilespmem:s30], [sflag:$0x1] =	stream.indirect.gather [hbm4b:s4+s29], $0x80, s26, s29, $0xb8;
	[tilespmem:$0x18A00] =	vst v63  }
0x5d: {  	_ =	swait.ge [sflag:s21], $0x800  }
0x5e: {  	[sflag:s21] =	ssyncset.done $0x0  }
0x5f: {  	[sflag:s21] =	ssyncadd.s32 $0xFFFFF800  }
0x60: {  	[spmem:s1] =	stream.indirect.scatter.add.f32 [tilespmem:s30], [sflag:$0x2], $0x80, s28, s29, $0xb8;
	[tilespmem:$0x18A00] =	vst v63  }
0x61: {  	_ =	swait.ge [sflag:s18], $0x800  }
0x62: {  	[sflag:s18] =	ssyncset.done $0x0  }
0x63: {  	[sflag:s18] =	ssyncadd.s32 $0xFFFFF800  }
0x64: {  	[bflag:$0x0] =	sbarrier.arrive $0xFFFF  }
0x65: {  	[hbm:s10], [sflag:s7] =	dma.local [spmem:s0], $0x800  }
0x66: {  	_ =	swait.ge [sflag:s18], $0x800  }
0x67: {  	[sflag:s18] =	ssyncset.done $0x0  }
0x68: {  	[sflag:s18] =	ssyncadd.s32 $0xFFFFF800  }
0x69: {  	[hbm:s11], [sflag:s7] =	dma.local [spmem:s22], $0x800  }
0x6a: {  	_ =	swait.ge [sflag:s18], $0x800  }
0x6b: {  	[sflag:s18] =	ssyncset.done $0x0  }
0x6c: {  	[sflag:s18] =	ssyncadd.s32 $0xFFFFF800  }
0x6d: {  	[hbm:s12], [sflag:s7] =	dma.local [spmem:s23], $0x800  }
0x6e: {  	_ =	swait.ge [sflag:s18], $0x800  }
0x6f: {  	[sflag:s18] =	ssyncset.done $0x0  }
0x70: {  	[sflag:s18] =	ssyncadd.s32 $0xFFFFF800  }
0x71: {  	[hbm:s13], [sflag:s7] =	dma.local [spmem:s24], $0x800  }
0x72: {  	s31 =	sadd.s32 $0x1, s31;
	_ =	swait.ge [sflag:s18], $0x800  }
0x73: {  	p0 =	sne.s32 s31, s15;
	[sflag:s18] =	ssyncset.done $0x0  }
.Ltmp1:
0x74: {  	[sflag:s18] =	ssyncadd.s32 $0xFFFFF800;
	(pc) =	sbr.rel @p0 .LBB2_1-.Ltmp1, $4  }
0x75: {  	[hbm:s14], [sflag:s7] =	dma.local [spmem:s25], $0x800  }
0x76: {  	_ =	swait.ge [sflag:s18], $0x800  }
0x77: {  	[sflag:s18] =	ssyncset.done $0x0  }
0x78: {  	[sflag:s18] =	ssyncadd.s32 $0xFFFFF800  }
0x79: {  	_ =	sfence.sel $0x180000  }
0x7a: {  	[bflag:$0x0] =	sbarrier.arrive $0xFFFF  }
0x7b: {  	_ =	strace $0x9000004A  }
0x7c: {  	s0 =	stileid.u32;
	[bflag:$0x2] =	sbarrier.arrive $0xFFFF  }
0x7d: {  	p0 =	sne.s32 s0, $0x0;
	s0 =	rddreg [dreg:$0x2]  }
0x7e: {  	s0 =	sadd.s32 @!p0 $0x100000, s0  }
0x7f: {  	[sflag:s0] =	ssyncadd.tile.s32 @!p0 $0x1;
	_ =	shalt  }
.Lfunc_end2:
_tile_overlayer_lowered:
.L_overlay_start_2:
0x80: {  	(tag) =	ssettag $0x2  }
0x81: {  	s0 =	rddreg [dreg:$0x0];
	s2 =	stileid.u32  }
0x82: {  	s1 =	rddreg [dreg:$0x1];
	p0 =	sne.s32 s2, $0x0  }
0x83: {  	s3 =	rddreg [dreg:$0x2];
	[bflag:$0x3] =	sbarrier.arrive $0xFFFF;
	s2 =	simm.s32 @!p0 $0x1C02  }
0x84: {  	[timem:s3], [sflag:s2] =	dma.local @!p0 [hbm:s0], s1  }
0x85: {  	s0 =	simm.s32 @!p0 $0x2  }
0x86: {  	_ =	swait.ge @!p0 [sflag:s0], s1  }
0x87: {  	s1 =	ssub.s32 @!p0 $0x0, s1;
	[sflag:s0] =	ssyncset.done @!p0 $0x0  }
0x88: {  	[sflag:s0] =	ssyncadd.s32 @!p0 s1  }
0x89: {  	[bflag:$0x3] =	sbarrier.arrive $0xFFFF  }
0x8a: {  	_ =	shalt  }

// kernel: kernel.33.cloned.1.call-start
scs
__scs_entry_jumppad:
0x0: {  	(pc) =	sbr.rel $0x88, $3  }
0x1: {  	(tag) =	ssettag $0x0;
	lr =	simm.s32 $0x1  }
0x2: {  	[smem:$0x3F6C] =	sst lr;
	_ =	strace $0xD0000000  }
0x3: {  	_ = 	snop  }
0x4: {  	_ = 	snop  }
0x5: {  	_ = 	snop  }
0x6: {  	_ = 	snop  }
0x7: {  	_ = 	snop  }
__scs_overlays_trampoline_lowered:
0x8: {  	[smem:$0x3F7B] =	sst s0  }
0x9: {  	[smem:$0x3F7C] =	sst s1  }
0xa: {  	[smem:$0x3F7D] =	sst s2  }
0xb: {  	[smem:$0x3F7E] =	sst s3  }
0xc: {  	[smem:$0x3F7F] =	sst s4  }
0xd: {  	[smem:$0x3F80] =	sst s5  }
0xe: {  	[smem:$0x3F81] =	sst s6  }
0xf: {  	[smem:$0x3F82] =	sst s7  }
0x10: {  	[smem:$0x3F83] =	sst s8  }
0x11: {  	[smem:$0x3F84] =	sst s9;
	s0 =	simm.s32 @!p0 $0x0  }
0x12: {  	s1 =	sld [smem:$0x3F6A];
	s0 =	simm.s32 @p0 $0x1  }
0x13: {  	[smem:$0x3F85] =	sst s0;
	s0 =	simm.s32 @!p1 $0x0  }
0x14: {  	s2 =	sld [smem:$0x3F69];
	s0 =	simm.s32 @p1 $0x1  }
0x15: {  	[smem:$0x3F86] =	sst s0;
	s0 =	simm.s32 @!p2 $0x0  }
0x16: {  	s3 =	sld [smem:$0x3FDB];
	s0 =	simm.s32 @p2 $0x1  }
0x17: {  	s4 =	simm.s32 $0x1BF5;
	[smem:$0x3F88] =	sst s0  }
0x18: {  	s0 =	sld [smem:$0x3F6B];
	_ =	swait.ge [sflag:s4], $0x0  }
0x19: {  	s7 =	sld [smem:$0x3F6C]  }
0x1a: {  	s8 =	sadd.s32 $0xFFFFE003, lr  }
0x1b: {  	s9 =	sadd.s32 $0xFFFFFEF7, lr;
	s5 =	simm.s32 $0xFFFFFFFF;
	p2 =	slt.u32 s8, $0xFFFFF086  }
0x1c: {  	p1 =	slt.u32 s9, $0xF7A;
	s5 =	simm.s32 @!p2 $0x0  }
0x1d: {  	s5 =	simm.s32 @p1 $0x1;
	p0 =	seq.s32 s7, s2  }
0x1e: {  	s7 =	smul.u32 @!p0 $0xF7A, s2;
	p2 =	seq.s32 @!p0 s5, $0x0  }
0x1f: {  	s9 =	smul.u32 $0xF7A, s1;
	s8 =	simm.s32 @!p0 $0x1BF5;
	p2 =	por !p2, p0  }
0x20: {  	[sflag:s8] =	ssyncset.s32 @!p0 $0xFFFFF086;
	s6 =	sadd.s32 @!p0 s3, s7;
	s7 =	simm.s32 @!p0 $0x108  }
0x21: {  	s3 =	sadd.s32 s3, s9;
	s6 =	sadd.s32 @!p0 $0x88, s6;
	s7 =	simm.s32 @p2 $0x1082  }
0x22: {  	[simem:s7], [sflag:s8] =	dma.local @!p0 [hbm:s6], $0xF7A  }
0x23: {  	s9 =	sor.u32 $0xD0000000, s2;
	s6 =	simm.s32 $0x108;
	_ =	swait.ge @!p0 [sflag:s8], $0x0  }
0x24: {  	s3 =	sadd.s32 $0x88, s3;
	s6 =	simm.s32 @!p1 $0x1082;
	[sflag:s4] =	ssyncset.s32 $0xFFFFF086  }
0x25: {  	[simem:s6], [sflag:s4] =	dma.local [hbm:s3], $0xF7A  }
0x26: {  	[smem:$0x3F6C] =	sst s1;
	(tag) =	ssettag s2;
	_ =	strace s9  }
0x27: {  	s1 =	sld [smem:$0x3F7C]  }
0x28: {  	s2 =	sld [smem:$0x3F7D]  }
0x29: {  	s4 =	sld [smem:$0x3F7F]  }
0x2a: {  	p0 =	seq.s32 s5, $0x0;
	s5 =	sld [smem:$0x3F80]  }
0x2b: {  	s6 =	sld [smem:$0x3F81]  }
0x2c: {  	s7 =	sld [smem:$0x3F82]  }
0x2d: {  	s3 =	simm.s32 $0x108;
	s8 =	sld [smem:$0x3F83]  }
0x2e: {  	s3 =	simm.s32 @!p0 $0x1082;
	s9 =	sld [smem:$0x3F84]  }
0x2f: {  	lr =	sadd.s32 s0, s3;
	s0 =	sld [smem:$0x3F7B]  }
0x30: {  	s3 =	sld [smem:$0x3F7E]  }
0x31: {  	[smem:$0x3F87] =	sst s10  }
0x32: {  	s10 =	sld [smem:$0x3F85];
	_ =	sdelay $0x3  }
0x33: {  	p0 =	seq.s32 s10, $0x1;
	s10 =	sld [smem:$0x3F87];
	_ =	sdelay $0x3  }
0x34: {  	[smem:$0x3F87] =	sst s10  }
0x35: {  	s10 =	sld [smem:$0x3F86];
	_ =	sdelay $0x3  }
0x36: {  	p1 =	seq.s32 s10, $0x1;
	s10 =	sld [smem:$0x3F87];
	_ =	sdelay $0x3  }
0x37: {  	[smem:$0x3F87] =	sst s10  }
0x38: {  	s10 =	sld [smem:$0x3F88]  }
0x39: {  	_ = 	snop;
	(pc) =	sbr.ind lr, $3  }
0x3a: {  	_ = 	snop  }
0x3b: {  	_ = 	snop  }
0x3c: {  	p2 =	seq.s32 s10, $0x1;
	s10 =	sld [smem:$0x3F87]  }
0x3d: {  	_ =	shalt  }
0x3e: {  	_ =	shalt  }
0x3f: {  	_ =	shalt  }
0x40: {  	_ =	shalt  }
0x41: {  	_ =	shalt  }
0x42: {  	_ =	shalt  }
0x43: {  	_ =	shalt  }
0x44: {  	_ =	shalt  }
0x45: {  	_ =	shalt  }
0x46: {  	_ =	shalt  }
0x47: {  	_ =	shalt  }
0x48: {  	_ =	shalt  }
0x49: {  	_ =	shalt  }
0x4a: {  	_ =	shalt  }
0x4b: {  	_ =	shalt  }
0x4c: {  	_ =	shalt  }
0x4d: {  	_ =	shalt  }
0x4e: {  	_ =	shalt  }
0x4f: {  	_ =	shalt  }
0x50: {  	_ =	shalt  }
0x51: {  	_ =	shalt  }
0x52: {  	_ =	shalt  }
0x53: {  	_ =	shalt  }
0x54: {  	_ =	shalt  }
0x55: {  	_ =	shalt  }
0x56: {  	_ =	shalt  }
0x57: {  	_ =	shalt  }
0x58: {  	_ =	shalt  }
0x59: {  	_ =	shalt  }
0x5a: {  	_ =	shalt  }
0x5b: {  	_ =	shalt  }
0x5c: {  	_ =	shalt  }
0x5d: {  	_ =	shalt  }
0x5e: {  	_ =	shalt  }
0x5f: {  	_ =	shalt  }
0x60: {  	_ =	shalt  }
0x61: {  	_ =	shalt  }
0x62: {  	_ =	shalt  }
0x63: {  	_ =	shalt  }
0x64: {  	_ =	shalt  }
0x65: {  	_ =	shalt  }
0x66: {  	_ =	shalt  }
0x67: {  	_ =	shalt  }
0x68: {  	_ =	shalt  }
0x69: {  	_ =	shalt  }
0x6a: {  	_ =	shalt  }
0x6b: {  	_ =	shalt  }
0x6c: {  	_ =	shalt  }
0x6d: {  	_ =	shalt  }
0x6e: {  	_ =	shalt  }
0x6f: {  	_ =	shalt  }
0x70: {  	_ =	shalt  }
0x71: {  	_ =	shalt  }
0x72: {  	_ =	shalt  }
0x73: {  	_ =	shalt  }
0x74: {  	_ =	shalt  }
0x75: {  	_ =	shalt  }
0x76: {  	_ =	shalt  }
0x77: {  	_ =	shalt  }
0x78: {  	_ =	shalt  }
0x79: {  	_ =	shalt  }
0x7a: {  	_ =	shalt  }
0x7b: {  	_ =	shalt  }
0x7c: {  	_ =	shalt  }
0x7d: {  	_ =	shalt  }
0x7e: {  	_ =	shalt  }
0x7f: {  	_ =	shalt  }
0x80: {  	_ =	shalt  }
0x81: {  	_ =	shalt  }
0x82: {  	_ =	shalt  }
0x83: {  	_ =	shalt  }
0x84: {  	_ =	shalt  }
0x85: {  	_ =	shalt  }
0x86: {  	_ =	shalt  }
0x87: {  	_ =	shalt  }
.Lfunc_end0:
.L_simem_size_0:
called_computation.2_lowered:
.L_overlay_start_0:
0x88: {  	s2 =	sld [smem:$0x3FD9]  }
0x89: {  	s3 =	sld [smem:$0x3FFE];
	_ =	sdelay $0x1  }
0x8a: {  	s1 =	srdreg.scid  }
0x8b: {  	s0 =	sand.u32 $0x1, s1  }
0x8c: {  	s16 =	sshll.u32 s0, $0xA;
	s2 =	sadd.s32 s3, s2  }
0x8d: {  	s2 =	sadd.s32 s2, s16  }
0x8e: {  	[smem:$0x3F93] =	sst s2  }
0x8f: {  	_ = 	snop  }
0x90: {  	(tm) =	ssettm $0x1  }
0x91: {  	s17 =	sld [smem:$0x3FFB];
	_ =	sdelay $0x3  }
0x92: {  	_ =	strace s17  }
0x93: {  	s2 =	sld [smem:$0x3FFC];
	_ =	sdelay $0x3  }
0x94: {  	_ =	strace s2  }
0x95: {  	s2 =	sld [smem:$0x3FFD];
	_ =	sdelay $0x3  }
0x96: {  	_ =	strace s2  }
0x97: {  	_ =	strace $0x8FFFFFFF  }
0x98: {  	s18 =	sld [smem:$0x3FDB];
	_ =	sdelay $0x1  }
0x99: {  	s19 =	simm.s32 $_scs_section_size  }
0x9a: {  	s4 =	simm.s32 $_size__tile_overlayer_lowered;
	s5 =	simm.s32 $_tile_overlayer_lowered  }
0x9b: {  	s22 =	simm.s32 $0x1BFF;
	s21 =	sshll.u32 s5, $0x1;
	s2 =	sadd.s32 s19, s18  }
0x9c: {  	s6 =	simm.s32 $0x0;
	s20 =	sshll.u32 s4, $0x1;
	s4 =	sadd.s32 s21, s2  }
0x9d: {  	[timem:s6], [sflag:s22] =	dma.local [hbm:s4], s20  }
0x9e: {  	_ =	swait.ge [sflag:s22], s20  }
0x9f: {  	s3 =	ssub.s32 $0x0, s20;
	[sflag:s22] =	ssyncset.done $0x0  }
0xa0: {  	[sflag:s22] =	ssyncadd.s32 s3;
	_ =	sdelay $0x1  }
0xa1: {  	s23 =	simm.s32 $0x1B8B  }
0xa2: {  	_ =	swait.ge [sflag:s23], $0x1  }
0xa3: {  	[sflag:s23] =	ssyncset.done $0x0  }
0xa4: {  	s25 =	simm.s32 $0x1B8E;
	s24 =	sld [smem:$0x3FFE];
	[sflag:s23] =	ssyncadd.s32 $0xFFFFFFFF  }
0xa5: {  	s26 =	simm.s32 $execute0_lowered;
	[smem:$0x3FD2] =	sst s25  }
0xa6: {  	s4 =	sshll.u32 s26, $0x1;
	_ =	strace $0x8000004C;
	[dreg:$0x1] =	wrdreg $0xFFFFFFFF  }
0xa7: {  	s28 =	simm.s32 $_size_execute0_lowered;
	s2 =	sadd.s32 s2, s4;
	[dreg:$0x0] =	wrdreg $0x0  }
0xa8: {  	s4 =	sshll.u32 s28, $0x1;
	[dreg:$0x2] =	wrdreg s2  }
0xa9: {  	[dreg:$0x3] =	wrdreg s4  }
0xaa: {  	[dreg:$0x4] =	wrdreg $0xC0  }
0xab: {  	_ =	task [dreg:s6], $0x5FFFF  }
0xac: {  	[dreg:$0x1] =	wrdreg $0xFFFFFFFF  }
0xad: {  	[dreg:$0x0] =	wrdreg $0x60  }
0xae: {  	[dreg:$0x2] =	wrdreg s24  }
0xaf: {  	[dreg:$0x3] =	wrdreg $0x3000  }
0xb0: {  	[dreg:$0x4] =	wrdreg $0x9  }
0xb1: {  	_ =	task.clear_ibuf [dreg:s6], $0x5FFFF;
	_ =	strace $0x9000004C  }
0xb2: {  	s29 =	simm.s32 $0x9;
	_ =	strace $0x8000004E  }
0xb3: {  	_ =	swait.ge [sflag:s29], $0x1  }
0xb4: {  	[sflag:s29] =	ssyncadd.s32 $0xFFFFFFFF  }
0xb5: {  	_ =	strace $0x9000004E  }
0xb6: {  	_ =	sfence  }
0xb7: {  	s30 =	sld [smem:$0x0];
	_ =	sdelay $0x2  }
0xb8: {  	s31 =	sshll.u32 s1, $0xD;
	s1 =	sshrl.u32 s1, $0x2  }
0xb9: {  	s3 =	sand.u32 $0x4000, s31;
	s1 =	sadd.s32 s1, s30  }
0xba: {  	s0 =	sor.u32 s3, s0;
	s1 =	sshll.u32 s1, $0x11  }
0xbb: {  	s0 =	sor.u32 s1, s0  }
0xbc: {  	s0 =	sadd.s32 $0x8F2B, s0  }
0xbd: {  	[sflag:s0] =	ssyncadd.remote.s32 $0x1  }
0xbe: {  	_ =	sfence.sel $0xFFFF  }
0xbf: {  	[dreg:$0x0] =	wrdreg $0xFFFFFFFF;
	(pc) =	sbr.abs _section_cstart, $3  }
0xc0: {  	[dreg:$0x1] =	wrdreg $0xFFFFFFFF  }
0xc1: {  	_ =	task.clear_ibuf [dreg:s6], $0x2FFFF;
	_ =	strace $0x9FFFFFFF  }
0xc2: {  	(tm) =	ssettm $0x7FFFFFFF  }
0xc3: {  	_ =	shalt  }
tec
execute0_lowered:
.L_overlay_start_1:
0x0: {  	(tag) =	ssettag $0x1  }
0x1: {  	s5 =	rddreg [dreg:$0x0]  }
0x2: {  	s1 =	rddreg [dreg:$0x1]  }
0x3: {  	s0 =	rddreg [dreg:$0x2];
	s3 =	simm.s32 $0x0;
	s2 =	stileid.u32  }
0x4: {  	s7 =	srdreg.scid;
	s17 =	simm.s32 $0x1;
	s18 =	simm.s32 $0x180  }
0x5: {  	s19 =	simm.s32 $0x200;
	s20 =	simm.s32 $0x10;
	s21 =	simm.s32 $0x280  }
0x6: {  	s22 =	simm.s32 $0x20;
	s23 =	simm.s32 $0x0;
	[smem:$0x7FF] =	sst s3  }
0x7: {  	s4 =	sadd.s32 $0x71600, s5;
	s12 =	sadd.s32 $0x17200, s5;
	s6 =	smul.u32 $0x280, s2  }
0x8: {  	s11 =	sadd.s32 $0xD400, s5;
	s7 =	sand.u32 $0x1, s7;
	s8 =	smul.u32 $0x500, s2  }
0x9: {  	s28 =	smul.u32 $0x2710, s2;
	s29 =	sshll.u32 s2, $0x6;
	_ =	strace $0x8000004D  }
0xa: {  	s10 =	sshll.u32 s7, $0x7;
	s13 =	sshll.u32 s7, $0x4;
	s25 =	ssub.s32 $0x2, s7  }
0xb: {  	s7 =	smul.u32 $0x27100, s7;
	s9 =	sshrl.u32 s6, $0x3;
	s8 =	sor.u32 s10, s8  }
0xc: {  	s24 =	sor.u32 s2, s13;
	s26 =	sshrl.u32 s25, $0x1;
	s15 =	sadd.s32 s6, s1  }
0xd: {  	s6 =	sor.u32 $0x1C02, s29;
	s9 =	sadd.s32 s9, s5;
	s10 =	smul.u32 $0x2710, s24  }
0xe: {  	s8 =	sshrl.u32 s8, $0x3;
	s13 =	ssub.s32 s25, s26;
	s31 =	sadd.s32 s28, s7  }
0xf: {  	s14 =	sadd.s32 s8, s5;
	s5 =	sadd.s32 $0x71000, s9;
	s30 =	sshrl.u32 s10, $0x3  }
0x10: {  	s16 =	sshrl.u32 s31, $0x3;
	s10 =	smax.u32 s13, $0x1;
	s9 =	sadd.s32 $0x4E0, s30  }
0x11: {  	s13 =	sshrl.u32 s15, $0x3;
	s15 =	simm.s32 $0x80;
	s7 =	sadd.s32 s12, s9  }
0x12: {  	s8 =	sadd.s32 s11, s9;
	s9 =	sadd.s32 $0x71C00, s14;
	s11 =	sadd.s32 s16, s11  }
0x13: {  	s12 =	sadd.s32 s16, s12;
	s14 =	simm.s32 $0x2;
	s16 =	simm.s32 $0x100  }
.LBB2_1:
0x14: {  	[spmem:s13], [sflag:s6] =	dma.local [hbm:s5], $0x50  }
0x15: {  	_ =	swait.ge [sflag:s14], $0x50  }
0x16: {  	[sflag:s14] =	ssyncset.done $0x0  }
0x17: {  	[sflag:s14] =	ssyncadd.s32 $0xFFFFFFB0  }
0x18: {  	s24 =	sadd.s32 $0x0, s12;
	[bflag:$0x0] =	sbarrier.arrive $0xFFFF  }
0x19: {  	[tilespmem:s3], [sflag:$0x2] =	stream.linear.gather [hbm4b:s24+s3], $0x80, $0x38;
	[tilespmem:$0x580] =	vst v63  }
0x1a: {  	_ =	swait.ge [sflag:s14], $0x80  }
0x1b: {  	[sflag:s14] =	ssyncset.done $0x0  }
0x1c: {  	s31 =	sadd.s32 $0x0, s11;
	[sflag:s14] =	ssyncadd.s32 $0xFFFFFF80  }
0x1d: {  	[tilespmem:s15], [sflag:$0x2] =	stream.linear.gather [hbm4b:s31+s3], $0x80, $0x38;
	[tilespmem:$0x580] =	vst v63  }
0x1e: {  	_ =	swait.ge [sflag:s14], $0x80  }
0x1f: {  	[sflag:s14] =	ssyncset.done $0x0  }
0x20: {  	[sflag:s14] =	ssyncadd.s32 $0xFFFFFF80  }
0x21: {  	[tilespmem:s16], [sflag:$0x1] =	stream.indirect.gather [hbm4b:s4+s15], $0x1, s3, s15, $0xb8;
	[tilespmem:$0x580] =	vst v63  }
0x22: {  	_ =	swait.ge [sflag:s17], $0x80  }
0x23: {  	[sflag:s17] =	ssyncset.done $0x0  }
0x24: {  	[sflag:s17] =	ssyncadd.s32 $0xFFFFFF80  }
0x25: {  	[spmem:s1] =	stream.indirect.scatter.add.f32 [tilespmem:s16], [sflag:$0x2], $0x1, s15, s15, $0xb8;
	[tilespmem:$0x580] =	vst v63  }
0x26: {  	_ =	swait.ge [sflag:s14], $0x80  }
0x27: {  	s25 =	simm.s32 $0x20;
	s24 =	simm.s32 $0x10;
	[sflag:s14] =	ssyncset.done $0x0  }
.LBB2_2:
0x28: {  	s26 =	sadd.s32 s24, s12  }
0x29: {  	[sflag:s14] =	ssyncadd.s32 $0xFFFFFF80;
	s28 =	smov.u32 s25;
	s29 =	sadd.s32 $0x10, s25  }
0x2a: {  	[tilespmem:s3], [sflag:$0x2] =	stream.linear.gather [hbm4b:s26+s3], $0x80, $0x38;
	[tilespmem:$0x580] =	vst v63  }
0x2b: {  	p0 =	sne.s32 s25, $0x4D0;
	_ =	swait.ge [sflag:s14], $0x80  }
0x2c: {  	[sflag:s14] =	ssyncset.done $0x0  }
0x2d: {  	s25 =	sadd.s32 s24, s11;
	s24 =	smov.u32 s28;
	[sflag:s14] =	ssyncadd.s32 $0xFFFFFF80  }
0x2e: {  	[tilespmem:s15], [sflag:$0x2] =	stream.linear.gather [hbm4b:s25+s3], $0x80, $0x38;
	[tilespmem:$0x580] =	vst v63  }
0x2f: {  	_ =	swait.ge [sflag:s14], $0x80  }
0x30: {  	[sflag:s14] =	ssyncset.done $0x0  }
0x31: {  	[sflag:s14] =	ssyncadd.s32 $0xFFFFFF80  }
0x32: {  	[tilespmem:s16], [sflag:$0x1] =	stream.indirect.gather [hbm4b:s4+s15], $0x1, s3, s15, $0xb8;
	[tilespmem:$0x580] =	vst v63  }
0x33: {  	_ =	swait.ge [sflag:s17], $0x80  }
.Ltmp0:
0x34: {  	[sflag:s17] =	ssyncset.done $0x0;
	(pc) =	sbr.rel @p0 .LBB2_2-.Ltmp0, $4  }
0x35: {  	[sflag:s17] =	ssyncadd.s32 $0xFFFFFF80  }
0x36: {  	[spmem:s1] =	stream.indirect.scatter.add.f32 [tilespmem:s16], [sflag:$0x2], $0x1, s15, s15, $0xb8;
	[tilespmem:$0x580] =	vst v63  }
0x37: {  	_ =	swait.ge [sflag:s14], $0x80  }
0x38: {  	s25 =	smov.u32 s29;
	[sflag:s14] =	ssyncset.done $0x0  }
0x39: {  	s25 =	sadd.s32 s24, s12;
	[sflag:s14] =	ssyncadd.s32 $0xFFFFFF80  }
0x3a: {  	[tilespmem:s3], [sflag:$0x2] =	stream.linear.gather [hbm4b:s25+s3], $0x80, $0x38;
	[tilespmem:$0x580] =	vst v63  }
0x3b: {  	_ =	swait.ge [sflag:s14], $0x80  }
0x3c: {  	[sflag:s14] =	ssyncset.done $0x0  }
0x3d: {  	s31 =	sadd.s32 s24, s11;
	[sflag:s14] =	ssyncadd.s32 $0xFFFFFF80  }
0x3e: {  	[tilespmem:s15], [sflag:$0x2] =	stream.linear.gather [hbm4b:s31+s3], $0x80, $0x38;
	[tilespmem:$0x580] =	vst v63  }
0x3f: {  	_ =	swait.ge [sflag:s14], $0x80  }
0x40: {  	[sflag:s14] =	ssyncset.done $0x0  }
0x41: {  	[sflag:s14] =	ssyncadd.s32 $0xFFFFFF80  }
0x42: {  	[tilespmem:s16], [sflag:$0x1] =	stream.indirect.gather [hbm4b:s4+s15], $0x1, s3, s15, $0xb8;
	[tilespmem:$0x580] =	vst v63  }
0x43: {  	_ =	swait.ge [sflag:s17], $0x80  }
0x44: {  	[sflag:s17] =	ssyncset.done $0x0  }
0x45: {  	[sflag:s17] =	ssyncadd.s32 $0xFFFFFF80  }
0x46: {  	[spmem:s1] =	stream.indirect.scatter.add.f32 [tilespmem:s16], [sflag:$0x2], $0x1, s15, s15, $0xb8;
	[tilespmem:$0x580] =	vst v63  }
0x47: {  	_ =	swait.ge [sflag:s14], $0x80  }
0x48: {  	[sflag:s14] =	ssyncset.done $0x0  }
0x49: {  	[sflag:s14] =	ssyncadd.s32 $0xFFFFFF80  }
0x4a: {  	[tilespmem:s18], [sflag:$0x2] =	stream.linear.gather [hbm4b:s7+s3], $0x10, $0x38;
	[tilespmem:$0x580] =	vst v63  }
0x4b: {  	_ =	swait.ge [sflag:s14], $0x10  }
0x4c: {  	[sflag:s14] =	ssyncset.done $0x0  }
0x4d: {  	[sflag:s14] =	ssyncadd.s32 $0xFFFFFFF0  }
0x4e: {  	[tilespmem:s19], [sflag:$0x2] =	stream.linear.gather [hbm4b:s8+s3], $0x10, $0x38;
	[tilespmem:$0x580] =	vst v63  }
0x4f: {  	_ =	swait.ge [sflag:s14], $0x10  }
0x50: {  	[sflag:s14] =	ssyncset.done $0x0  }
0x51: {  	[sflag:s14] =	ssyncadd.s32 $0xFFFFFFF0  }
0x52: {  	[tilespmem:s21], [sflag:$0x1] =	stream.indirect.gather [hbm4b:s4+s20], $0x1, s18, s20, $0xb8;
	[tilespmem:$0x580] =	vst v63  }
0x53: {  	_ =	swait.ge [sflag:s17], $0x10  }
0x54: {  	[sflag:s17] =	ssyncset.done $0x0  }
0x55: {  	[sflag:s17] =	ssyncadd.s32 $0xFFFFFFF0  }
0x56: {  	[spmem:s1] =	stream.indirect.scatter.add.f32 [tilespmem:s21], [sflag:$0x2], $0x1, s19, s20, $0xb8;
	[tilespmem:$0x580] =	vst v63  }
0x57: {  	_ =	swait.ge [sflag:s14], $0x10  }
0x58: {  	s23 =	sadd.s32 $0x1, s23;
	[sflag:s14] =	ssyncset.done $0x0  }
0x59: {  	p0 =	sne.s32 s23, s10;
	[sflag:s14] =	ssyncadd.s32 $0xFFFFFFF0  }
.Ltmp1:
0x5a: {  	[bflag:$0x0] =	sbarrier.arrive $0xFFFF;
	(pc) =	sbr.rel @p0 .LBB2_1-.Ltmp1, $4  }
0x5b: {  	[hbm:s9@s22], [sflag:s6] =	dma.strided [spmem:s13@s20], $0x50, s17, $0x10   }
0x5c: {  	_ =	swait.ge [sflag:s14], $0x50  }
0x5d: {  	[sflag:s14] =	ssyncset.done $0x0  }
0x5e: {  	[sflag:s14] =	ssyncadd.s32 $0xFFFFFFB0  }
0x5f: {  	_ =	sfence.sel $0x180000  }
0x60: {  	[bflag:$0x0] =	sbarrier.arrive $0xFFFF  }
0x61: {  	p0 =	sne.s32 s2, $0x0;
	_ =	strace $0x9000004D  }
0x62: {  	s0 =	sadd.s32 @!p0 $0x100000, s0;
	[bflag:$0x2] =	sbarrier.arrive $0xFFFF  }
0x63: {  	[sflag:s0] =	ssyncadd.tile.s32 @!p0 $0x1;
	_ =	shalt  }
.Lfunc_end2:
_tile_overlayer_lowered:
.L_overlay_start_2:
0x64: {  	(tag) =	ssettag $0x2  }
0x65: {  	s0 =	rddreg [dreg:$0x0];
	s2 =	stileid.u32  }
0x66: {  	s1 =	rddreg [dreg:$0x1];
	p0 =	sne.s32 s2, $0x0  }
0x67: {  	s3 =	rddreg [dreg:$0x2];
	[bflag:$0x3] =	sbarrier.arrive $0xFFFF;
	s2 =	simm.s32 @!p0 $0x1C02  }
0x68: {  	[timem:s3], [sflag:s2] =	dma.local @!p0 [hbm:s0], s1  }
0x69: {  	s0 =	simm.s32 @!p0 $0x2  }
0x6a: {  	_ =	swait.ge @!p0 [sflag:s0], s1  }
0x6b: {  	s1 =	ssub.s32 @!p0 $0x0, s1;
	[sflag:s0] =	ssyncset.done @!p0 $0x0  }
0x6c: {  	[sflag:s0] =	ssyncadd.s32 @!p0 s1  }
0x6d: {  	[bflag:$0x3] =	sbarrier.arrive $0xFFFF  }
0x6e: {  	_ =	shalt  }

// kernel: kernel.36.cloned.1.call-start
scs
__scs_entry_jumppad:
0x0: {  	(pc) =	sbr.rel $0x88, $3  }
0x1: {  	(tag) =	ssettag $0x0;
	lr =	simm.s32 $0x1  }
0x2: {  	[smem:$0x3F6C] =	sst lr;
	_ =	strace $0xD0000000  }
0x3: {  	_ = 	snop  }
0x4: {  	_ = 	snop  }
0x5: {  	_ = 	snop  }
0x6: {  	_ = 	snop  }
0x7: {  	_ = 	snop  }
__scs_overlays_trampoline_lowered:
0x8: {  	[smem:$0x3F7B] =	sst s0  }
0x9: {  	[smem:$0x3F7C] =	sst s1  }
0xa: {  	[smem:$0x3F7D] =	sst s2  }
0xb: {  	[smem:$0x3F7E] =	sst s3  }
0xc: {  	[smem:$0x3F7F] =	sst s4  }
0xd: {  	[smem:$0x3F80] =	sst s5  }
0xe: {  	[smem:$0x3F81] =	sst s6  }
0xf: {  	[smem:$0x3F82] =	sst s7  }
0x10: {  	[smem:$0x3F83] =	sst s8  }
0x11: {  	[smem:$0x3F84] =	sst s9;
	s0 =	simm.s32 @!p0 $0x0  }
0x12: {  	s1 =	sld [smem:$0x3F6A];
	s0 =	simm.s32 @p0 $0x1  }
0x13: {  	[smem:$0x3F85] =	sst s0;
	s0 =	simm.s32 @!p1 $0x0  }
0x14: {  	s2 =	sld [smem:$0x3F69];
	s0 =	simm.s32 @p1 $0x1  }
0x15: {  	[smem:$0x3F86] =	sst s0;
	s0 =	simm.s32 @!p2 $0x0  }
0x16: {  	s3 =	sld [smem:$0x3FDB];
	s0 =	simm.s32 @p2 $0x1  }
0x17: {  	s4 =	simm.s32 $0x1BF5;
	[smem:$0x3F88] =	sst s0  }
0x18: {  	s0 =	sld [smem:$0x3F6B];
	_ =	swait.ge [sflag:s4], $0x0  }
0x19: {  	s7 =	sld [smem:$0x3F6C]  }
0x1a: {  	s8 =	sadd.s32 $0xFFFFE003, lr  }
0x1b: {  	s9 =	sadd.s32 $0xFFFFFEF7, lr;
	s5 =	simm.s32 $0xFFFFFFFF;
	p2 =	slt.u32 s8, $0xFFFFF086  }
0x1c: {  	p1 =	slt.u32 s9, $0xF7A;
	s5 =	simm.s32 @!p2 $0x0  }
0x1d: {  	s5 =	simm.s32 @p1 $0x1;
	p0 =	seq.s32 s7, s2  }
0x1e: {  	s7 =	smul.u32 @!p0 $0xF7A, s2;
	p2 =	seq.s32 @!p0 s5, $0x0  }
0x1f: {  	s9 =	smul.u32 $0xF7A, s1;
	s8 =	simm.s32 @!p0 $0x1BF5;
	p2 =	por !p2, p0  }
0x20: {  	[sflag:s8] =	ssyncset.s32 @!p0 $0xFFFFF086;
	s6 =	sadd.s32 @!p0 s3, s7;
	s7 =	simm.s32 @!p0 $0x108  }
0x21: {  	s3 =	sadd.s32 s3, s9;
	s6 =	sadd.s32 @!p0 $0x88, s6;
	s7 =	simm.s32 @p2 $0x1082  }
0x22: {  	[simem:s7], [sflag:s8] =	dma.local @!p0 [hbm:s6], $0xF7A  }
0x23: {  	s9 =	sor.u32 $0xD0000000, s2;
	s6 =	simm.s32 $0x108;
	_ =	swait.ge @!p0 [sflag:s8], $0x0  }
0x24: {  	s3 =	sadd.s32 $0x88, s3;
	s6 =	simm.s32 @!p1 $0x1082;
	[sflag:s4] =	ssyncset.s32 $0xFFFFF086  }
0x25: {  	[simem:s6], [sflag:s4] =	dma.local [hbm:s3], $0xF7A  }
0x26: {  	[smem:$0x3F6C] =	sst s1;
	(tag) =	ssettag s2;
	_ =	strace s9  }
0x27: {  	s1 =	sld [smem:$0x3F7C]  }
0x28: {  	s2 =	sld [smem:$0x3F7D]  }
0x29: {  	s4 =	sld [smem:$0x3F7F]  }
0x2a: {  	p0 =	seq.s32 s5, $0x0;
	s5 =	sld [smem:$0x3F80]  }
0x2b: {  	s6 =	sld [smem:$0x3F81]  }
0x2c: {  	s7 =	sld [smem:$0x3F82]  }
0x2d: {  	s3 =	simm.s32 $0x108;
	s8 =	sld [smem:$0x3F83]  }
0x2e: {  	s3 =	simm.s32 @!p0 $0x1082;
	s9 =	sld [smem:$0x3F84]  }
0x2f: {  	lr =	sadd.s32 s0, s3;
	s0 =	sld [smem:$0x3F7B]  }
0x30: {  	s3 =	sld [smem:$0x3F7E]  }
0x31: {  	[smem:$0x3F87] =	sst s10  }
0x32: {  	s10 =	sld [smem:$0x3F85];
	_ =	sdelay $0x3  }
0x33: {  	p0 =	seq.s32 s10, $0x1;
	s10 =	sld [smem:$0x3F87];
	_ =	sdelay $0x3  }
0x34: {  	[smem:$0x3F87] =	sst s10  }
0x35: {  	s10 =	sld [smem:$0x3F86];
	_ =	sdelay $0x3  }
0x36: {  	p1 =	seq.s32 s10, $0x1;
	s10 =	sld [smem:$0x3F87];
	_ =	sdelay $0x3  }
0x37: {  	[smem:$0x3F87] =	sst s10  }
0x38: {  	s10 =	sld [smem:$0x3F88]  }
0x39: {  	_ = 	snop;
	(pc) =	sbr.ind lr, $3  }
0x3a: {  	_ = 	snop  }
0x3b: {  	_ = 	snop  }
0x3c: {  	p2 =	seq.s32 s10, $0x1;
	s10 =	sld [smem:$0x3F87]  }
0x3d: {  	_ =	shalt  }
0x3e: {  	_ =	shalt  }
0x3f: {  	_ =	shalt  }
0x40: {  	_ =	shalt  }
0x41: {  	_ =	shalt  }
0x42: {  	_ =	shalt  }
0x43: {  	_ =	shalt  }
0x44: {  	_ =	shalt  }
0x45: {  	_ =	shalt  }
0x46: {  	_ =	shalt  }
0x47: {  	_ =	shalt  }
0x48: {  	_ =	shalt  }
0x49: {  	_ =	shalt  }
0x4a: {  	_ =	shalt  }
0x4b: {  	_ =	shalt  }
0x4c: {  	_ =	shalt  }
0x4d: {  	_ =	shalt  }
0x4e: {  	_ =	shalt  }
0x4f: {  	_ =	shalt  }
0x50: {  	_ =	shalt  }
0x51: {  	_ =	shalt  }
0x52: {  	_ =	shalt  }
0x53: {  	_ =	shalt  }
0x54: {  	_ =	shalt  }
0x55: {  	_ =	shalt  }
0x56: {  	_ =	shalt  }
0x57: {  	_ =	shalt  }
0x58: {  	_ =	shalt  }
0x59: {  	_ =	shalt  }
0x5a: {  	_ =	shalt  }
0x5b: {  	_ =	shalt  }
0x5c: {  	_ =	shalt  }
0x5d: {  	_ =	shalt  }
0x5e: {  	_ =	shalt  }
0x5f: {  	_ =	shalt  }
0x60: {  	_ =	shalt  }
0x61: {  	_ =	shalt  }
0x62: {  	_ =	shalt  }
0x63: {  	_ =	shalt  }
0x64: {  	_ =	shalt  }
0x65: {  	_ =	shalt  }
0x66: {  	_ =	shalt  }
0x67: {  	_ =	shalt  }
0x68: {  	_ =	shalt  }
0x69: {  	_ =	shalt  }
0x6a: {  	_ =	shalt  }
0x6b: {  	_ =	shalt  }
0x6c: {  	_ =	shalt  }
0x6d: {  	_ =	shalt  }
0x6e: {  	_ =	shalt  }
0x6f: {  	_ =	shalt  }
0x70: {  	_ =	shalt  }
0x71: {  	_ =	shalt  }
0x72: {  	_ =	shalt  }
0x73: {  	_ =	shalt  }
0x74: {  	_ =	shalt  }
0x75: {  	_ =	shalt  }
0x76: {  	_ =	shalt  }
0x77: {  	_ =	shalt  }
0x78: {  	_ =	shalt  }
0x79: {  	_ =	shalt  }
0x7a: {  	_ =	shalt  }
0x7b: {  	_ =	shalt  }
0x7c: {  	_ =	shalt  }
0x7d: {  	_ =	shalt  }
0x7e: {  	_ =	shalt  }
0x7f: {  	_ =	shalt  }
0x80: {  	_ =	shalt  }
0x81: {  	_ =	shalt  }
0x82: {  	_ =	shalt  }
0x83: {  	_ =	shalt  }
0x84: {  	_ =	shalt  }
0x85: {  	_ =	shalt  }
0x86: {  	_ =	shalt  }
0x87: {  	_ =	shalt  }
.Lfunc_end0:
.L_simem_size_0:
called_computation.3_lowered:
.L_overlay_start_0:
0x88: {  	s2 =	sld [smem:$0x3FD9]  }
0x89: {  	s3 =	sld [smem:$0x3FFE];
	_ =	sdelay $0x1  }
0x8a: {  	s1 =	srdreg.scid  }
0x8b: {  	s0 =	sand.u32 $0x1, s1  }
0x8c: {  	s16 =	sshll.u32 s0, $0xA;
	s2 =	sadd.s32 s3, s2  }
0x8d: {  	s2 =	sadd.s32 s2, s16  }
0x8e: {  	[smem:$0x3F93] =	sst s2  }
0x8f: {  	_ = 	snop  }
0x90: {  	(tm) =	ssettm $0x1  }
0x91: {  	s17 =	sld [smem:$0x3FFB];
	_ =	sdelay $0x3  }
0x92: {  	_ =	strace s17  }
0x93: {  	s2 =	sld [smem:$0x3FFC];
	_ =	sdelay $0x3  }
0x94: {  	_ =	strace s2  }
0x95: {  	s2 =	sld [smem:$0x3FFD];
	_ =	sdelay $0x3  }
0x96: {  	_ =	strace s2  }
0x97: {  	_ =	strace $0x8FFFFFFF  }
0x98: {  	s18 =	sld [smem:$0x3FDB];
	_ =	sdelay $0x1  }
0x99: {  	s19 =	simm.s32 $_scs_section_size  }
0x9a: {  	s4 =	simm.s32 $_size__tile_overlayer_lowered;
	s5 =	simm.s32 $_tile_overlayer_lowered  }
0x9b: {  	s22 =	simm.s32 $0x1BFF;
	s21 =	sshll.u32 s5, $0x1;
	s2 =	sadd.s32 s19, s18  }
0x9c: {  	s6 =	simm.s32 $0x0;
	s20 =	sshll.u32 s4, $0x1;
	s4 =	sadd.s32 s21, s2  }
0x9d: {  	[timem:s6], [sflag:s22] =	dma.local [hbm:s4], s20  }
0x9e: {  	_ =	swait.ge [sflag:s22], s20  }
0x9f: {  	s3 =	ssub.s32 $0x0, s20;
	[sflag:s22] =	ssyncset.done $0x0  }
0xa0: {  	[sflag:s22] =	ssyncadd.s32 s3;
	_ =	sdelay $0x1  }
0xa1: {  	s23 =	simm.s32 $0x1B8B  }
0xa2: {  	_ =	swait.ge [sflag:s23], $0x1  }
0xa3: {  	[sflag:s23] =	ssyncset.done $0x0  }
0xa4: {  	s25 =	simm.s32 $0x1B8E;
	s24 =	sld [smem:$0x3FFE];
	[sflag:s23] =	ssyncadd.s32 $0xFFFFFFFF  }
0xa5: {  	s26 =	simm.s32 $execute0_lowered;
	[smem:$0x3FD2] =	sst s25  }
0xa6: {  	s4 =	sshll.u32 s26, $0x1;
	_ =	strace $0x8000004F;
	[dreg:$0x1] =	wrdreg $0xFFFFFFFF  }
0xa7: {  	s28 =	simm.s32 $_size_execute0_lowered;
	s2 =	sadd.s32 s2, s4;
	[dreg:$0x0] =	wrdreg $0x0  }
0xa8: {  	s4 =	sshll.u32 s28, $0x1;
	[dreg:$0x2] =	wrdreg s2  }
0xa9: {  	[dreg:$0x3] =	wrdreg s4  }
0xaa: {  	[dreg:$0x4] =	wrdreg $0xC0  }
0xab: {  	_ =	task [dreg:s6], $0x5FFFF  }
0xac: {  	[dreg:$0x1] =	wrdreg $0xFFFFFFFF  }
0xad: {  	[dreg:$0x0] =	wrdreg $0x60  }
0xae: {  	[dreg:$0x2] =	wrdreg s24  }
0xaf: {  	[dreg:$0x3] =	wrdreg $0x9  }
0xb0: {  	_ =	task.clear_ibuf [dreg:s6], $0x4FFFF;
	_ =	strace $0x9000004F  }
0xb1: {  	s29 =	simm.s32 $0x9;
	_ =	strace $0x80000051  }
0xb2: {  	_ =	swait.ge [sflag:s29], $0x1  }
0xb3: {  	[sflag:s29] =	ssyncadd.s32 $0xFFFFFFFF  }
0xb4: {  	_ =	strace $0x90000051  }
0xb5: {  	_ =	sfence  }
0xb6: {  	s30 =	sld [smem:$0x0];
	_ =	sdelay $0x2  }
0xb7: {  	s31 =	sshll.u32 s1, $0xD;
	s1 =	sshrl.u32 s1, $0x2  }
0xb8: {  	s3 =	sand.u32 $0x4000, s31;
	s1 =	sadd.s32 s1, s30  }
0xb9: {  	s0 =	sor.u32 s3, s0;
	s1 =	sshll.u32 s1, $0x11  }
0xba: {  	s0 =	sor.u32 s1, s0  }
0xbb: {  	s0 =	sadd.s32 $0x8F2B, s0  }
0xbc: {  	[sflag:s0] =	ssyncadd.remote.s32 $0x1  }
0xbd: {  	_ =	sfence.sel $0xFFFF  }
0xbe: {  	[dreg:$0x0] =	wrdreg $0xFFFFFFFF;
	(pc) =	sbr.abs _section_cstart, $3  }
0xbf: {  	[dreg:$0x1] =	wrdreg $0xFFFFFFFF  }
0xc0: {  	_ =	task.clear_ibuf [dreg:s6], $0x2FFFF;
	_ =	strace $0x9FFFFFFF  }
0xc1: {  	(tm) =	ssettm $0x7FFFFFFF  }
tec
execute0_lowered:
.L_overlay_start_1:
0x0: {  	(tag) =	ssettag $0x1  }
0x1: {  	s4 =	rddreg [dreg:$0x0];
	s1 =	srdreg.scid  }
0x2: {  	s0 =	rddreg [dreg:$0x1];
	s2 =	simm.s32 $0x0;
	s14 =	simm.s32 $0x1  }
0x3: {  	s15 =	simm.s32 $0x180;
	s16 =	simm.s32 $0x200;
	s17 =	simm.s32 $0x280  }
0x4: {  	s18 =	simm.s32 $0x300;
	s19 =	simm.s32 $0x10;
	s20 =	simm.s32 $0x380  }
0x5: {  	s21 =	simm.s32 $0x400;
	s22 =	simm.s32 $0x480;
	s23 =	simm.s32 $0x0  }
0x6: {  	s5 =	sand.u32 $0x1, s1;
	s1 =	stileid.u32;
	[smem:$0x7FF] =	sst s2  }
0x7: {  	s10 =	sadd.s32 $0x17200, s4;
	s3 =	sshll.u32 s5, $0x4;
	s7 =	smul.u32 $0x27100, s5  }
0x8: {  	s9 =	sadd.s32 $0xD400, s4;
	s8 =	smul.u32 $0x2710, s1;
	s3 =	sor.u32 s1, s3  }
0x9: {  	s11 =	sadd.s32 $0xC1C00, s4;
	s5 =	ssub.s32 $0x2, s5;
	s6 =	smul.u32 $0x2710, s3  }
0xa: {  	_ =	strace $0x80000050;
	s31 =	sshrl.u32 s5, $0x1;
	s3 =	sadd.s32 $0xC1600, s4  }
0xb: {  	s12 =	ssub.s32 s5, s31;
	s7 =	sadd.s32 s8, s7;
	s6 =	sshrl.u32 s6, $0x3  }
0xc: {  	v7 =	vlaneseq.u32;
	s13 =	sshrl.u32 s7, $0x3;
	s7 =	smax.u32 s12, $0x1;
	s6 =	sadd.s32 $0x4E0, s6  }
0xd: {  	v0 =	vor.u32 $0x2710, v7;
	v1 =	vor.u32 $0x2720, v7;
	s12 =	simm.s32 $0x80;
	s8 =	sadd.s32 s13, s11;
	s4 =	sadd.s32 s10, s6  }
0xe: {  	v2 =	vor.u32 $0x2730, v7;
	v3 =	vor.u32 $0x2740, v7;
	v4 =	vor.u32 $0x2750, v7;
	s5 =	sadd.s32 s9, s6;
	s6 =	sadd.s32 s11, s6;
	s9 =	sadd.s32 s13, s9  }
0xf: {  	v5 =	vor.u32 $0x2760, v7;
	v6 =	vor.u32 $0x2770, v7;
	v7 =	vor.u32 $0x2780, v7;
	s10 =	sadd.s32 s13, s10;
	s11 =	simm.s32 $0x2;
	s13 =	simm.s32 $0x100  }
.LBB2_1:
0x10: {  	s24 =	sadd.s32 $0x0, s10  }
0x11: {  	[tilespmem:s2], [sflag:$0x2] =	stream.linear.gather [hbm4b:s24+s2], $0x80, $0x38;
	[tilespmem:$0x500] =	vst v63  }
0x12: {  	_ =	swait.ge [sflag:s11], $0x80  }
0x13: {  	[sflag:s11] =	ssyncset.done $0x0  }
0x14: {  	s31 =	sadd.s32 $0x0, s9;
	[sflag:s11] =	ssyncadd.s32 $0xFFFFFF80  }
0x15: {  	[tilespmem:s12], [sflag:$0x2] =	stream.linear.gather [hbm4b:s31+s2], $0x80, $0x38;
	[tilespmem:$0x500] =	vst v63  }
0x16: {  	_ =	swait.ge [sflag:s11], $0x80  }
0x17: {  	[sflag:s11] =	ssyncset.done $0x0  }
0x18: {  	[sflag:s11] =	ssyncadd.s32 $0xFFFFFF80  }
0x19: {  	[tilespmem:s13], [sflag:$0x1] =	stream.indirect.gather [hbm4b:s3+s12], $0x1, s2, s12, $0xb8;
	[tilespmem:$0x500] =	vst v63  }
0x1a: {  	_ =	swait.ge [sflag:s14], $0x80  }
0x1b: {  	[sflag:s14] =	ssyncset.done $0x0  }
0x1c: {  	[sflag:s14] =	ssyncadd.s32 $0xFFFFFF80  }
0x1d: {  	[tilespmem:s15], [sflag:$0x1] =	stream.indirect.gather [hbm4b:s3+s12], $0x1, s12, s12, $0xb8;
	[tilespmem:$0x500] =	vst v63  }
0x1e: {  	_ =	swait.ge [sflag:s14], $0x80  }
0x1f: {  	s25 =	simm.s32 $0x10;
	s24 =	simm.s32 $0x0;
	[sflag:s14] =	ssyncset.done $0x0  }
.LBB2_2:
0x20: {  	p0 =	sne.s32 s25, $0x4D0  }
0x21: {  	[sflag:s14] =	ssyncadd.s32 $0xFFFFFF80;
	s26 =	smov.u32 s25;
	s25 =	sadd.s32 $0x10, s25  }
0x22: {  	v8 =	vld [tilespmem:$0xE0]  }
0x23: {  	v9 =	vld [tilespmem:$0xA0]  }
0x24: {  	v10 =	vld [tilespmem:$0xD0]  }
0x25: {  	v11 =	vld [tilespmem:$0xF0]  }
0x26: {  	v12 =	vld [tilespmem:$0xC0]  }
0x27: {  	v13 =	vld [tilespmem:$0x170]  }
0x28: {  	v14 =	vld [tilespmem:$0x1F0]  }
0x29: {  	v15 =	vld [tilespmem:$0x150]  }
0x2a: {  	v16 =	vld [tilespmem:$0xB0]  }
0x2b: {  	v17 =	vld [tilespmem:$0x1D0]  }
0x2c: {  	v18 =	vld [tilespmem:$0x140]  }
0x2d: {  	v19 =	vld [tilespmem:$0x1C0]  }
0x2e: {  	vm0 =	vgt.f32 v13, $0.0e+00;
	vm1 =	vgt.f32 v14, $0.0e+00;
	v20 =	vld [tilespmem:$0x1B0]  }
0x2f: {  	vm2 =	vgt.f32 v15, $0.0e+00;
	vm0 =	vmand vm0, vm1;
	v13 =	vld [tilespmem:$0x130]  }
0x30: {  	v11 =	vsel vm0, v11, v7;
	v14 =	vld [tilespmem:$0x190];
	vm1 =	vgt.f32 v17, $0.0e+00  }
0x31: {  	v15 =	vld [tilespmem:$0x1A0];
	vm0 =	vmand vm2, vm1;
	[tilespmem:$0x270] =	vst v11  }
0x32: {  	vm1 =	vgt.f32 v18, $0.0e+00;
	vm2 =	vgt.f32 v19, $0.0e+00;
	v10 =	vsel vm0, v10, v5;
	v11 =	vld [tilespmem:$0x160]  }
0x33: {  	v17 =	vld [tilespmem:$0x120];
	vm0 =	vgt.f32 v20, $0.0e+00;
	vm1 =	vmand vm1, vm2;
	[tilespmem:$0x250] =	vst v10  }
0x34: {  	vm2 =	vgt.f32 v13, $0.0e+00;
	v10 =	vsel vm1, v12, v4;
	v12 =	vld [tilespmem:$0x1E0]  }
0x35: {  	v13 =	vld [tilespmem:$0x180];
	vm0 =	vmand vm2, vm0;
	[tilespmem:$0x240] =	vst v10  }
0x36: {  	v10 =	vld [tilespmem:$0x100];
	vm1 =	vgt.f32 v15, $0.0e+00;
	v15 =	vsel vm0, v16, v3  }
0x37: {  	vm0 =	vgt.f32 v14, $0.0e+00;
	v16 =	vld [tilespmem:$0x110];
	[tilespmem:$0x230] =	vst v15  }
0x38: {  	vm3 =	vgt.f32 v11, $0.0e+00;
	v14 =	vld [tilespmem:$0x80];
	vm2 =	vgt.f32 v17, $0.0e+00  }
0x39: {  	v11 =	vld [tilespmem:$0x90];
	vm1 =	vmand vm2, vm1;
	vm2 =	vgt.f32 v12, $0.0e+00  }
0x3a: {  	vm4 =	vgt.f32 v13, $0.0e+00;
	v9 =	vsel vm1, v9, v2;
	vm1 =	vmand vm3, vm2  }
0x3b: {  	vm2 =	vgt.f32 v10, $0.0e+00;
	[tilespmem:$0x220] =	vst v9;
	v8 =	vsel vm1, v8, v6  }
0x3c: {  	vm1 =	vmand vm2, vm4;
	vm2 =	vgt.f32 v16, $0.0e+00;
	[tilespmem:$0x260] =	vst v8  }
0x3d: {  	v8 =	vsel vm1, v14, v0;
	vm0 =	vmand vm2, vm0  }
0x3e: {  	[tilespmem:$0x200] =	vst v8;
	v8 =	vsel vm0, v11, v1  }
0x3f: {  	s28 =	sadd.s32 s24, s8;
	s24 =	smov.u32 s26;
	[tilespmem:$0x210] =	vst v8  }
0x40: {  	[hbm4b:s28+s2] =	stream.linear.scatter [tilespmem:s16], [sflag:$0x2], $0x80, $0x38;
	[tilespmem:$0x500] =	vst v63  }
0x41: {  	_ =	swait.ge [sflag:s11], $0x80  }
0x42: {  	[sflag:s11] =	ssyncset.done $0x0  }
0x43: {  	s26 =	sadd.s32 s24, s10;
	[sflag:s11] =	ssyncadd.s32 $0xFFFFFF80  }
0x44: {  	[tilespmem:s2], [sflag:$0x2] =	stream.linear.gather [hbm4b:s26+s2], $0x80, $0x38;
	[tilespmem:$0x500] =	vst v63  }
0x45: {  	_ =	swait.ge [sflag:s11], $0x80  }
0x46: {  	[sflag:s11] =	ssyncset.done $0x0  }
0x47: {  	s26 =	sadd.s32 s24, s9;
	[sflag:s11] =	ssyncadd.s32 $0xFFFFFF80  }
0x48: {  	[tilespmem:s12], [sflag:$0x2] =	stream.linear.gather [hbm4b:s26+s2], $0x80, $0x38;
	[tilespmem:$0x500] =	vst v63  }
0x49: {  	_ =	swait.ge [sflag:s11], $0x80  }
0x4a: {  	[sflag:s11] =	ssyncset.done $0x0  }
0x4b: {  	[sflag:s11] =	ssyncadd.s32 $0xFFFFFF80  }
0x4c: {  	[tilespmem:s13], [sflag:$0x1] =	stream.indirect.gather [hbm4b:s3+s12], $0x1, s2, s12, $0xb8;
	[tilespmem:$0x500] =	vst v63  }
0x4d: {  	_ =	swait.ge [sflag:s14], $0x80  }
.Ltmp0:
0x4e: {  	[sflag:s14] =	ssyncset.done $0x0;
	(pc) =	sbr.rel @p0 .LBB2_2-.Ltmp0, $4  }
0x4f: {  	[sflag:s14] =	ssyncadd.s32 $0xFFFFFF80  }
0x50: {  	[tilespmem:s15], [sflag:$0x1] =	stream.indirect.gather [hbm4b:s3+s12], $0x1, s12, s12, $0xb8;
	[tilespmem:$0x500] =	vst v63  }
0x51: {  	_ =	swait.ge [sflag:s14], $0x80  }
0x52: {  	[sflag:s14] =	ssyncset.done $0x0  }
0x53: {  	[sflag:s14] =	ssyncadd.s32 $0xFFFFFF80  }
0x54: {  	v8 =	vld [tilespmem:$0xE0]  }
0x55: {  	v9 =	vld [tilespmem:$0xA0]  }
0x56: {  	v10 =	vld [tilespmem:$0xD0]  }
0x57: {  	v11 =	vld [tilespmem:$0xF0]  }
0x58: {  	v12 =	vld [tilespmem:$0xC0]  }
0x59: {  	v13 =	vld [tilespmem:$0x170]  }
0x5a: {  	v14 =	vld [tilespmem:$0x1F0]  }
0x5b: {  	v15 =	vld [tilespmem:$0x150]  }
0x5c: {  	v16 =	vld [tilespmem:$0xB0]  }
0x5d: {  	v17 =	vld [tilespmem:$0x1D0]  }
0x5e: {  	v18 =	vld [tilespmem:$0x140]  }
0x5f: {  	v19 =	vld [tilespmem:$0x1C0]  }
0x60: {  	v20 =	vld [tilespmem:$0x1B0]  }
0x61: {  	v21 =	vld [tilespmem:$0x130]  }
0x62: {  	v23 =	vld [tilespmem:$0x1A0]  }
0x63: {  	v53 =	vld [tilespmem:$0x120]  }
0x64: {  	v24 =	vld [tilespmem:$0x160]  }
0x65: {  	v54 =	vld [tilespmem:$0x1E0];
	vm0 =	vgt.f32 v13, $0.0e+00;
	vm1 =	vgt.f32 v14, $0.0e+00  }
0x66: {  	v55 =	vld [tilespmem:$0x180];
	vm2 =	vgt.f32 v15, $0.0e+00;
	vm8 =	vgt.f32 v17, $0.0e+00;
	vm3 =	vgt.f32 v18, $0.0e+00  }
0x67: {  	v56 =	vld [tilespmem:$0x100];
	vm9 =	vgt.f32 v19, $0.0e+00;
	vm10 =	vgt.f32 v20, $0.0e+00;
	vm4 =	vgt.f32 v21, $0.0e+00  }
0x68: {  	v22 =	vld [tilespmem:$0x190];
	vm12 =	vgt.f32 v23, $0.0e+00;
	vm13 =	vgt.f32 v53, $0.0e+00;
	vm0 =	vmand vm0, vm1  }
0x69: {  	v57 =	vld [tilespmem:$0x110];
	vm14 =	vgt.f32 v24, $0.0e+00;
	vm1 =	vmand vm2, vm8;
	v11 =	vsel vm0, v11, v7  }
0x6a: {  	v60 =	vld [tilespmem:$0x80];
	vm15 =	vgt.f32 v54, $0.0e+00;
	vm11 =	vmand vm4, vm10;
	v10 =	vsel vm1, v10, v5;
	[tilespmem:$0x270] =	vst v11  }
0x6b: {  	v61 =	vld [tilespmem:$0x90];
	vm8 =	vgt.f32 v55, $0.0e+00;
	vm0 =	vmand vm3, vm9;
	v59 =	vsel vm11, v16, v3;
	[tilespmem:$0x250] =	vst v10  }
0x6c: {  	vm10 =	vgt.f32 v56, $0.0e+00;
	vm9 =	vmand vm14, vm15;
	v58 =	vsel vm0, v12, v4;
	[tilespmem:$0x230] =	vst v59  }
0x6d: {  	vm1 =	vgt.f32 v22, $0.0e+00;
	vm0 =	vmand vm13, vm12;
	v8 =	vsel vm9, v8, v6;
	[tilespmem:$0x240] =	vst v58  }
0x6e: {  	vm11 =	vmand vm10, vm8;
	vm12 =	vgt.f32 v57, $0.0e+00;
	v9 =	vsel vm0, v9, v2;
	[tilespmem:$0x260] =	vst v8  }
0x6f: {  	v8 =	vsel vm11, v60, v0;
	vm13 =	vmand vm12, vm1;
	[tilespmem:$0x220] =	vst v9  }
0x70: {  	[tilespmem:$0x200] =	vst v8;
	v8 =	vsel vm13, v61, v1  }
0x71: {  	s24 =	sadd.s32 s24, s8;
	[tilespmem:$0x210] =	vst v8  }
0x72: {  	[hbm4b:s24+s2] =	stream.linear.scatter [tilespmem:s16], [sflag:$0x2], $0x80, $0x38;
	[tilespmem:$0x500] =	vst v63  }
0x73: {  	_ =	swait.ge [sflag:s11], $0x80  }
0x74: {  	[sflag:s11] =	ssyncset.done $0x0  }
0x75: {  	[sflag:s11] =	ssyncadd.s32 $0xFFFFFF80  }
0x76: {  	[tilespmem:s17], [sflag:$0x2] =	stream.linear.gather [hbm4b:s4+s2], $0x10, $0x38;
	[tilespmem:$0x500] =	vst v63  }
0x77: {  	_ =	swait.ge [sflag:s11], $0x10  }
0x78: {  	[sflag:s11] =	ssyncset.done $0x0  }
0x79: {  	[sflag:s11] =	ssyncadd.s32 $0xFFFFFFF0  }
0x7a: {  	[tilespmem:s18], [sflag:$0x2] =	stream.linear.gather [hbm4b:s5+s2], $0x10, $0x38;
	[tilespmem:$0x500] =	vst v63  }
0x7b: {  	_ =	swait.ge [sflag:s11], $0x10  }
0x7c: {  	[sflag:s11] =	ssyncset.done $0x0  }
0x7d: {  	[sflag:s11] =	ssyncadd.s32 $0xFFFFFFF0  }
0x7e: {  	[tilespmem:s20], [sflag:$0x1] =	stream.indirect.gather [hbm4b:s3+s19], $0x1, s17, s19, $0xb8;
	[tilespmem:$0x500] =	vst v63  }
0x7f: {  	_ =	swait.ge [sflag:s14], $0x10  }
0x80: {  	[sflag:s14] =	ssyncset.done $0x0  }
0x81: {  	[sflag:s14] =	ssyncadd.s32 $0xFFFFFFF0  }
0x82: {  	[tilespmem:s21], [sflag:$0x1] =	stream.indirect.gather [hbm4b:s3+s19], $0x1, s18, s19, $0xb8;
	[tilespmem:$0x500] =	vst v63  }
0x83: {  	_ =	swait.ge [sflag:s14], $0x10  }
0x84: {  	[sflag:s14] =	ssyncset.done $0x0  }
0x85: {  	[sflag:s14] =	ssyncadd.s32 $0xFFFFFFF0  }
0x86: {  	v8 =	vld [tilespmem:$0x380]  }
0x87: {  	v62 =	vld [tilespmem:$0x400];
	_ =	sdelay $0x1  }
0x88: {  	v63 =	vld [tilespmem:$0x300];
	_ =	sdelay $0x2  }
0x89: {  	vm14 =	vgt.f32 v8, $0.0e+00;
	vm15 =	vgt.f32 v62, $0.0e+00  }
0x8a: {  	s23 =	sadd.s32 $0x1, s23;
	vm0 =	vmand vm14, vm15  }
0x8b: {  	p0 =	sne.s32 s23, s7;
	v8 =	vsel vm0, v63, v0  }
.Ltmp1:
0x8c: {  	[tilespmem:$0x480] =	vst v8;
	(pc) =	sbr.rel @p0 .LBB2_1-.Ltmp1, $4  }
0x8d: {  	[hbm4b:s6+s2] =	stream.linear.scatter [tilespmem:s22], [sflag:$0x2], $0x10, $0x38;
	[tilespmem:$0x500] =	vst v63  }
0x8e: {  	_ =	swait.ge [sflag:s11], $0x10  }
0x8f: {  	[sflag:s11] =	ssyncset.done $0x0  }
0x90: {  	[sflag:s11] =	ssyncadd.s32 $0xFFFFFFF0  }
0x91: {  	_ =	sfence.sel $0x180000  }
0x92: {  	[bflag:$0x0] =	sbarrier.arrive $0xFFFF  }
0x93: {  	p0 =	sne.s32 s1, $0x0;
	_ =	strace $0x90000050  }
0x94: {  	s0 =	sadd.s32 @!p0 $0x100000, s0;
	[bflag:$0x2] =	sbarrier.arrive $0xFFFF  }
0x95: {  	[sflag:s0] =	ssyncadd.tile.s32 @!p0 $0x1;
	_ =	shalt  }
.Lfunc_end2:
_tile_overlayer_lowered:
.L_overlay_start_2:
0x96: {  	(tag) =	ssettag $0x2  }
0x97: {  	s0 =	rddreg [dreg:$0x0];
	s2 =	stileid.u32  }
0x98: {  	s1 =	rddreg [dreg:$0x1];
	p0 =	sne.s32 s2, $0x0  }
0x99: {  	s3 =	rddreg [dreg:$0x2];
	[bflag:$0x3] =	sbarrier.arrive $0xFFFF;
	s2 =	simm.s32 @!p0 $0x1C02  }
0x9a: {  	[timem:s3], [sflag:s2] =	dma.local @!p0 [hbm:s0], s1  }
0x9b: {  	s0 =	simm.s32 @!p0 $0x2  }
0x9c: {  	_ =	swait.ge @!p0 [sflag:s0], s1  }
0x9d: {  	s1 =	ssub.s32 @!p0 $0x0, s1;
	[sflag:s0] =	ssyncset.done @!p0 $0x0  }
0x9e: {  	[sflag:s0] =	ssyncadd.s32 @!p0 s1  }
0x9f: {  	[bflag:$0x3] =	sbarrier.arrive $0xFFFF  }
0xa0: {  	_ =	shalt  }

// kernel: kernel.39.cloned.1.call-start
scs
__scs_entry_jumppad:
0x0: {  	(pc) =	sbr.rel $0x88, $3  }
0x1: {  	(tag) =	ssettag $0x0;
	lr =	simm.s32 $0x1  }
0x2: {  	[smem:$0x3F6C] =	sst lr;
	_ =	strace $0xD0000000  }
0x3: {  	_ = 	snop  }
0x4: {  	_ = 	snop  }
0x5: {  	_ = 	snop  }
0x6: {  	_ = 	snop  }
0x7: {  	_ = 	snop  }
__scs_overlays_trampoline_lowered:
0x8: {  	[smem:$0x3F7B] =	sst s0  }
0x9: {  	[smem:$0x3F7C] =	sst s1  }
0xa: {  	[smem:$0x3F7D] =	sst s2  }
0xb: {  	[smem:$0x3F7E] =	sst s3  }
0xc: {  	[smem:$0x3F7F] =	sst s4  }
0xd: {  	[smem:$0x3F80] =	sst s5  }
0xe: {  	[smem:$0x3F81] =	sst s6  }
0xf: {  	[smem:$0x3F82] =	sst s7  }
0x10: {  	[smem:$0x3F83] =	sst s8  }
0x11: {  	[smem:$0x3F84] =	sst s9;
	s0 =	simm.s32 @!p0 $0x0  }
0x12: {  	s1 =	sld [smem:$0x3F6A];
	s0 =	simm.s32 @p0 $0x1  }
0x13: {  	[smem:$0x3F85] =	sst s0;
	s0 =	simm.s32 @!p1 $0x0  }
0x14: {  	s2 =	sld [smem:$0x3F69];
	s0 =	simm.s32 @p1 $0x1  }
0x15: {  	[smem:$0x3F86] =	sst s0;
	s0 =	simm.s32 @!p2 $0x0  }
0x16: {  	s3 =	sld [smem:$0x3FDB];
	s0 =	simm.s32 @p2 $0x1  }
0x17: {  	s4 =	simm.s32 $0x1BF5;
	[smem:$0x3F88] =	sst s0  }
0x18: {  	s0 =	sld [smem:$0x3F6B];
	_ =	swait.ge [sflag:s4], $0x0  }
0x19: {  	s7 =	sld [smem:$0x3F6C]  }
0x1a: {  	s8 =	sadd.s32 $0xFFFFE003, lr  }
0x1b: {  	s9 =	sadd.s32 $0xFFFFFEF7, lr;
	s5 =	simm.s32 $0xFFFFFFFF;
	p2 =	slt.u32 s8, $0xFFFFF086  }
0x1c: {  	p1 =	slt.u32 s9, $0xF7A;
	s5 =	simm.s32 @!p2 $0x0  }
0x1d: {  	s5 =	simm.s32 @p1 $0x1;
	p0 =	seq.s32 s7, s2  }
0x1e: {  	s7 =	smul.u32 @!p0 $0xF7A, s2;
	p2 =	seq.s32 @!p0 s5, $0x0  }
0x1f: {  	s9 =	smul.u32 $0xF7A, s1;
	s8 =	simm.s32 @!p0 $0x1BF5;
	p2 =	por !p2, p0  }
0x20: {  	[sflag:s8] =	ssyncset.s32 @!p0 $0xFFFFF086;
	s6 =	sadd.s32 @!p0 s3, s7;
	s7 =	simm.s32 @!p0 $0x108  }
0x21: {  	s3 =	sadd.s32 s3, s9;
	s6 =	sadd.s32 @!p0 $0x88, s6;
	s7 =	simm.s32 @p2 $0x1082  }
0x22: {  	[simem:s7], [sflag:s8] =	dma.local @!p0 [hbm:s6], $0xF7A  }
0x23: {  	s9 =	sor.u32 $0xD0000000, s2;
	s6 =	simm.s32 $0x108;
	_ =	swait.ge @!p0 [sflag:s8], $0x0  }
0x24: {  	s3 =	sadd.s32 $0x88, s3;
	s6 =	simm.s32 @!p1 $0x1082;
	[sflag:s4] =	ssyncset.s32 $0xFFFFF086  }
0x25: {  	[simem:s6], [sflag:s4] =	dma.local [hbm:s3], $0xF7A  }
0x26: {  	[smem:$0x3F6C] =	sst s1;
	(tag) =	ssettag s2;
	_ =	strace s9  }
0x27: {  	s1 =	sld [smem:$0x3F7C]  }
0x28: {  	s2 =	sld [smem:$0x3F7D]  }
0x29: {  	s4 =	sld [smem:$0x3F7F]  }
0x2a: {  	p0 =	seq.s32 s5, $0x0;
	s5 =	sld [smem:$0x3F80]  }
0x2b: {  	s6 =	sld [smem:$0x3F81]  }
0x2c: {  	s7 =	sld [smem:$0x3F82]  }
0x2d: {  	s3 =	simm.s32 $0x108;
	s8 =	sld [smem:$0x3F83]  }
0x2e: {  	s3 =	simm.s32 @!p0 $0x1082;
	s9 =	sld [smem:$0x3F84]  }
0x2f: {  	lr =	sadd.s32 s0, s3;
	s0 =	sld [smem:$0x3F7B]  }
0x30: {  	s3 =	sld [smem:$0x3F7E]  }
0x31: {  	[smem:$0x3F87] =	sst s10  }
0x32: {  	s10 =	sld [smem:$0x3F85];
	_ =	sdelay $0x3  }
0x33: {  	p0 =	seq.s32 s10, $0x1;
	s10 =	sld [smem:$0x3F87];
	_ =	sdelay $0x3  }
0x34: {  	[smem:$0x3F87] =	sst s10  }
0x35: {  	s10 =	sld [smem:$0x3F86];
	_ =	sdelay $0x3  }
0x36: {  	p1 =	seq.s32 s10, $0x1;
	s10 =	sld [smem:$0x3F87];
	_ =	sdelay $0x3  }
0x37: {  	[smem:$0x3F87] =	sst s10  }
0x38: {  	s10 =	sld [smem:$0x3F88]  }
0x39: {  	_ = 	snop;
	(pc) =	sbr.ind lr, $3  }
0x3a: {  	_ = 	snop  }
0x3b: {  	_ = 	snop  }
0x3c: {  	p2 =	seq.s32 s10, $0x1;
	s10 =	sld [smem:$0x3F87]  }
0x3d: {  	_ =	shalt  }
0x3e: {  	_ =	shalt  }
0x3f: {  	_ =	shalt  }
0x40: {  	_ =	shalt  }
0x41: {  	_ =	shalt  }
0x42: {  	_ =	shalt  }
0x43: {  	_ =	shalt  }
0x44: {  	_ =	shalt  }
0x45: {  	_ =	shalt  }
0x46: {  	_ =	shalt  }
0x47: {  	_ =	shalt  }
0x48: {  	_ =	shalt  }
0x49: {  	_ =	shalt  }
0x4a: {  	_ =	shalt  }
0x4b: {  	_ =	shalt  }
0x4c: {  	_ =	shalt  }
0x4d: {  	_ =	shalt  }
0x4e: {  	_ =	shalt  }
0x4f: {  	_ =	shalt  }
0x50: {  	_ =	shalt  }
0x51: {  	_ =	shalt  }
0x52: {  	_ =	shalt  }
0x53: {  	_ =	shalt  }
0x54: {  	_ =	shalt  }
0x55: {  	_ =	shalt  }
0x56: {  	_ =	shalt  }
0x57: {  	_ =	shalt  }
0x58: {  	_ =	shalt  }
0x59: {  	_ =	shalt  }
0x5a: {  	_ =	shalt  }
0x5b: {  	_ =	shalt  }
0x5c: {  	_ =	shalt  }
0x5d: {  	_ =	shalt  }
0x5e: {  	_ =	shalt  }
0x5f: {  	_ =	shalt  }
0x60: {  	_ =	shalt  }
0x61: {  	_ =	shalt  }
0x62: {  	_ =	shalt  }
0x63: {  	_ =	shalt  }
0x64: {  	_ =	shalt  }
0x65: {  	_ =	shalt  }
0x66: {  	_ =	shalt  }
0x67: {  	_ =	shalt  }
0x68: {  	_ =	shalt  }
0x69: {  	_ =	shalt  }
0x6a: {  	_ =	shalt  }
0x6b: {  	_ =	shalt  }
0x6c: {  	_ =	shalt  }
0x6d: {  	_ =	shalt  }
0x6e: {  	_ =	shalt  }
0x6f: {  	_ =	shalt  }
0x70: {  	_ =	shalt  }
0x71: {  	_ =	shalt  }
0x72: {  	_ =	shalt  }
0x73: {  	_ =	shalt  }
0x74: {  	_ =	shalt  }
0x75: {  	_ =	shalt  }
0x76: {  	_ =	shalt  }
0x77: {  	_ =	shalt  }
0x78: {  	_ =	shalt  }
0x79: {  	_ =	shalt  }
0x7a: {  	_ =	shalt  }
0x7b: {  	_ =	shalt  }
0x7c: {  	_ =	shalt  }
0x7d: {  	_ =	shalt  }
0x7e: {  	_ =	shalt  }
0x7f: {  	_ =	shalt  }
0x80: {  	_ =	shalt  }
0x81: {  	_ =	shalt  }
0x82: {  	_ =	shalt  }
0x83: {  	_ =	shalt  }
0x84: {  	_ =	shalt  }
0x85: {  	_ =	shalt  }
0x86: {  	_ =	shalt  }
0x87: {  	_ =	shalt  }
.Lfunc_end0:
.L_simem_size_0:
called_computation.4_lowered:
.L_overlay_start_0:
0x88: {  	s2 =	sld [smem:$0x3FD9]  }
0x89: {  	s3 =	sld [smem:$0x3FFE];
	_ =	sdelay $0x1  }
0x8a: {  	s1 =	srdreg.scid  }
0x8b: {  	s0 =	sand.u32 $0x1, s1  }
0x8c: {  	s17 =	sshll.u32 s0, $0xA;
	s2 =	sadd.s32 s3, s2  }
0x8d: {  	s2 =	sadd.s32 s2, s17  }
0x8e: {  	[smem:$0x3F93] =	sst s2  }
0x8f: {  	_ = 	snop  }
0x90: {  	s2 =	sld [smem:$0x3FD0];
	(tm) =	ssettm $0x1  }
0x91: {  	s18 =	sld [smem:$0x3FFB];
	_ =	sdelay $0x3  }
0x92: {  	_ =	strace s18  }
0x93: {  	s3 =	sld [smem:$0x3FFC];
	_ =	sdelay $0x3  }
0x94: {  	_ =	strace s3  }
0x95: {  	s3 =	sld [smem:$0x3FFD];
	_ =	sdelay $0x3  }
0x96: {  	_ =	strace s3  }
0x97: {  	_ =	strace $0x8FFFFFFF  }
0x98: {  	s19 =	sld [smem:$0x3FDB];
	_ =	sdelay $0x1  }
0x99: {  	s4 =	simm.s32 $_scs_section_size  }
0x9a: {  	s5 =	simm.s32 $_size__tile_overlayer_lowered;
	s6 =	simm.s32 $_tile_overlayer_lowered  }
0x9b: {  	s22 =	simm.s32 $0x1BFF;
	s21 =	sshll.u32 s6, $0x1;
	s3 =	sadd.s32 s4, s19  }
0x9c: {  	s7 =	simm.s32 $0x0;
	s20 =	sshll.u32 s5, $0x1;
	s5 =	sadd.s32 s21, s3  }
0x9d: {  	[timem:s7], [sflag:s22] =	dma.local [hbm:s5], s20  }
0x9e: {  	_ =	swait.ge [sflag:s22], s20  }
0x9f: {  	s4 =	ssub.s32 $0x0, s20;
	[sflag:s22] =	ssyncset.done $0x0  }
0xa0: {  	[sflag:s22] =	ssyncadd.s32 s4;
	_ =	sdelay $0x1  }
0xa1: {  	s23 =	simm.s32 $0x1B8B  }
0xa2: {  	_ =	swait.ge [sflag:s23], $0x1  }
0xa3: {  	[sflag:s23] =	ssyncset.done $0x0  }
0xa4: {  	s25 =	simm.s32 $0x1B8E;
	s24 =	sld [smem:$0x3FFE];
	[sflag:s23] =	ssyncadd.s32 $0xFFFFFFFF  }
0xa5: {  	s26 =	simm.s32 $execute0_lowered;
	[smem:$0x3FD2] =	sst s25  }
0xa6: {  	s5 =	sshll.u32 s26, $0x1;
	_ =	strace $0x80000052;
	[dreg:$0x1] =	wrdreg $0xFFFFFFFF  }
0xa7: {  	s28 =	simm.s32 $_size_execute0_lowered;
	s3 =	sadd.s32 s3, s5;
	[dreg:$0x0] =	wrdreg $0x0  }
0xa8: {  	s5 =	sshll.u32 s28, $0x1;
	[dreg:$0x2] =	wrdreg s3  }
0xa9: {  	[dreg:$0x3] =	wrdreg s5  }
0xaa: {  	[dreg:$0x4] =	wrdreg $0xC0  }
0xab: {  	_ =	task [dreg:s7], $0x5FFFF  }
0xac: {  	[dreg:$0x1] =	wrdreg $0xFFFFFFFF  }
0xad: {  	[dreg:$0x0] =	wrdreg $0x60  }
0xae: {  	[dreg:$0x2] =	wrdreg s24  }
0xaf: {  	[dreg:$0x3] =	wrdreg s2  }
0xb0: {  	[dreg:$0x4] =	wrdreg $0x4B000  }
0xb1: {  	[dreg:$0x5] =	wrdreg $0x18B000  }
0xb2: {  	[dreg:$0x6] =	wrdreg $0x9  }
0xb3: {  	_ =	task.clear_ibuf [dreg:s7], $0x7FFFF;
	_ =	strace $0x90000052  }
0xb4: {  	s29 =	simm.s32 $0x9;
	_ =	strace $0x80000054  }
0xb5: {  	_ =	swait.ge [sflag:s29], $0x1  }
0xb6: {  	[sflag:s29] =	ssyncadd.s32 $0xFFFFFFFF  }
0xb7: {  	_ =	strace $0x90000054  }
0xb8: {  	_ =	sfence  }
0xb9: {  	s30 =	sld [smem:$0x0];
	_ =	sdelay $0x2  }
0xba: {  	s31 =	sshll.u32 s1, $0xD;
	s1 =	sshrl.u32 s1, $0x2  }
0xbb: {  	s3 =	sand.u32 $0x4000, s31;
	s1 =	sadd.s32 s1, s30  }
0xbc: {  	s0 =	sor.u32 s3, s0;
	s1 =	sshll.u32 s1, $0x11  }
0xbd: {  	s0 =	sor.u32 s1, s0  }
0xbe: {  	s0 =	sadd.s32 $0x8F2B, s0  }
0xbf: {  	[sflag:s0] =	ssyncadd.remote.s32 $0x1  }
0xc0: {  	_ =	sfence.sel $0xFFFF  }
0xc1: {  	[dreg:$0x0] =	wrdreg $0xFFFFFFFF;
	(pc) =	sbr.abs _section_cstart, $3  }
0xc2: {  	[dreg:$0x1] =	wrdreg $0xFFFFFFFF  }
0xc3: {  	_ =	task.clear_ibuf [dreg:s7], $0x2FFFF;
	_ =	strace $0x9FFFFFFF  }
0xc4: {  	(tm) =	ssettm $0x7FFFFFFF  }
0xc5: {  	_ =	shalt  }
tec
execute0_lowered:
.L_overlay_start_1:
0x0: {  	(tag) =	ssettag $0x1  }
0x1: {  	s0 =	rddreg [dreg:$0x0]  }
0x2: {  	s2 =	rddreg [dreg:$0x2]  }
0x3: {  	s3 =	rddreg [dreg:$0x3];
	s5 =	simm.s32 $0x0;
	s18 =	stileid.u32  }
0x4: {  	s6 =	srdreg.scid;
	s28 =	simm.s32 $0x2;
	s29 =	simm.s32 $0x4A00  }
0x5: {  	s30 =	simm.s32 $0x4A80;
	s31 =	simm.s32 $0x80;
	s4 =	smul.u32 $0x14000, s18  }
0x6: {  	[smem:$0x7FF] =	sst s5;
	s1 =	sadd.s32 $0x17200, s0;
	s8 =	smul.u32 $0x500, s18  }
0x7: {  	s7 =	sadd.s32 $0xC1C00, s0;
	s6 =	sand.u32 $0x1, s6;
	s10 =	smul.u32 $0x280, s18  }
0x8: {  	s12 =	sadd.s32 $0xF3A00, s0;
	_ =	strace $0x80000053;
	s11 =	sshll.u32 s6, $0x7  }
0x9: {  	s17 =	ssub.s32 $0x2, s6;
	s14 =	sshll.u32 s6, $0x4;
	s15 =	smul.u32 $0x140000, s6  }
0xa: {  	s6 =	smul.u32 $0x27100, s6;
	s9 =	sshrl.u32 s4, $0x3;
	s8 =	sor.u32 s11, s8  }
0xb: {  	s13 =	sshrl.u32 s17, $0x1;
	s19 =	sor.u32 s18, s14;
	s20 =	sshll.u32 s10, $0x7  }
0xc: {  	s11 =	ssub.s32 s17, s13;
	s13 =	smul.u32 $0x2710, s19;
	s4 =	sadd.s32 s4, s15  }
0xd: {  	s16 =	sadd.s32 $0x4000, s20;
	s21 =	sadd.s32 $0x8000, s20;
	s22 =	sadd.s32 $0xC000, s20  }
0xe: {  	s19 =	sshrl.u32 s10, $0x3;
	s8 =	sshrl.u32 s8, $0x3;
	s4 =	sshrl.u32 s4, $0x3  }
0xf: {  	s17 =	sadd.s32 s15, s16;
	s24 =	sadd.s32 s15, s21;
	s26 =	sadd.s32 s15, s22  }
0x10: {  	s4 =	sadd.s32 s12, s4;
	s23 =	sshrl.u32 s17, $0x3;
	s25 =	sshrl.u32 s24, $0x3  }
0x11: {  	s17 =	smul.u32 $0x2710, s18;
	[dreg:$0x5] =	wrdreg s4;
	s4 =	sadd.s32 s12, s23  }
0x12: {  	s23 =	sadd.s32 $0x10000, s20;
	s20 =	sshrl.u32 s13, $0x3;
	[dreg:$0x6] =	wrdreg s4  }
0x13: {  	s4 =	sadd.s32 s12, s25;
	s14 =	sadd.s32 s15, s23;
	s6 =	sadd.s32 s17, s6  }
0x14: {  	s25 =	smul.u32 $0x50000, s18;
	s17 =	sadd.s32 s10, s3;
	[dreg:$0x7] =	wrdreg s4  }
0x15: {  	s4 =	sshrl.u32 s26, $0x3;
	s15 =	sshrl.u32 s14, $0x3;
	s6 =	sshrl.u32 s6, $0x3  }
0x16: {  	s26 =	sadd.s32 s9, s0;
	s9 =	sshll.u32 s18, $0x6;
	[dreg:$0xe] =	wrdreg s17  }
0x17: {  	s4 =	sadd.s32 s12, s4;
	s13 =	sadd.s32 s6, s7;
	s14 =	sadd.s32 s6, s1  }
0x18: {  	s18 =	sor.u32 $0x1C02, s9;
	s6 =	simm.s32 $0x4180;
	s9 =	simm.s32 $0x0  }
0x19: {  	[dreg:$0x8] =	wrdreg s4;
	s4 =	sadd.s32 s12, s15;
	s12 =	sadd.s32 $0x4E0, s20  }
0x1a: {  	s15 =	sadd.s32 $0xCBA00, s0;
	s20 =	sadd.s32 s16, s2;
	[dreg:$0x9] =	wrdreg s4  }
0x1b: {  	s24 =	sadd.s32 s1, s12;
	s12 =	sadd.s32 s7, s12;
	s4 =	sadd.s32 s19, s0  }
0x1c: {  	s7 =	sadd.s32 s8, s0;
	s8 =	sshrl.u32 s25, $0x2;
	s25 =	sadd.s32 s22, s2  }
0x1d: {  	s22 =	smax.u32 s11, $0x1;
	s1 =	simm.s32 $0x4100;
	[dreg:$0xa] =	wrdreg s24  }
0x1e: {  	[dreg:$0xb] =	wrdreg s12;
	s0 =	sadd.s32 s8, s2;
	s12 =	sadd.s32 $0x49000, s26  }
0x1f: {  	s19 =	sadd.s32 $0x71000, s4;
	s24 =	sadd.s32 s21, s2;
	s26 =	sadd.s32 s23, s2  }
0x20: {  	s21 =	sadd.s32 $0xD400, s7;
	s23 =	sshrl.u32 s20, $0x3;
	[dreg:$0xc] =	wrdreg s0  }
0x21: {  	s25 =	sshrl.u32 s25, $0x3;
	s4 =	simm.s32 $0x1;
	[dreg:$0xd] =	wrdreg s12  }
0x22: {  	s7 =	simm.s32 $0x10;
	s8 =	simm.s32 $0x4200;
	[dreg:$0xf] =	wrdreg s19  }
0x23: {  	s24 =	sshrl.u32 s24, $0x3;
	s26 =	sshrl.u32 s26, $0x3;
	s0 =	simm.s32 $0x100  }
.LBB2_1:
0x24: {  	s10 =	rddreg [dreg:$0xc]  }
0x25: {  	s12 =	rddreg [dreg:$0xd];
	s11 =	sshrl.u32 s10, $0x3  }
0x26: {  	[spmem:s11], [sflag:s18] =	dma.local [hbm:s12], $0x2800  }
0x27: {  	_ =	swait.ge [sflag:s28], $0x2800  }
0x28: {  	[sflag:s28] =	ssyncset.done $0x0;
	s16 =	rddreg [dreg:$0xe]  }
0x29: {  	s12 =	rddreg [dreg:$0xf];
	[sflag:s28] =	ssyncadd.s32 $0xFFFFD800;
	s10 =	sshrl.u32 s16, $0x3  }
0x2a: {  	[spmem:s10], [sflag:s18] =	dma.local [hbm:s12], $0x50  }
0x2b: {  	_ =	swait.ge [sflag:s28], $0x50  }
0x2c: {  	[sflag:s28] =	ssyncset.done $0x0  }
0x2d: {  	[sflag:s28] =	ssyncadd.s32 $0xFFFFFFB0  }
0x2e: {  	s17 =	rddreg [dreg:$0x1]  }
0x2f: {  	[tilespmem:s29], [sflag:$0x2] =	stream.linear.gather [hbm4b:s17+s5], $0x80, $0x38;
	[tilespmem:$0x18D80] =	vst v63  }
0x30: {  	_ =	swait.ge [sflag:s28], $0x80  }
0x31: {  	[sflag:s28] =	ssyncset.done $0x0  }
0x32: {  	[sflag:s28] =	ssyncadd.s32 $0xFFFFFF80  }
0x33: {  	[tilespmem:s30], [sflag:$0x2] =	stream.linear.gather [hbm4b:s17+s5], $0x10, $0x38;
	[tilespmem:$0x18D80] =	vst v63  }
0x34: {  	_ =	swait.ge [sflag:s28], $0x10  }
0x35: {  	[sflag:s28] =	ssyncset.done $0x0  }
0x36: {  	[sflag:s28] =	ssyncadd.s32 $0xFFFFFFF0  }
0x37: {  	s19 =	sadd.s32 $0x0, s14;
	[bflag:$0x0] =	sbarrier.arrive $0xFFFF  }
0x38: {  	[tilespmem:s5], [sflag:$0x2] =	stream.linear.gather [hbm4b:s19+s5], $0x80, $0x38;
	[tilespmem:$0x18D80] =	vst v63  }
0x39: {  	_ =	swait.ge [sflag:s28], $0x80  }
0x3a: {  	[sflag:s28] =	ssyncset.done $0x0  }
0x3b: {  	s20 =	sadd.s32 $0x0, s13;
	[sflag:s28] =	ssyncadd.s32 $0xFFFFFF80  }
0x3c: {  	[tilespmem:s31], [sflag:$0x2] =	stream.linear.gather [hbm4b:s20+s5], $0x80, $0x38;
	[tilespmem:$0x18D80] =	vst v63  }
0x3d: {  	_ =	swait.ge [sflag:s28], $0x80  }
0x3e: {  	[sflag:s28] =	ssyncset.done $0x0  }
0x3f: {  	[sflag:s28] =	ssyncadd.s32 $0xFFFFFF80  }
0x40: {  	[tilespmem:s0], [sflag:$0x1] =	stream.indirect.gather [hbm4b:s15+s31], $0x80, s5, s31, $0xb8;
	[tilespmem:$0x18D80] =	vst v63  }
0x41: {  	_ =	swait.ge [sflag:s4], $0x4000  }
0x42: {  	[sflag:s4] =	ssyncset.done $0x0  }
0x43: {  	[sflag:s4] =	ssyncadd.s32 $0xFFFFC000  }
0x44: {  	[spmem:s2] =	stream.indirect.scatter.add.f32 [tilespmem:s0], [sflag:$0x2], $0x80, s31, s31, $0xb8;
	[tilespmem:$0x18D80] =	vst v63  }
0x45: {  	_ =	swait.ge [sflag:s28], $0x4000  }
0x46: {  	[sflag:s28] =	ssyncset.done $0x0  }
0x47: {  	[sflag:s28] =	ssyncadd.s32 $0xFFFFC000  }
0x48: {  	[spmem:s3] =	stream.indirect.scatter.add.f32 [tilespmem:s29], [sflag:$0x2], $0x1, s31, s31, $0xb8;
	[tilespmem:$0x18D80] =	vst v63  }
0x49: {  	_ =	swait.ge [sflag:s28], $0x80  }
0x4a: {  	s16 =	simm.s32 $0x20;
	s12 =	simm.s32 $0x10;
	[sflag:s28] =	ssyncset.done $0x0  }
.LBB2_2:
0x4b: {  	s17 =	sadd.s32 s12, s14  }
0x4c: {  	[sflag:s28] =	ssyncadd.s32 $0xFFFFFF80;
	s19 =	smov.u32 s16;
	s20 =	sadd.s32 $0x10, s16  }
0x4d: {  	[tilespmem:s5], [sflag:$0x2] =	stream.linear.gather [hbm4b:s17+s5], $0x80, $0x38;
	[tilespmem:$0x18D80] =	vst v63  }
0x4e: {  	p0 =	sne.s32 s16, $0x4D0;
	_ =	swait.ge [sflag:s28], $0x80  }
0x4f: {  	[sflag:s28] =	ssyncset.done $0x0  }
0x50: {  	s16 =	sadd.s32 s12, s13;
	s12 =	smov.u32 s19;
	[sflag:s28] =	ssyncadd.s32 $0xFFFFFF80  }
0x51: {  	[tilespmem:s31], [sflag:$0x2] =	stream.linear.gather [hbm4b:s16+s5], $0x80, $0x38;
	[tilespmem:$0x18D80] =	vst v63  }
0x52: {  	_ =	swait.ge [sflag:s28], $0x80  }
0x53: {  	[sflag:s28] =	ssyncset.done $0x0  }
0x54: {  	[sflag:s28] =	ssyncadd.s32 $0xFFFFFF80  }
0x55: {  	[tilespmem:s0], [sflag:$0x1] =	stream.indirect.gather [hbm4b:s15+s31], $0x80, s5, s31, $0xb8;
	[tilespmem:$0x18D80] =	vst v63  }
0x56: {  	_ =	swait.ge [sflag:s4], $0x4000  }
0x57: {  	[sflag:s4] =	ssyncset.done $0x0  }
0x58: {  	[sflag:s4] =	ssyncadd.s32 $0xFFFFC000  }
0x59: {  	[spmem:s2] =	stream.indirect.scatter.add.f32 [tilespmem:s0], [sflag:$0x2], $0x80, s31, s31, $0xb8;
	[tilespmem:$0x18D80] =	vst v63  }
0x5a: {  	_ =	swait.ge [sflag:s28], $0x4000  }
.Ltmp0:
0x5b: {  	[sflag:s28] =	ssyncset.done $0x0;
	(pc) =	sbr.rel @p0 .LBB2_2-.Ltmp0, $4  }
0x5c: {  	[sflag:s28] =	ssyncadd.s32 $0xFFFFC000  }
0x5d: {  	[spmem:s3] =	stream.indirect.scatter.add.f32 [tilespmem:s29], [sflag:$0x2], $0x1, s31, s31, $0xb8;
	[tilespmem:$0x18D80] =	vst v63  }
0x5e: {  	_ =	swait.ge [sflag:s28], $0x80  }
0x5f: {  	s16 =	smov.u32 s20;
	[sflag:s28] =	ssyncset.done $0x0  }
0x60: {  	s16 =	sadd.s32 s12, s14;
	[sflag:s28] =	ssyncadd.s32 $0xFFFFFF80  }
0x61: {  	[tilespmem:s5], [sflag:$0x2] =	stream.linear.gather [hbm4b:s16+s5], $0x80, $0x38;
	[tilespmem:$0x18D80] =	vst v63  }
0x62: {  	_ =	swait.ge [sflag:s28], $0x80  }
0x63: {  	[sflag:s28] =	ssyncset.done $0x0  }
0x64: {  	s16 =	sadd.s32 s12, s13;
	[sflag:s28] =	ssyncadd.s32 $0xFFFFFF80  }
0x65: {  	[tilespmem:s31], [sflag:$0x2] =	stream.linear.gather [hbm4b:s16+s5], $0x80, $0x38;
	[tilespmem:$0x18D80] =	vst v63  }
0x66: {  	_ =	swait.ge [sflag:s28], $0x80  }
0x67: {  	[sflag:s28] =	ssyncset.done $0x0  }
0x68: {  	[sflag:s28] =	ssyncadd.s32 $0xFFFFFF80  }
0x69: {  	[tilespmem:s0], [sflag:$0x1] =	stream.indirect.gather [hbm4b:s15+s31], $0x80, s5, s31, $0xb8;
	[tilespmem:$0x18D80] =	vst v63  }
0x6a: {  	_ =	swait.ge [sflag:s4], $0x4000  }
0x6b: {  	[sflag:s4] =	ssyncset.done $0x0  }
0x6c: {  	[sflag:s4] =	ssyncadd.s32 $0xFFFFC000  }
0x6d: {  	[spmem:s2] =	stream.indirect.scatter.add.f32 [tilespmem:s0], [sflag:$0x2], $0x80, s31, s31, $0xb8;
	[tilespmem:$0x18D80] =	vst v63  }
0x6e: {  	_ =	swait.ge [sflag:s28], $0x4000  }
0x6f: {  	[sflag:s28] =	ssyncset.done $0x0  }
0x70: {  	[sflag:s28] =	ssyncadd.s32 $0xFFFFC000  }
0x71: {  	[spmem:s3] =	stream.indirect.scatter.add.f32 [tilespmem:s29], [sflag:$0x2], $0x1, s31, s31, $0xb8;
	[tilespmem:$0x18D80] =	vst v63  }
0x72: {  	_ =	swait.ge [sflag:s28], $0x80  }
0x73: {  	[sflag:s28] =	ssyncset.done $0x0  }
0x74: {  	s17 =	rddreg [dreg:$0xa];
	[sflag:s28] =	ssyncadd.s32 $0xFFFFFF80  }
0x75: {  	[tilespmem:s1], [sflag:$0x2] =	stream.linear.gather [hbm4b:s17+s5], $0x10, $0x38;
	[tilespmem:$0x18D80] =	vst v63  }
0x76: {  	_ =	swait.ge [sflag:s28], $0x10  }
0x77: {  	[sflag:s28] =	ssyncset.done $0x0  }
0x78: {  	s19 =	rddreg [dreg:$0xb];
	[sflag:s28] =	ssyncadd.s32 $0xFFFFFFF0  }
0x79: {  	[tilespmem:s6], [sflag:$0x2] =	stream.linear.gather [hbm4b:s19+s5], $0x10, $0x38;
	[tilespmem:$0x18D80] =	vst v63  }
0x7a: {  	_ =	swait.ge [sflag:s28], $0x10  }
0x7b: {  	[sflag:s28] =	ssyncset.done $0x0  }
0x7c: {  	[sflag:s28] =	ssyncadd.s32 $0xFFFFFFF0  }
0x7d: {  	[tilespmem:s8], [sflag:$0x1] =	stream.indirect.gather [hbm4b:s15+s7], $0x80, s1, s7, $0xb8;
	[tilespmem:$0x18D80] =	vst v63  }
0x7e: {  	_ =	swait.ge [sflag:s4], $0x800  }
0x7f: {  	[sflag:s4] =	ssyncset.done $0x0  }
0x80: {  	[sflag:s4] =	ssyncadd.s32 $0xFFFFF800  }
0x81: {  	[spmem:s2] =	stream.indirect.scatter.add.f32 [tilespmem:s8], [sflag:$0x2], $0x80, s6, s7, $0xb8;
	[tilespmem:$0x18D80] =	vst v63  }
0x82: {  	_ =	swait.ge [sflag:s28], $0x800  }
0x83: {  	[sflag:s28] =	ssyncset.done $0x0  }
0x84: {  	[sflag:s28] =	ssyncadd.s32 $0xFFFFF800  }
0x85: {  	[spmem:s3] =	stream.indirect.scatter.add.f32 [tilespmem:s30], [sflag:$0x2], $0x1, s6, s7, $0xb8;
	[tilespmem:$0x18D80] =	vst v63  }
0x86: {  	_ =	swait.ge [sflag:s28], $0x10  }
0x87: {  	[sflag:s28] =	ssyncset.done $0x0  }
0x88: {  	[sflag:s28] =	ssyncadd.s32 $0xFFFFFFF0  }
0x89: {  	[bflag:$0x0] =	sbarrier.arrive $0xFFFF  }
0x8a: {  	s20 =	rddreg [dreg:$0x5]  }
0x8b: {  	[hbm:s20], [sflag:s18] =	dma.local [spmem:s11], $0x800  }
0x8c: {  	_ =	swait.ge [sflag:s28], $0x800  }
0x8d: {  	[sflag:s28] =	ssyncset.done $0x0  }
0x8e: {  	s12 =	rddreg [dreg:$0x6];
	[sflag:s28] =	ssyncadd.s32 $0xFFFFF800  }
0x8f: {  	[hbm:s12], [sflag:s18] =	dma.local [spmem:s23], $0x800  }
0x90: {  	_ =	swait.ge [sflag:s28], $0x800  }
0x91: {  	[sflag:s28] =	ssyncset.done $0x0  }
0x92: {  	s16 =	rddreg [dreg:$0x7];
	[sflag:s28] =	ssyncadd.s32 $0xFFFFF800  }
0x93: {  	[hbm:s16], [sflag:s18] =	dma.local [spmem:s24], $0x800  }
0x94: {  	_ =	swait.ge [sflag:s28], $0x800  }
0x95: {  	[sflag:s28] =	ssyncset.done $0x0  }
0x96: {  	s17 =	rddreg [dreg:$0x8];
	[sflag:s28] =	ssyncadd.s32 $0xFFFFF800  }
0x97: {  	[hbm:s17], [sflag:s18] =	dma.local [spmem:s25], $0x800  }
0x98: {  	_ =	swait.ge [sflag:s28], $0x800  }
0x99: {  	[sflag:s28] =	ssyncset.done $0x0  }
0x9a: {  	s19 =	rddreg [dreg:$0x9];
	[sflag:s28] =	ssyncadd.s32 $0xFFFFF800  }
0x9b: {  	[hbm:s19], [sflag:s18] =	dma.local [spmem:s26], $0x800  }
0x9c: {  	s9 =	sadd.s32 $0x1, s9;
	_ =	swait.ge [sflag:s28], $0x800  }
0x9d: {  	p0 =	sne.s32 s9, s22;
	[sflag:s28] =	ssyncset.done $0x0  }
.Ltmp1:
0x9e: {  	s20 =	simm.s32 $0x20;
	[sflag:s28] =	ssyncadd.s32 $0xFFFFF800;
	(pc) =	sbr.rel @p0 .LBB2_1-.Ltmp1, $4  }
0x9f: {  	[hbm:s21@s20], [sflag:s18] =	dma.strided [spmem:s10@s7], $0x50, s4, $0x10   }
0xa0: {  	_ =	swait.ge [sflag:s28], $0x50  }
0xa1: {  	[sflag:s28] =	ssyncset.done $0x0  }
0xa2: {  	[sflag:s28] =	ssyncadd.s32 $0xFFFFFFB0  }
0xa3: {  	_ =	sfence.sel $0x180000  }
0xa4: {  	[bflag:$0x0] =	sbarrier.arrive $0xFFFF  }
0xa5: {  	_ =	strace $0x90000053  }
0xa6: {  	s0 =	stileid.u32;
	[bflag:$0x2] =	sbarrier.arrive $0xFFFF  }
0xa7: {  	p0 =	sne.s32 s0, $0x0;
	s0 =	rddreg [dreg:$0x4]  }
0xa8: {  	s0 =	sadd.s32 @!p0 $0x100000, s0  }
0xa9: {  	[sflag:s0] =	ssyncadd.tile.s32 @!p0 $0x1;
	_ =	shalt  }
.Lfunc_end2:
_tile_overlayer_lowered:
.L_overlay_start_2:
0xaa: {  	(tag) =	ssettag $0x2  }
0xab: {  	s0 =	rddreg [dreg:$0x0];
	s2 =	stileid.u32  }
0xac: {  	s1 =	rddreg [dreg:$0x1];
	p0 =	sne.s32 s2, $0x0  }
0xad: {  	s3 =	rddreg [dreg:$0x2];
	[bflag:$0x3] =	sbarrier.arrive $0xFFFF;
	s2 =	simm.s32 @!p0 $0x1C02  }
0xae: {  	[timem:s3], [sflag:s2] =	dma.local @!p0 [hbm:s0], s1  }
0xaf: {  	s0 =	simm.s32 @!p0 $0x2  }
0xb0: {  	_ =	swait.ge @!p0 [sflag:s0], s1  }
0xb1: {  	s1 =	ssub.s32 @!p0 $0x0, s1;
	[sflag:s0] =	ssyncset.done @!p0 $0x0  }
0xb2: {  	[sflag:s0] =	ssyncadd.s32 @!p0 s1  }
0xb3: {  	[bflag:$0x3] =	sbarrier.arrive $0xFFFF  }
0xb4: {  	_ =	shalt  }

// kernel: kernel.42.cloned.1.call-start
scs
__scs_entry_jumppad:
0x0: {  	(pc) =	sbr.rel $0x88, $3  }
0x1: {  	(tag) =	ssettag $0x0;
	lr =	simm.s32 $0x1  }
0x2: {  	[smem:$0x3F6C] =	sst lr;
	_ =	strace $0xD0000000  }
0x3: {  	_ = 	snop  }
0x4: {  	_ = 	snop  }
0x5: {  	_ = 	snop  }
0x6: {  	_ = 	snop  }
0x7: {  	_ = 	snop  }
__scs_overlays_trampoline_lowered:
0x8: {  	[smem:$0x3F7B] =	sst s0  }
0x9: {  	[smem:$0x3F7C] =	sst s1  }
0xa: {  	[smem:$0x3F7D] =	sst s2  }
0xb: {  	[smem:$0x3F7E] =	sst s3  }
0xc: {  	[smem:$0x3F7F] =	sst s4  }
0xd: {  	[smem:$0x3F80] =	sst s5  }
0xe: {  	[smem:$0x3F81] =	sst s6  }
0xf: {  	[smem:$0x3F82] =	sst s7  }
0x10: {  	[smem:$0x3F83] =	sst s8  }
0x11: {  	[smem:$0x3F84] =	sst s9;
	s0 =	simm.s32 @!p0 $0x0  }
0x12: {  	s1 =	sld [smem:$0x3F6A];
	s0 =	simm.s32 @p0 $0x1  }
0x13: {  	[smem:$0x3F85] =	sst s0;
	s0 =	simm.s32 @!p1 $0x0  }
0x14: {  	s2 =	sld [smem:$0x3F69];
	s0 =	simm.s32 @p1 $0x1  }
0x15: {  	[smem:$0x3F86] =	sst s0;
	s0 =	simm.s32 @!p2 $0x0  }
0x16: {  	s3 =	sld [smem:$0x3FDB];
	s0 =	simm.s32 @p2 $0x1  }
0x17: {  	s4 =	simm.s32 $0x1BF5;
	[smem:$0x3F88] =	sst s0  }
0x18: {  	s0 =	sld [smem:$0x3F6B];
	_ =	swait.ge [sflag:s4], $0x0  }
0x19: {  	s7 =	sld [smem:$0x3F6C]  }
0x1a: {  	s8 =	sadd.s32 $0xFFFFE003, lr  }
0x1b: {  	s9 =	sadd.s32 $0xFFFFFEF7, lr;
	s5 =	simm.s32 $0xFFFFFFFF;
	p2 =	slt.u32 s8, $0xFFFFF086  }
0x1c: {  	p1 =	slt.u32 s9, $0xF7A;
	s5 =	simm.s32 @!p2 $0x0  }
0x1d: {  	s5 =	simm.s32 @p1 $0x1;
	p0 =	seq.s32 s7, s2  }
0x1e: {  	s7 =	smul.u32 @!p0 $0xF7A, s2;
	p2 =	seq.s32 @!p0 s5, $0x0  }
0x1f: {  	s9 =	smul.u32 $0xF7A, s1;
	s8 =	simm.s32 @!p0 $0x1BF5;
	p2 =	por !p2, p0  }
0x20: {  	[sflag:s8] =	ssyncset.s32 @!p0 $0xFFFFF086;
	s6 =	sadd.s32 @!p0 s3, s7;
	s7 =	simm.s32 @!p0 $0x108  }
0x21: {  	s3 =	sadd.s32 s3, s9;
	s6 =	sadd.s32 @!p0 $0x88, s6;
	s7 =	simm.s32 @p2 $0x1082  }
0x22: {  	[simem:s7], [sflag:s8] =	dma.local @!p0 [hbm:s6], $0xF7A  }
0x23: {  	s9 =	sor.u32 $0xD0000000, s2;
	s6 =	simm.s32 $0x108;
	_ =	swait.ge @!p0 [sflag:s8], $0x0  }
0x24: {  	s3 =	sadd.s32 $0x88, s3;
	s6 =	simm.s32 @!p1 $0x1082;
	[sflag:s4] =	ssyncset.s32 $0xFFFFF086  }
0x25: {  	[simem:s6], [sflag:s4] =	dma.local [hbm:s3], $0xF7A  }
0x26: {  	[smem:$0x3F6C] =	sst s1;
	(tag) =	ssettag s2;
	_ =	strace s9  }
0x27: {  	s1 =	sld [smem:$0x3F7C]  }
0x28: {  	s2 =	sld [smem:$0x3F7D]  }
0x29: {  	s4 =	sld [smem:$0x3F7F]  }
0x2a: {  	p0 =	seq.s32 s5, $0x0;
	s5 =	sld [smem:$0x3F80]  }
0x2b: {  	s6 =	sld [smem:$0x3F81]  }
0x2c: {  	s7 =	sld [smem:$0x3F82]  }
0x2d: {  	s3 =	simm.s32 $0x108;
	s8 =	sld [smem:$0x3F83]  }
0x2e: {  	s3 =	simm.s32 @!p0 $0x1082;
	s9 =	sld [smem:$0x3F84]  }
0x2f: {  	lr =	sadd.s32 s0, s3;
	s0 =	sld [smem:$0x3F7B]  }
0x30: {  	s3 =	sld [smem:$0x3F7E]  }
0x31: {  	[smem:$0x3F87] =	sst s10  }
0x32: {  	s10 =	sld [smem:$0x3F85];
	_ =	sdelay $0x3  }
0x33: {  	p0 =	seq.s32 s10, $0x1;
	s10 =	sld [smem:$0x3F87];
	_ =	sdelay $0x3  }
0x34: {  	[smem:$0x3F87] =	sst s10  }
0x35: {  	s10 =	sld [smem:$0x3F86];
	_ =	sdelay $0x3  }
0x36: {  	p1 =	seq.s32 s10, $0x1;
	s10 =	sld [smem:$0x3F87];
	_ =	sdelay $0x3  }
0x37: {  	[smem:$0x3F87] =	sst s10  }
0x38: {  	s10 =	sld [smem:$0x3F88]  }
0x39: {  	_ = 	snop;
	(pc) =	sbr.ind lr, $3  }
0x3a: {  	_ = 	snop  }
0x3b: {  	_ = 	snop  }
0x3c: {  	p2 =	seq.s32 s10, $0x1;
	s10 =	sld [smem:$0x3F87]  }
0x3d: {  	_ =	shalt  }
0x3e: {  	_ =	shalt  }
0x3f: {  	_ =	shalt  }
0x40: {  	_ =	shalt  }
0x41: {  	_ =	shalt  }
0x42: {  	_ =	shalt  }
0x43: {  	_ =	shalt  }
0x44: {  	_ =	shalt  }
0x45: {  	_ =	shalt  }
0x46: {  	_ =	shalt  }
0x47: {  	_ =	shalt  }
0x48: {  	_ =	shalt  }
0x49: {  	_ =	shalt  }
0x4a: {  	_ =	shalt  }
0x4b: {  	_ =	shalt  }
0x4c: {  	_ =	shalt  }
0x4d: {  	_ =	shalt  }
0x4e: {  	_ =	shalt  }
0x4f: {  	_ =	shalt  }
0x50: {  	_ =	shalt  }
0x51: {  	_ =	shalt  }
0x52: {  	_ =	shalt  }
0x53: {  	_ =	shalt  }
0x54: {  	_ =	shalt  }
0x55: {  	_ =	shalt  }
0x56: {  	_ =	shalt  }
0x57: {  	_ =	shalt  }
0x58: {  	_ =	shalt  }
0x59: {  	_ =	shalt  }
0x5a: {  	_ =	shalt  }
0x5b: {  	_ =	shalt  }
0x5c: {  	_ =	shalt  }
0x5d: {  	_ =	shalt  }
0x5e: {  	_ =	shalt  }
0x5f: {  	_ =	shalt  }
0x60: {  	_ =	shalt  }
0x61: {  	_ =	shalt  }
0x62: {  	_ =	shalt  }
0x63: {  	_ =	shalt  }
0x64: {  	_ =	shalt  }
0x65: {  	_ =	shalt  }
0x66: {  	_ =	shalt  }
0x67: {  	_ =	shalt  }
0x68: {  	_ =	shalt  }
0x69: {  	_ =	shalt  }
0x6a: {  	_ =	shalt  }
0x6b: {  	_ =	shalt  }
0x6c: {  	_ =	shalt  }
0x6d: {  	_ =	shalt  }
0x6e: {  	_ =	shalt  }
0x6f: {  	_ =	shalt  }
0x70: {  	_ =	shalt  }
0x71: {  	_ =	shalt  }
0x72: {  	_ =	shalt  }
0x73: {  	_ =	shalt  }
0x74: {  	_ =	shalt  }
0x75: {  	_ =	shalt  }
0x76: {  	_ =	shalt  }
0x77: {  	_ =	shalt  }
0x78: {  	_ =	shalt  }
0x79: {  	_ =	shalt  }
0x7a: {  	_ =	shalt  }
0x7b: {  	_ =	shalt  }
0x7c: {  	_ =	shalt  }
0x7d: {  	_ =	shalt  }
0x7e: {  	_ =	shalt  }
0x7f: {  	_ =	shalt  }
0x80: {  	_ =	shalt  }
0x81: {  	_ =	shalt  }
0x82: {  	_ =	shalt  }
0x83: {  	_ =	shalt  }
0x84: {  	_ =	shalt  }
0x85: {  	_ =	shalt  }
0x86: {  	_ =	shalt  }
0x87: {  	_ =	shalt  }
.Lfunc_end0:
.L_simem_size_0:
called_computation.5_lowered:
.L_overlay_start_0:
0x88: {  	s2 =	sld [smem:$0x3FD9]  }
0x89: {  	s3 =	sld [smem:$0x3FFE];
	_ =	sdelay $0x1  }
0x8a: {  	s1 =	srdreg.scid  }
0x8b: {  	s0 =	sand.u32 $0x1, s1  }
0x8c: {  	s16 =	sshll.u32 s0, $0xA;
	s2 =	sadd.s32 s3, s2  }
0x8d: {  	s2 =	sadd.s32 s2, s16  }
0x8e: {  	[smem:$0x3F93] =	sst s2  }
0x8f: {  	_ = 	snop  }
0x90: {  	(tm) =	ssettm $0x1  }
0x91: {  	s17 =	sld [smem:$0x3FFB];
	_ =	sdelay $0x3  }
0x92: {  	_ =	strace s17  }
0x93: {  	s2 =	sld [smem:$0x3FFC];
	_ =	sdelay $0x3  }
0x94: {  	_ =	strace s2  }
0x95: {  	s2 =	sld [smem:$0x3FFD];
	_ =	sdelay $0x3  }
0x96: {  	_ =	strace s2  }
0x97: {  	_ =	strace $0x8FFFFFFF  }
0x98: {  	s18 =	sld [smem:$0x3FDB];
	_ =	sdelay $0x1  }
0x99: {  	s19 =	simm.s32 $_scs_section_size  }
0x9a: {  	s4 =	simm.s32 $_size__tile_overlayer_lowered;
	s5 =	simm.s32 $_tile_overlayer_lowered  }
0x9b: {  	s22 =	simm.s32 $0x1BFF;
	s21 =	sshll.u32 s5, $0x1;
	s2 =	sadd.s32 s19, s18  }
0x9c: {  	s6 =	simm.s32 $0x0;
	s20 =	sshll.u32 s4, $0x1;
	s4 =	sadd.s32 s21, s2  }
0x9d: {  	[timem:s6], [sflag:s22] =	dma.local [hbm:s4], s20  }
0x9e: {  	_ =	swait.ge [sflag:s22], s20  }
0x9f: {  	s3 =	ssub.s32 $0x0, s20;
	[sflag:s22] =	ssyncset.done $0x0  }
0xa0: {  	[sflag:s22] =	ssyncadd.s32 s3;
	_ =	sdelay $0x1  }
0xa1: {  	s23 =	simm.s32 $0x1B8B  }
0xa2: {  	_ =	swait.ge [sflag:s23], $0x1  }
0xa3: {  	[sflag:s23] =	ssyncset.done $0x0  }
0xa4: {  	s25 =	simm.s32 $0x1B8E;
	s24 =	sld [smem:$0x3FFE];
	[sflag:s23] =	ssyncadd.s32 $0xFFFFFFFF  }
0xa5: {  	s26 =	simm.s32 $execute0_lowered;
	[smem:$0x3FD2] =	sst s25  }
0xa6: {  	s4 =	sshll.u32 s26, $0x1;
	_ =	strace $0x80000055;
	[dreg:$0x1] =	wrdreg $0xFFFFFFFF  }
0xa7: {  	s28 =	simm.s32 $_size_execute0_lowered;
	s2 =	sadd.s32 s2, s4;
	[dreg:$0x0] =	wrdreg $0x0  }
0xa8: {  	s4 =	sshll.u32 s28, $0x1;
	[dreg:$0x2] =	wrdreg s2  }
0xa9: {  	[dreg:$0x3] =	wrdreg s4  }
0xaa: {  	[dreg:$0x4] =	wrdreg $0xC0  }
0xab: {  	_ =	task [dreg:s6], $0x5FFFF  }
0xac: {  	[dreg:$0x1] =	wrdreg $0xFFFFFFFF  }
0xad: {  	[dreg:$0x0] =	wrdreg $0x60  }
0xae: {  	[dreg:$0x2] =	wrdreg s24  }
0xaf: {  	[dreg:$0x3] =	wrdreg $0x4A000  }
0xb0: {  	[dreg:$0x4] =	wrdreg $0x9  }
0xb1: {  	_ =	task.clear_ibuf [dreg:s6], $0x5FFFF;
	_ =	strace $0x90000055  }
0xb2: {  	s29 =	simm.s32 $0x9;
	_ =	strace $0x80000057  }
0xb3: {  	_ =	swait.ge [sflag:s29], $0x1  }
0xb4: {  	[sflag:s29] =	ssyncadd.s32 $0xFFFFFFFF  }
0xb5: {  	_ =	strace $0x90000057  }
0xb6: {  	_ =	sfence  }
0xb7: {  	s30 =	sld [smem:$0x0];
	_ =	sdelay $0x2  }
0xb8: {  	s31 =	sshll.u32 s1, $0xD;
	s1 =	sshrl.u32 s1, $0x2  }
0xb9: {  	s3 =	sand.u32 $0x4000, s31;
	s1 =	sadd.s32 s1, s30  }
0xba: {  	s0 =	sor.u32 s3, s0;
	s1 =	sshll.u32 s1, $0x11  }
0xbb: {  	s0 =	sor.u32 s1, s0  }
0xbc: {  	s0 =	sadd.s32 $0x8F2B, s0  }
0xbd: {  	[sflag:s0] =	ssyncadd.remote.s32 $0x1  }
0xbe: {  	_ =	sfence.sel $0xFFFF  }
0xbf: {  	[dreg:$0x0] =	wrdreg $0xFFFFFFFF;
	(pc) =	sbr.abs _section_cstart, $3  }
0xc0: {  	[dreg:$0x1] =	wrdreg $0xFFFFFFFF  }
0xc1: {  	_ =	task.clear_ibuf [dreg:s6], $0x2FFFF;
	_ =	strace $0x9FFFFFFF  }
0xc2: {  	(tm) =	ssettm $0x7FFFFFFF  }
0xc3: {  	_ =	shalt  }
tec
execute0_lowered:
.L_overlay_start_1:
0x0: {  	(tag) =	ssettag $0x1  }
0x1: {  	s0 =	rddreg [dreg:$0x0]  }
0x2: {  	s1 =	rddreg [dreg:$0x1];
	s3 =	simm.s32 $0x0;
	s21 =	stileid.u32  }
0x3: {  	s5 =	srdreg.scid;
	s28 =	simm.s32 $0x4180;
	s29 =	simm.s32 $0x10  }
0x4: {  	s30 =	simm.s32 $0x4200;
	s31 =	simm.s32 $0x0;
	[smem:$0x7FF] =	sst s3  }
0x5: {  	s4 =	sadd.s32 $0xF3A00, s0;
	s2 =	smul.u32 $0x14000, s21;
	s17 =	sadd.s32 $0x17200, s0  }
0x6: {  	s16 =	sadd.s32 $0xC1C00, s0;
	s5 =	sand.u32 $0x1, s5;
	s7 =	smul.u32 $0x50000, s21  }
0x7: {  	s18 =	sshll.u32 s21, $0x6;
	_ =	strace $0x80000056;
	s13 =	smul.u32 $0x140000, s5  }
0x8: {  	s8 =	sshll.u32 s5, $0x4;
	s9 =	ssub.s32 $0x2, s5;
	s5 =	smul.u32 $0x27100, s5  }
0x9: {  	s6 =	sshrl.u32 s2, $0x3;
	s8 =	sor.u32 s21, s8;
	s10 =	sshrl.u32 s9, $0x1  }
0xa: {  	s7 =	sshrl.u32 s7, $0x2;
	s12 =	sadd.s32 $0x4000, s2;
	s14 =	sadd.s32 $0x8000, s2  }
0xb: {  	s24 =	sadd.s32 $0xC000, s2;
	s21 =	smul.u32 $0x2710, s21;
	s6 =	sadd.s32 s6, s0  }
0xc: {  	s8 =	smul.u32 $0x2710, s8;
	s0 =	sadd.s32 $0x193A00, s0;
	s15 =	ssub.s32 s9, s10  }
0xd: {  	s7 =	sadd.s32 s7, s1;
	s23 =	sadd.s32 s2, s13;
	s11 =	sadd.s32 s13, s12  }
0xe: {  	s2 =	sadd.s32 $0x10000, s2;
	[dreg:$0x3] =	wrdreg s7;
	s6 =	sadd.s32 $0x49000, s6  }
0xf: {  	s7 =	sor.u32 $0x1C02, s18;
	s10 =	sshrl.u32 s23, $0x3;
	s11 =	sshrl.u32 s11, $0x3  }
0x10: {  	s18 =	sadd.s32 s13, s14;
	s23 =	sadd.s32 s14, s1;
	s26 =	sadd.s32 s21, s5  }
0x11: {  	s15 =	smax.u32 s15, $0x1;
	s21 =	simm.s32 $0x1;
	s8 =	sshrl.u32 s8, $0x3  }
0x12: {  	[dreg:$0x4] =	wrdreg s6;
	s10 =	sadd.s32 s0, s10;
	s19 =	sadd.s32 $0x4E0, s8  }
0x13: {  	s11 =	sadd.s32 s0, s11;
	s18 =	sshrl.u32 s18, $0x3;
	s20 =	sadd.s32 s17, s19  }
0x14: {  	s23 =	sshrl.u32 s23, $0x3;
	s22 =	sadd.s32 s16, s19;
	[dreg:$0x5] =	wrdreg s20  }
0x15: {  	s19 =	sadd.s32 s13, s24;
	s24 =	sadd.s32 s24, s1;
	[dreg:$0x6] =	wrdreg s22  }
0x16: {  	s22 =	sadd.s32 s12, s1;
	s12 =	sadd.s32 s0, s18;
	s19 =	sshrl.u32 s19, $0x3  }
0x17: {  	s20 =	sadd.s32 s13, s2;
	s2 =	sadd.s32 s2, s1;
	s18 =	simm.s32 $0x2  }
0x18: {  	s24 =	sshrl.u32 s24, $0x3;
	s13 =	sadd.s32 s0, s19;
	s25 =	sshrl.u32 s20, $0x3  }
0x19: {  	s19 =	simm.s32 $0x80;
	s20 =	simm.s32 $0x100;
	s22 =	sshrl.u32 s22, $0x3  }
0x1a: {  	s14 =	sadd.s32 s0, s25;
	s0 =	sshrl.u32 s26, $0x3;
	s25 =	sshrl.u32 s2, $0x3  }
0x1b: {  	s26 =	simm.s32 $0x4100;
	s16 =	sadd.s32 s0, s16;
	s17 =	sadd.s32 s0, s17  }
.LBB2_1:
0x1c: {  	s0 =	rddreg [dreg:$0x3]  }
0x1d: {  	s2 =	rddreg [dreg:$0x4];
	s0 =	sshrl.u32 s0, $0x3  }
0x1e: {  	[spmem:s0], [sflag:s7] =	dma.local [hbm:s2], $0x2800  }
0x1f: {  	_ =	swait.ge [sflag:s18], $0x2800  }
0x20: {  	[sflag:s18] =	ssyncset.done $0x0  }
0x21: {  	[sflag:s18] =	ssyncadd.s32 $0xFFFFD800  }
0x22: {  	s8 =	sadd.s32 $0x0, s17;
	[bflag:$0x0] =	sbarrier.arrive $0xFFFF  }
0x23: {  	[tilespmem:s3], [sflag:$0x2] =	stream.linear.gather [hbm4b:s8+s3], $0x80, $0x38;
	[tilespmem:$0x18A00] =	vst v63  }
0x24: {  	_ =	swait.ge [sflag:s18], $0x80  }
0x25: {  	[sflag:s18] =	ssyncset.done $0x0  }
0x26: {  	s9 =	sadd.s32 $0x0, s16;
	[sflag:s18] =	ssyncadd.s32 $0xFFFFFF80  }
0x27: {  	[tilespmem:s19], [sflag:$0x2] =	stream.linear.gather [hbm4b:s9+s3], $0x80, $0x38;
	[tilespmem:$0x18A00] =	vst v63  }
0x28: {  	_ =	swait.ge [sflag:s18], $0x80  }
0x29: {  	[sflag:s18] =	ssyncset.done $0x0  }
0x2a: {  	[sflag:s18] =	ssyncadd.s32 $0xFFFFFF80  }
0x2b: {  	[tilespmem:s20], [sflag:$0x1] =	stream.indirect.gather [hbm4b:s4+s19], $0x80, s3, s19, $0xb8;
	[tilespmem:$0x18A00] =	vst v63  }
0x2c: {  	_ =	swait.ge [sflag:s21], $0x4000  }
0x2d: {  	[sflag:s21] =	ssyncset.done $0x0  }
0x2e: {  	[sflag:s21] =	ssyncadd.s32 $0xFFFFC000  }
0x2f: {  	[spmem:s1] =	stream.indirect.scatter.add.f32 [tilespmem:s20], [sflag:$0x2], $0x80, s19, s19, $0xb8;
	[tilespmem:$0x18A00] =	vst v63  }
0x30: {  	_ =	swait.ge [sflag:s18], $0x4000  }
0x31: {  	s5 =	simm.s32 $0x20;
	s2 =	simm.s32 $0x10;
	[sflag:s18] =	ssyncset.done $0x0  }
.LBB2_2:
0x32: {  	s6 =	sadd.s32 s2, s17  }
0x33: {  	[sflag:s18] =	ssyncadd.s32 $0xFFFFC000;
	s8 =	smov.u32 s5;
	s9 =	sadd.s32 $0x10, s5  }
0x34: {  	[tilespmem:s3], [sflag:$0x2] =	stream.linear.gather [hbm4b:s6+s3], $0x80, $0x38;
	[tilespmem:$0x18A00] =	vst v63  }
0x35: {  	p0 =	sne.s32 s5, $0x4D0;
	_ =	swait.ge [sflag:s18], $0x80  }
0x36: {  	[sflag:s18] =	ssyncset.done $0x0  }
0x37: {  	s5 =	sadd.s32 s2, s16;
	s2 =	smov.u32 s8;
	[sflag:s18] =	ssyncadd.s32 $0xFFFFFF80  }
0x38: {  	[tilespmem:s19], [sflag:$0x2] =	stream.linear.gather [hbm4b:s5+s3], $0x80, $0x38;
	[tilespmem:$0x18A00] =	vst v63  }
0x39: {  	_ =	swait.ge [sflag:s18], $0x80  }
0x3a: {  	[sflag:s18] =	ssyncset.done $0x0  }
0x3b: {  	[sflag:s18] =	ssyncadd.s32 $0xFFFFFF80  }
0x3c: {  	[tilespmem:s20], [sflag:$0x1] =	stream.indirect.gather [hbm4b:s4+s19], $0x80, s3, s19, $0xb8;
	[tilespmem:$0x18A00] =	vst v63  }
0x3d: {  	_ =	swait.ge [sflag:s21], $0x4000  }
.Ltmp0:
0x3e: {  	[sflag:s21] =	ssyncset.done $0x0;
	(pc) =	sbr.rel @p0 .LBB2_2-.Ltmp0, $4  }
0x3f: {  	[sflag:s21] =	ssyncadd.s32 $0xFFFFC000  }
0x40: {  	[spmem:s1] =	stream.indirect.scatter.add.f32 [tilespmem:s20], [sflag:$0x2], $0x80, s19, s19, $0xb8;
	[tilespmem:$0x18A00] =	vst v63  }
0x41: {  	_ =	swait.ge [sflag:s18], $0x4000  }
0x42: {  	s5 =	smov.u32 s9;
	[sflag:s18] =	ssyncset.done $0x0  }
0x43: {  	s5 =	sadd.s32 s2, s17;
	[sflag:s18] =	ssyncadd.s32 $0xFFFFC000  }
0x44: {  	[tilespmem:s3], [sflag:$0x2] =	stream.linear.gather [hbm4b:s5+s3], $0x80, $0x38;
	[tilespmem:$0x18A00] =	vst v63  }
0x45: {  	_ =	swait.ge [sflag:s18], $0x80  }
0x46: {  	[sflag:s18] =	ssyncset.done $0x0  }
0x47: {  	s6 =	sadd.s32 s2, s16;
	[sflag:s18] =	ssyncadd.s32 $0xFFFFFF80  }
0x48: {  	[tilespmem:s19], [sflag:$0x2] =	stream.linear.gather [hbm4b:s6+s3], $0x80, $0x38;
	[tilespmem:$0x18A00] =	vst v63  }
0x49: {  	_ =	swait.ge [sflag:s18], $0x80  }
0x4a: {  	[sflag:s18] =	ssyncset.done $0x0  }
0x4b: {  	[sflag:s18] =	ssyncadd.s32 $0xFFFFFF80  }
0x4c: {  	[tilespmem:s20], [sflag:$0x1] =	stream.indirect.gather [hbm4b:s4+s19], $0x80, s3, s19, $0xb8;
	[tilespmem:$0x18A00] =	vst v63  }
0x4d: {  	_ =	swait.ge [sflag:s21], $0x4000  }
0x4e: {  	[sflag:s21] =	ssyncset.done $0x0  }
0x4f: {  	[sflag:s21] =	ssyncadd.s32 $0xFFFFC000  }
0x50: {  	[spmem:s1] =	stream.indirect.scatter.add.f32 [tilespmem:s20], [sflag:$0x2], $0x80, s19, s19, $0xb8;
	[tilespmem:$0x18A00] =	vst v63  }
0x51: {  	_ =	swait.ge [sflag:s18], $0x4000  }
0x52: {  	[sflag:s18] =	ssyncset.done $0x0  }
0x53: {  	s8 =	rddreg [dreg:$0x5];
	[sflag:s18] =	ssyncadd.s32 $0xFFFFC000  }
0x54: {  	[tilespmem:s26], [sflag:$0x2] =	stream.linear.gather [hbm4b:s8+s3], $0x10, $0x38;
	[tilespmem:$0x18A00] =	vst v63  }
0x55: {  	_ =	swait.ge [sflag:s18], $0x10  }
0x56: {  	[sflag:s18] =	ssyncset.done $0x0  }
0x57: {  	s9 =	rddreg [dreg:$0x6];
	[sflag:s18] =	ssyncadd.s32 $0xFFFFFFF0  }
0x58: {  	[tilespmem:s28], [sflag:$0x2] =	stream.linear.gather [hbm4b:s9+s3], $0x10, $0x38;
	[tilespmem:$0x18A00] =	vst v63  }
0x59: {  	_ =	swait.ge [sflag:s18], $0x10  }
0x5a: {  	[sflag:s18] =	ssyncset.done $0x0  }
0x5b: {  	[sflag:s18] =	ssyncadd.s32 $0xFFFFFFF0  }
0x5c: {  	[tilespmem:s30], [sflag:$0x1] =	stream.indirect.gather [hbm4b:s4+s29], $0x80, s26, s29, $0xb8;
	[tilespmem:$0x18A00] =	vst v63  }
0x5d: {  	_ =	swait.ge [sflag:s21], $0x800  }
0x5e: {  	[sflag:s21] =	ssyncset.done $0x0  }
0x5f: {  	[sflag:s21] =	ssyncadd.s32 $0xFFFFF800  }
0x60: {  	[spmem:s1] =	stream.indirect.scatter.add.f32 [tilespmem:s30], [sflag:$0x2], $0x80, s28, s29, $0xb8;
	[tilespmem:$0x18A00] =	vst v63  }
0x61: {  	_ =	swait.ge [sflag:s18], $0x800  }
0x62: {  	[sflag:s18] =	ssyncset.done $0x0  }
0x63: {  	[sflag:s18] =	ssyncadd.s32 $0xFFFFF800  }
0x64: {  	[bflag:$0x0] =	sbarrier.arrive $0xFFFF  }
0x65: {  	[hbm:s10], [sflag:s7] =	dma.local [spmem:s0], $0x800  }
0x66: {  	_ =	swait.ge [sflag:s18], $0x800  }
0x67: {  	[sflag:s18] =	ssyncset.done $0x0  }
0x68: {  	[sflag:s18] =	ssyncadd.s32 $0xFFFFF800  }
0x69: {  	[hbm:s11], [sflag:s7] =	dma.local [spmem:s22], $0x800  }
0x6a: {  	_ =	swait.ge [sflag:s18], $0x800  }
0x6b: {  	[sflag:s18] =	ssyncset.done $0x0  }
0x6c: {  	[sflag:s18] =	ssyncadd.s32 $0xFFFFF800  }
0x6d: {  	[hbm:s12], [sflag:s7] =	dma.local [spmem:s23], $0x800  }
0x6e: {  	_ =	swait.ge [sflag:s18], $0x800  }
0x6f: {  	[sflag:s18] =	ssyncset.done $0x0  }
0x70: {  	[sflag:s18] =	ssyncadd.s32 $0xFFFFF800  }
0x71: {  	[hbm:s13], [sflag:s7] =	dma.local [spmem:s24], $0x800  }
0x72: {  	s31 =	sadd.s32 $0x1, s31;
	_ =	swait.ge [sflag:s18], $0x800  }
0x73: {  	p0 =	sne.s32 s31, s15;
	[sflag:s18] =	ssyncset.done $0x0  }
.Ltmp1:
0x74: {  	[sflag:s18] =	ssyncadd.s32 $0xFFFFF800;
	(pc) =	sbr.rel @p0 .LBB2_1-.Ltmp1, $4  }
0x75: {  	[hbm:s14], [sflag:s7] =	dma.local [spmem:s25], $0x800  }
0x76: {  	_ =	swait.ge [sflag:s18], $0x800  }
0x77: {  	[sflag:s18] =	ssyncset.done $0x0  }
0x78: {  	[sflag:s18] =	ssyncadd.s32 $0xFFFFF800  }
0x79: {  	_ =	sfence.sel $0x180000  }
0x7a: {  	[bflag:$0x0] =	sbarrier.arrive $0xFFFF  }
0x7b: {  	_ =	strace $0x90000056  }
0x7c: {  	s0 =	stileid.u32;
	[bflag:$0x2] =	sbarrier.arrive $0xFFFF  }
0x7d: {  	p0 =	sne.s32 s0, $0x0;
	s0 =	rddreg [dreg:$0x2]  }
0x7e: {  	s0 =	sadd.s32 @!p0 $0x100000, s0  }
0x7f: {  	[sflag:s0] =	ssyncadd.tile.s32 @!p0 $0x1;
	_ =	shalt  }
.Lfunc_end2:
_tile_overlayer_lowered:
.L_overlay_start_2:
0x80: {  	(tag) =	ssettag $0x2  }
0x81: {  	s0 =	rddreg [dreg:$0x0];
	s2 =	stileid.u32  }
0x82: {  	s1 =	rddreg [dreg:$0x1];
	p0 =	sne.s32 s2, $0x0  }
0x83: {  	s3 =	rddreg [dreg:$0x2];
	[bflag:$0x3] =	sbarrier.arrive $0xFFFF;
	s2 =	simm.s32 @!p0 $0x1C02  }
0x84: {  	[timem:s3], [sflag:s2] =	dma.local @!p0 [hbm:s0], s1  }
0x85: {  	s0 =	simm.s32 @!p0 $0x2  }
0x86: {  	_ =	swait.ge @!p0 [sflag:s0], s1  }
0x87: {  	s1 =	ssub.s32 @!p0 $0x0, s1;
	[sflag:s0] =	ssyncset.done @!p0 $0x0  }
0x88: {  	[sflag:s0] =	ssyncadd.s32 @!p0 s1  }
0x89: {  	[bflag:$0x3] =	sbarrier.arrive $0xFFFF  }
0x8a: {  	_ =	shalt  }

// kernel: kernel.45.cloned.1.call-start
scs
__scs_entry_jumppad:
0x0: {  	(pc) =	sbr.rel $0x88, $3  }
0x1: {  	(tag) =	ssettag $0x0;
	lr =	simm.s32 $0x1  }
0x2: {  	[smem:$0x3F6C] =	sst lr;
	_ =	strace $0xD0000000  }
0x3: {  	_ = 	snop  }
0x4: {  	_ = 	snop  }
0x5: {  	_ = 	snop  }
0x6: {  	_ = 	snop  }
0x7: {  	_ = 	snop  }
__scs_overlays_trampoline_lowered:
0x8: {  	[smem:$0x3F7B] =	sst s0  }
0x9: {  	[smem:$0x3F7C] =	sst s1  }
0xa: {  	[smem:$0x3F7D] =	sst s2  }
0xb: {  	[smem:$0x3F7E] =	sst s3  }
0xc: {  	[smem:$0x3F7F] =	sst s4  }
0xd: {  	[smem:$0x3F80] =	sst s5  }
0xe: {  	[smem:$0x3F81] =	sst s6  }
0xf: {  	[smem:$0x3F82] =	sst s7  }
0x10: {  	[smem:$0x3F83] =	sst s8  }
0x11: {  	[smem:$0x3F84] =	sst s9;
	s0 =	simm.s32 @!p0 $0x0  }
0x12: {  	s1 =	sld [smem:$0x3F6A];
	s0 =	simm.s32 @p0 $0x1  }
0x13: {  	[smem:$0x3F85] =	sst s0;
	s0 =	simm.s32 @!p1 $0x0  }
0x14: {  	s2 =	sld [smem:$0x3F69];
	s0 =	simm.s32 @p1 $0x1  }
0x15: {  	[smem:$0x3F86] =	sst s0;
	s0 =	simm.s32 @!p2 $0x0  }
0x16: {  	s3 =	sld [smem:$0x3FDB];
	s0 =	simm.s32 @p2 $0x1  }
0x17: {  	s4 =	simm.s32 $0x1BF5;
	[smem:$0x3F88] =	sst s0  }
0x18: {  	s0 =	sld [smem:$0x3F6B];
	_ =	swait.ge [sflag:s4], $0x0  }
0x19: {  	s7 =	sld [smem:$0x3F6C]  }
0x1a: {  	s8 =	sadd.s32 $0xFFFFE003, lr  }
0x1b: {  	s9 =	sadd.s32 $0xFFFFFEF7, lr;
	s5 =	simm.s32 $0xFFFFFFFF;
	p2 =	slt.u32 s8, $0xFFFFF086  }
0x1c: {  	p1 =	slt.u32 s9, $0xF7A;
	s5 =	simm.s32 @!p2 $0x0  }
0x1d: {  	s5 =	simm.s32 @p1 $0x1;
	p0 =	seq.s32 s7, s2  }
0x1e: {  	s7 =	smul.u32 @!p0 $0xF7A, s2;
	p2 =	seq.s32 @!p0 s5, $0x0  }
0x1f: {  	s9 =	smul.u32 $0xF7A, s1;
	s8 =	simm.s32 @!p0 $0x1BF5;
	p2 =	por !p2, p0  }
0x20: {  	[sflag:s8] =	ssyncset.s32 @!p0 $0xFFFFF086;
	s6 =	sadd.s32 @!p0 s3, s7;
	s7 =	simm.s32 @!p0 $0x108  }
0x21: {  	s3 =	sadd.s32 s3, s9;
	s6 =	sadd.s32 @!p0 $0x88, s6;
	s7 =	simm.s32 @p2 $0x1082  }
0x22: {  	[simem:s7], [sflag:s8] =	dma.local @!p0 [hbm:s6], $0xF7A  }
0x23: {  	s9 =	sor.u32 $0xD0000000, s2;
	s6 =	simm.s32 $0x108;
	_ =	swait.ge @!p0 [sflag:s8], $0x0  }
0x24: {  	s3 =	sadd.s32 $0x88, s3;
	s6 =	simm.s32 @!p1 $0x1082;
	[sflag:s4] =	ssyncset.s32 $0xFFFFF086  }
0x25: {  	[simem:s6], [sflag:s4] =	dma.local [hbm:s3], $0xF7A  }
0x26: {  	[smem:$0x3F6C] =	sst s1;
	(tag) =	ssettag s2;
	_ =	strace s9  }
0x27: {  	s1 =	sld [smem:$0x3F7C]  }
0x28: {  	s2 =	sld [smem:$0x3F7D]  }
0x29: {  	s4 =	sld [smem:$0x3F7F]  }
0x2a: {  	p0 =	seq.s32 s5, $0x0;
	s5 =	sld [smem:$0x3F80]  }
0x2b: {  	s6 =	sld [smem:$0x3F81]  }
0x2c: {  	s7 =	sld [smem:$0x3F82]  }
0x2d: {  	s3 =	simm.s32 $0x108;
	s8 =	sld [smem:$0x3F83]  }
0x2e: {  	s3 =	simm.s32 @!p0 $0x1082;
	s9 =	sld [smem:$0x3F84]  }
0x2f: {  	lr =	sadd.s32 s0, s3;
	s0 =	sld [smem:$0x3F7B]  }
0x30: {  	s3 =	sld [smem:$0x3F7E]  }
0x31: {  	[smem:$0x3F87] =	sst s10  }
0x32: {  	s10 =	sld [smem:$0x3F85];
	_ =	sdelay $0x3  }
0x33: {  	p0 =	seq.s32 s10, $0x1;
	s10 =	sld [smem:$0x3F87];
	_ =	sdelay $0x3  }
0x34: {  	[smem:$0x3F87] =	sst s10  }
0x35: {  	s10 =	sld [smem:$0x3F86];
	_ =	sdelay $0x3  }
0x36: {  	p1 =	seq.s32 s10, $0x1;
	s10 =	sld [smem:$0x3F87];
	_ =	sdelay $0x3  }
0x37: {  	[smem:$0x3F87] =	sst s10  }
0x38: {  	s10 =	sld [smem:$0x3F88]  }
0x39: {  	_ = 	snop;
	(pc) =	sbr.ind lr, $3  }
0x3a: {  	_ = 	snop  }
0x3b: {  	_ = 	snop  }
0x3c: {  	p2 =	seq.s32 s10, $0x1;
	s10 =	sld [smem:$0x3F87]  }
0x3d: {  	_ =	shalt  }
0x3e: {  	_ =	shalt  }
0x3f: {  	_ =	shalt  }
0x40: {  	_ =	shalt  }
0x41: {  	_ =	shalt  }
0x42: {  	_ =	shalt  }
0x43: {  	_ =	shalt  }
0x44: {  	_ =	shalt  }
0x45: {  	_ =	shalt  }
0x46: {  	_ =	shalt  }
0x47: {  	_ =	shalt  }
0x48: {  	_ =	shalt  }
0x49: {  	_ =	shalt  }
0x4a: {  	_ =	shalt  }
0x4b: {  	_ =	shalt  }
0x4c: {  	_ =	shalt  }
0x4d: {  	_ =	shalt  }
0x4e: {  	_ =	shalt  }
0x4f: {  	_ =	shalt  }
0x50: {  	_ =	shalt  }
0x51: {  	_ =	shalt  }
0x52: {  	_ =	shalt  }
0x53: {  	_ =	shalt  }
0x54: {  	_ =	shalt  }
0x55: {  	_ =	shalt  }
0x56: {  	_ =	shalt  }
0x57: {  	_ =	shalt  }
0x58: {  	_ =	shalt  }
0x59: {  	_ =	shalt  }
0x5a: {  	_ =	shalt  }
0x5b: {  	_ =	shalt  }
0x5c: {  	_ =	shalt  }
0x5d: {  	_ =	shalt  }
0x5e: {  	_ =	shalt  }
0x5f: {  	_ =	shalt  }
0x60: {  	_ =	shalt  }
0x61: {  	_ =	shalt  }
0x62: {  	_ =	shalt  }
0x63: {  	_ =	shalt  }
0x64: {  	_ =	shalt  }
0x65: {  	_ =	shalt  }
0x66: {  	_ =	shalt  }
0x67: {  	_ =	shalt  }
0x68: {  	_ =	shalt  }
0x69: {  	_ =	shalt  }
0x6a: {  	_ =	shalt  }
0x6b: {  	_ =	shalt  }
0x6c: {  	_ =	shalt  }
0x6d: {  	_ =	shalt  }
0x6e: {  	_ =	shalt  }
0x6f: {  	_ =	shalt  }
0x70: {  	_ =	shalt  }
0x71: {  	_ =	shalt  }
0x72: {  	_ =	shalt  }
0x73: {  	_ =	shalt  }
0x74: {  	_ =	shalt  }
0x75: {  	_ =	shalt  }
0x76: {  	_ =	shalt  }
0x77: {  	_ =	shalt  }
0x78: {  	_ =	shalt  }
0x79: {  	_ =	shalt  }
0x7a: {  	_ =	shalt  }
0x7b: {  	_ =	shalt  }
0x7c: {  	_ =	shalt  }
0x7d: {  	_ =	shalt  }
0x7e: {  	_ =	shalt  }
0x7f: {  	_ =	shalt  }
0x80: {  	_ =	shalt  }
0x81: {  	_ =	shalt  }
0x82: {  	_ =	shalt  }
0x83: {  	_ =	shalt  }
0x84: {  	_ =	shalt  }
0x85: {  	_ =	shalt  }
0x86: {  	_ =	shalt  }
0x87: {  	_ =	shalt  }
.Lfunc_end0:
.L_simem_size_0:
called_computation.6_lowered:
.L_overlay_start_0:
0x88: {  	s2 =	sld [smem:$0x3FD9]  }
0x89: {  	s3 =	sld [smem:$0x3FFE];
	_ =	sdelay $0x1  }
0x8a: {  	s1 =	srdreg.scid  }
0x8b: {  	s0 =	sand.u32 $0x1, s1  }
0x8c: {  	s16 =	sshll.u32 s0, $0xA;
	s2 =	sadd.s32 s3, s2  }
0x8d: {  	s2 =	sadd.s32 s2, s16  }
0x8e: {  	[smem:$0x3F93] =	sst s2  }
0x8f: {  	_ = 	snop  }
0x90: {  	(tm) =	ssettm $0x1  }
0x91: {  	s17 =	sld [smem:$0x3FFB];
	_ =	sdelay $0x3  }
0x92: {  	_ =	strace s17  }
0x93: {  	s2 =	sld [smem:$0x3FFC];
	_ =	sdelay $0x3  }
0x94: {  	_ =	strace s2  }
0x95: {  	s2 =	sld [smem:$0x3FFD];
	_ =	sdelay $0x3  }
0x96: {  	_ =	strace s2  }
0x97: {  	_ =	strace $0x8FFFFFFF  }
0x98: {  	s18 =	sld [smem:$0x3FDB];
	_ =	sdelay $0x1  }
0x99: {  	s19 =	simm.s32 $_scs_section_size  }
0x9a: {  	s4 =	simm.s32 $_size__tile_overlayer_lowered;
	s5 =	simm.s32 $_tile_overlayer_lowered  }
0x9b: {  	s22 =	simm.s32 $0x1BFF;
	s21 =	sshll.u32 s5, $0x1;
	s2 =	sadd.s32 s19, s18  }
0x9c: {  	s6 =	simm.s32 $0x0;
	s20 =	sshll.u32 s4, $0x1;
	s4 =	sadd.s32 s21, s2  }
0x9d: {  	[timem:s6], [sflag:s22] =	dma.local [hbm:s4], s20  }
0x9e: {  	_ =	swait.ge [sflag:s22], s20  }
0x9f: {  	s3 =	ssub.s32 $0x0, s20;
	[sflag:s22] =	ssyncset.done $0x0  }
0xa0: {  	[sflag:s22] =	ssyncadd.s32 s3;
	_ =	sdelay $0x1  }
0xa1: {  	s23 =	simm.s32 $0x1B8B  }
0xa2: {  	_ =	swait.ge [sflag:s23], $0x1  }
0xa3: {  	[sflag:s23] =	ssyncset.done $0x0  }
0xa4: {  	s25 =	simm.s32 $0x1B8E;
	s24 =	sld [smem:$0x3FFE];
	[sflag:s23] =	ssyncadd.s32 $0xFFFFFFFF  }
0xa5: {  	s26 =	simm.s32 $execute0_lowered;
	[smem:$0x3FD2] =	sst s25  }
0xa6: {  	s4 =	sshll.u32 s26, $0x1;
	_ =	strace $0x80000058;
	[dreg:$0x1] =	wrdreg $0xFFFFFFFF  }
0xa7: {  	s28 =	simm.s32 $_size_execute0_lowered;
	s2 =	sadd.s32 s2, s4;
	[dreg:$0x0] =	wrdreg $0x0  }
0xa8: {  	s4 =	sshll.u32 s28, $0x1;
	[dreg:$0x2] =	wrdreg s2  }
0xa9: {  	[dreg:$0x3] =	wrdreg s4  }
0xaa: {  	[dreg:$0x4] =	wrdreg $0xC0  }
0xab: {  	_ =	task [dreg:s6], $0x5FFFF  }
0xac: {  	[dreg:$0x1] =	wrdreg $0xFFFFFFFF  }
0xad: {  	[dreg:$0x0] =	wrdreg $0x60  }
0xae: {  	[dreg:$0x2] =	wrdreg s24  }
0xaf: {  	[dreg:$0x3] =	wrdreg $0x3000  }
0xb0: {  	[dreg:$0x4] =	wrdreg $0x9  }
0xb1: {  	_ =	task.clear_ibuf [dreg:s6], $0x5FFFF;
	_ =	strace $0x90000058  }
0xb2: {  	s29 =	simm.s32 $0x9;
	_ =	strace $0x8000005A  }
0xb3: {  	_ =	swait.ge [sflag:s29], $0x1  }
0xb4: {  	[sflag:s29] =	ssyncadd.s32 $0xFFFFFFFF  }
0xb5: {  	_ =	strace $0x9000005A  }
0xb6: {  	_ =	sfence  }
0xb7: {  	s30 =	sld [smem:$0x0];
	_ =	sdelay $0x2  }
0xb8: {  	s31 =	sshll.u32 s1, $0xD;
	s1 =	sshrl.u32 s1, $0x2  }
0xb9: {  	s3 =	sand.u32 $0x4000, s31;
	s1 =	sadd.s32 s1, s30  }
0xba: {  	s0 =	sor.u32 s3, s0;
	s1 =	sshll.u32 s1, $0x11  }
0xbb: {  	s0 =	sor.u32 s1, s0  }
0xbc: {  	s0 =	sadd.s32 $0x8F2B, s0  }
0xbd: {  	[sflag:s0] =	ssyncadd.remote.s32 $0x1  }
0xbe: {  	_ =	sfence.sel $0xFFFF  }
0xbf: {  	[dreg:$0x0] =	wrdreg $0xFFFFFFFF;
	(pc) =	sbr.abs _section_cstart, $3  }
0xc0: {  	[dreg:$0x1] =	wrdreg $0xFFFFFFFF  }
0xc1: {  	_ =	task.clear_ibuf [dreg:s6], $0x2FFFF;
	_ =	strace $0x9FFFFFFF  }
0xc2: {  	(tm) =	ssettm $0x7FFFFFFF  }
0xc3: {  	_ =	shalt  }
tec
execute0_lowered:
.L_overlay_start_1:
0x0: {  	(tag) =	ssettag $0x1  }
0x1: {  	s5 =	rddreg [dreg:$0x0]  }
0x2: {  	s1 =	rddreg [dreg:$0x1]  }
0x3: {  	s0 =	rddreg [dreg:$0x2];
	s3 =	simm.s32 $0x0;
	s2 =	stileid.u32  }
0x4: {  	s7 =	srdreg.scid;
	s17 =	simm.s32 $0x1;
	s18 =	simm.s32 $0x180  }
0x5: {  	s19 =	simm.s32 $0x200;
	s20 =	simm.s32 $0x10;
	s21 =	simm.s32 $0x280  }
0x6: {  	s22 =	simm.s32 $0x20;
	s23 =	simm.s32 $0x0;
	[smem:$0x7FF] =	sst s3  }
0x7: {  	s4 =	sadd.s32 $0xD400, s5;
	s12 =	sadd.s32 $0x17200, s5;
	s6 =	smul.u32 $0x280, s2  }
0x8: {  	s11 =	sadd.s32 $0xC1C00, s5;
	s7 =	sand.u32 $0x1, s7;
	s8 =	smul.u32 $0x500, s2  }
0x9: {  	s28 =	smul.u32 $0x2710, s2;
	s29 =	sshll.u32 s2, $0x6;
	_ =	strace $0x80000059  }
0xa: {  	s10 =	sshll.u32 s7, $0x7;
	s13 =	sshll.u32 s7, $0x4;
	s25 =	ssub.s32 $0x2, s7  }
0xb: {  	s7 =	smul.u32 $0x27100, s7;
	s9 =	sshrl.u32 s6, $0x3;
	s8 =	sor.u32 s10, s8  }
0xc: {  	s24 =	sor.u32 s2, s13;
	s26 =	sshrl.u32 s25, $0x1;
	s15 =	sadd.s32 s6, s1  }
0xd: {  	s6 =	sor.u32 $0x1C02, s29;
	s9 =	sadd.s32 s9, s5;
	s10 =	smul.u32 $0x2710, s24  }
0xe: {  	s8 =	sshrl.u32 s8, $0x3;
	s13 =	ssub.s32 s25, s26;
	s31 =	sadd.s32 s28, s7  }
0xf: {  	s14 =	sadd.s32 s8, s5;
	s5 =	sadd.s32 $0x71000, s9;
	s30 =	sshrl.u32 s10, $0x3  }
0x10: {  	s16 =	sshrl.u32 s31, $0x3;
	s10 =	smax.u32 s13, $0x1;
	s9 =	sadd.s32 $0x4E0, s30  }
0x11: {  	s13 =	sshrl.u32 s15, $0x3;
	s15 =	simm.s32 $0x80;
	s7 =	sadd.s32 s12, s9  }
0x12: {  	s8 =	sadd.s32 s11, s9;
	s9 =	sadd.s32 $0xDA00, s14;
	s11 =	sadd.s32 s16, s11  }
0x13: {  	s12 =	sadd.s32 s16, s12;
	s14 =	simm.s32 $0x2;
	s16 =	simm.s32 $0x100  }
.LBB2_1:
0x14: {  	[spmem:s13], [sflag:s6] =	dma.local [hbm:s5], $0x50  }
0x15: {  	_ =	swait.ge [sflag:s14], $0x50  }
0x16: {  	[sflag:s14] =	ssyncset.done $0x0  }
0x17: {  	[sflag:s14] =	ssyncadd.s32 $0xFFFFFFB0  }
0x18: {  	s24 =	sadd.s32 $0x0, s12;
	[bflag:$0x0] =	sbarrier.arrive $0xFFFF  }
0x19: {  	[tilespmem:s3], [sflag:$0x2] =	stream.linear.gather [hbm4b:s24+s3], $0x80, $0x38;
	[tilespmem:$0x580] =	vst v63  }
0x1a: {  	_ =	swait.ge [sflag:s14], $0x80  }
0x1b: {  	[sflag:s14] =	ssyncset.done $0x0  }
0x1c: {  	s31 =	sadd.s32 $0x0, s11;
	[sflag:s14] =	ssyncadd.s32 $0xFFFFFF80  }
0x1d: {  	[tilespmem:s15], [sflag:$0x2] =	stream.linear.gather [hbm4b:s31+s3], $0x80, $0x38;
	[tilespmem:$0x580] =	vst v63  }
0x1e: {  	_ =	swait.ge [sflag:s14], $0x80  }
0x1f: {  	[sflag:s14] =	ssyncset.done $0x0  }
0x20: {  	[sflag:s14] =	ssyncadd.s32 $0xFFFFFF80  }
0x21: {  	[tilespmem:s16], [sflag:$0x1] =	stream.indirect.gather [hbm4b:s4+s15], $0x1, s3, s15, $0xb8;
	[tilespmem:$0x580] =	vst v63  }
0x22: {  	_ =	swait.ge [sflag:s17], $0x80  }
0x23: {  	[sflag:s17] =	ssyncset.done $0x0  }
0x24: {  	[sflag:s17] =	ssyncadd.s32 $0xFFFFFF80  }
0x25: {  	[spmem:s1] =	stream.indirect.scatter.add.f32 [tilespmem:s16], [sflag:$0x2], $0x1, s15, s15, $0xb8;
	[tilespmem:$0x580] =	vst v63  }
0x26: {  	_ =	swait.ge [sflag:s14], $0x80  }
0x27: {  	s25 =	simm.s32 $0x20;
	s24 =	simm.s32 $0x10;
	[sflag:s14] =	ssyncset.done $0x0  }
.LBB2_2:
0x28: {  	s26 =	sadd.s32 s24, s12  }
0x29: {  	[sflag:s14] =	ssyncadd.s32 $0xFFFFFF80;
	s28 =	smov.u32 s25;
	s29 =	sadd.s32 $0x10, s25  }
0x2a: {  	[tilespmem:s3], [sflag:$0x2] =	stream.linear.gather [hbm4b:s26+s3], $0x80, $0x38;
	[tilespmem:$0x580] =	vst v63  }
0x2b: {  	p0 =	sne.s32 s25, $0x4D0;
	_ =	swait.ge [sflag:s14], $0x80  }
0x2c: {  	[sflag:s14] =	ssyncset.done $0x0  }
0x2d: {  	s25 =	sadd.s32 s24, s11;
	s24 =	smov.u32 s28;
	[sflag:s14] =	ssyncadd.s32 $0xFFFFFF80  }
0x2e: {  	[tilespmem:s15], [sflag:$0x2] =	stream.linear.gather [hbm4b:s25+s3], $0x80, $0x38;
	[tilespmem:$0x580] =	vst v63  }
0x2f: {  	_ =	swait.ge [sflag:s14], $0x80  }
0x30: {  	[sflag:s14] =	ssyncset.done $0x0  }
0x31: {  	[sflag:s14] =	ssyncadd.s32 $0xFFFFFF80  }
0x32: {  	[tilespmem:s16], [sflag:$0x1] =	stream.indirect.gather [hbm4b:s4+s15], $0x1, s3, s15, $0xb8;
	[tilespmem:$0x580] =	vst v63  }
0x33: {  	_ =	swait.ge [sflag:s17], $0x80  }
.Ltmp0:
0x34: {  	[sflag:s17] =	ssyncset.done $0x0;
	(pc) =	sbr.rel @p0 .LBB2_2-.Ltmp0, $4  }
0x35: {  	[sflag:s17] =	ssyncadd.s32 $0xFFFFFF80  }
0x36: {  	[spmem:s1] =	stream.indirect.scatter.add.f32 [tilespmem:s16], [sflag:$0x2], $0x1, s15, s15, $0xb8;
	[tilespmem:$0x580] =	vst v63  }
0x37: {  	_ =	swait.ge [sflag:s14], $0x80  }
0x38: {  	s25 =	smov.u32 s29;
	[sflag:s14] =	ssyncset.done $0x0  }
0x39: {  	s25 =	sadd.s32 s24, s12;
	[sflag:s14] =	ssyncadd.s32 $0xFFFFFF80  }
0x3a: {  	[tilespmem:s3], [sflag:$0x2] =	stream.linear.gather [hbm4b:s25+s3], $0x80, $0x38;
	[tilespmem:$0x580] =	vst v63  }
0x3b: {  	_ =	swait.ge [sflag:s14], $0x80  }
0x3c: {  	[sflag:s14] =	ssyncset.done $0x0  }
0x3d: {  	s31 =	sadd.s32 s24, s11;
	[sflag:s14] =	ssyncadd.s32 $0xFFFFFF80  }
0x3e: {  	[tilespmem:s15], [sflag:$0x2] =	stream.linear.gather [hbm4b:s31+s3], $0x80, $0x38;
	[tilespmem:$0x580] =	vst v63  }
0x3f: {  	_ =	swait.ge [sflag:s14], $0x80  }
0x40: {  	[sflag:s14] =	ssyncset.done $0x0  }
0x41: {  	[sflag:s14] =	ssyncadd.s32 $0xFFFFFF80  }
0x42: {  	[tilespmem:s16], [sflag:$0x1] =	stream.indirect.gather [hbm4b:s4+s15], $0x1, s3, s15, $0xb8;
	[tilespmem:$0x580] =	vst v63  }
0x43: {  	_ =	swait.ge [sflag:s17], $0x80  }
0x44: {  	[sflag:s17] =	ssyncset.done $0x0  }
0x45: {  	[sflag:s17] =	ssyncadd.s32 $0xFFFFFF80  }
0x46: {  	[spmem:s1] =	stream.indirect.scatter.add.f32 [tilespmem:s16], [sflag:$0x2], $0x1, s15, s15, $0xb8;
	[tilespmem:$0x580] =	vst v63  }
0x47: {  	_ =	swait.ge [sflag:s14], $0x80  }
0x48: {  	[sflag:s14] =	ssyncset.done $0x0  }
0x49: {  	[sflag:s14] =	ssyncadd.s32 $0xFFFFFF80  }
0x4a: {  	[tilespmem:s18], [sflag:$0x2] =	stream.linear.gather [hbm4b:s7+s3], $0x10, $0x38;
	[tilespmem:$0x580] =	vst v63  }
0x4b: {  	_ =	swait.ge [sflag:s14], $0x10  }
0x4c: {  	[sflag:s14] =	ssyncset.done $0x0  }
0x4d: {  	[sflag:s14] =	ssyncadd.s32 $0xFFFFFFF0  }
0x4e: {  	[tilespmem:s19], [sflag:$0x2] =	stream.linear.gather [hbm4b:s8+s3], $0x10, $0x38;
	[tilespmem:$0x580] =	vst v63  }
0x4f: {  	_ =	swait.ge [sflag:s14], $0x10  }
0x50: {  	[sflag:s14] =	ssyncset.done $0x0  }
0x51: {  	[sflag:s14] =	ssyncadd.s32 $0xFFFFFFF0  }
0x52: {  	[tilespmem:s21], [sflag:$0x1] =	stream.indirect.gather [hbm4b:s4+s20], $0x1, s18, s20, $0xb8;
	[tilespmem:$0x580] =	vst v63  }
0x53: {  	_ =	swait.ge [sflag:s17], $0x10  }
0x54: {  	[sflag:s17] =	ssyncset.done $0x0  }
0x55: {  	[sflag:s17] =	ssyncadd.s32 $0xFFFFFFF0  }
0x56: {  	[spmem:s1] =	stream.indirect.scatter.add.f32 [tilespmem:s21], [sflag:$0x2], $0x1, s19, s20, $0xb8;
	[tilespmem:$0x580] =	vst v63  }
0x57: {  	_ =	swait.ge [sflag:s14], $0x10  }
0x58: {  	s23 =	sadd.s32 $0x1, s23;
	[sflag:s14] =	ssyncset.done $0x0  }
0x59: {  	p0 =	sne.s32 s23, s10;
	[sflag:s14] =	ssyncadd.s32 $0xFFFFFFF0  }
.Ltmp1:
0x5a: {  	[bflag:$0x0] =	sbarrier.arrive $0xFFFF;
	(pc) =	sbr.rel @p0 .LBB2_1-.Ltmp1, $4  }
0x5b: {  	[hbm:s9@s22], [sflag:s6] =	dma.strided [spmem:s13@s20], $0x50, s17, $0x10   }
0x5c: {  	_ =	swait.ge [sflag:s14], $0x50  }
0x5d: {  	[sflag:s14] =	ssyncset.done $0x0  }
0x5e: {  	[sflag:s14] =	ssyncadd.s32 $0xFFFFFFB0  }
0x5f: {  	_ =	sfence.sel $0x180000  }
0x60: {  	[bflag:$0x0] =	sbarrier.arrive $0xFFFF  }
0x61: {  	p0 =	sne.s32 s2, $0x0;
	_ =	strace $0x90000059  }
0x62: {  	s0 =	sadd.s32 @!p0 $0x100000, s0;
	[bflag:$0x2] =	sbarrier.arrive $0xFFFF  }
0x63: {  	[sflag:s0] =	ssyncadd.tile.s32 @!p0 $0x1;
	_ =	shalt  }
.Lfunc_end2:
_tile_overlayer_lowered:
.L_overlay_start_2:
0x64: {  	(tag) =	ssettag $0x2  }
0x65: {  	s0 =	rddreg [dreg:$0x0];
	s2 =	stileid.u32  }
0x66: {  	s1 =	rddreg [dreg:$0x1];
	p0 =	sne.s32 s2, $0x0  }
0x67: {  	s3 =	rddreg [dreg:$0x2];
	[bflag:$0x3] =	sbarrier.arrive $0xFFFF;
	s2 =	simm.s32 @!p0 $0x1C02  }
0x68: {  	[timem:s3], [sflag:s2] =	dma.local @!p0 [hbm:s0], s1  }
0x69: {  	s0 =	simm.s32 @!p0 $0x2  }
0x6a: {  	_ =	swait.ge @!p0 [sflag:s0], s1  }
0x6b: {  	s1 =	ssub.s32 @!p0 $0x0, s1;
	[sflag:s0] =	ssyncset.done @!p0 $0x0  }
0x6c: {  	[sflag:s0] =	ssyncadd.s32 @!p0 s1  }
0x6d: {  	[bflag:$0x3] =	sbarrier.arrive $0xFFFF  }
0x6e: {  	_ =	shalt  }

</sc_bundles>
